<compile_context>
chip_gen: v7x
topology: tpu7x:2x2x1
jax: 0.10.2.dev20260603
libtpu: 0.0.44.dev20260713+nightly
codegen_flags: <defaults>
</compile_context>

<pallas_src>
import functools

import jax
import jax.numpy as jnp
from jax import lax
from jax.experimental import pallas as pl
from jax.experimental.pallas import tpu as pltpu
from jax.experimental.pallas import tpu_sc as plsc

F32 = jnp.float32
BF16 = jnp.bfloat16
I32 = jnp.int32

_NUM_CORES = 2
_NUM_SUBCORES = 16
_NUM_WORKERS = _NUM_CORES * _NUM_SUBCORES
_BLK_E = 128
_GARBAGE_ROWS = 16


def _make_sc_agg(n_nodes, d_feat, nb_per_worker, with_deg):
    npad = ((n_nodes + _GARBAGE_ROWS + 255) // 256) * 256
    rows_per_sub = npad // _NUM_SUBCORES
    n_zero_chunks = rows_per_sub // 16
    cp_full = rows_per_sub
    n_full_cp = n_nodes // cp_full
    cp_tail = n_nodes - n_full_cp * cp_full

    mesh = plsc.VectorSubcoreMesh(core_axis_name="c", subcore_axis_name="s",
                                  num_cores=_NUM_CORES,
                                  num_subcores=_NUM_SUBCORES)

    out_type = [jax.ShapeDtypeStruct((_NUM_CORES, n_nodes, d_feat), BF16)]
    scratch = [
        pltpu.VMEM((3, 2, _BLK_E), I32),
        pltpu.VMEM((3, _BLK_E, d_feat), BF16),
        pltpu.VMEM((128, d_feat), BF16),
        pltpu.VMEM_SHARED((npad, d_feat), BF16),
        pltpu.SemaphoreType.DMA,
        pltpu.SemaphoreType.DMA,
        pltpu.SemaphoreType.DMA,
        pltpu.SemaphoreType.DMA,
        pltpu.SemaphoreType.DMA,
        pltpu.SemaphoreType.DMA,
    ]
    if with_deg:
        out_type.append(jax.ShapeDtypeStruct((_NUM_CORES, n_nodes, 16), F32))
        scratch += [
            pltpu.VMEM((_BLK_E, 16), F32),
            pltpu.VMEM((128, 16), F32),
            pltpu.VMEM_SHARED((npad, 16), F32),
        ]

    def body(x_hbm, edges_hbm, *rest):
        if with_deg:
            (agg_out, deg_out, eb_v, rows_v, zrow_v, agg_sp, gs0, gs1, gs2,
             ss0, ss1, ss2, ones_v, zrow16_v, deg_sp) = rest
        else:
            (agg_out, eb_v, rows_v, zrow_v, agg_sp, gs0, gs1, gs2,
             ss0, ss1, ss2) = rest
        gsem = (gs0, gs1, gs2)
        ssem = (ss0, ss1, ss2)

        cid = lax.axis_index("c")
        sid = lax.axis_index("s")
        wid = sid * _NUM_CORES + cid

        zvec16 = jnp.zeros((16,), F32)
        zvec32 = jnp.zeros((32,), BF16)

        def fill_zero(r, carry):
            for c in range(d_feat // 32):
                zrow_v[r, pl.ds(c * 32, 32)] = zvec32
            if with_deg:
                zrow16_v[r, pl.ds(0, 16)] = zvec16
            return carry
        lax.fori_loop(0, 128, fill_zero, 0)
        if with_deg:
            onehot = jnp.maximum(1.0 - lax.iota(I32, 16).astype(F32), 0.0)

            def fill_ones(r, carry):
                ones_v[r, pl.ds(0, 16)] = onehot
                return carry
            lax.fori_loop(0, _BLK_E, fill_ones, 0)

        zbase = sid * rows_per_sub
        for j in range(rows_per_sub // 128):
            pltpu.sync_copy(zrow_v, agg_sp.at[pl.ds(zbase + j * 128, 128)])
            if with_deg:
                pltpu.sync_copy(zrow16_v,
                                deg_sp.at[pl.ds(zbase + j * 128, 128)])
        plsc.subcore_barrier()

        nbl = nb_per_worker
        assert nbl >= 4

        def stage(t, buf):
            pltpu.sync_copy(edges_hbm.at[wid, t], eb_v.at[buf])

        def gather(buf):
            return pltpu.make_async_copy(x_hbm.at[eb_v.at[buf, 0]],
                                         rows_v.at[buf], gsem[buf])

        def scatter_start(buf):
            pltpu.async_copy(rows_v.at[buf], agg_sp.at[eb_v.at[buf, 1]],
                             ssem[buf], add=True)
            if with_deg:
                pltpu.async_copy(ones_v, deg_sp.at[eb_v.at[buf, 1]],
                                 ssem[buf], add=True)

        def scatter_wait(buf):
            pltpu.make_async_copy(rows_v.at[buf],
                                  agg_sp.at[eb_v.at[buf, 1]],
                                  ssem[buf]).wait()
            if with_deg:
                pltpu.make_async_copy(ones_v, deg_sp.at[eb_v.at[buf, 1]],
                                      ssem[buf]).wait()

        def phase(te, b):
            scatter_wait(b)
            stage(te, b)
            gather(b).start()
            b1 = (b + 1) % 3
            gather(b1).wait()
            scatter_start(b1)

        stage(0, 0); gather(0).start()
        stage(1, 1); gather(1).start()
        stage(2, 2); gather(2).start()
        gather(0).wait(); scatter_start(0)

        def triple(i, carry):
            te = 3 * i + 3
            phase(te, 0)
            phase(te + 1, 1)
            phase(te + 2, 2)
            return carry
        lax.fori_loop(0, (nbl - 3) // 3, triple, 0)

        rem_start = 3 + 3 * ((nbl - 3) // 3)
        for te in range(rem_start, nbl):
            phase(te, te % 3)
        for t in (nbl - 2, nbl - 1):
            gather(t % 3).wait()
            scatter_start(t % 3)
        for t in (nbl - 3, nbl - 2, nbl - 1):
            scatter_wait(t % 3)
        plsc.subcore_barrier()

        obase = sid * cp_full

        @pl.when(sid < n_full_cp)
        def _copy_full():
            pltpu.sync_copy(agg_sp.at[pl.ds(obase, cp_full)],
                            agg_out.at[cid, pl.ds(obase, cp_full)])
            if with_deg:
                pltpu.sync_copy(deg_sp.at[pl.ds(obase, cp_full)],
                                deg_out.at[cid, pl.ds(obase, cp_full)])

        if cp_tail:
            tbase = n_full_cp * cp_full

            @pl.when(sid == n_full_cp)
            def _copy_tail():
                pltpu.sync_copy(agg_sp.at[pl.ds(tbase, cp_tail)],
                                agg_out.at[cid, pl.ds(tbase, cp_tail)])
                if with_deg:
                    pltpu.sync_copy(deg_sp.at[pl.ds(tbase, cp_tail)],
                                    deg_out.at[cid, pl.ds(tbase, cp_tail)])

    return pl.kernel(
        body, out_type=out_type, mesh=mesh, scratch_types=scratch,
        compiler_params=pltpu.CompilerParams(use_tc_tiling_on_sc=False))


def _tc_combine(x, agg_parts, deg_parts, w_self, w_neigh, b, relu):
    n, d = x.shape
    h = w_self.shape[1]
    blk = 1000
    grid = (n // blk,)

    def body(x_ref, a_ref, dg_ref, ws_ref, wn_ref, b_ref, *o_refs):
        agg = a_ref[0].astype(F32) + a_ref[1].astype(F32)
        deg = dg_ref[0][:, 0:1] + dg_ref[1][:, 0:1]
        inv = 1.0 / jnp.maximum(deg, 1.0)
        out = (jnp.dot(x_ref[...], ws_ref[...], preferred_element_type=F32)
               + jnp.dot(agg * inv, wn_ref[...], preferred_element_type=F32)
               + b_ref[...])
        if relu:
            out = jnp.maximum(out, 0.0)
            o_refs[0][...] = out
            o_refs[1][...] = out.astype(BF16)
        else:
            o_refs[0][...] = out

    out_specs = [pl.BlockSpec((blk, h), lambda i: (i, 0))]
    out_shape = [jax.ShapeDtypeStruct((n, h), F32)]
    if relu:
        out_specs.append(pl.BlockSpec((blk, h), lambda i: (i, 0)))
        out_shape.append(jax.ShapeDtypeStruct((n, h), BF16))

    res = pl.pallas_call(
        body,
        grid=grid,
        in_specs=[
            pl.BlockSpec((blk, d), lambda i: (i, 0)),
            pl.BlockSpec((_NUM_CORES, blk, d), lambda i: (0, i, 0)),
            pl.BlockSpec((_NUM_CORES, blk, 16), lambda i: (0, i, 0)),
            pl.BlockSpec((d, h), lambda i: (0, 0)),
            pl.BlockSpec((d, h), lambda i: (0, 0)),
            pl.BlockSpec((1, h), lambda i: (0, 0)),
        ],
        out_specs=out_specs,
        out_shape=out_shape,
    )(x, agg_parts, deg_parts, w_self, w_neigh, b.reshape(1, h))
    return list(res) if isinstance(res, (list, tuple)) else [res]


def kernel(features, edge_index, W_self1, W_neigh1, b1,
           W_self2, W_neigh2, b2, W_self3, W_neigh3, b3):
    n, d = features.shape
    e = edge_index.shape[1]
    src = edge_index[0]
    dst = edge_index[1]

    nb_per_worker = pl.cdiv(e, _NUM_WORKERS * _BLK_E)
    e_pad = _NUM_WORKERS * nb_per_worker * _BLK_E
    pad = e_pad - e
    if pad:
        fill = jnp.arange(pad, dtype=I32)
        src_p = jnp.concatenate([src, fill % n])
        dst_p = jnp.concatenate([dst, n + (fill % _GARBAGE_ROWS)])
    else:
        src_p, dst_p = src, dst
    edges_p = jnp.stack(
        [src_p.reshape(_NUM_WORKERS, nb_per_worker, _BLK_E),
         dst_p.reshape(_NUM_WORKERS, nb_per_worker, _BLK_E)], axis=2)

    sc_first = _make_sc_agg(n, d, nb_per_worker, with_deg=True)
    sc_rest = _make_sc_agg(n, d, nb_per_worker, with_deg=False)

    def _one(res):
        return res[0] if isinstance(res, (list, tuple)) else res

    agg1, deg_parts = sc_first(features.astype(BF16), edges_p)
    h1, h1_16 = _tc_combine(features, agg1, deg_parts, W_self1, W_neigh1,
                            b1, True)[:2]
    agg2 = _one(sc_rest(h1_16, edges_p))
    h2, h2_16 = _tc_combine(h1, agg2, deg_parts, W_self2, W_neigh2,
                            b2, True)[:2]
    agg3 = _one(sc_rest(h2_16, edges_p))
    out = _tc_combine(h2, agg3, deg_parts, W_self3, W_neigh3, b3, False)[0]
    return out

# --- scband reference (transcript-rebuilt; emitter-appended) ---
"""Pipeline reference for scband-graph-sage-61761629716974 (READ-ONLY COPY).

The authoritative reference and input builder live on the scoring server;
editing this copy changes nothing except your own understanding.
"""

import jax, jax.numpy as jnp
import numpy as np

N = 10000
E = 320000
D = 128
H = 128
O = 128


def setup_inputs(seed: int = 0) -> dict:
    key = jax.random.key(seed)
    ks = jax.random.split(key, 12)
    features = jax.random.normal(ks[0], (N, D), dtype=jnp.float32)
    edge_index = jax.random.randint(ks[1], (2, E), 0, N, dtype=jnp.int32)
    # DGL SAGEConv (mean aggregator) params: fc_self (with bias) + fc_neigh per layer
    W_self1 = jax.random.normal(ks[2], (D, H), dtype=jnp.float32) * 0.05
    W_neigh1 = jax.random.normal(ks[3], (D, H), dtype=jnp.float32) * 0.05
    b1 = jnp.zeros((H,), dtype=jnp.float32)
    W_self2 = jax.random.normal(ks[4], (H, H), dtype=jnp.float32) * 0.05
    W_neigh2 = jax.random.normal(ks[5], (H, H), dtype=jnp.float32) * 0.05
    b2 = jnp.zeros((H,), dtype=jnp.float32)
    W_self3 = jax.random.normal(ks[6], (H, O), dtype=jnp.float32) * 0.05
    W_neigh3 = jax.random.normal(ks[7], (H, O), dtype=jnp.float32) * 0.05
    b3 = jnp.zeros((O,), dtype=jnp.float32)
    return {"features": features, "edge_index": edge_index,
            "W_self1": W_self1, "W_neigh1": W_neigh1, "b1": b1,
            "W_self2": W_self2, "W_neigh2": W_neigh2, "b2": b2,
            "W_self3": W_self3, "W_neigh3": W_neigh3, "b3": b3}


def _sage_conv(x, edge_index, W_self, W_neigh, b, activation):
    src = edge_index[0]
    dst = edge_index[1]
    # mean aggregation over incoming neighbors (gather + scatter-add)
    msg = jnp.take(x, src, axis=0)
    agg = jax.ops.segment_sum(msg, dst, num_segments=N)
    deg = jax.ops.segment_sum(jnp.ones((E,), dtype=jnp.float32), dst, num_segments=N)
    h_neigh = agg / jnp.maximum(deg, 1.0)[:, None]
    rst = x @ W_self + h_neigh @ W_neigh + b
    if activation:
        rst = jax.nn.relu(rst)
    return rst


def reference(features, edge_index, W_self1, W_neigh1, b1, W_self2, W_neigh2, b2, W_self3, W_neigh3, b3):
    # GraphSAGE.forward in eval mode (dropouts are no-ops with p=0.0)
    h = _sage_conv(features, edge_index, W_self1, W_neigh1, b1, True)
    h = _sage_conv(h, edge_index, W_self2, W_neigh2, b2, True)
    h = _sage_conv(h, edge_index, W_self3, W_neigh3, b3, False)
    return h

if __name__ == "__main__":
    import jax
    _d = setup_inputs()
    print(jax.jit(kernel)(*tuple(_d.values())))

</pallas_src>

<mosaic_0001>
#map = affine_map<(d0, d1) -> (0, 0)>
#map1 = affine_map<(d0, d1) -> (0, 0, 0, 0)>
#map2 = affine_map<(d0, d1) -> (0, 0, 0)>
module attributes {stable_mosaic.version = 14 : i64} {
  func.func @body(%arg0: i32, %arg1: i32, %arg2: memref<10000x128xbf16, #tpu.memory_space<hbm>>, %arg3: memref<32x79x2x128xi32, #tpu.memory_space<hbm>>, %arg4: memref<2x10000x128xbf16, #tpu.memory_space<hbm>>, %arg5: memref<3x2x128xi32, #tpu.memory_space<vmem>>, %arg6: memref<3x128x128xbf16, #tpu.memory_space<vmem>>, %arg7: memref<128x128xbf16, #tpu.memory_space<vmem>>, %arg8: memref<10240x128xbf16, #tpu.memory_space<vmem_shared>>, %arg9: memref<!tpu.dma_semaphore, #tpu.memory_space<semaphore_mem>>, %arg10: memref<!tpu.dma_semaphore, #tpu.memory_space<semaphore_mem>>, %arg11: memref<!tpu.dma_semaphore, #tpu.memory_space<semaphore_mem>>, %arg12: memref<!tpu.dma_semaphore, #tpu.memory_space<semaphore_mem>>, %arg13: memref<!tpu.dma_semaphore, #tpu.memory_space<semaphore_mem>>, %arg14: memref<!tpu.dma_semaphore, #tpu.memory_space<semaphore_mem>>) attributes {dimension_semantics = [#tpu.dimension_semantics<core_parallel>, #tpu.dimension_semantics<subcore_parallel>], iteration_bounds = array<i64: 2, 16>, scalar_prefetch = 0 : i64, scratch_operands = 10 : i64, tpu.core_type = #tpu.core_type<sc_vector_subcore>, window_params = [{transform_indices = #map}, {transform_indices = #map1}, {transform_indices = #map2}]} {
    %mul3A = arith.constant 2 : i32
    %mul3A_0 = arith.muli %arg1, %mul3A : i32
    %add3A = arith.addi %mul3A_0, %arg0 : i32
    %broadcast_in_dim3A = arith.constant 0.000000e+00 : f32
    %broadcast_in_dim3A_1 = vector.broadcast %broadcast_in_dim3A : f32 to vector<16xf32>
    %broadcast_in_dim3A_2 = arith.constant 0.000000e+00 : bf16
    %broadcast_in_dim3A_3 = vector.broadcast %broadcast_in_dim3A_2 : bf16 to vector<32xbf16>
    %scan3A = arith.constant 0 : i32
    %scan3A_4 = arith.constant 0 : i32
    %scan3A_5 = arith.constant 128 : i32
    %scan3A_6 = arith.addi %scan3A_4, %scan3A_5 : i32
    %scan3A_7 = arith.constant 1 : i32
    scf.for %scan3A_249 = %scan3A_4 to %scan3A_6 step %scan3A_7  : i32 {
      %swap3A = arith.index_cast %scan3A_249 : i32 to index
      %swap3A_250 = arith.constant 0 : index
      %swap3A_251 = tpu.vector_load %arg7[%swap3A, %swap3A_250] {strides = array<i32>} : memref<128x128xbf16, #tpu.memory_space<vmem>>, vector<1x32xbf16>,
      %swap3A_252 = vector.shape_cast %swap3A_251 : vector<1x32xbf16> to vector<32xbf16>
      %swap3A_253 = vector.shape_cast %broadcast_in_dim3A_3 : vector<32xbf16> to vector<1x32xbf16>
      tpu.vector_store %arg7[%swap3A, %swap3A_250], %swap3A_253 {strides = array<i32>} : memref<128x128xbf16, #tpu.memory_space<vmem>>, vector<1x32xbf16>,
      %swap3A_254 = arith.index_cast %scan3A_249 : i32 to index
      %swap3A_255 = arith.constant 32 : index
      %swap3A_256 = tpu.vector_load %arg7[%swap3A_254, %swap3A_255] {strides = array<i32>} : memref<128x128xbf16, #tpu.memory_space<vmem>>, vector<1x32xbf16>,
      %swap3A_257 = vector.shape_cast %swap3A_256 : vector<1x32xbf16> to vector<32xbf16>
      %swap3A_258 = vector.shape_cast %broadcast_in_dim3A_3 : vector<32xbf16> to vector<1x32xbf16>
      tpu.vector_store %arg7[%swap3A_254, %swap3A_255], %swap3A_258 {strides = array<i32>} : memref<128x128xbf16, #tpu.memory_space<vmem>>, vector<1x32xbf16>,
      %swap3A_259 = arith.index_cast %scan3A_249 : i32 to index
      %swap3A_260 = arith.constant 64 : index
      %swap3A_261 = tpu.vector_load %arg7[%swap3A_259, %swap3A_260] {strides = array<i32>} : memref<128x128xbf16, #tpu.memory_space<vmem>>, vector<1x32xbf16>,
      %swap3A_262 = vector.shape_cast %swap3A_261 : vector<1x32xbf16> to vector<32xbf16>
      %swap3A_263 = vector.shape_cast %broadcast_in_dim3A_3 : vector<32xbf16> to vector<1x32xbf16>
      tpu.vector_store %arg7[%swap3A_259, %swap3A_260], %swap3A_263 {strides = array<i32>} : memref<128x128xbf16, #tpu.memory_space<vmem>>, vector<1x32xbf16>,
      %swap3A_264 = arith.index_cast %scan3A_249 : i32 to index
      %swap3A_265 = arith.constant 96 : index
      %swap3A_266 = tpu.vector_load %arg7[%swap3A_264, %swap3A_265] {strides = array<i32>} : memref<128x128xbf16, #tpu.memory_space<vmem>>, vector<1x32xbf16>,
      %swap3A_267 = vector.shape_cast %swap3A_266 : vector<1x32xbf16> to vector<32xbf16>
      %swap3A_268 = vector.shape_cast %broadcast_in_dim3A_3 : vector<32xbf16> to vector<1x32xbf16>
      tpu.vector_store %arg7[%swap3A_264, %swap3A_265], %swap3A_268 {strides = array<i32>} : memref<128x128xbf16, #tpu.memory_space<vmem>>, vector<1x32xbf16>,
    }
    %scan3A_8 = arith.constant 128 : i32
    %mul3A_9 = arith.constant 640 : i32
    %mul3A_10 = arith.muli %arg1, %mul3A_9 : i32
    %add3A_11 = arith.constant 0 : i32
    %add3A_12 = arith.addi %mul3A_10, %add3A_11 : i32
    "tpu.region"() ({
      %run_scoped3A_249 = tpu.sem_alloc : memref<!tpu.dma_semaphore, #tpu.memory_space<semaphore_mem>>
      %dma_start3A_250 = arith.constant 0 : i32
      %dma_start3A_251 = tpu.memref_slice %arg8[%add3A_12, %dma_start3A_250] : memref<10240x128xbf16, #tpu.memory_space<vmem_shared>> -> memref<128x128xbf16, #tpu.memory_space<vmem_shared>>
      %dma_start3A_252 = arith.constant 0 : i32
      %dma_start3A_253 = tpu.memref_slice %arg8[%add3A_12, %dma_start3A_252] : memref<10240x128xbf16, #tpu.memory_space<vmem_shared>> -> memref<128x128xbf16, #tpu.memory_space<vmem_shared>>
      tpu.enqueue_dma source(%arg7 : memref<128x128xbf16, #tpu.memory_space<vmem>>) target(%dma_start3A_253 : memref<128x128xbf16, #tpu.memory_space<vmem_shared>>) target_semaphore(%run_scoped3A_249 : memref<!tpu.dma_semaphore, #tpu.memory_space<semaphore_mem>>)
      %dma_wait3A_254 = arith.constant 0 : i32
      %dma_wait3A_255 = tpu.memref_slice %arg8[%add3A_12, %dma_wait3A_254] : memref<10240x128xbf16, #tpu.memory_space<vmem_shared>> -> memref<128x128xbf16, #tpu.memory_space<vmem_shared>>
      %dma_wait3A_256 = arith.constant 0 : i32
      %dma_wait3A_257 = tpu.memref_slice %arg8[%add3A_12, %dma_wait3A_256] : memref<10240x128xbf16, #tpu.memory_space<vmem_shared>> -> memref<128x128xbf16, #tpu.memory_space<vmem_shared>>
      tpu.wait_dma2 semaphore(%run_scoped3A_249 : memref<!tpu.dma_semaphore, #tpu.memory_space<semaphore_mem>>) src(%arg7 : memref<128x128xbf16, #tpu.memory_space<vmem>>) dst(%dma_wait3A_257 : memref<128x128xbf16, #tpu.memory_space<vmem_shared>>)
      tpu.yield
    }) : () -> ()
    %add3A_13 = arith.constant 128 : i32
    %add3A_14 = arith.addi %mul3A_10, %add3A_13 : i32
    "tpu.region"() ({
      %run_scoped3A_249 = tpu.sem_alloc : memref<!tpu.dma_semaphore, #tpu.memory_space<semaphore_mem>>
      %dma_start3A_250 = arith.constant 0 : i32
      %dma_start3A_251 = tpu.memref_slice %arg8[%add3A_14, %dma_start3A_250] : memref<10240x128xbf16, #tpu.memory_space<vmem_shared>> -> memref<128x128xbf16, #tpu.memory_space<vmem_shared>>
      %dma_start3A_252 = arith.constant 0 : i32
      %dma_start3A_253 = tpu.memref_slice %arg8[%add3A_14, %dma_start3A_252] : memref<10240x128xbf16, #tpu.memory_space<vmem_shared>> -> memref<128x128xbf16, #tpu.memory_space<vmem_shared>>
      tpu.enqueue_dma source(%arg7 : memref<128x128xbf16, #tpu.memory_space<vmem>>) target(%dma_start3A_253 : memref<128x128xbf16, #tpu.memory_space<vmem_shared>>) target_semaphore(%run_scoped3A_249 : memref<!tpu.dma_semaphore, #tpu.memory_space<semaphore_mem>>)
      %dma_wait3A_254 = arith.constant 0 : i32
      %dma_wait3A_255 = tpu.memref_slice %arg8[%add3A_14, %dma_wait3A_254] : memref<10240x128xbf16, #tpu.memory_space<vmem_shared>> -> memref<128x128xbf16, #tpu.memory_space<vmem_shared>>
      %dma_wait3A_256 = arith.constant 0 : i32
      %dma_wait3A_257 = tpu.memref_slice %arg8[%add3A_14, %dma_wait3A_256] : memref<10240x128xbf16, #tpu.memory_space<vmem_shared>> -> memref<128x128xbf16, #tpu.memory_space<vmem_shared>>
      tpu.wait_dma2 semaphore(%run_scoped3A_249 : memref<!tpu.dma_semaphore, #tpu.memory_space<semaphore_mem>>) src(%arg7 : memref<128x128xbf16, #tpu.memory_space<vmem>>) dst(%dma_wait3A_257 : memref<128x128xbf16, #tpu.memory_space<vmem_shared>>)
      tpu.yield
    }) : () -> ()
    %add3A_15 = arith.constant 256 : i32
    %add3A_16 = arith.addi %mul3A_10, %add3A_15 : i32
    "tpu.region"() ({
      %run_scoped3A_249 = tpu.sem_alloc : memref<!tpu.dma_semaphore, #tpu.memory_space<semaphore_mem>>
      %dma_start3A_250 = arith.constant 0 : i32
      %dma_start3A_251 = tpu.memref_slice %arg8[%add3A_16, %dma_start3A_250] : memref<10240x128xbf16, #tpu.memory_space<vmem_shared>> -> memref<128x128xbf16, #tpu.memory_space<vmem_shared>>
      %dma_start3A_252 = arith.constant 0 : i32
      %dma_start3A_253 = tpu.memref_slice %arg8[%add3A_16, %dma_start3A_252] : memref<10240x128xbf16, #tpu.memory_space<vmem_shared>> -> memref<128x128xbf16, #tpu.memory_space<vmem_shared>>
      tpu.enqueue_dma source(%arg7 : memref<128x128xbf16, #tpu.memory_space<vmem>>) target(%dma_start3A_253 : memref<128x128xbf16, #tpu.memory_space<vmem_shared>>) target_semaphore(%run_scoped3A_249 : memref<!tpu.dma_semaphore, #tpu.memory_space<semaphore_mem>>)
      %dma_wait3A_254 = arith.constant 0 : i32
      %dma_wait3A_255 = tpu.memref_slice %arg8[%add3A_16, %dma_wait3A_254] : memref<10240x128xbf16, #tpu.memory_space<vmem_shared>> -> memref<128x128xbf16, #tpu.memory_space<vmem_shared>>
      %dma_wait3A_256 = arith.constant 0 : i32
      %dma_wait3A_257 = tpu.memref_slice %arg8[%add3A_16, %dma_wait3A_256] : memref<10240x128xbf16, #tpu.memory_space<vmem_shared>> -> memref<128x128xbf16, #tpu.memory_space<vmem_shared>>
      tpu.wait_dma2 semaphore(%run_scoped3A_249 : memref<!tpu.dma_semaphore, #tpu.memory_space<semaphore_mem>>) src(%arg7 : memref<128x128xbf16, #tpu.memory_space<vmem>>) dst(%dma_wait3A_257 : memref<128x128xbf16, #tpu.memory_space<vmem_shared>>)
      tpu.yield
    }) : () -> ()
    %add3A_17 = arith.constant 384 : i32
    %add3A_18 = arith.addi %mul3A_10, %add3A_17 : i32
    "tpu.region"() ({
      %run_scoped3A_249 = tpu.sem_alloc : memref<!tpu.dma_semaphore, #tpu.memory_space<semaphore_mem>>
      %dma_start3A_250 = arith.constant 0 : i32
      %dma_start3A_251 = tpu.memref_slice %arg8[%add3A_18, %dma_start3A_250] : memref<10240x128xbf16, #tpu.memory_space<vmem_shared>> -> memref<128x128xbf16, #tpu.memory_space<vmem_shared>>
      %dma_start3A_252 = arith.constant 0 : i32
      %dma_start3A_253 = tpu.memref_slice %arg8[%add3A_18, %dma_start3A_252] : memref<10240x128xbf16, #tpu.memory_space<vmem_shared>> -> memref<128x128xbf16, #tpu.memory_space<vmem_shared>>
      tpu.enqueue_dma source(%arg7 : memref<128x128xbf16, #tpu.memory_space<vmem>>) target(%dma_start3A_253 : memref<128x128xbf16, #tpu.memory_space<vmem_shared>>) target_semaphore(%run_scoped3A_249 : memref<!tpu.dma_semaphore, #tpu.memory_space<semaphore_mem>>)
      %dma_wait3A_254 = arith.constant 0 : i32
      %dma_wait3A_255 = tpu.memref_slice %arg8[%add3A_18, %dma_wait3A_254] : memref<10240x128xbf16, #tpu.memory_space<vmem_shared>> -> memref<128x128xbf16, #tpu.memory_space<vmem_shared>>
      %dma_wait3A_256 = arith.constant 0 : i32
      %dma_wait3A_257 = tpu.memref_slice %arg8[%add3A_18, %dma_wait3A_256] : memref<10240x128xbf16, #tpu.memory_space<vmem_shared>> -> memref<128x128xbf16, #tpu.memory_space<vmem_shared>>
      tpu.wait_dma2 semaphore(%run_scoped3A_249 : memref<!tpu.dma_semaphore, #tpu.memory_space<semaphore_mem>>) src(%arg7 : memref<128x128xbf16, #tpu.memory_space<vmem>>) dst(%dma_wait3A_257 : memref<128x128xbf16, #tpu.memory_space<vmem_shared>>)
      tpu.yield
    }) : () -> ()
    %add3A_19 = arith.constant 512 : i32
    %add3A_20 = arith.addi %mul3A_10, %add3A_19 : i32
    "tpu.region"() ({
      %run_scoped3A_249 = tpu.sem_alloc : memref<!tpu.dma_semaphore, #tpu.memory_space<semaphore_mem>>
      %dma_start3A_250 = arith.constant 0 : i32
      %dma_start3A_251 = tpu.memref_slice %arg8[%add3A_20, %dma_start3A_250] : memref<10240x128xbf16, #tpu.memory_space<vmem_shared>> -> memref<128x128xbf16, #tpu.memory_space<vmem_shared>>
      %dma_start3A_252 = arith.constant 0 : i32
      %dma_start3A_253 = tpu.memref_slice %arg8[%add3A_20, %dma_start3A_252] : memref<10240x128xbf16, #tpu.memory_space<vmem_shared>> -> memref<128x128xbf16, #tpu.memory_space<vmem_shared>>
      tpu.enqueue_dma source(%arg7 : memref<128x128xbf16, #tpu.memory_space<vmem>>) target(%dma_start3A_253 : memref<128x128xbf16, #tpu.memory_space<vmem_shared>>) target_semaphore(%run_scoped3A_249 : memref<!tpu.dma_semaphore, #tpu.memory_space<semaphore_mem>>)
      %dma_wait3A_254 = arith.constant 0 : i32
      %dma_wait3A_255 = tpu.memref_slice %arg8[%add3A_20, %dma_wait3A_254] : memref<10240x128xbf16, #tpu.memory_space<vmem_shared>> -> memref<128x128xbf16, #tpu.memory_space<vmem_shared>>
      %dma_wait3A_256 = arith.constant 0 : i32
      %dma_wait3A_257 = tpu.memref_slice %arg8[%add3A_20, %dma_wait3A_256] : memref<10240x128xbf16, #tpu.memory_space<vmem_shared>> -> memref<128x128xbf16, #tpu.memory_space<vmem_shared>>
      tpu.wait_dma2 semaphore(%run_scoped3A_249 : memref<!tpu.dma_semaphore, #tpu.memory_space<semaphore_mem>>) src(%arg7 : memref<128x128xbf16, #tpu.memory_space<vmem>>) dst(%dma_wait3A_257 : memref<128x128xbf16, #tpu.memory_space<vmem_shared>>)
      tpu.yield
    }) : () -> ()
    %barrier3A = arith.constant 0 : index
    tpu.barrier barrier_id(%barrier3A)
    %run_scoped3A = arith.constant 0 : i32
    %run_scoped3A_21 = arith.constant 0 : i32
    "tpu.region"() ({
      %run_scoped3A_249 = tpu.sem_alloc : memref<!tpu.dma_semaphore, #tpu.memory_space<semaphore_mem>>
      %dma_start3A_250 = arith.constant 0 : i32
      %dma_start3A_251 = arith.constant 0 : i32
      %dma_start3A_252 = tpu.memref_slice %arg5[%run_scoped3A_21, %dma_start3A_250, %dma_start3A_251] : memref<3x2x128xi32, #tpu.memory_space<vmem>> -> memref<1x2x128xi32, #tpu.memory_space<vmem>>
      %dma_start3A_253 = tpu.memref_squeeze %dma_start3A_252 : memref<1x2x128xi32, #tpu.memory_space<vmem>> -> memref<2x128xi32, #tpu.memory_space<vmem>>
      %dma_start3A_254 = arith.constant 0 : i32
      %dma_start3A_255 = arith.constant 0 : i32
      %dma_start3A_256 = tpu.memref_slice %arg3[%add3A, %run_scoped3A, %dma_start3A_254, %dma_start3A_255] : memref<32x79x2x128xi32, #tpu.memory_space<hbm>> -> memref<1x1x2x128xi32, #tpu.memory_space<hbm>>
      %dma_start3A_257 = tpu.memref_squeeze %dma_start3A_256 : memref<1x1x2x128xi32, #tpu.memory_space<hbm>> -> memref<2x128xi32, #tpu.memory_space<hbm>>
      %dma_start3A_258 = arith.constant 0 : i32
      %dma_start3A_259 = arith.constant 0 : i32
      %dma_start3A_260 = tpu.memref_slice %arg5[%run_scoped3A_21, %dma_start3A_258, %dma_start3A_259] : memref<3x2x128xi32, #tpu.memory_space<vmem>> -> memref<1x2x128xi32, #tpu.memory_space<vmem>>
      %dma_start3A_261 = tpu.memref_squeeze %dma_start3A_260 : memref<1x2x128xi32, #tpu.memory_space<vmem>> -> memref<2x128xi32, #tpu.memory_space<vmem>>
      %dma_start3A_262 = arith.constant 0 : i32
      %dma_start3A_263 = arith.constant 0 : i32
      %dma_start3A_264 = tpu.memref_slice %arg3[%add3A, %run_scoped3A, %dma_start3A_262, %dma_start3A_263] : memref<32x79x2x128xi32, #tpu.memory_space<hbm>> -> memref<1x1x2x128xi32, #tpu.memory_space<hbm>>
      %dma_start3A_265 = tpu.memref_squeeze %dma_start3A_264 : memref<1x1x2x128xi32, #tpu.memory_space<hbm>> -> memref<2x128xi32, #tpu.memory_space<hbm>>
      tpu.enqueue_dma source(%dma_start3A_265 : memref<2x128xi32, #tpu.memory_space<hbm>>) target(%dma_start3A_261 : memref<2x128xi32, #tpu.memory_space<vmem>>) target_semaphore(%run_scoped3A_249 : memref<!tpu.dma_semaphore, #tpu.memory_space<semaphore_mem>>)
      %dma_wait3A_266 = arith.constant 0 : i32
      %dma_wait3A_267 = arith.constant 0 : i32
      %dma_wait3A_268 = tpu.memref_slice %arg5[%run_scoped3A_21, %dma_wait3A_266, %dma_wait3A_267] : memref<3x2x128xi32, #tpu.memory_space<vmem>> -> memref<1x2x128xi32, #tpu.memory_space<vmem>>
      %dma_wait3A_269 = tpu.memref_squeeze %dma_wait3A_268 : memref<1x2x128xi32, #tpu.memory_space<vmem>> -> memref<2x128xi32, #tpu.memory_space<vmem>>
      %dma_wait3A_270 = arith.constant 0 : i32
      %dma_wait3A_271 = arith.constant 0 : i32
      %dma_wait3A_272 = tpu.memref_slice %arg3[%add3A, %run_scoped3A, %dma_wait3A_270, %dma_wait3A_271] : memref<32x79x2x128xi32, #tpu.memory_space<hbm>> -> memref<1x1x2x128xi32, #tpu.memory_space<hbm>>
      %dma_wait3A_273 = tpu.memref_squeeze %dma_wait3A_272 : memref<1x1x2x128xi32, #tpu.memory_space<hbm>> -> memref<2x128xi32, #tpu.memory_space<hbm>>
      %dma_wait3A_274 = arith.constant 0 : i32
      %dma_wait3A_275 = arith.constant 0 : i32
      %dma_wait3A_276 = tpu.memref_slice %arg5[%run_scoped3A_21, %dma_wait3A_274, %dma_wait3A_275] : memref<3x2x128xi32, #tpu.memory_space<vmem>> -> memref<1x2x128xi32, #tpu.memory_space<vmem>>
      %dma_wait3A_277 = tpu.memref_squeeze %dma_wait3A_276 : memref<1x2x128xi32, #tpu.memory_space<vmem>> -> memref<2x128xi32, #tpu.memory_space<vmem>>
      %dma_wait3A_278 = arith.constant 0 : i32
      %dma_wait3A_279 = arith.constant 0 : i32
      %dma_wait3A_280 = tpu.memref_slice %arg3[%add3A, %run_scoped3A, %dma_wait3A_278, %dma_wait3A_279] : memref<32x79x2x128xi32, #tpu.memory_space<hbm>> -> memref<1x1x2x128xi32, #tpu.memory_space<hbm>>
      %dma_wait3A_281 = tpu.memref_squeeze %dma_wait3A_280 : memref<1x1x2x128xi32, #tpu.memory_space<hbm>> -> memref<2x128xi32, #tpu.memory_space<hbm>>
      tpu.wait_dma2 semaphore(%run_scoped3A_249 : memref<!tpu.dma_semaphore, #tpu.memory_space<semaphore_mem>>) src(%dma_wait3A_281 : memref<2x128xi32, #tpu.memory_space<hbm>>) dst(%dma_wait3A_277 : memref<2x128xi32, #tpu.memory_space<vmem>>)
      tpu.yield
    }) : () -> ()
    %dma_start3A = arith.constant 0 : i32
    %dma_start3A_22 = arith.constant 0 : i32
    %dma_start3A_23 = arith.constant 0 : i32
    %dma_start3A_24 = arith.constant 0 : i32
    %dma_start3A_25 = arith.constant 0 : i32
    %dma_start3A_26 = tpu.memref_slice %arg6[%dma_start3A_23, %dma_start3A_24, %dma_start3A_25] : memref<3x128x128xbf16, #tpu.memory_space<vmem>> -> memref<1x128x128xbf16, #tpu.memory_space<vmem>>
    %dma_start3A_27 = tpu.memref_squeeze %dma_start3A_26 : memref<1x128x128xbf16, #tpu.memory_space<vmem>> -> memref<128x128xbf16, #tpu.memory_space<vmem>>
    %dma_start3A_28 = arith.constant 0 : i32
    %dma_start3A_29 = tpu.memref_slice %arg5[%dma_start3A, %dma_start3A_22, %dma_start3A_28] : memref<3x2x128xi32, #tpu.memory_space<vmem>> -> memref<1x1x128xi32, #tpu.memory_space<vmem>>
    %dma_start3A_30 = tpu.memref_squeeze %dma_start3A_29 : memref<1x1x128xi32, #tpu.memory_space<vmem>> -> memref<128xi32, #tpu.memory_space<vmem>>
    %dma_start3A_31 = arith.constant 0 : i32
    %dma_start3A_32 = arith.constant 0 : i32
    %dma_start3A_33 = tpu.memref_slice %arg2[%dma_start3A_31, %dma_start3A_32] : memref<10000x128xbf16, #tpu.memory_space<hbm>> -> memref<10000x128xbf16, #tpu.memory_space<hbm>>
    tpu.enqueue_indirect_dma source(%dma_start3A_33 : memref<10000x128xbf16, #tpu.memory_space<hbm>>) target(%dma_start3A_27 : memref<128x128xbf16, #tpu.memory_space<vmem>>) offsets(%dma_start3A_30 : memref<128xi32, #tpu.memory_space<vmem>>) semaphore(%arg9 : memref<!tpu.dma_semaphore, #tpu.memory_space<semaphore_mem>>)
    %run_scoped3A_34 = arith.constant 1 : i32
    %run_scoped3A_35 = arith.constant 1 : i32
    "tpu.region"() ({
      %run_scoped3A_249 = tpu.sem_alloc : memref<!tpu.dma_semaphore, #tpu.memory_space<semaphore_mem>>
      %dma_start3A_250 = arith.constant 0 : i32
      %dma_start3A_251 = arith.constant 0 : i32
      %dma_start3A_252 = tpu.memref_slice %arg5[%run_scoped3A_35, %dma_start3A_250, %dma_start3A_251] : memref<3x2x128xi32, #tpu.memory_space<vmem>> -> memref<1x2x128xi32, #tpu.memory_space<vmem>>
      %dma_start3A_253 = tpu.memref_squeeze %dma_start3A_252 : memref<1x2x128xi32, #tpu.memory_space<vmem>> -> memref<2x128xi32, #tpu.memory_space<vmem>>
      %dma_start3A_254 = arith.constant 0 : i32
      %dma_start3A_255 = arith.constant 0 : i32
      %dma_start3A_256 = tpu.memref_slice %arg3[%add3A, %run_scoped3A_34, %dma_start3A_254, %dma_start3A_255] : memref<32x79x2x128xi32, #tpu.memory_space<hbm>> -> memref<1x1x2x128xi32, #tpu.memory_space<hbm>>
      %dma_start3A_257 = tpu.memref_squeeze %dma_start3A_256 : memref<1x1x2x128xi32, #tpu.memory_space<hbm>> -> memref<2x128xi32, #tpu.memory_space<hbm>>
      %dma_start3A_258 = arith.constant 0 : i32
      %dma_start3A_259 = arith.constant 0 : i32
      %dma_start3A_260 = tpu.memref_slice %arg5[%run_scoped3A_35, %dma_start3A_258, %dma_start3A_259] : memref<3x2x128xi32, #tpu.memory_space<vmem>> -> memref<1x2x128xi32, #tpu.memory_space<vmem>>
      %dma_start3A_261 = tpu.memref_squeeze %dma_start3A_260 : memref<1x2x128xi32, #tpu.memory_space<vmem>> -> memref<2x128xi32, #tpu.memory_space<vmem>>
      %dma_start3A_262 = arith.constant 0 : i32
      %dma_start3A_263 = arith.constant 0 : i32
      %dma_start3A_264 = tpu.memref_slice %arg3[%add3A, %run_scoped3A_34, %dma_start3A_262, %dma_start3A_263] : memref<32x79x2x128xi32, #tpu.memory_space<hbm>> -> memref<1x1x2x128xi32, #tpu.memory_space<hbm>>
      %dma_start3A_265 = tpu.memref_squeeze %dma_start3A_264 : memref<1x1x2x128xi32, #tpu.memory_space<hbm>> -> memref<2x128xi32, #tpu.memory_space<hbm>>
      tpu.enqueue_dma source(%dma_start3A_265 : memref<2x128xi32, #tpu.memory_space<hbm>>) target(%dma_start3A_261 : memref<2x128xi32, #tpu.memory_space<vmem>>) target_semaphore(%run_scoped3A_249 : memref<!tpu.dma_semaphore, #tpu.memory_space<semaphore_mem>>)
      %dma_wait3A_266 = arith.constant 0 : i32
      %dma_wait3A_267 = arith.constant 0 : i32
      %dma_wait3A_268 = tpu.memref_slice %arg5[%run_scoped3A_35, %dma_wait3A_266, %dma_wait3A_267] : memref<3x2x128xi32, #tpu.memory_space<vmem>> -> memref<1x2x128xi32, #tpu.memory_space<vmem>>
      %dma_wait3A_269 = tpu.memref_squeeze %dma_wait3A_268 : memref<1x2x128xi32, #tpu.memory_space<vmem>> -> memref<2x128xi32, #tpu.memory_space<vmem>>
      %dma_wait3A_270 = arith.constant 0 : i32
      %dma_wait3A_271 = arith.constant 0 : i32
      %dma_wait3A_272 = tpu.memref_slice %arg3[%add3A, %run_scoped3A_34, %dma_wait3A_270, %dma_wait3A_271] : memref<32x79x2x128xi32, #tpu.memory_space<hbm>> -> memref<1x1x2x128xi32, #tpu.memory_space<hbm>>
      %dma_wait3A_273 = tpu.memref_squeeze %dma_wait3A_272 : memref<1x1x2x128xi32, #tpu.memory_space<hbm>> -> memref<2x128xi32, #tpu.memory_space<hbm>>
      %dma_wait3A_274 = arith.constant 0 : i32
      %dma_wait3A_275 = arith.constant 0 : i32
      %dma_wait3A_276 = tpu.memref_slice %arg5[%run_scoped3A_35, %dma_wait3A_274, %dma_wait3A_275] : memref<3x2x128xi32, #tpu.memory_space<vmem>> -> memref<1x2x128xi32, #tpu.memory_space<vmem>>
      %dma_wait3A_277 = tpu.memref_squeeze %dma_wait3A_276 : memref<1x2x128xi32, #tpu.memory_space<vmem>> -> memref<2x128xi32, #tpu.memory_space<vmem>>
      %dma_wait3A_278 = arith.constant 0 : i32
      %dma_wait3A_279 = arith.constant 0 : i32
      %dma_wait3A_280 = tpu.memref_slice %arg3[%add3A, %run_scoped3A_34, %dma_wait3A_278, %dma_wait3A_279] : memref<32x79x2x128xi32, #tpu.memory_space<hbm>> -> memref<1x1x2x128xi32, #tpu.memory_space<hbm>>
      %dma_wait3A_281 = tpu.memref_squeeze %dma_wait3A_280 : memref<1x1x2x128xi32, #tpu.memory_space<hbm>> -> memref<2x128xi32, #tpu.memory_space<hbm>>
      tpu.wait_dma2 semaphore(%run_scoped3A_249 : memref<!tpu.dma_semaphore, #tpu.memory_space<semaphore_mem>>) src(%dma_wait3A_281 : memref<2x128xi32, #tpu.memory_space<hbm>>) dst(%dma_wait3A_277 : memref<2x128xi32, #tpu.memory_space<vmem>>)
      tpu.yield
    }) : () -> ()
    %dma_start3A_36 = arith.constant 1 : i32
    %dma_start3A_37 = arith.constant 0 : i32
    %dma_start3A_38 = arith.constant 1 : i32
    %dma_start3A_39 = arith.constant 0 : i32
    %dma_start3A_40 = arith.constant 0 : i32
    %dma_start3A_41 = tpu.memref_slice %arg6[%dma_start3A_38, %dma_start3A_39, %dma_start3A_40] : memref<3x128x128xbf16, #tpu.memory_space<vmem>> -> memref<1x128x128xbf16, #tpu.memory_space<vmem>>
    %dma_start3A_42 = tpu.memref_squeeze %dma_start3A_41 : memref<1x128x128xbf16, #tpu.memory_space<vmem>> -> memref<128x128xbf16, #tpu.memory_space<vmem>>
    %dma_start3A_43 = arith.constant 0 : i32
    %dma_start3A_44 = tpu.memref_slice %arg5[%dma_start3A_36, %dma_start3A_37, %dma_start3A_43] : memref<3x2x128xi32, #tpu.memory_space<vmem>> -> memref<1x1x128xi32, #tpu.memory_space<vmem>>
    %dma_start3A_45 = tpu.memref_squeeze %dma_start3A_44 : memref<1x1x128xi32, #tpu.memory_space<vmem>> -> memref<128xi32, #tpu.memory_space<vmem>>
    %dma_start3A_46 = arith.constant 0 : i32
    %dma_start3A_47 = arith.constant 0 : i32
    %dma_start3A_48 = tpu.memref_slice %arg2[%dma_start3A_46, %dma_start3A_47] : memref<10000x128xbf16, #tpu.memory_space<hbm>> -> memref<10000x128xbf16, #tpu.memory_space<hbm>>
    tpu.enqueue_indirect_dma source(%dma_start3A_48 : memref<10000x128xbf16, #tpu.memory_space<hbm>>) target(%dma_start3A_42 : memref<128x128xbf16, #tpu.memory_space<vmem>>) offsets(%dma_start3A_45 : memref<128xi32, #tpu.memory_space<vmem>>) semaphore(%arg10 : memref<!tpu.dma_semaphore, #tpu.memory_space<semaphore_mem>>)
    %run_scoped3A_49 = arith.constant 2 : i32
    %run_scoped3A_50 = arith.constant 2 : i32
    "tpu.region"() ({
      %run_scoped3A_249 = tpu.sem_alloc : memref<!tpu.dma_semaphore, #tpu.memory_space<semaphore_mem>>
      %dma_start3A_250 = arith.constant 0 : i32
      %dma_start3A_251 = arith.constant 0 : i32
      %dma_start3A_252 = tpu.memref_slice %arg5[%run_scoped3A_50, %dma_start3A_250, %dma_start3A_251] : memref<3x2x128xi32, #tpu.memory_space<vmem>> -> memref<1x2x128xi32, #tpu.memory_space<vmem>>
      %dma_start3A_253 = tpu.memref_squeeze %dma_start3A_252 : memref<1x2x128xi32, #tpu.memory_space<vmem>> -> memref<2x128xi32, #tpu.memory_space<vmem>>
      %dma_start3A_254 = arith.constant 0 : i32
      %dma_start3A_255 = arith.constant 0 : i32
      %dma_start3A_256 = tpu.memref_slice %arg3[%add3A, %run_scoped3A_49, %dma_start3A_254, %dma_start3A_255] : memref<32x79x2x128xi32, #tpu.memory_space<hbm>> -> memref<1x1x2x128xi32, #tpu.memory_space<hbm>>
      %dma_start3A_257 = tpu.memref_squeeze %dma_start3A_256 : memref<1x1x2x128xi32, #tpu.memory_space<hbm>> -> memref<2x128xi32, #tpu.memory_space<hbm>>
      %dma_start3A_258 = arith.constant 0 : i32
      %dma_start3A_259 = arith.constant 0 : i32
      %dma_start3A_260 = tpu.memref_slice %arg5[%run_scoped3A_50, %dma_start3A_258, %dma_start3A_259] : memref<3x2x128xi32, #tpu.memory_space<vmem>> -> memref<1x2x128xi32, #tpu.memory_space<vmem>>
      %dma_start3A_261 = tpu.memref_squeeze %dma_start3A_260 : memref<1x2x128xi32, #tpu.memory_space<vmem>> -> memref<2x128xi32, #tpu.memory_space<vmem>>
      %dma_start3A_262 = arith.constant 0 : i32
      %dma_start3A_263 = arith.constant 0 : i32
      %dma_start3A_264 = tpu.memref_slice %arg3[%add3A, %run_scoped3A_49, %dma_start3A_262, %dma_start3A_263] : memref<32x79x2x128xi32, #tpu.memory_space<hbm>> -> memref<1x1x2x128xi32, #tpu.memory_space<hbm>>
      %dma_start3A_265 = tpu.memref_squeeze %dma_start3A_264 : memref<1x1x2x128xi32, #tpu.memory_space<hbm>> -> memref<2x128xi32, #tpu.memory_space<hbm>>
      tpu.enqueue_dma source(%dma_start3A_265 : memref<2x128xi32, #tpu.memory_space<hbm>>) target(%dma_start3A_261 : memref<2x128xi32, #tpu.memory_space<vmem>>) target_semaphore(%run_scoped3A_249 : memref<!tpu.dma_semaphore, #tpu.memory_space<semaphore_mem>>)
      %dma_wait3A_266 = arith.constant 0 : i32
      %dma_wait3A_267 = arith.constant 0 : i32
      %dma_wait3A_268 = tpu.memref_slice %arg5[%run_scoped3A_50, %dma_wait3A_266, %dma_wait3A_267] : memref<3x2x128xi32, #tpu.memory_space<vmem>> -> memref<1x2x128xi32, #tpu.memory_space<vmem>>
      %dma_wait3A_269 = tpu.memref_squeeze %dma_wait3A_268 : memref<1x2x128xi32, #tpu.memory_space<vmem>> -> memref<2x128xi32, #tpu.memory_space<vmem>>
      %dma_wait3A_270 = arith.constant 0 : i32
      %dma_wait3A_271 = arith.constant 0 : i32
      %dma_wait3A_272 = tpu.memref_slice %arg3[%add3A, %run_scoped3A_49, %dma_wait3A_270, %dma_wait3A_271] : memref<32x79x2x128xi32, #tpu.memory_space<hbm>> -> memref<1x1x2x128xi32, #tpu.memory_space<hbm>>
      %dma_wait3A_273 = tpu.memref_squeeze %dma_wait3A_272 : memref<1x1x2x128xi32, #tpu.memory_space<hbm>> -> memref<2x128xi32, #tpu.memory_space<hbm>>
      %dma_wait3A_274 = arith.constant 0 : i32
      %dma_wait3A_275 = arith.constant 0 : i32
      %dma_wait3A_276 = tpu.memref_slice %arg5[%run_scoped3A_50, %dma_wait3A_274, %dma_wait3A_275] : memref<3x2x128xi32, #tpu.memory_space<vmem>> -> memref<1x2x128xi32, #tpu.memory_space<vmem>>
      %dma_wait3A_277 = tpu.memref_squeeze %dma_wait3A_276 : memref<1x2x128xi32, #tpu.memory_space<vmem>> -> memref<2x128xi32, #tpu.memory_space<vmem>>
      %dma_wait3A_278 = arith.constant 0 : i32
      %dma_wait3A_279 = arith.constant 0 : i32
      %dma_wait3A_280 = tpu.memref_slice %arg3[%add3A, %run_scoped3A_49, %dma_wait3A_278, %dma_wait3A_279] : memref<32x79x2x128xi32, #tpu.memory_space<hbm>> -> memref<1x1x2x128xi32, #tpu.memory_space<hbm>>
      %dma_wait3A_281 = tpu.memref_squeeze %dma_wait3A_280 : memref<1x1x2x128xi32, #tpu.memory_space<hbm>> -> memref<2x128xi32, #tpu.memory_space<hbm>>
      tpu.wait_dma2 semaphore(%run_scoped3A_249 : memref<!tpu.dma_semaphore, #tpu.memory_space<semaphore_mem>>) src(%dma_wait3A_281 : memref<2x128xi32, #tpu.memory_space<hbm>>) dst(%dma_wait3A_277 : memref<2x128xi32, #tpu.memory_space<vmem>>)
      tpu.yield
    }) : () -> ()
    %dma_start3A_51 = arith.constant 2 : i32
    %dma_start3A_52 = arith.constant 0 : i32
    %dma_start3A_53 = arith.constant 2 : i32
    %dma_start3A_54 = arith.constant 0 : i32
    %dma_start3A_55 = arith.constant 0 : i32
    %dma_start3A_56 = tpu.memref_slice %arg6[%dma_start3A_53, %dma_start3A_54, %dma_start3A_55] : memref<3x128x128xbf16, #tpu.memory_space<vmem>> -> memref<1x128x128xbf16, #tpu.memory_space<vmem>>
    %dma_start3A_57 = tpu.memref_squeeze %dma_start3A_56 : memref<1x128x128xbf16, #tpu.memory_space<vmem>> -> memref<128x128xbf16, #tpu.memory_space<vmem>>
    %dma_start3A_58 = arith.constant 0 : i32
    %dma_start3A_59 = tpu.memref_slice %arg5[%dma_start3A_51, %dma_start3A_52, %dma_start3A_58] : memref<3x2x128xi32, #tpu.memory_space<vmem>> -> memref<1x1x128xi32, #tpu.memory_space<vmem>>
    %dma_start3A_60 = tpu.memref_squeeze %dma_start3A_59 : memref<1x1x128xi32, #tpu.memory_space<vmem>> -> memref<128xi32, #tpu.memory_space<vmem>>
    %dma_start3A_61 = arith.constant 0 : i32
    %dma_start3A_62 = arith.constant 0 : i32
    %dma_start3A_63 = tpu.memref_slice %arg2[%dma_start3A_61, %dma_start3A_62] : memref<10000x128xbf16, #tpu.memory_space<hbm>> -> memref<10000x128xbf16, #tpu.memory_space<hbm>>
    tpu.enqueue_indirect_dma source(%dma_start3A_63 : memref<10000x128xbf16, #tpu.memory_space<hbm>>) target(%dma_start3A_57 : memref<128x128xbf16, #tpu.memory_space<vmem>>) offsets(%dma_start3A_60 : memref<128xi32, #tpu.memory_space<vmem>>) semaphore(%arg11 : memref<!tpu.dma_semaphore, #tpu.memory_space<semaphore_mem>>)
    %dma_wait3A = arith.constant 0 : i32
    %dma_wait3A_64 = arith.constant 0 : i32
    %dma_wait3A_65 = arith.constant 0 : i32
    %dma_wait3A_66 = arith.constant 0 : i32
    %dma_wait3A_67 = arith.constant 0 : i32
    %dma_wait3A_68 = tpu.memref_slice %arg6[%dma_wait3A_65, %dma_wait3A_66, %dma_wait3A_67] : memref<3x128x128xbf16, #tpu.memory_space<vmem>> -> memref<1x128x128xbf16, #tpu.memory_space<vmem>>
    %dma_wait3A_69 = tpu.memref_squeeze %dma_wait3A_68 : memref<1x128x128xbf16, #tpu.memory_space<vmem>> -> memref<128x128xbf16, #tpu.memory_space<vmem>>
    %dma_wait3A_70 = arith.constant 0 : i32
    %dma_wait3A_71 = tpu.memref_slice %arg5[%dma_wait3A, %dma_wait3A_64, %dma_wait3A_70] : memref<3x2x128xi32, #tpu.memory_space<vmem>> -> memref<1x1x128xi32, #tpu.memory_space<vmem>>
    %dma_wait3A_72 = tpu.memref_squeeze %dma_wait3A_71 : memref<1x1x128xi32, #tpu.memory_space<vmem>> -> memref<128xi32, #tpu.memory_space<vmem>>
    %dma_wait3A_73 = arith.constant 0 : i32
    %dma_wait3A_74 = arith.constant 0 : i32
    %dma_wait3A_75 = tpu.memref_slice %arg2[%dma_wait3A_73, %dma_wait3A_74] : memref<10000x128xbf16, #tpu.memory_space<hbm>> -> memref<10000x128xbf16, #tpu.memory_space<hbm>>
    tpu.wait_indirect_dma semaphore(%arg9 : memref<!tpu.dma_semaphore, #tpu.memory_space<semaphore_mem>>) src(%dma_wait3A_75 : memref<10000x128xbf16, #tpu.memory_space<hbm>>) dst(%dma_wait3A_69 : memref<128x128xbf16, #tpu.memory_space<vmem>>)
    %dma_start3A_76 = arith.constant 0 : i32
    %dma_start3A_77 = arith.constant 0 : i32
    %dma_start3A_78 = arith.constant 1 : i32
    %dma_start3A_79 = arith.constant 0 : i32
    %dma_start3A_80 = arith.constant 0 : i32
    %dma_start3A_81 = tpu.memref_slice %arg6[%dma_start3A_76, %dma_start3A_79, %dma_start3A_80] : memref<3x128x128xbf16, #tpu.memory_space<vmem>> -> memref<1x128x128xbf16, #tpu.memory_space<vmem>>
    %dma_start3A_82 = tpu.memref_squeeze %dma_start3A_81 : memref<1x128x128xbf16, #tpu.memory_space<vmem>> -> memref<128x128xbf16, #tpu.memory_space<vmem>>
    %dma_start3A_83 = arith.constant 0 : i32
    %dma_start3A_84 = tpu.memref_slice %arg5[%dma_start3A_77, %dma_start3A_78, %dma_start3A_83] : memref<3x2x128xi32, #tpu.memory_space<vmem>> -> memref<1x1x128xi32, #tpu.memory_space<vmem>>
    %dma_start3A_85 = tpu.memref_squeeze %dma_start3A_84 : memref<1x1x128xi32, #tpu.memory_space<vmem>> -> memref<128xi32, #tpu.memory_space<vmem>>
    %dma_start3A_86 = arith.constant 0 : i32
    %dma_start3A_87 = arith.constant 0 : i32
    %dma_start3A_88 = tpu.memref_slice %arg8[%dma_start3A_86, %dma_start3A_87] : memref<10240x128xbf16, #tpu.memory_space<vmem_shared>> -> memref<10240x128xbf16, #tpu.memory_space<vmem_shared>>
    tpu.enqueue_indirect_dma source(%dma_start3A_82 : memref<128x128xbf16, #tpu.memory_space<vmem>>) target(%dma_start3A_88 : memref<10240x128xbf16, #tpu.memory_space<vmem_shared>>) offsets(%dma_start3A_85 : memref<128xi32, #tpu.memory_space<vmem>>) semaphore(%arg12 : memref<!tpu.dma_semaphore, #tpu.memory_space<semaphore_mem>>) {add = true}
    %scan3A_89 = arith.constant 0 : i32
    %scan3A_90 = arith.constant 0 : i32
    %scan3A_91 = arith.constant 25 : i32
    %scan3A_92 = arith.addi %scan3A_90, %scan3A_91 : i32
    %scan3A_93 = arith.constant 1 : i32
    scf.for %scan3A_249 = %scan3A_90 to %scan3A_92 step %scan3A_93  : i32 {
      %mul3A_250 = arith.constant 3 : i32
      %mul3A_251 = arith.muli %mul3A_250, %scan3A_249 : i32
      %add3A_252 = arith.constant 3 : i32
      %add3A_253 = arith.addi %mul3A_251, %add3A_252 : i32
      %dma_wait3A_254 = arith.constant 0 : i32
      %dma_wait3A_255 = arith.constant 0 : i32
      %dma_wait3A_256 = arith.constant 1 : i32
      %dma_wait3A_257 = arith.constant 0 : i32
      %dma_wait3A_258 = arith.constant 0 : i32
      %dma_wait3A_259 = tpu.memref_slice %arg6[%dma_wait3A_254, %dma_wait3A_257, %dma_wait3A_258] : memref<3x128x128xbf16, #tpu.memory_space<vmem>> -> memref<1x128x128xbf16, #tpu.memory_space<vmem>>
      %dma_wait3A_260 = tpu.memref_squeeze %dma_wait3A_259 : memref<1x128x128xbf16, #tpu.memory_space<vmem>> -> memref<128x128xbf16, #tpu.memory_space<vmem>>
      %dma_wait3A_261 = arith.constant 0 : i32
      %dma_wait3A_262 = tpu.memref_slice %arg5[%dma_wait3A_255, %dma_wait3A_256, %dma_wait3A_261] : memref<3x2x128xi32, #tpu.memory_space<vmem>> -> memref<1x1x128xi32, #tpu.memory_space<vmem>>
      %dma_wait3A_263 = tpu.memref_squeeze %dma_wait3A_262 : memref<1x1x128xi32, #tpu.memory_space<vmem>> -> memref<128xi32, #tpu.memory_space<vmem>>
      %dma_wait3A_264 = arith.constant 0 : i32
      %dma_wait3A_265 = arith.constant 0 : i32
      %dma_wait3A_266 = tpu.memref_slice %arg8[%dma_wait3A_264, %dma_wait3A_265] : memref<10240x128xbf16, #tpu.memory_space<vmem_shared>> -> memref<10240x128xbf16, #tpu.memory_space<vmem_shared>>
      tpu.wait_indirect_dma semaphore(%arg12 : memref<!tpu.dma_semaphore, #tpu.memory_space<semaphore_mem>>) src(%dma_wait3A_260 : memref<128x128xbf16, #tpu.memory_space<vmem>>) dst(%dma_wait3A_266 : memref<10240x128xbf16, #tpu.memory_space<vmem_shared>>)
      %run_scoped3A_267 = arith.constant 0 : i32
      "tpu.region"() ({
        %run_scoped3A_417 = tpu.sem_alloc : memref<!tpu.dma_semaphore, #tpu.memory_space<semaphore_mem>>
        %dma_start3A_418 = arith.constant 0 : i32
        %dma_start3A_419 = arith.constant 0 : i32
        %dma_start3A_420 = tpu.memref_slice %arg5[%run_scoped3A_267, %dma_start3A_418, %dma_start3A_419] : memref<3x2x128xi32, #tpu.memory_space<vmem>> -> memref<1x2x128xi32, #tpu.memory_space<vmem>>
        %dma_start3A_421 = tpu.memref_squeeze %dma_start3A_420 : memref<1x2x128xi32, #tpu.memory_space<vmem>> -> memref<2x128xi32, #tpu.memory_space<vmem>>
        %dma_start3A_422 = arith.constant 0 : i32
        %dma_start3A_423 = arith.constant 0 : i32
        %dma_start3A_424 = tpu.memref_slice %arg3[%add3A, %add3A_253, %dma_start3A_422, %dma_start3A_423] : memref<32x79x2x128xi32, #tpu.memory_space<hbm>> -> memref<1x1x2x128xi32, #tpu.memory_space<hbm>>
        %dma_start3A_425 = tpu.memref_squeeze %dma_start3A_424 : memref<1x1x2x128xi32, #tpu.memory_space<hbm>> -> memref<2x128xi32, #tpu.memory_space<hbm>>
        %dma_start3A_426 = arith.constant 0 : i32
        %dma_start3A_427 = arith.constant 0 : i32
        %dma_start3A_428 = tpu.memref_slice %arg5[%run_scoped3A_267, %dma_start3A_426, %dma_start3A_427] : memref<3x2x128xi32, #tpu.memory_space<vmem>> -> memref<1x2x128xi32, #tpu.memory_space<vmem>>
        %dma_start3A_429 = tpu.memref_squeeze %dma_start3A_428 : memref<1x2x128xi32, #tpu.memory_space<vmem>> -> memref<2x128xi32, #tpu.memory_space<vmem>>
        %dma_start3A_430 = arith.constant 0 : i32
        %dma_start3A_431 = arith.constant 0 : i32
        %dma_start3A_432 = tpu.memref_slice %arg3[%add3A, %add3A_253, %dma_start3A_430, %dma_start3A_431] : memref<32x79x2x128xi32, #tpu.memory_space<hbm>> -> memref<1x1x2x128xi32, #tpu.memory_space<hbm>>
        %dma_start3A_433 = tpu.memref_squeeze %dma_start3A_432 : memref<1x1x2x128xi32, #tpu.memory_space<hbm>> -> memref<2x128xi32, #tpu.memory_space<hbm>>
        tpu.enqueue_dma source(%dma_start3A_433 : memref<2x128xi32, #tpu.memory_space<hbm>>) target(%dma_start3A_429 : memref<2x128xi32, #tpu.memory_space<vmem>>) target_semaphore(%run_scoped3A_417 : memref<!tpu.dma_semaphore, #tpu.memory_space<semaphore_mem>>)
        %dma_wait3A_434 = arith.constant 0 : i32
        %dma_wait3A_435 = arith.constant 0 : i32
        %dma_wait3A_436 = tpu.memref_slice %arg5[%run_scoped3A_267, %dma_wait3A_434, %dma_wait3A_435] : memref<3x2x128xi32, #tpu.memory_space<vmem>> -> memref<1x2x128xi32, #tpu.memory_space<vmem>>
        %dma_wait3A_437 = tpu.memref_squeeze %dma_wait3A_436 : memref<1x2x128xi32, #tpu.memory_space<vmem>> -> memref<2x128xi32, #tpu.memory_space<vmem>>
        %dma_wait3A_438 = arith.constant 0 : i32
        %dma_wait3A_439 = arith.constant 0 : i32
        %dma_wait3A_440 = tpu.memref_slice %arg3[%add3A, %add3A_253, %dma_wait3A_438, %dma_wait3A_439] : memref<32x79x2x128xi32, #tpu.memory_space<hbm>> -> memref<1x1x2x128xi32, #tpu.memory_space<hbm>>
        %dma_wait3A_441 = tpu.memref_squeeze %dma_wait3A_440 : memref<1x1x2x128xi32, #tpu.memory_space<hbm>> -> memref<2x128xi32, #tpu.memory_space<hbm>>
        %dma_wait3A_442 = arith.constant 0 : i32
        %dma_wait3A_443 = arith.constant 0 : i32
        %dma_wait3A_444 = tpu.memref_slice %arg5[%run_scoped3A_267, %dma_wait3A_442, %dma_wait3A_443] : memref<3x2x128xi32, #tpu.memory_space<vmem>> -> memref<1x2x128xi32, #tpu.memory_space<vmem>>
        %dma_wait3A_445 = tpu.memref_squeeze %dma_wait3A_444 : memref<1x2x128xi32, #tpu.memory_space<vmem>> -> memref<2x128xi32, #tpu.memory_space<vmem>>
        %dma_wait3A_446 = arith.constant 0 : i32
        %dma_wait3A_447 = arith.constant 0 : i32
        %dma_wait3A_448 = tpu.memref_slice %arg3[%add3A, %add3A_253, %dma_wait3A_446, %dma_wait3A_447] : memref<32x79x2x128xi32, #tpu.memory_space<hbm>> -> memref<1x1x2x128xi32, #tpu.memory_space<hbm>>
        %dma_wait3A_449 = tpu.memref_squeeze %dma_wait3A_448 : memref<1x1x2x128xi32, #tpu.memory_space<hbm>> -> memref<2x128xi32, #tpu.memory_space<hbm>>
        tpu.wait_dma2 semaphore(%run_scoped3A_417 : memref<!tpu.dma_semaphore, #tpu.memory_space<semaphore_mem>>) src(%dma_wait3A_449 : memref<2x128xi32, #tpu.memory_space<hbm>>) dst(%dma_wait3A_445 : memref<2x128xi32, #tpu.memory_space<vmem>>)
        tpu.yield
      }) : () -> ()
      %dma_start3A_268 = arith.constant 0 : i32
      %dma_start3A_269 = arith.constant 0 : i32
      %dma_start3A_270 = arith.constant 0 : i32
      %dma_start3A_271 = arith.constant 0 : i32
      %dma_start3A_272 = arith.constant 0 : i32
      %dma_start3A_273 = tpu.memref_slice %arg6[%dma_start3A_270, %dma_start3A_271, %dma_start3A_272] : memref<3x128x128xbf16, #tpu.memory_space<vmem>> -> memref<1x128x128xbf16, #tpu.memory_space<vmem>>
      %dma_start3A_274 = tpu.memref_squeeze %dma_start3A_273 : memref<1x128x128xbf16, #tpu.memory_space<vmem>> -> memref<128x128xbf16, #tpu.memory_space<vmem>>
      %dma_start3A_275 = arith.constant 0 : i32
      %dma_start3A_276 = tpu.memref_slice %arg5[%dma_start3A_268, %dma_start3A_269, %dma_start3A_275] : memref<3x2x128xi32, #tpu.memory_space<vmem>> -> memref<1x1x128xi32, #tpu.memory_space<vmem>>
      %dma_start3A_277 = tpu.memref_squeeze %dma_start3A_276 : memref<1x1x128xi32, #tpu.memory_space<vmem>> -> memref<128xi32, #tpu.memory_space<vmem>>
      %dma_start3A_278 = arith.constant 0 : i32
      %dma_start3A_279 = arith.constant 0 : i32
      %dma_start3A_280 = tpu.memref_slice %arg2[%dma_start3A_278, %dma_start3A_279] : memref<10000x128xbf16, #tpu.memory_space<hbm>> -> memref<10000x128xbf16, #tpu.memory_space<hbm>>
      tpu.enqueue_indirect_dma source(%dma_start3A_280 : memref<10000x128xbf16, #tpu.memory_space<hbm>>) target(%dma_start3A_274 : memref<128x128xbf16, #tpu.memory_space<vmem>>) offsets(%dma_start3A_277 : memref<128xi32, #tpu.memory_space<vmem>>) semaphore(%arg9 : memref<!tpu.dma_semaphore, #tpu.memory_space<semaphore_mem>>)
      %dma_wait3A_281 = arith.constant 1 : i32
      %dma_wait3A_282 = arith.constant 0 : i32
      %dma_wait3A_283 = arith.constant 1 : i32
      %dma_wait3A_284 = arith.constant 0 : i32
      %dma_wait3A_285 = arith.constant 0 : i32
      %dma_wait3A_286 = tpu.memref_slice %arg6[%dma_wait3A_283, %dma_wait3A_284, %dma_wait3A_285] : memref<3x128x128xbf16, #tpu.memory_space<vmem>> -> memref<1x128x128xbf16, #tpu.memory_space<vmem>>
      %dma_wait3A_287 = tpu.memref_squeeze %dma_wait3A_286 : memref<1x128x128xbf16, #tpu.memory_space<vmem>> -> memref<128x128xbf16, #tpu.memory_space<vmem>>
      %dma_wait3A_288 = arith.constant 0 : i32
      %dma_wait3A_289 = tpu.memref_slice %arg5[%dma_wait3A_281, %dma_wait3A_282, %dma_wait3A_288] : memref<3x2x128xi32, #tpu.memory_space<vmem>> -> memref<1x1x128xi32, #tpu.memory_space<vmem>>
      %dma_wait3A_290 = tpu.memref_squeeze %dma_wait3A_289 : memref<1x1x128xi32, #tpu.memory_space<vmem>> -> memref<128xi32, #tpu.memory_space<vmem>>
      %dma_wait3A_291 = arith.constant 0 : i32
      %dma_wait3A_292 = arith.constant 0 : i32
      %dma_wait3A_293 = tpu.memref_slice %arg2[%dma_wait3A_291, %dma_wait3A_292] : memref<10000x128xbf16, #tpu.memory_space<hbm>> -> memref<10000x128xbf16, #tpu.memory_space<hbm>>
      tpu.wait_indirect_dma semaphore(%arg10 : memref<!tpu.dma_semaphore, #tpu.memory_space<semaphore_mem>>) src(%dma_wait3A_293 : memref<10000x128xbf16, #tpu.memory_space<hbm>>) dst(%dma_wait3A_287 : memref<128x128xbf16, #tpu.memory_space<vmem>>)
      %dma_start3A_294 = arith.constant 1 : i32
      %dma_start3A_295 = arith.constant 1 : i32
      %dma_start3A_296 = arith.constant 1 : i32
      %dma_start3A_297 = arith.constant 0 : i32
      %dma_start3A_298 = arith.constant 0 : i32
      %dma_start3A_299 = tpu.memref_slice %arg6[%dma_start3A_294, %dma_start3A_297, %dma_start3A_298] : memref<3x128x128xbf16, #tpu.memory_space<vmem>> -> memref<1x128x128xbf16, #tpu.memory_space<vmem>>
      %dma_start3A_300 = tpu.memref_squeeze %dma_start3A_299 : memref<1x128x128xbf16, #tpu.memory_space<vmem>> -> memref<128x128xbf16, #tpu.memory_space<vmem>>
      %dma_start3A_301 = arith.constant 0 : i32
      %dma_start3A_302 = tpu.memref_slice %arg5[%dma_start3A_295, %dma_start3A_296, %dma_start3A_301] : memref<3x2x128xi32, #tpu.memory_space<vmem>> -> memref<1x1x128xi32, #tpu.memory_space<vmem>>
      %dma_start3A_303 = tpu.memref_squeeze %dma_start3A_302 : memref<1x1x128xi32, #tpu.memory_space<vmem>> -> memref<128xi32, #tpu.memory_space<vmem>>
      %dma_start3A_304 = arith.constant 0 : i32
      %dma_start3A_305 = arith.constant 0 : i32
      %dma_start3A_306 = tpu.memref_slice %arg8[%dma_start3A_304, %dma_start3A_305] : memref<10240x128xbf16, #tpu.memory_space<vmem_shared>> -> memref<10240x128xbf16, #tpu.memory_space<vmem_shared>>
      tpu.enqueue_indirect_dma source(%dma_start3A_300 : memref<128x128xbf16, #tpu.memory_space<vmem>>) target(%dma_start3A_306 : memref<10240x128xbf16, #tpu.memory_space<vmem_shared>>) offsets(%dma_start3A_303 : memref<128xi32, #tpu.memory_space<vmem>>) semaphore(%arg13 : memref<!tpu.dma_semaphore, #tpu.memory_space<semaphore_mem>>) {add = true}
      %add3A_307 = arith.constant 1 : i32
      %add3A_308 = arith.addi %add3A_253, %add3A_307 : i32
      %dma_wait3A_309 = arith.constant 1 : i32
      %dma_wait3A_310 = arith.constant 1 : i32
      %dma_wait3A_311 = arith.constant 1 : i32
      %dma_wait3A_312 = arith.constant 0 : i32
      %dma_wait3A_313 = arith.constant 0 : i32
      %dma_wait3A_314 = tpu.memref_slice %arg6[%dma_wait3A_309, %dma_wait3A_312, %dma_wait3A_313] : memref<3x128x128xbf16, #tpu.memory_space<vmem>> -> memref<1x128x128xbf16, #tpu.memory_space<vmem>>
      %dma_wait3A_315 = tpu.memref_squeeze %dma_wait3A_314 : memref<1x128x128xbf16, #tpu.memory_space<vmem>> -> memref<128x128xbf16, #tpu.memory_space<vmem>>
      %dma_wait3A_316 = arith.constant 0 : i32
      %dma_wait3A_317 = tpu.memref_slice %arg5[%dma_wait3A_310, %dma_wait3A_311, %dma_wait3A_316] : memref<3x2x128xi32, #tpu.memory_space<vmem>> -> memref<1x1x128xi32, #tpu.memory_space<vmem>>
      %dma_wait3A_318 = tpu.memref_squeeze %dma_wait3A_317 : memref<1x1x128xi32, #tpu.memory_space<vmem>> -> memref<128xi32, #tpu.memory_space<vmem>>
      %dma_wait3A_319 = arith.constant 0 : i32
      %dma_wait3A_320 = arith.constant 0 : i32
      %dma_wait3A_321 = tpu.memref_slice %arg8[%dma_wait3A_319, %dma_wait3A_320] : memref<10240x128xbf16, #tpu.memory_space<vmem_shared>> -> memref<10240x128xbf16, #tpu.memory_space<vmem_shared>>
      tpu.wait_indirect_dma semaphore(%arg13 : memref<!tpu.dma_semaphore, #tpu.memory_space<semaphore_mem>>) src(%dma_wait3A_315 : memref<128x128xbf16, #tpu.memory_space<vmem>>) dst(%dma_wait3A_321 : memref<10240x128xbf16, #tpu.memory_space<vmem_shared>>)
      %run_scoped3A_322 = arith.constant 1 : i32
      "tpu.region"() ({
        %run_scoped3A_417 = tpu.sem_alloc : memref<!tpu.dma_semaphore, #tpu.memory_space<semaphore_mem>>
        %dma_start3A_418 = arith.constant 0 : i32
        %dma_start3A_419 = arith.constant 0 : i32
        %dma_start3A_420 = tpu.memref_slice %arg5[%run_scoped3A_322, %dma_start3A_418, %dma_start3A_419] : memref<3x2x128xi32, #tpu.memory_space<vmem>> -> memref<1x2x128xi32, #tpu.memory_space<vmem>>
        %dma_start3A_421 = tpu.memref_squeeze %dma_start3A_420 : memref<1x2x128xi32, #tpu.memory_space<vmem>> -> memref<2x128xi32, #tpu.memory_space<vmem>>
        %dma_start3A_422 = arith.constant 0 : i32
        %dma_start3A_423 = arith.constant 0 : i32
        %dma_start3A_424 = tpu.memref_slice %arg3[%add3A, %add3A_308, %dma_start3A_422, %dma_start3A_423] : memref<32x79x2x128xi32, #tpu.memory_space<hbm>> -> memref<1x1x2x128xi32, #tpu.memory_space<hbm>>
        %dma_start3A_425 = tpu.memref_squeeze %dma_start3A_424 : memref<1x1x2x128xi32, #tpu.memory_space<hbm>> -> memref<2x128xi32, #tpu.memory_space<hbm>>
        %dma_start3A_426 = arith.constant 0 : i32
        %dma_start3A_427 = arith.constant 0 : i32
        %dma_start3A_428 = tpu.memref_slice %arg5[%run_scoped3A_322, %dma_start3A_426, %dma_start3A_427] : memref<3x2x128xi32, #tpu.memory_space<vmem>> -> memref<1x2x128xi32, #tpu.memory_space<vmem>>
        %dma_start3A_429 = tpu.memref_squeeze %dma_start3A_428 : memref<1x2x128xi32, #tpu.memory_space<vmem>> -> memref<2x128xi32, #tpu.memory_space<vmem>>
        %dma_start3A_430 = arith.constant 0 : i32
        %dma_start3A_431 = arith.constant 0 : i32
        %dma_start3A_432 = tpu.memref_slice %arg3[%add3A, %add3A_308, %dma_start3A_430, %dma_start3A_431] : memref<32x79x2x128xi32, #tpu.memory_space<hbm>> -> memref<1x1x2x128xi32, #tpu.memory_space<hbm>>
        %dma_start3A_433 = tpu.memref_squeeze %dma_start3A_432 : memref<1x1x2x128xi32, #tpu.memory_space<hbm>> -> memref<2x128xi32, #tpu.memory_space<hbm>>
        tpu.enqueue_dma source(%dma_start3A_433 : memref<2x128xi32, #tpu.memory_space<hbm>>) target(%dma_start3A_429 : memref<2x128xi32, #tpu.memory_space<vmem>>) target_semaphore(%run_scoped3A_417 : memref<!tpu.dma_semaphore, #tpu.memory_space<semaphore_mem>>)
        %dma_wait3A_434 = arith.constant 0 : i32
        %dma_wait3A_435 = arith.constant 0 : i32
        %dma_wait3A_436 = tpu.memref_slice %arg5[%run_scoped3A_322, %dma_wait3A_434, %dma_wait3A_435] : memref<3x2x128xi32, #tpu.memory_space<vmem>> -> memref<1x2x128xi32, #tpu.memory_space<vmem>>
        %dma_wait3A_437 = tpu.memref_squeeze %dma_wait3A_436 : memref<1x2x128xi32, #tpu.memory_space<vmem>> -> memref<2x128xi32, #tpu.memory_space<vmem>>
        %dma_wait3A_438 = arith.constant 0 : i32
        %dma_wait3A_439 = arith.constant 0 : i32
        %dma_wait3A_440 = tpu.memref_slice %arg3[%add3A, %add3A_308, %dma_wait3A_438, %dma_wait3A_439] : memref<32x79x2x128xi32, #tpu.memory_space<hbm>> -> memref<1x1x2x128xi32, #tpu.memory_space<hbm>>
        %dma_wait3A_441 = tpu.memref_squeeze %dma_wait3A_440 : memref<1x1x2x128xi32, #tpu.memory_space<hbm>> -> memref<2x128xi32, #tpu.memory_space<hbm>>
        %dma_wait3A_442 = arith.constant 0 : i32
        %dma_wait3A_443 = arith.constant 0 : i32
        %dma_wait3A_444 = tpu.memref_slice %arg5[%run_scoped3A_322, %dma_wait3A_442, %dma_wait3A_443] : memref<3x2x128xi32, #tpu.memory_space<vmem>> -> memref<1x2x128xi32, #tpu.memory_space<vmem>>
        %dma_wait3A_445 = tpu.memref_squeeze %dma_wait3A_444 : memref<1x2x128xi32, #tpu.memory_space<vmem>> -> memref<2x128xi32, #tpu.memory_space<vmem>>
        %dma_wait3A_446 = arith.constant 0 : i32
        %dma_wait3A_447 = arith.constant 0 : i32
        %dma_wait3A_448 = tpu.memref_slice %arg3[%add3A, %add3A_308, %dma_wait3A_446, %dma_wait3A_447] : memref<32x79x2x128xi32, #tpu.memory_space<hbm>> -> memref<1x1x2x128xi32, #tpu.memory_space<hbm>>
        %dma_wait3A_449 = tpu.memref_squeeze %dma_wait3A_448 : memref<1x1x2x128xi32, #tpu.memory_space<hbm>> -> memref<2x128xi32, #tpu.memory_space<hbm>>
        tpu.wait_dma2 semaphore(%run_scoped3A_417 : memref<!tpu.dma_semaphore, #tpu.memory_space<semaphore_mem>>) src(%dma_wait3A_449 : memref<2x128xi32, #tpu.memory_space<hbm>>) dst(%dma_wait3A_445 : memref<2x128xi32, #tpu.memory_space<vmem>>)
        tpu.yield
      }) : () -> ()
      %dma_start3A_323 = arith.constant 1 : i32
      %dma_start3A_324 = arith.constant 0 : i32
      %dma_start3A_325 = arith.constant 1 : i32
      %dma_start3A_326 = arith.constant 0 : i32
      %dma_start3A_327 = arith.constant 0 : i32
      %dma_start3A_328 = tpu.memref_slice %arg6[%dma_start3A_325, %dma_start3A_326, %dma_start3A_327] : memref<3x128x128xbf16, #tpu.memory_space<vmem>> -> memref<1x128x128xbf16, #tpu.memory_space<vmem>>
      %dma_start3A_329 = tpu.memref_squeeze %dma_start3A_328 : memref<1x128x128xbf16, #tpu.memory_space<vmem>> -> memref<128x128xbf16, #tpu.memory_space<vmem>>
      %dma_start3A_330 = arith.constant 0 : i32
      %dma_start3A_331 = tpu.memref_slice %arg5[%dma_start3A_323, %dma_start3A_324, %dma_start3A_330] : memref<3x2x128xi32, #tpu.memory_space<vmem>> -> memref<1x1x128xi32, #tpu.memory_space<vmem>>
      %dma_start3A_332 = tpu.memref_squeeze %dma_start3A_331 : memref<1x1x128xi32, #tpu.memory_space<vmem>> -> memref<128xi32, #tpu.memory_space<vmem>>
      %dma_start3A_333 = arith.constant 0 : i32
      %dma_start3A_334 = arith.constant 0 : i32
      %dma_start3A_335 = tpu.memref_slice %arg2[%dma_start3A_333, %dma_start3A_334] : memref<10000x128xbf16, #tpu.memory_space<hbm>> -> memref<10000x128xbf16, #tpu.memory_space<hbm>>
      tpu.enqueue_indirect_dma source(%dma_start3A_335 : memref<10000x128xbf16, #tpu.memory_space<hbm>>) target(%dma_start3A_329 : memref<128x128xbf16, #tpu.memory_space<vmem>>) offsets(%dma_start3A_332 : memref<128xi32, #tpu.memory_space<vmem>>) semaphore(%arg10 : memref<!tpu.dma_semaphore, #tpu.memory_space<semaphore_mem>>)
      %dma_wait3A_336 = arith.constant 2 : i32
      %dma_wait3A_337 = arith.constant 0 : i32
      %dma_wait3A_338 = arith.constant 2 : i32
      %dma_wait3A_339 = arith.constant 0 : i32
      %dma_wait3A_340 = arith.constant 0 : i32
      %dma_wait3A_341 = tpu.memref_slice %arg6[%dma_wait3A_338, %dma_wait3A_339, %dma_wait3A_340] : memref<3x128x128xbf16, #tpu.memory_space<vmem>> -> memref<1x128x128xbf16, #tpu.memory_space<vmem>>
      %dma_wait3A_342 = tpu.memref_squeeze %dma_wait3A_341 : memref<1x128x128xbf16, #tpu.memory_space<vmem>> -> memref<128x128xbf16, #tpu.memory_space<vmem>>
      %dma_wait3A_343 = arith.constant 0 : i32
      %dma_wait3A_344 = tpu.memref_slice %arg5[%dma_wait3A_336, %dma_wait3A_337, %dma_wait3A_343] : memref<3x2x128xi32, #tpu.memory_space<vmem>> -> memref<1x1x128xi32, #tpu.memory_space<vmem>>
      %dma_wait3A_345 = tpu.memref_squeeze %dma_wait3A_344 : memref<1x1x128xi32, #tpu.memory_space<vmem>> -> memref<128xi32, #tpu.memory_space<vmem>>
      %dma_wait3A_346 = arith.constant 0 : i32
      %dma_wait3A_347 = arith.constant 0 : i32
      %dma_wait3A_348 = tpu.memref_slice %arg2[%dma_wait3A_346, %dma_wait3A_347] : memref<10000x128xbf16, #tpu.memory_space<hbm>> -> memref<10000x128xbf16, #tpu.memory_space<hbm>>
      tpu.wait_indirect_dma semaphore(%arg11 : memref<!tpu.dma_semaphore, #tpu.memory_space<semaphore_mem>>) src(%dma_wait3A_348 : memref<10000x128xbf16, #tpu.memory_space<hbm>>) dst(%dma_wait3A_342 : memref<128x128xbf16, #tpu.memory_space<vmem>>)
      %dma_start3A_349 = arith.constant 2 : i32
      %dma_start3A_350 = arith.constant 2 : i32
      %dma_start3A_351 = arith.constant 1 : i32
      %dma_start3A_352 = arith.constant 0 : i32
      %dma_start3A_353 = arith.constant 0 : i32
      %dma_start3A_354 = tpu.memref_slice %arg6[%dma_start3A_349, %dma_start3A_352, %dma_start3A_353] : memref<3x128x128xbf16, #tpu.memory_space<vmem>> -> memref<1x128x128xbf16, #tpu.memory_space<vmem>>
      %dma_start3A_355 = tpu.memref_squeeze %dma_start3A_354 : memref<1x128x128xbf16, #tpu.memory_space<vmem>> -> memref<128x128xbf16, #tpu.memory_space<vmem>>
      %dma_start3A_356 = arith.constant 0 : i32
      %dma_start3A_357 = tpu.memref_slice %arg5[%dma_start3A_350, %dma_start3A_351, %dma_start3A_356] : memref<3x2x128xi32, #tpu.memory_space<vmem>> -> memref<1x1x128xi32, #tpu.memory_space<vmem>>
      %dma_start3A_358 = tpu.memref_squeeze %dma_start3A_357 : memref<1x1x128xi32, #tpu.memory_space<vmem>> -> memref<128xi32, #tpu.memory_space<vmem>>
      %dma_start3A_359 = arith.constant 0 : i32
      %dma_start3A_360 = arith.constant 0 : i32
      %dma_start3A_361 = tpu.memref_slice %arg8[%dma_start3A_359, %dma_start3A_360] : memref<10240x128xbf16, #tpu.memory_space<vmem_shared>> -> memref<10240x128xbf16, #tpu.memory_space<vmem_shared>>
      tpu.enqueue_indirect_dma source(%dma_start3A_355 : memref<128x128xbf16, #tpu.memory_space<vmem>>) target(%dma_start3A_361 : memref<10240x128xbf16, #tpu.memory_space<vmem_shared>>) offsets(%dma_start3A_358 : memref<128xi32, #tpu.memory_space<vmem>>) semaphore(%arg14 : memref<!tpu.dma_semaphore, #tpu.memory_space<semaphore_mem>>) {add = true}
      %add3A_362 = arith.constant 2 : i32
      %add3A_363 = arith.addi %add3A_253, %add3A_362 : i32
      %dma_wait3A_364 = arith.constant 2 : i32
      %dma_wait3A_365 = arith.constant 2 : i32
      %dma_wait3A_366 = arith.constant 1 : i32
      %dma_wait3A_367 = arith.constant 0 : i32
      %dma_wait3A_368 = arith.constant 0 : i32
      %dma_wait3A_369 = tpu.memref_slice %arg6[%dma_wait3A_364, %dma_wait3A_367, %dma_wait3A_368] : memref<3x128x128xbf16, #tpu.memory_space<vmem>> -> memref<1x128x128xbf16, #tpu.memory_space<vmem>>
      %dma_wait3A_370 = tpu.memref_squeeze %dma_wait3A_369 : memref<1x128x128xbf16, #tpu.memory_space<vmem>> -> memref<128x128xbf16, #tpu.memory_space<vmem>>
      %dma_wait3A_371 = arith.constant 0 : i32
      %dma_wait3A_372 = tpu.memref_slice %arg5[%dma_wait3A_365, %dma_wait3A_366, %dma_wait3A_371] : memref<3x2x128xi32, #tpu.memory_space<vmem>> -> memref<1x1x128xi32, #tpu.memory_space<vmem>>
      %dma_wait3A_373 = tpu.memref_squeeze %dma_wait3A_372 : memref<1x1x128xi32, #tpu.memory_space<vmem>> -> memref<128xi32, #tpu.memory_space<vmem>>
      %dma_wait3A_374 = arith.constant 0 : i32
      %dma_wait3A_375 = arith.constant 0 : i32
      %dma_wait3A_376 = tpu.memref_slice %arg8[%dma_wait3A_374, %dma_wait3A_375] : memref<10240x128xbf16, #tpu.memory_space<vmem_shared>> -> memref<10240x128xbf16, #tpu.memory_space<vmem_shared>>
      tpu.wait_indirect_dma semaphore(%arg14 : memref<!tpu.dma_semaphore, #tpu.memory_space<semaphore_mem>>) src(%dma_wait3A_370 : memref<128x128xbf16, #tpu.memory_space<vmem>>) dst(%dma_wait3A_376 : memref<10240x128xbf16, #tpu.memory_space<vmem_shared>>)
      %run_scoped3A_377 = arith.constant 2 : i32
      "tpu.region"() ({
        %run_scoped3A_417 = tpu.sem_alloc : memref<!tpu.dma_semaphore, #tpu.memory_space<semaphore_mem>>
        %dma_start3A_418 = arith.constant 0 : i32
        %dma_start3A_419 = arith.constant 0 : i32
        %dma_start3A_420 = tpu.memref_slice %arg5[%run_scoped3A_377, %dma_start3A_418, %dma_start3A_419] : memref<3x2x128xi32, #tpu.memory_space<vmem>> -> memref<1x2x128xi32, #tpu.memory_space<vmem>>
        %dma_start3A_421 = tpu.memref_squeeze %dma_start3A_420 : memref<1x2x128xi32, #tpu.memory_space<vmem>> -> memref<2x128xi32, #tpu.memory_space<vmem>>
        %dma_start3A_422 = arith.constant 0 : i32
        %dma_start3A_423 = arith.constant 0 : i32
        %dma_start3A_424 = tpu.memref_slice %arg3[%add3A, %add3A_363, %dma_start3A_422, %dma_start3A_423] : memref<32x79x2x128xi32, #tpu.memory_space<hbm>> -> memref<1x1x2x128xi32, #tpu.memory_space<hbm>>
        %dma_start3A_425 = tpu.memref_squeeze %dma_start3A_424 : memref<1x1x2x128xi32, #tpu.memory_space<hbm>> -> memref<2x128xi32, #tpu.memory_space<hbm>>
        %dma_start3A_426 = arith.constant 0 : i32
        %dma_start3A_427 = arith.constant 0 : i32
        %dma_start3A_428 = tpu.memref_slice %arg5[%run_scoped3A_377, %dma_start3A_426, %dma_start3A_427] : memref<3x2x128xi32, #tpu.memory_space<vmem>> -> memref<1x2x128xi32, #tpu.memory_space<vmem>>
        %dma_start3A_429 = tpu.memref_squeeze %dma_start3A_428 : memref<1x2x128xi32, #tpu.memory_space<vmem>> -> memref<2x128xi32, #tpu.memory_space<vmem>>
        %dma_start3A_430 = arith.constant 0 : i32
        %dma_start3A_431 = arith.constant 0 : i32
        %dma_start3A_432 = tpu.memref_slice %arg3[%add3A, %add3A_363, %dma_start3A_430, %dma_start3A_431] : memref<32x79x2x128xi32, #tpu.memory_space<hbm>> -> memref<1x1x2x128xi32, #tpu.memory_space<hbm>>
        %dma_start3A_433 = tpu.memref_squeeze %dma_start3A_432 : memref<1x1x2x128xi32, #tpu.memory_space<hbm>> -> memref<2x128xi32, #tpu.memory_space<hbm>>
        tpu.enqueue_dma source(%dma_start3A_433 : memref<2x128xi32, #tpu.memory_space<hbm>>) target(%dma_start3A_429 : memref<2x128xi32, #tpu.memory_space<vmem>>) target_semaphore(%run_scoped3A_417 : memref<!tpu.dma_semaphore, #tpu.memory_space<semaphore_mem>>)
        %dma_wait3A_434 = arith.constant 0 : i32
        %dma_wait3A_435 = arith.constant 0 : i32
        %dma_wait3A_436 = tpu.memref_slice %arg5[%run_scoped3A_377, %dma_wait3A_434, %dma_wait3A_435] : memref<3x2x128xi32, #tpu.memory_space<vmem>> -> memref<1x2x128xi32, #tpu.memory_space<vmem>>
        %dma_wait3A_437 = tpu.memref_squeeze %dma_wait3A_436 : memref<1x2x128xi32, #tpu.memory_space<vmem>> -> memref<2x128xi32, #tpu.memory_space<vmem>>
        %dma_wait3A_438 = arith.constant 0 : i32
        %dma_wait3A_439 = arith.constant 0 : i32
        %dma_wait3A_440 = tpu.memref_slice %arg3[%add3A, %add3A_363, %dma_wait3A_438, %dma_wait3A_439] : memref<32x79x2x128xi32, #tpu.memory_space<hbm>> -> memref<1x1x2x128xi32, #tpu.memory_space<hbm>>
        %dma_wait3A_441 = tpu.memref_squeeze %dma_wait3A_440 : memref<1x1x2x128xi32, #tpu.memory_space<hbm>> -> memref<2x128xi32, #tpu.memory_space<hbm>>
        %dma_wait3A_442 = arith.constant 0 : i32
        %dma_wait3A_443 = arith.constant 0 : i32
        %dma_wait3A_444 = tpu.memref_slice %arg5[%run_scoped3A_377, %dma_wait3A_442, %dma_wait3A_443] : memref<3x2x128xi32, #tpu.memory_space<vmem>> -> memref<1x2x128xi32, #tpu.memory_space<vmem>>
        %dma_wait3A_445 = tpu.memref_squeeze %dma_wait3A_444 : memref<1x2x128xi32, #tpu.memory_space<vmem>> -> memref<2x128xi32, #tpu.memory_space<vmem>>
        %dma_wait3A_446 = arith.constant 0 : i32
        %dma_wait3A_447 = arith.constant 0 : i32
        %dma_wait3A_448 = tpu.memref_slice %arg3[%add3A, %add3A_363, %dma_wait3A_446, %dma_wait3A_447] : memref<32x79x2x128xi32, #tpu.memory_space<hbm>> -> memref<1x1x2x128xi32, #tpu.memory_space<hbm>>
        %dma_wait3A_449 = tpu.memref_squeeze %dma_wait3A_448 : memref<1x1x2x128xi32, #tpu.memory_space<hbm>> -> memref<2x128xi32, #tpu.memory_space<hbm>>
        tpu.wait_dma2 semaphore(%run_scoped3A_417 : memref<!tpu.dma_semaphore, #tpu.memory_space<semaphore_mem>>) src(%dma_wait3A_449 : memref<2x128xi32, #tpu.memory_space<hbm>>) dst(%dma_wait3A_445 : memref<2x128xi32, #tpu.memory_space<vmem>>)
        tpu.yield
      }) : () -> ()
      %dma_start3A_378 = arith.constant 2 : i32
      %dma_start3A_379 = arith.constant 0 : i32
      %dma_start3A_380 = arith.constant 2 : i32
      %dma_start3A_381 = arith.constant 0 : i32
      %dma_start3A_382 = arith.constant 0 : i32
      %dma_start3A_383 = tpu.memref_slice %arg6[%dma_start3A_380, %dma_start3A_381, %dma_start3A_382] : memref<3x128x128xbf16, #tpu.memory_space<vmem>> -> memref<1x128x128xbf16, #tpu.memory_space<vmem>>
      %dma_start3A_384 = tpu.memref_squeeze %dma_start3A_383 : memref<1x128x128xbf16, #tpu.memory_space<vmem>> -> memref<128x128xbf16, #tpu.memory_space<vmem>>
      %dma_start3A_385 = arith.constant 0 : i32
      %dma_start3A_386 = tpu.memref_slice %arg5[%dma_start3A_378, %dma_start3A_379, %dma_start3A_385] : memref<3x2x128xi32, #tpu.memory_space<vmem>> -> memref<1x1x128xi32, #tpu.memory_space<vmem>>
      %dma_start3A_387 = tpu.memref_squeeze %dma_start3A_386 : memref<1x1x128xi32, #tpu.memory_space<vmem>> -> memref<128xi32, #tpu.memory_space<vmem>>
      %dma_start3A_388 = arith.constant 0 : i32
      %dma_start3A_389 = arith.constant 0 : i32
      %dma_start3A_390 = tpu.memref_slice %arg2[%dma_start3A_388, %dma_start3A_389] : memref<10000x128xbf16, #tpu.memory_space<hbm>> -> memref<10000x128xbf16, #tpu.memory_space<hbm>>
      tpu.enqueue_indirect_dma source(%dma_start3A_390 : memref<10000x128xbf16, #tpu.memory_space<hbm>>) target(%dma_start3A_384 : memref<128x128xbf16, #tpu.memory_space<vmem>>) offsets(%dma_start3A_387 : memref<128xi32, #tpu.memory_space<vmem>>) semaphore(%arg11 : memref<!tpu.dma_semaphore, #tpu.memory_space<semaphore_mem>>)
      %dma_wait3A_391 = arith.constant 0 : i32
      %dma_wait3A_392 = arith.constant 0 : i32
      %dma_wait3A_393 = arith.constant 0 : i32
      %dma_wait3A_394 = arith.constant 0 : i32
      %dma_wait3A_395 = arith.constant 0 : i32
      %dma_wait3A_396 = tpu.memref_slice %arg6[%dma_wait3A_393, %dma_wait3A_394, %dma_wait3A_395] : memref<3x128x128xbf16, #tpu.memory_space<vmem>> -> memref<1x128x128xbf16, #tpu.memory_space<vmem>>
      %dma_wait3A_397 = tpu.memref_squeeze %dma_wait3A_396 : memref<1x128x128xbf16, #tpu.memory_space<vmem>> -> memref<128x128xbf16, #tpu.memory_space<vmem>>
      %dma_wait3A_398 = arith.constant 0 : i32
      %dma_wait3A_399 = tpu.memref_slice %arg5[%dma_wait3A_391, %dma_wait3A_392, %dma_wait3A_398] : memref<3x2x128xi32, #tpu.memory_space<vmem>> -> memref<1x1x128xi32, #tpu.memory_space<vmem>>
      %dma_wait3A_400 = tpu.memref_squeeze %dma_wait3A_399 : memref<1x1x128xi32, #tpu.memory_space<vmem>> -> memref<128xi32, #tpu.memory_space<vmem>>
      %dma_wait3A_401 = arith.constant 0 : i32
      %dma_wait3A_402 = arith.constant 0 : i32
      %dma_wait3A_403 = tpu.memref_slice %arg2[%dma_wait3A_401, %dma_wait3A_402] : memref<10000x128xbf16, #tpu.memory_space<hbm>> -> memref<10000x128xbf16, #tpu.memory_space<hbm>>
      tpu.wait_indirect_dma semaphore(%arg9 : memref<!tpu.dma_semaphore, #tpu.memory_space<semaphore_mem>>) src(%dma_wait3A_403 : memref<10000x128xbf16, #tpu.memory_space<hbm>>) dst(%dma_wait3A_397 : memref<128x128xbf16, #tpu.memory_space<vmem>>)
      %dma_start3A_404 = arith.constant 0 : i32
      %dma_start3A_405 = arith.constant 0 : i32
      %dma_start3A_406 = arith.constant 1 : i32
      %dma_start3A_407 = arith.constant 0 : i32
      %dma_start3A_408 = arith.constant 0 : i32
      %dma_start3A_409 = tpu.memref_slice %arg6[%dma_start3A_404, %dma_start3A_407, %dma_start3A_408] : memref<3x128x128xbf16, #tpu.memory_space<vmem>> -> memref<1x128x128xbf16, #tpu.memory_space<vmem>>
      %dma_start3A_410 = tpu.memref_squeeze %dma_start3A_409 : memref<1x128x128xbf16, #tpu.memory_space<vmem>> -> memref<128x128xbf16, #tpu.memory_space<vmem>>
      %dma_start3A_411 = arith.constant 0 : i32
      %dma_start3A_412 = tpu.memref_slice %arg5[%dma_start3A_405, %dma_start3A_406, %dma_start3A_411] : memref<3x2x128xi32, #tpu.memory_space<vmem>> -> memref<1x1x128xi32, #tpu.memory_space<vmem>>
      %dma_start3A_413 = tpu.memref_squeeze %dma_start3A_412 : memref<1x1x128xi32, #tpu.memory_space<vmem>> -> memref<128xi32, #tpu.memory_space<vmem>>
      %dma_start3A_414 = arith.constant 0 : i32
      %dma_start3A_415 = arith.constant 0 : i32
      %dma_start3A_416 = tpu.memref_slice %arg8[%dma_start3A_414, %dma_start3A_415] : memref<10240x128xbf16, #tpu.memory_space<vmem_shared>> -> memref<10240x128xbf16, #tpu.memory_space<vmem_shared>>
      tpu.enqueue_indirect_dma source(%dma_start3A_410 : memref<128x128xbf16, #tpu.memory_space<vmem>>) target(%dma_start3A_416 : memref<10240x128xbf16, #tpu.memory_space<vmem_shared>>) offsets(%dma_start3A_413 : memref<128xi32, #tpu.memory_space<vmem>>) semaphore(%arg12 : memref<!tpu.dma_semaphore, #tpu.memory_space<semaphore_mem>>) {add = true}
    }
    %scan3A_94 = arith.constant 25 : i32
    %dma_wait3A_95 = arith.constant 0 : i32
    %dma_wait3A_96 = arith.constant 0 : i32
    %dma_wait3A_97 = arith.constant 1 : i32
    %dma_wait3A_98 = arith.constant 0 : i32
    %dma_wait3A_99 = arith.constant 0 : i32
    %dma_wait3A_100 = tpu.memref_slice %arg6[%dma_wait3A_95, %dma_wait3A_98, %dma_wait3A_99] : memref<3x128x128xbf16, #tpu.memory_space<vmem>> -> memref<1x128x128xbf16, #tpu.memory_space<vmem>>
    %dma_wait3A_101 = tpu.memref_squeeze %dma_wait3A_100 : memref<1x128x128xbf16, #tpu.memory_space<vmem>> -> memref<128x128xbf16, #tpu.memory_space<vmem>>
    %dma_wait3A_102 = arith.constant 0 : i32
    %dma_wait3A_103 = tpu.memref_slice %arg5[%dma_wait3A_96, %dma_wait3A_97, %dma_wait3A_102] : memref<3x2x128xi32, #tpu.memory_space<vmem>> -> memref<1x1x128xi32, #tpu.memory_space<vmem>>
    %dma_wait3A_104 = tpu.memref_squeeze %dma_wait3A_103 : memref<1x1x128xi32, #tpu.memory_space<vmem>> -> memref<128xi32, #tpu.memory_space<vmem>>
    %dma_wait3A_105 = arith.constant 0 : i32
    %dma_wait3A_106 = arith.constant 0 : i32
    %dma_wait3A_107 = tpu.memref_slice %arg8[%dma_wait3A_105, %dma_wait3A_106] : memref<10240x128xbf16, #tpu.memory_space<vmem_shared>> -> memref<10240x128xbf16, #tpu.memory_space<vmem_shared>>
    tpu.wait_indirect_dma semaphore(%arg12 : memref<!tpu.dma_semaphore, #tpu.memory_space<semaphore_mem>>) src(%dma_wait3A_101 : memref<128x128xbf16, #tpu.memory_space<vmem>>) dst(%dma_wait3A_107 : memref<10240x128xbf16, #tpu.memory_space<vmem_shared>>)
    %run_scoped3A_108 = arith.constant 78 : i32
    %run_scoped3A_109 = arith.constant 0 : i32
    "tpu.region"() ({
      %run_scoped3A_249 = tpu.sem_alloc : memref<!tpu.dma_semaphore, #tpu.memory_space<semaphore_mem>>
      %dma_start3A_250 = arith.constant 0 : i32
      %dma_start3A_251 = arith.constant 0 : i32
      %dma_start3A_252 = tpu.memref_slice %arg5[%run_scoped3A_109, %dma_start3A_250, %dma_start3A_251] : memref<3x2x128xi32, #tpu.memory_space<vmem>> -> memref<1x2x128xi32, #tpu.memory_space<vmem>>
      %dma_start3A_253 = tpu.memref_squeeze %dma_start3A_252 : memref<1x2x128xi32, #tpu.memory_space<vmem>> -> memref<2x128xi32, #tpu.memory_space<vmem>>
      %dma_start3A_254 = arith.constant 0 : i32
      %dma_start3A_255 = arith.constant 0 : i32
      %dma_start3A_256 = tpu.memref_slice %arg3[%add3A, %run_scoped3A_108, %dma_start3A_254, %dma_start3A_255] : memref<32x79x2x128xi32, #tpu.memory_space<hbm>> -> memref<1x1x2x128xi32, #tpu.memory_space<hbm>>
      %dma_start3A_257 = tpu.memref_squeeze %dma_start3A_256 : memref<1x1x2x128xi32, #tpu.memory_space<hbm>> -> memref<2x128xi32, #tpu.memory_space<hbm>>
      %dma_start3A_258 = arith.constant 0 : i32
      %dma_start3A_259 = arith.constant 0 : i32
      %dma_start3A_260 = tpu.memref_slice %arg5[%run_scoped3A_109, %dma_start3A_258, %dma_start3A_259] : memref<3x2x128xi32, #tpu.memory_space<vmem>> -> memref<1x2x128xi32, #tpu.memory_space<vmem>>
      %dma_start3A_261 = tpu.memref_squeeze %dma_start3A_260 : memref<1x2x128xi32, #tpu.memory_space<vmem>> -> memref<2x128xi32, #tpu.memory_space<vmem>>
      %dma_start3A_262 = arith.constant 0 : i32
      %dma_start3A_263 = arith.constant 0 : i32
      %dma_start3A_264 = tpu.memref_slice %arg3[%add3A, %run_scoped3A_108, %dma_start3A_262, %dma_start3A_263] : memref<32x79x2x128xi32, #tpu.memory_space<hbm>> -> memref<1x1x2x128xi32, #tpu.memory_space<hbm>>
      %dma_start3A_265 = tpu.memref_squeeze %dma_start3A_264 : memref<1x1x2x128xi32, #tpu.memory_space<hbm>> -> memref<2x128xi32, #tpu.memory_space<hbm>>
      tpu.enqueue_dma source(%dma_start3A_265 : memref<2x128xi32, #tpu.memory_space<hbm>>) target(%dma_start3A_261 : memref<2x128xi32, #tpu.memory_space<vmem>>) target_semaphore(%run_scoped3A_249 : memref<!tpu.dma_semaphore, #tpu.memory_space<semaphore_mem>>)
      %dma_wait3A_266 = arith.constant 0 : i32
      %dma_wait3A_267 = arith.constant 0 : i32
      %dma_wait3A_268 = tpu.memref_slice %arg5[%run_scoped3A_109, %dma_wait3A_266, %dma_wait3A_267] : memref<3x2x128xi32, #tpu.memory_space<vmem>> -> memref<1x2x128xi32, #tpu.memory_space<vmem>>
      %dma_wait3A_269 = tpu.memref_squeeze %dma_wait3A_268 : memref<1x2x128xi32, #tpu.memory_space<vmem>> -> memref<2x128xi32, #tpu.memory_space<vmem>>
      %dma_wait3A_270 = arith.constant 0 : i32
      %dma_wait3A_271 = arith.constant 0 : i32
      %dma_wait3A_272 = tpu.memref_slice %arg3[%add3A, %run_scoped3A_108, %dma_wait3A_270, %dma_wait3A_271] : memref<32x79x2x128xi32, #tpu.memory_space<hbm>> -> memref<1x1x2x128xi32, #tpu.memory_space<hbm>>
      %dma_wait3A_273 = tpu.memref_squeeze %dma_wait3A_272 : memref<1x1x2x128xi32, #tpu.memory_space<hbm>> -> memref<2x128xi32, #tpu.memory_space<hbm>>
      %dma_wait3A_274 = arith.constant 0 : i32
      %dma_wait3A_275 = arith.constant 0 : i32
      %dma_wait3A_276 = tpu.memref_slice %arg5[%run_scoped3A_109, %dma_wait3A_274, %dma_wait3A_275] : memref<3x2x128xi32, #tpu.memory_space<vmem>> -> memref<1x2x128xi32, #tpu.memory_space<vmem>>
      %dma_wait3A_277 = tpu.memref_squeeze %dma_wait3A_276 : memref<1x2x128xi32, #tpu.memory_space<vmem>> -> memref<2x128xi32, #tpu.memory_space<vmem>>
      %dma_wait3A_278 = arith.constant 0 : i32
      %dma_wait3A_279 = arith.constant 0 : i32
      %dma_wait3A_280 = tpu.memref_slice %arg3[%add3A, %run_scoped3A_108, %dma_wait3A_278, %dma_wait3A_279] : memref<32x79x2x128xi32, #tpu.memory_space<hbm>> -> memref<1x1x2x128xi32, #tpu.memory_space<hbm>>
      %dma_wait3A_281 = tpu.memref_squeeze %dma_wait3A_280 : memref<1x1x2x128xi32, #tpu.memory_space<hbm>> -> memref<2x128xi32, #tpu.memory_space<hbm>>
      tpu.wait_dma2 semaphore(%run_scoped3A_249 : memref<!tpu.dma_semaphore, #tpu.memory_space<semaphore_mem>>) src(%dma_wait3A_281 : memref<2x128xi32, #tpu.memory_space<hbm>>) dst(%dma_wait3A_277 : memref<2x128xi32, #tpu.memory_space<vmem>>)
      tpu.yield
    }) : () -> ()
    %dma_start3A_110 = arith.constant 0 : i32
    %dma_start3A_111 = arith.constant 0 : i32
    %dma_start3A_112 = arith.constant 0 : i32
    %dma_start3A_113 = arith.constant 0 : i32
    %dma_start3A_114 = arith.constant 0 : i32
    %dma_start3A_115 = tpu.memref_slice %arg6[%dma_start3A_112, %dma_start3A_113, %dma_start3A_114] : memref<3x128x128xbf16, #tpu.memory_space<vmem>> -> memref<1x128x128xbf16, #tpu.memory_space<vmem>>
    %dma_start3A_116 = tpu.memref_squeeze %dma_start3A_115 : memref<1x128x128xbf16, #tpu.memory_space<vmem>> -> memref<128x128xbf16, #tpu.memory_space<vmem>>
    %dma_start3A_117 = arith.constant 0 : i32
    %dma_start3A_118 = tpu.memref_slice %arg5[%dma_start3A_110, %dma_start3A_111, %dma_start3A_117] : memref<3x2x128xi32, #tpu.memory_space<vmem>> -> memref<1x1x128xi32, #tpu.memory_space<vmem>>
    %dma_start3A_119 = tpu.memref_squeeze %dma_start3A_118 : memref<1x1x128xi32, #tpu.memory_space<vmem>> -> memref<128xi32, #tpu.memory_space<vmem>>
    %dma_start3A_120 = arith.constant 0 : i32
    %dma_start3A_121 = arith.constant 0 : i32
    %dma_start3A_122 = tpu.memref_slice %arg2[%dma_start3A_120, %dma_start3A_121] : memref<10000x128xbf16, #tpu.memory_space<hbm>> -> memref<10000x128xbf16, #tpu.memory_space<hbm>>
    tpu.enqueue_indirect_dma source(%dma_start3A_122 : memref<10000x128xbf16, #tpu.memory_space<hbm>>) target(%dma_start3A_116 : memref<128x128xbf16, #tpu.memory_space<vmem>>) offsets(%dma_start3A_119 : memref<128xi32, #tpu.memory_space<vmem>>) semaphore(%arg9 : memref<!tpu.dma_semaphore, #tpu.memory_space<semaphore_mem>>)
    %dma_wait3A_123 = arith.constant 1 : i32
    %dma_wait3A_124 = arith.constant 0 : i32
    %dma_wait3A_125 = arith.constant 1 : i32
    %dma_wait3A_126 = arith.constant 0 : i32
    %dma_wait3A_127 = arith.constant 0 : i32
    %dma_wait3A_128 = tpu.memref_slice %arg6[%dma_wait3A_125, %dma_wait3A_126, %dma_wait3A_127] : memref<3x128x128xbf16, #tpu.memory_space<vmem>> -> memref<1x128x128xbf16, #tpu.memory_space<vmem>>
    %dma_wait3A_129 = tpu.memref_squeeze %dma_wait3A_128 : memref<1x128x128xbf16, #tpu.memory_space<vmem>> -> memref<128x128xbf16, #tpu.memory_space<vmem>>
    %dma_wait3A_130 = arith.constant 0 : i32
    %dma_wait3A_131 = tpu.memref_slice %arg5[%dma_wait3A_123, %dma_wait3A_124, %dma_wait3A_130] : memref<3x2x128xi32, #tpu.memory_space<vmem>> -> memref<1x1x128xi32, #tpu.memory_space<vmem>>
    %dma_wait3A_132 = tpu.memref_squeeze %dma_wait3A_131 : memref<1x1x128xi32, #tpu.memory_space<vmem>> -> memref<128xi32, #tpu.memory_space<vmem>>
    %dma_wait3A_133 = arith.constant 0 : i32
    %dma_wait3A_134 = arith.constant 0 : i32
    %dma_wait3A_135 = tpu.memref_slice %arg2[%dma_wait3A_133, %dma_wait3A_134] : memref<10000x128xbf16, #tpu.memory_space<hbm>> -> memref<10000x128xbf16, #tpu.memory_space<hbm>>
    tpu.wait_indirect_dma semaphore(%arg10 : memref<!tpu.dma_semaphore, #tpu.memory_space<semaphore_mem>>) src(%dma_wait3A_135 : memref<10000x128xbf16, #tpu.memory_space<hbm>>) dst(%dma_wait3A_129 : memref<128x128xbf16, #tpu.memory_space<vmem>>)
    %dma_start3A_136 = arith.constant 1 : i32
    %dma_start3A_137 = arith.constant 1 : i32
    %dma_start3A_138 = arith.constant 1 : i32
    %dma_start3A_139 = arith.constant 0 : i32
    %dma_start3A_140 = arith.constant 0 : i32
    %dma_start3A_141 = tpu.memref_slice %arg6[%dma_start3A_136, %dma_start3A_139, %dma_start3A_140] : memref<3x128x128xbf16, #tpu.memory_space<vmem>> -> memref<1x128x128xbf16, #tpu.memory_space<vmem>>
    %dma_start3A_142 = tpu.memref_squeeze %dma_start3A_141 : memref<1x128x128xbf16, #tpu.memory_space<vmem>> -> memref<128x128xbf16, #tpu.memory_space<vmem>>
    %dma_start3A_143 = arith.constant 0 : i32
    %dma_start3A_144 = tpu.memref_slice %arg5[%dma_start3A_137, %dma_start3A_138, %dma_start3A_143] : memref<3x2x128xi32, #tpu.memory_space<vmem>> -> memref<1x1x128xi32, #tpu.memory_space<vmem>>
    %dma_start3A_145 = tpu.memref_squeeze %dma_start3A_144 : memref<1x1x128xi32, #tpu.memory_space<vmem>> -> memref<128xi32, #tpu.memory_space<vmem>>
    %dma_start3A_146 = arith.constant 0 : i32
    %dma_start3A_147 = arith.constant 0 : i32
    %dma_start3A_148 = tpu.memref_slice %arg8[%dma_start3A_146, %dma_start3A_147] : memref<10240x128xbf16, #tpu.memory_space<vmem_shared>> -> memref<10240x128xbf16, #tpu.memory_space<vmem_shared>>
    tpu.enqueue_indirect_dma source(%dma_start3A_142 : memref<128x128xbf16, #tpu.memory_space<vmem>>) target(%dma_start3A_148 : memref<10240x128xbf16, #tpu.memory_space<vmem_shared>>) offsets(%dma_start3A_145 : memref<128xi32, #tpu.memory_space<vmem>>) semaphore(%arg13 : memref<!tpu.dma_semaphore, #tpu.memory_space<semaphore_mem>>) {add = true}
    %dma_wait3A_149 = arith.constant 2 : i32
    %dma_wait3A_150 = arith.constant 0 : i32
    %dma_wait3A_151 = arith.constant 2 : i32
    %dma_wait3A_152 = arith.constant 0 : i32
    %dma_wait3A_153 = arith.constant 0 : i32
    %dma_wait3A_154 = tpu.memref_slice %arg6[%dma_wait3A_151, %dma_wait3A_152, %dma_wait3A_153] : memref<3x128x128xbf16, #tpu.memory_space<vmem>> -> memref<1x128x128xbf16, #tpu.memory_space<vmem>>
    %dma_wait3A_155 = tpu.memref_squeeze %dma_wait3A_154 : memref<1x128x128xbf16, #tpu.memory_space<vmem>> -> memref<128x128xbf16, #tpu.memory_space<vmem>>
    %dma_wait3A_156 = arith.constant 0 : i32
    %dma_wait3A_157 = tpu.memref_slice %arg5[%dma_wait3A_149, %dma_wait3A_150, %dma_wait3A_156] : memref<3x2x128xi32, #tpu.memory_space<vmem>> -> memref<1x1x128xi32, #tpu.memory_space<vmem>>
    %dma_wait3A_158 = tpu.memref_squeeze %dma_wait3A_157 : memref<1x1x128xi32, #tpu.memory_space<vmem>> -> memref<128xi32, #tpu.memory_space<vmem>>
    %dma_wait3A_159 = arith.constant 0 : i32
    %dma_wait3A_160 = arith.constant 0 : i32
    %dma_wait3A_161 = tpu.memref_slice %arg2[%dma_wait3A_159, %dma_wait3A_160] : memref<10000x128xbf16, #tpu.memory_space<hbm>> -> memref<10000x128xbf16, #tpu.memory_space<hbm>>
    tpu.wait_indirect_dma semaphore(%arg11 : memref<!tpu.dma_semaphore, #tpu.memory_space<semaphore_mem>>) src(%dma_wait3A_161 : memref<10000x128xbf16, #tpu.memory_space<hbm>>) dst(%dma_wait3A_155 : memref<128x128xbf16, #tpu.memory_space<vmem>>)
    %dma_start3A_162 = arith.constant 2 : i32
    %dma_start3A_163 = arith.constant 2 : i32
    %dma_start3A_164 = arith.constant 1 : i32
    %dma_start3A_165 = arith.constant 0 : i32
    %dma_start3A_166 = arith.constant 0 : i32
    %dma_start3A_167 = tpu.memref_slice %arg6[%dma_start3A_162, %dma_start3A_165, %dma_start3A_166] : memref<3x128x128xbf16, #tpu.memory_space<vmem>> -> memref<1x128x128xbf16, #tpu.memory_space<vmem>>
    %dma_start3A_168 = tpu.memref_squeeze %dma_start3A_167 : memref<1x128x128xbf16, #tpu.memory_space<vmem>> -> memref<128x128xbf16, #tpu.memory_space<vmem>>
    %dma_start3A_169 = arith.constant 0 : i32
    %dma_start3A_170 = tpu.memref_slice %arg5[%dma_start3A_163, %dma_start3A_164, %dma_start3A_169] : memref<3x2x128xi32, #tpu.memory_space<vmem>> -> memref<1x1x128xi32, #tpu.memory_space<vmem>>
    %dma_start3A_171 = tpu.memref_squeeze %dma_start3A_170 : memref<1x1x128xi32, #tpu.memory_space<vmem>> -> memref<128xi32, #tpu.memory_space<vmem>>
    %dma_start3A_172 = arith.constant 0 : i32
    %dma_start3A_173 = arith.constant 0 : i32
    %dma_start3A_174 = tpu.memref_slice %arg8[%dma_start3A_172, %dma_start3A_173] : memref<10240x128xbf16, #tpu.memory_space<vmem_shared>> -> memref<10240x128xbf16, #tpu.memory_space<vmem_shared>>
    tpu.enqueue_indirect_dma source(%dma_start3A_168 : memref<128x128xbf16, #tpu.memory_space<vmem>>) target(%dma_start3A_174 : memref<10240x128xbf16, #tpu.memory_space<vmem_shared>>) offsets(%dma_start3A_171 : memref<128xi32, #tpu.memory_space<vmem>>) semaphore(%arg14 : memref<!tpu.dma_semaphore, #tpu.memory_space<semaphore_mem>>) {add = true}
    %dma_wait3A_175 = arith.constant 0 : i32
    %dma_wait3A_176 = arith.constant 0 : i32
    %dma_wait3A_177 = arith.constant 0 : i32
    %dma_wait3A_178 = arith.constant 0 : i32
    %dma_wait3A_179 = arith.constant 0 : i32
    %dma_wait3A_180 = tpu.memref_slice %arg6[%dma_wait3A_177, %dma_wait3A_178, %dma_wait3A_179] : memref<3x128x128xbf16, #tpu.memory_space<vmem>> -> memref<1x128x128xbf16, #tpu.memory_space<vmem>>
    %dma_wait3A_181 = tpu.memref_squeeze %dma_wait3A_180 : memref<1x128x128xbf16, #tpu.memory_space<vmem>> -> memref<128x128xbf16, #tpu.memory_space<vmem>>
    %dma_wait3A_182 = arith.constant 0 : i32
    %dma_wait3A_183 = tpu.memref_slice %arg5[%dma_wait3A_175, %dma_wait3A_176, %dma_wait3A_182] : memref<3x2x128xi32, #tpu.memory_space<vmem>> -> memref<1x1x128xi32, #tpu.memory_space<vmem>>
    %dma_wait3A_184 = tpu.memref_squeeze %dma_wait3A_183 : memref<1x1x128xi32, #tpu.memory_space<vmem>> -> memref<128xi32, #tpu.memory_space<vmem>>
    %dma_wait3A_185 = arith.constant 0 : i32
    %dma_wait3A_186 = arith.constant 0 : i32
    %dma_wait3A_187 = tpu.memref_slice %arg2[%dma_wait3A_185, %dma_wait3A_186] : memref<10000x128xbf16, #tpu.memory_space<hbm>> -> memref<10000x128xbf16, #tpu.memory_space<hbm>>
    tpu.wait_indirect_dma semaphore(%arg9 : memref<!tpu.dma_semaphore, #tpu.memory_space<semaphore_mem>>) src(%dma_wait3A_187 : memref<10000x128xbf16, #tpu.memory_space<hbm>>) dst(%dma_wait3A_181 : memref<128x128xbf16, #tpu.memory_space<vmem>>)
    %dma_start3A_188 = arith.constant 0 : i32
    %dma_start3A_189 = arith.constant 0 : i32
    %dma_start3A_190 = arith.constant 1 : i32
    %dma_start3A_191 = arith.constant 0 : i32
    %dma_start3A_192 = arith.constant 0 : i32
    %dma_start3A_193 = tpu.memref_slice %arg6[%dma_start3A_188, %dma_start3A_191, %dma_start3A_192] : memref<3x128x128xbf16, #tpu.memory_space<vmem>> -> memref<1x128x128xbf16, #tpu.memory_space<vmem>>
    %dma_start3A_194 = tpu.memref_squeeze %dma_start3A_193 : memref<1x128x128xbf16, #tpu.memory_space<vmem>> -> memref<128x128xbf16, #tpu.memory_space<vmem>>
    %dma_start3A_195 = arith.constant 0 : i32
    %dma_start3A_196 = tpu.memref_slice %arg5[%dma_start3A_189, %dma_start3A_190, %dma_start3A_195] : memref<3x2x128xi32, #tpu.memory_space<vmem>> -> memref<1x1x128xi32, #tpu.memory_space<vmem>>
    %dma_start3A_197 = tpu.memref_squeeze %dma_start3A_196 : memref<1x1x128xi32, #tpu.memory_space<vmem>> -> memref<128xi32, #tpu.memory_space<vmem>>
    %dma_start3A_198 = arith.constant 0 : i32
    %dma_start3A_199 = arith.constant 0 : i32
    %dma_start3A_200 = tpu.memref_slice %arg8[%dma_start3A_198, %dma_start3A_199] : memref<10240x128xbf16, #tpu.memory_space<vmem_shared>> -> memref<10240x128xbf16, #tpu.memory_space<vmem_shared>>
    tpu.enqueue_indirect_dma source(%dma_start3A_194 : memref<128x128xbf16, #tpu.memory_space<vmem>>) target(%dma_start3A_200 : memref<10240x128xbf16, #tpu.memory_space<vmem_shared>>) offsets(%dma_start3A_197 : memref<128xi32, #tpu.memory_space<vmem>>) semaphore(%arg12 : memref<!tpu.dma_semaphore, #tpu.memory_space<semaphore_mem>>) {add = true}
    %dma_wait3A_201 = arith.constant 1 : i32
    %dma_wait3A_202 = arith.constant 1 : i32
    %dma_wait3A_203 = arith.constant 1 : i32
    %dma_wait3A_204 = arith.constant 0 : i32
    %dma_wait3A_205 = arith.constant 0 : i32
    %dma_wait3A_206 = tpu.memref_slice %arg6[%dma_wait3A_201, %dma_wait3A_204, %dma_wait3A_205] : memref<3x128x128xbf16, #tpu.memory_space<vmem>> -> memref<1x128x128xbf16, #tpu.memory_space<vmem>>
    %dma_wait3A_207 = tpu.memref_squeeze %dma_wait3A_206 : memref<1x128x128xbf16, #tpu.memory_space<vmem>> -> memref<128x128xbf16, #tpu.memory_space<vmem>>
    %dma_wait3A_208 = arith.constant 0 : i32
    %dma_wait3A_209 = tpu.memref_slice %arg5[%dma_wait3A_202, %dma_wait3A_203, %dma_wait3A_208] : memref<3x2x128xi32, #tpu.memory_space<vmem>> -> memref<1x1x128xi32, #tpu.memory_space<vmem>>
    %dma_wait3A_210 = tpu.memref_squeeze %dma_wait3A_209 : memref<1x1x128xi32, #tpu.memory_space<vmem>> -> memref<128xi32, #tpu.memory_space<vmem>>
    %dma_wait3A_211 = arith.constant 0 : i32
    %dma_wait3A_212 = arith.constant 0 : i32
    %dma_wait3A_213 = tpu.memref_slice %arg8[%dma_wait3A_211, %dma_wait3A_212] : memref<10240x128xbf16, #tpu.memory_space<vmem_shared>> -> memref<10240x128xbf16, #tpu.memory_space<vmem_shared>>
    tpu.wait_indirect_dma semaphore(%arg13 : memref<!tpu.dma_semaphore, #tpu.memory_space<semaphore_mem>>) src(%dma_wait3A_207 : memref<128x128xbf16, #tpu.memory_space<vmem>>) dst(%dma_wait3A_213 : memref<10240x128xbf16, #tpu.memory_space<vmem_shared>>)
    %dma_wait3A_214 = arith.constant 2 : i32
    %dma_wait3A_215 = arith.constant 2 : i32
    %dma_wait3A_216 = arith.constant 1 : i32
    %dma_wait3A_217 = arith.constant 0 : i32
    %dma_wait3A_218 = arith.constant 0 : i32
    %dma_wait3A_219 = tpu.memref_slice %arg6[%dma_wait3A_214, %dma_wait3A_217, %dma_wait3A_218] : memref<3x128x128xbf16, #tpu.memory_space<vmem>> -> memref<1x128x128xbf16, #tpu.memory_space<vmem>>
    %dma_wait3A_220 = tpu.memref_squeeze %dma_wait3A_219 : memref<1x128x128xbf16, #tpu.memory_space<vmem>> -> memref<128x128xbf16, #tpu.memory_space<vmem>>
    %dma_wait3A_221 = arith.constant 0 : i32
    %dma_wait3A_222 = tpu.memref_slice %arg5[%dma_wait3A_215, %dma_wait3A_216, %dma_wait3A_221] : memref<3x2x128xi32, #tpu.memory_space<vmem>> -> memref<1x1x128xi32, #tpu.memory_space<vmem>>
    %dma_wait3A_223 = tpu.memref_squeeze %dma_wait3A_222 : memref<1x1x128xi32, #tpu.memory_space<vmem>> -> memref<128xi32, #tpu.memory_space<vmem>>
    %dma_wait3A_224 = arith.constant 0 : i32
    %dma_wait3A_225 = arith.constant 0 : i32
    %dma_wait3A_226 = tpu.memref_slice %arg8[%dma_wait3A_224, %dma_wait3A_225] : memref<10240x128xbf16, #tpu.memory_space<vmem_shared>> -> memref<10240x128xbf16, #tpu.memory_space<vmem_shared>>
    tpu.wait_indirect_dma semaphore(%arg14 : memref<!tpu.dma_semaphore, #tpu.memory_space<semaphore_mem>>) src(%dma_wait3A_220 : memref<128x128xbf16, #tpu.memory_space<vmem>>) dst(%dma_wait3A_226 : memref<10240x128xbf16, #tpu.memory_space<vmem_shared>>)
    %dma_wait3A_227 = arith.constant 0 : i32
    %dma_wait3A_228 = arith.constant 0 : i32
    %dma_wait3A_229 = arith.constant 1 : i32
    %dma_wait3A_230 = arith.constant 0 : i32
    %dma_wait3A_231 = arith.constant 0 : i32
    %dma_wait3A_232 = tpu.memref_slice %arg6[%dma_wait3A_227, %dma_wait3A_230, %dma_wait3A_231] : memref<3x128x128xbf16, #tpu.memory_space<vmem>> -> memref<1x128x128xbf16, #tpu.memory_space<vmem>>
    %dma_wait3A_233 = tpu.memref_squeeze %dma_wait3A_232 : memref<1x128x128xbf16, #tpu.memory_space<vmem>> -> memref<128x128xbf16, #tpu.memory_space<vmem>>
    %dma_wait3A_234 = arith.constant 0 : i32
    %dma_wait3A_235 = tpu.memref_slice %arg5[%dma_wait3A_228, %dma_wait3A_229, %dma_wait3A_234] : memref<3x2x128xi32, #tpu.memory_space<vmem>> -> memref<1x1x128xi32, #tpu.memory_space<vmem>>
    %dma_wait3A_236 = tpu.memref_squeeze %dma_wait3A_235 : memref<1x1x128xi32, #tpu.memory_space<vmem>> -> memref<128xi32, #tpu.memory_space<vmem>>
    %dma_wait3A_237 = arith.constant 0 : i32
    %dma_wait3A_238 = arith.constant 0 : i32
    %dma_wait3A_239 = tpu.memref_slice %arg8[%dma_wait3A_237, %dma_wait3A_238] : memref<10240x128xbf16, #tpu.memory_space<vmem_shared>> -> memref<10240x128xbf16, #tpu.memory_space<vmem_shared>>
    tpu.wait_indirect_dma semaphore(%arg12 : memref<!tpu.dma_semaphore, #tpu.memory_space<semaphore_mem>>) src(%dma_wait3A_233 : memref<128x128xbf16, #tpu.memory_space<vmem>>) dst(%dma_wait3A_239 : memref<10240x128xbf16, #tpu.memory_space<vmem_shared>>)
    %barrier3A_240 = arith.constant 0 : index
    tpu.barrier barrier_id(%barrier3A_240)
    %mul3A_241 = arith.constant 640 : i32
    %mul3A_242 = arith.muli %arg1, %mul3A_241 : i32
    %lt3A = arith.constant 15 : i32
    %lt3A_243 = arith.cmpi slt, %arg1, %lt3A : i32
    %convert_element_type3A = arith.extui %lt3A_243 : i1 to i32
    %cond3A = arith.constant 0 : i32
    %cond3A_244 = arith.cmpi ne, %convert_element_type3A, %cond3A : i32
    scf.if %cond3A_244 {
      "tpu.region"() ({
        %run_scoped3A_249 = tpu.sem_alloc : memref<!tpu.dma_semaphore, #tpu.memory_space<semaphore_mem>>
        %dma_start3A_250 = arith.constant 0 : i32
        %dma_start3A_251 = tpu.memref_slice %arg4[%arg0, %mul3A_242, %dma_start3A_250] : memref<2x10000x128xbf16, #tpu.memory_space<hbm>> -> memref<1x640x128xbf16, #tpu.memory_space<hbm>>
        %dma_start3A_252 = tpu.memref_squeeze %dma_start3A_251 : memref<1x640x128xbf16, #tpu.memory_space<hbm>> -> memref<640x128xbf16, #tpu.memory_space<hbm>>
        %dma_start3A_253 = arith.constant 0 : i32
        %dma_start3A_254 = tpu.memref_slice %arg8[%mul3A_242, %dma_start3A_253] : memref<10240x128xbf16, #tpu.memory_space<vmem_shared>> -> memref<640x128xbf16, #tpu.memory_space<vmem_shared>>
        tpu.enqueue_dma source(%dma_start3A_254 : memref<640x128xbf16, #tpu.memory_space<vmem_shared>>) target(%dma_start3A_252 : memref<640x128xbf16, #tpu.memory_space<hbm>>) target_semaphore(%run_scoped3A_249 : memref<!tpu.dma_semaphore, #tpu.memory_space<semaphore_mem>>)
        %dma_wait3A_255 = arith.constant 0 : i32
        %dma_wait3A_256 = tpu.memref_slice %arg4[%arg0, %mul3A_242, %dma_wait3A_255] : memref<2x10000x128xbf16, #tpu.memory_space<hbm>> -> memref<1x640x128xbf16, #tpu.memory_space<hbm>>
        %dma_wait3A_257 = tpu.memref_squeeze %dma_wait3A_256 : memref<1x640x128xbf16, #tpu.memory_space<hbm>> -> memref<640x128xbf16, #tpu.memory_space<hbm>>
        %dma_wait3A_258 = arith.constant 0 : i32
        %dma_wait3A_259 = tpu.memref_slice %arg8[%mul3A_242, %dma_wait3A_258] : memref<10240x128xbf16, #tpu.memory_space<vmem_shared>> -> memref<640x128xbf16, #tpu.memory_space<vmem_shared>>
        tpu.wait_dma2 semaphore(%run_scoped3A_249 : memref<!tpu.dma_semaphore, #tpu.memory_space<semaphore_mem>>) src(%dma_wait3A_259 : memref<640x128xbf16, #tpu.memory_space<vmem_shared>>) dst(%dma_wait3A_257 : memref<640x128xbf16, #tpu.memory_space<hbm>>)
        tpu.yield
      }) : () -> ()
    } else {
    }
    %eq3A = arith.constant 15 : i32
    %eq3A_245 = arith.cmpi eq, %arg1, %eq3A : i32
    %convert_element_type3A_246 = arith.extui %eq3A_245 : i1 to i32
    %cond3A_247 = arith.constant 0 : i32
    %cond3A_248 = arith.cmpi ne, %convert_element_type3A_246, %cond3A_247 : i32
    scf.if %cond3A_248 {
      "tpu.region"() ({
        %run_scoped3A_249 = tpu.sem_alloc : memref<!tpu.dma_semaphore, #tpu.memory_space<semaphore_mem>>
        %dma_start3A_250 = arith.constant 9600 : i32
        %dma_start3A_251 = arith.constant 0 : i32
        %dma_start3A_252 = tpu.memref_slice %arg4[%arg0, %dma_start3A_250, %dma_start3A_251] : memref<2x10000x128xbf16, #tpu.memory_space<hbm>> -> memref<1x400x128xbf16, #tpu.memory_space<hbm>>
        %dma_start3A_253 = tpu.memref_squeeze %dma_start3A_252 : memref<1x400x128xbf16, #tpu.memory_space<hbm>> -> memref<400x128xbf16, #tpu.memory_space<hbm>>
        %dma_start3A_254 = arith.constant 9600 : i32
        %dma_start3A_255 = arith.constant 0 : i32
        %dma_start3A_256 = tpu.memref_slice %arg8[%dma_start3A_254, %dma_start3A_255] : memref<10240x128xbf16, #tpu.memory_space<vmem_shared>> -> memref<400x128xbf16, #tpu.memory_space<vmem_shared>>
        tpu.enqueue_dma source(%dma_start3A_256 : memref<400x128xbf16, #tpu.memory_space<vmem_shared>>) target(%dma_start3A_253 : memref<400x128xbf16, #tpu.memory_space<hbm>>) target_semaphore(%run_scoped3A_249 : memref<!tpu.dma_semaphore, #tpu.memory_space<semaphore_mem>>)
        %dma_wait3A_257 = arith.constant 9600 : i32
        %dma_wait3A_258 = arith.constant 0 : i32
        %dma_wait3A_259 = tpu.memref_slice %arg4[%arg0, %dma_wait3A_257, %dma_wait3A_258] : memref<2x10000x128xbf16, #tpu.memory_space<hbm>> -> memref<1x400x128xbf16, #tpu.memory_space<hbm>>
        %dma_wait3A_260 = tpu.memref_squeeze %dma_wait3A_259 : memref<1x400x128xbf16, #tpu.memory_space<hbm>> -> memref<400x128xbf16, #tpu.memory_space<hbm>>
        %dma_wait3A_261 = arith.constant 9600 : i32
        %dma_wait3A_262 = arith.constant 0 : i32
        %dma_wait3A_263 = tpu.memref_slice %arg8[%dma_wait3A_261, %dma_wait3A_262] : memref<10240x128xbf16, #tpu.memory_space<vmem_shared>> -> memref<400x128xbf16, #tpu.memory_space<vmem_shared>>
        tpu.wait_dma2 semaphore(%run_scoped3A_249 : memref<!tpu.dma_semaphore, #tpu.memory_space<semaphore_mem>>) src(%dma_wait3A_263 : memref<400x128xbf16, #tpu.memory_space<vmem_shared>>) dst(%dma_wait3A_260 : memref<400x128xbf16, #tpu.memory_space<hbm>>)
        tpu.yield
      }) : () -> ()
    } else {
    }
    return
  }
}

#map = affine_map<(d0, d1) -> (0, 0)>
#map1 = affine_map<(d0, d1) -> (0, 0, 0, 0)>
#map2 = affine_map<(d0, d1) -> (0, 0, 0)>
module attributes {stable_mosaic.version = 14 : i64} {
  func.func @body(%arg0: i32, %arg1: i32, %arg2: memref<10000x128xbf16, #tpu.memory_space<hbm>>, %arg3: memref<32x79x2x128xi32, #tpu.memory_space<hbm>>, %arg4: memref<2x10000x128xbf16, #tpu.memory_space<hbm>>, %arg5: memref<2x10000x16xf32, #tpu.memory_space<hbm>>, %arg6: memref<3x2x128xi32, #tpu.memory_space<vmem>>, %arg7: memref<3x128x128xbf16, #tpu.memory_space<vmem>>, %arg8: memref<128x128xbf16, #tpu.memory_space<vmem>>, %arg9: memref<10240x128xbf16, #tpu.memory_space<vmem_shared>>, %arg10: memref<!tpu.dma_semaphore, #tpu.memory_space<semaphore_mem>>, %arg11: memref<!tpu.dma_semaphore, #tpu.memory_space<semaphore_mem>>, %arg12: memref<!tpu.dma_semaphore, #tpu.memory_space<semaphore_mem>>, %arg13: memref<!tpu.dma_semaphore, #tpu.memory_space<semaphore_mem>>, %arg14: memref<!tpu.dma_semaphore, #tpu.memory_space<semaphore_mem>>, %arg15: memref<!tpu.dma_semaphore, #tpu.memory_space<semaphore_mem>>, %arg16: memref<128x16xf32, #tpu.memory_space<vmem>>, %arg17: memref<128x16xf32, #tpu.memory_space<vmem>>, %arg18: memref<10240x16xf32, #tpu.memory_space<vmem_shared>>) attributes {dimension_semantics = [#tpu.dimension_semantics<core_parallel>, #tpu.dimension_semantics<subcore_parallel>], iteration_bounds = array<i64: 2, 16>, scalar_prefetch = 0 : i64, scratch_operands = 13 : i64, tpu.core_type = #tpu.core_type<sc_vector_subcore>, window_params = [{transform_indices = #map}, {transform_indices = #map1}, {transform_indices = #map2}, {transform_indices = #map2}]} {
    %mul3A = arith.constant 2 : i32
    %mul3A_0 = arith.muli %arg1, %mul3A : i32
    %add3A = arith.addi %mul3A_0, %arg0 : i32
    %broadcast_in_dim3A = arith.constant 0.000000e+00 : f32
    %broadcast_in_dim3A_1 = vector.broadcast %broadcast_in_dim3A : f32 to vector<16xf32>
    %broadcast_in_dim3A_2 = arith.constant 0.000000e+00 : bf16
    %broadcast_in_dim3A_3 = vector.broadcast %broadcast_in_dim3A_2 : bf16 to vector<32xbf16>
    %scan3A = arith.constant 0 : i32
    %scan3A_4 = arith.constant 0 : i32
    %scan3A_5 = arith.constant 128 : i32
    %scan3A_6 = arith.addi %scan3A_4, %scan3A_5 : i32
    %scan3A_7 = arith.constant 1 : i32
    scf.for %scan3A_334 = %scan3A_4 to %scan3A_6 step %scan3A_7  : i32 {
      %swap3A = arith.index_cast %scan3A_334 : i32 to index
      %swap3A_335 = arith.constant 0 : index
      %swap3A_336 = tpu.vector_load %arg8[%swap3A, %swap3A_335] {strides = array<i32>} : memref<128x128xbf16, #tpu.memory_space<vmem>>, vector<1x32xbf16>,
      %swap3A_337 = vector.shape_cast %swap3A_336 : vector<1x32xbf16> to vector<32xbf16>
      %swap3A_338 = vector.shape_cast %broadcast_in_dim3A_3 : vector<32xbf16> to vector<1x32xbf16>
      tpu.vector_store %arg8[%swap3A, %swap3A_335], %swap3A_338 {strides = array<i32>} : memref<128x128xbf16, #tpu.memory_space<vmem>>, vector<1x32xbf16>,
      %swap3A_339 = arith.index_cast %scan3A_334 : i32 to index
      %swap3A_340 = arith.constant 32 : index
      %swap3A_341 = tpu.vector_load %arg8[%swap3A_339, %swap3A_340] {strides = array<i32>} : memref<128x128xbf16, #tpu.memory_space<vmem>>, vector<1x32xbf16>,
      %swap3A_342 = vector.shape_cast %swap3A_341 : vector<1x32xbf16> to vector<32xbf16>
      %swap3A_343 = vector.shape_cast %broadcast_in_dim3A_3 : vector<32xbf16> to vector<1x32xbf16>
      tpu.vector_store %arg8[%swap3A_339, %swap3A_340], %swap3A_343 {strides = array<i32>} : memref<128x128xbf16, #tpu.memory_space<vmem>>, vector<1x32xbf16>,
      %swap3A_344 = arith.index_cast %scan3A_334 : i32 to index
      %swap3A_345 = arith.constant 64 : index
      %swap3A_346 = tpu.vector_load %arg8[%swap3A_344, %swap3A_345] {strides = array<i32>} : memref<128x128xbf16, #tpu.memory_space<vmem>>, vector<1x32xbf16>,
      %swap3A_347 = vector.shape_cast %swap3A_346 : vector<1x32xbf16> to vector<32xbf16>
      %swap3A_348 = vector.shape_cast %broadcast_in_dim3A_3 : vector<32xbf16> to vector<1x32xbf16>
      tpu.vector_store %arg8[%swap3A_344, %swap3A_345], %swap3A_348 {strides = array<i32>} : memref<128x128xbf16, #tpu.memory_space<vmem>>, vector<1x32xbf16>,
      %swap3A_349 = arith.index_cast %scan3A_334 : i32 to index
      %swap3A_350 = arith.constant 96 : index
      %swap3A_351 = tpu.vector_load %arg8[%swap3A_349, %swap3A_350] {strides = array<i32>} : memref<128x128xbf16, #tpu.memory_space<vmem>>, vector<1x32xbf16>,
      %swap3A_352 = vector.shape_cast %swap3A_351 : vector<1x32xbf16> to vector<32xbf16>
      %swap3A_353 = vector.shape_cast %broadcast_in_dim3A_3 : vector<32xbf16> to vector<1x32xbf16>
      tpu.vector_store %arg8[%swap3A_349, %swap3A_350], %swap3A_353 {strides = array<i32>} : memref<128x128xbf16, #tpu.memory_space<vmem>>, vector<1x32xbf16>,
      %swap3A_354 = arith.index_cast %scan3A_334 : i32 to index
      %swap3A_355 = arith.constant 0 : index
      %swap3A_356 = tpu.vector_load %arg17[%swap3A_354, %swap3A_355] {strides = array<i32>} : memref<128x16xf32, #tpu.memory_space<vmem>>, vector<1x16xf32>,
      %swap3A_357 = vector.shape_cast %swap3A_356 : vector<1x16xf32> to vector<16xf32>
      %swap3A_358 = vector.shape_cast %broadcast_in_dim3A_1 : vector<16xf32> to vector<1x16xf32>
      tpu.vector_store %arg17[%swap3A_354, %swap3A_355], %swap3A_358 {strides = array<i32>} : memref<128x16xf32, #tpu.memory_space<vmem>>, vector<1x16xf32>,
    }
    %scan3A_8 = arith.constant 128 : i32
    %iota3A = tpu.iota {dimensions = array<i32: 0>} : vector<16xi32>
    %convert_element_type3A = arith.sitofp %iota3A : vector<16xi32> to vector<16xf32>
    %sub3A = arith.constant 1.000000e+00 : f32
    %sub3A_9 = vector.broadcast %sub3A : f32 to vector<16xf32>
    %sub3A_10 = arith.subf %sub3A_9, %convert_element_type3A : vector<16xf32>
    %max3A = arith.constant 0.000000e+00 : f32
    %max3A_11 = vector.broadcast %max3A : f32 to vector<16xf32>
    %max3A_12 = arith.maximumf %sub3A_10, %max3A_11 : vector<16xf32>
    %scan3A_13 = arith.constant 0 : i32
    %scan3A_14 = arith.constant 0 : i32
    %scan3A_15 = arith.constant 128 : i32
    %scan3A_16 = arith.addi %scan3A_14, %scan3A_15 : i32
    %scan3A_17 = arith.constant 1 : i32
    scf.for %scan3A_334 = %scan3A_14 to %scan3A_16 step %scan3A_17  : i32 {
      %swap3A = arith.index_cast %scan3A_334 : i32 to index
      %swap3A_335 = arith.constant 0 : index
      %swap3A_336 = tpu.vector_load %arg16[%swap3A, %swap3A_335] {strides = array<i32>} : memref<128x16xf32, #tpu.memory_space<vmem>>, vector<1x16xf32>,
      %swap3A_337 = vector.shape_cast %swap3A_336 : vector<1x16xf32> to vector<16xf32>
      %swap3A_338 = vector.shape_cast %max3A_12 : vector<16xf32> to vector<1x16xf32>
      tpu.vector_store %arg16[%swap3A, %swap3A_335], %swap3A_338 {strides = array<i32>} : memref<128x16xf32, #tpu.memory_space<vmem>>, vector<1x16xf32>,
    }
    %scan3A_18 = arith.constant 128 : i32
    %mul3A_19 = arith.constant 640 : i32
    %mul3A_20 = arith.muli %arg1, %mul3A_19 : i32
    %add3A_21 = arith.constant 0 : i32
    %add3A_22 = arith.addi %mul3A_20, %add3A_21 : i32
    "tpu.region"() ({
      %run_scoped3A_334 = tpu.sem_alloc : memref<!tpu.dma_semaphore, #tpu.memory_space<semaphore_mem>>
      %dma_start3A_335 = arith.constant 0 : i32
      %dma_start3A_336 = tpu.memref_slice %arg9[%add3A_22, %dma_start3A_335] : memref<10240x128xbf16, #tpu.memory_space<vmem_shared>> -> memref<128x128xbf16, #tpu.memory_space<vmem_shared>>
      %dma_start3A_337 = arith.constant 0 : i32
      %dma_start3A_338 = tpu.memref_slice %arg9[%add3A_22, %dma_start3A_337] : memref<10240x128xbf16, #tpu.memory_space<vmem_shared>> -> memref<128x128xbf16, #tpu.memory_space<vmem_shared>>
      tpu.enqueue_dma source(%arg8 : memref<128x128xbf16, #tpu.memory_space<vmem>>) target(%dma_start3A_338 : memref<128x128xbf16, #tpu.memory_space<vmem_shared>>) target_semaphore(%run_scoped3A_334 : memref<!tpu.dma_semaphore, #tpu.memory_space<semaphore_mem>>)
      %dma_wait3A_339 = arith.constant 0 : i32
      %dma_wait3A_340 = tpu.memref_slice %arg9[%add3A_22, %dma_wait3A_339] : memref<10240x128xbf16, #tpu.memory_space<vmem_shared>> -> memref<128x128xbf16, #tpu.memory_space<vmem_shared>>
      %dma_wait3A_341 = arith.constant 0 : i32
      %dma_wait3A_342 = tpu.memref_slice %arg9[%add3A_22, %dma_wait3A_341] : memref<10240x128xbf16, #tpu.memory_space<vmem_shared>> -> memref<128x128xbf16, #tpu.memory_space<vmem_shared>>
      tpu.wait_dma2 semaphore(%run_scoped3A_334 : memref<!tpu.dma_semaphore, #tpu.memory_space<semaphore_mem>>) src(%arg8 : memref<128x128xbf16, #tpu.memory_space<vmem>>) dst(%dma_wait3A_342 : memref<128x128xbf16, #tpu.memory_space<vmem_shared>>)
      tpu.yield
    }) : () -> ()
    %add3A_23 = arith.constant 0 : i32
    %add3A_24 = arith.addi %mul3A_20, %add3A_23 : i32
    "tpu.region"() ({
      %run_scoped3A_334 = tpu.sem_alloc : memref<!tpu.dma_semaphore, #tpu.memory_space<semaphore_mem>>
      %dma_start3A_335 = arith.constant 0 : i32
      %dma_start3A_336 = tpu.memref_slice %arg18[%add3A_24, %dma_start3A_335] : memref<10240x16xf32, #tpu.memory_space<vmem_shared>> -> memref<128x16xf32, #tpu.memory_space<vmem_shared>>
      %dma_start3A_337 = arith.constant 0 : i32
      %dma_start3A_338 = tpu.memref_slice %arg18[%add3A_24, %dma_start3A_337] : memref<10240x16xf32, #tpu.memory_space<vmem_shared>> -> memref<128x16xf32, #tpu.memory_space<vmem_shared>>
      tpu.enqueue_dma source(%arg17 : memref<128x16xf32, #tpu.memory_space<vmem>>) target(%dma_start3A_338 : memref<128x16xf32, #tpu.memory_space<vmem_shared>>) target_semaphore(%run_scoped3A_334 : memref<!tpu.dma_semaphore, #tpu.memory_space<semaphore_mem>>)
      %dma_wait3A_339 = arith.constant 0 : i32
      %dma_wait3A_340 = tpu.memref_slice %arg18[%add3A_24, %dma_wait3A_339] : memref<10240x16xf32, #tpu.memory_space<vmem_shared>> -> memref<128x16xf32, #tpu.memory_space<vmem_shared>>
      %dma_wait3A_341 = arith.constant 0 : i32
      %dma_wait3A_342 = tpu.memref_slice %arg18[%add3A_24, %dma_wait3A_341] : memref<10240x16xf32, #tpu.memory_space<vmem_shared>> -> memref<128x16xf32, #tpu.memory_space<vmem_shared>>
      tpu.wait_dma2 semaphore(%run_scoped3A_334 : memref<!tpu.dma_semaphore, #tpu.memory_space<semaphore_mem>>) src(%arg17 : memref<128x16xf32, #tpu.memory_space<vmem>>) dst(%dma_wait3A_342 : memref<128x16xf32, #tpu.memory_space<vmem_shared>>)
      tpu.yield
    }) : () -> ()
    %add3A_25 = arith.constant 128 : i32
    %add3A_26 = arith.addi %mul3A_20, %add3A_25 : i32
    "tpu.region"() ({
      %run_scoped3A_334 = tpu.sem_alloc : memref<!tpu.dma_semaphore, #tpu.memory_space<semaphore_mem>>
      %dma_start3A_335 = arith.constant 0 : i32
      %dma_start3A_336 = tpu.memref_slice %arg9[%add3A_26, %dma_start3A_335] : memref<10240x128xbf16, #tpu.memory_space<vmem_shared>> -> memref<128x128xbf16, #tpu.memory_space<vmem_shared>>
      %dma_start3A_337 = arith.constant 0 : i32
      %dma_start3A_338 = tpu.memref_slice %arg9[%add3A_26, %dma_start3A_337] : memref<10240x128xbf16, #tpu.memory_space<vmem_shared>> -> memref<128x128xbf16, #tpu.memory_space<vmem_shared>>
      tpu.enqueue_dma source(%arg8 : memref<128x128xbf16, #tpu.memory_space<vmem>>) target(%dma_start3A_338 : memref<128x128xbf16, #tpu.memory_space<vmem_shared>>) target_semaphore(%run_scoped3A_334 : memref<!tpu.dma_semaphore, #tpu.memory_space<semaphore_mem>>)
      %dma_wait3A_339 = arith.constant 0 : i32
      %dma_wait3A_340 = tpu.memref_slice %arg9[%add3A_26, %dma_wait3A_339] : memref<10240x128xbf16, #tpu.memory_space<vmem_shared>> -> memref<128x128xbf16, #tpu.memory_space<vmem_shared>>
      %dma_wait3A_341 = arith.constant 0 : i32
      %dma_wait3A_342 = tpu.memref_slice %arg9[%add3A_26, %dma_wait3A_341] : memref<10240x128xbf16, #tpu.memory_space<vmem_shared>> -> memref<128x128xbf16, #tpu.memory_space<vmem_shared>>
      tpu.wait_dma2 semaphore(%run_scoped3A_334 : memref<!tpu.dma_semaphore, #tpu.memory_space<semaphore_mem>>) src(%arg8 : memref<128x128xbf16, #tpu.memory_space<vmem>>) dst(%dma_wait3A_342 : memref<128x128xbf16, #tpu.memory_space<vmem_shared>>)
      tpu.yield
    }) : () -> ()
    %add3A_27 = arith.constant 128 : i32
    %add3A_28 = arith.addi %mul3A_20, %add3A_27 : i32
    "tpu.region"() ({
      %run_scoped3A_334 = tpu.sem_alloc : memref<!tpu.dma_semaphore, #tpu.memory_space<semaphore_mem>>
      %dma_start3A_335 = arith.constant 0 : i32
      %dma_start3A_336 = tpu.memref_slice %arg18[%add3A_28, %dma_start3A_335] : memref<10240x16xf32, #tpu.memory_space<vmem_shared>> -> memref<128x16xf32, #tpu.memory_space<vmem_shared>>
      %dma_start3A_337 = arith.constant 0 : i32
      %dma_start3A_338 = tpu.memref_slice %arg18[%add3A_28, %dma_start3A_337] : memref<10240x16xf32, #tpu.memory_space<vmem_shared>> -> memref<128x16xf32, #tpu.memory_space<vmem_shared>>
      tpu.enqueue_dma source(%arg17 : memref<128x16xf32, #tpu.memory_space<vmem>>) target(%dma_start3A_338 : memref<128x16xf32, #tpu.memory_space<vmem_shared>>) target_semaphore(%run_scoped3A_334 : memref<!tpu.dma_semaphore, #tpu.memory_space<semaphore_mem>>)
      %dma_wait3A_339 = arith.constant 0 : i32
      %dma_wait3A_340 = tpu.memref_slice %arg18[%add3A_28, %dma_wait3A_339] : memref<10240x16xf32, #tpu.memory_space<vmem_shared>> -> memref<128x16xf32, #tpu.memory_space<vmem_shared>>
      %dma_wait3A_341 = arith.constant 0 : i32
      %dma_wait3A_342 = tpu.memref_slice %arg18[%add3A_28, %dma_wait3A_341] : memref<10240x16xf32, #tpu.memory_space<vmem_shared>> -> memref<128x16xf32, #tpu.memory_space<vmem_shared>>
      tpu.wait_dma2 semaphore(%run_scoped3A_334 : memref<!tpu.dma_semaphore, #tpu.memory_space<semaphore_mem>>) src(%arg17 : memref<128x16xf32, #tpu.memory_space<vmem>>) dst(%dma_wait3A_342 : memref<128x16xf32, #tpu.memory_space<vmem_shared>>)
      tpu.yield
    }) : () -> ()
    %add3A_29 = arith.constant 256 : i32
    %add3A_30 = arith.addi %mul3A_20, %add3A_29 : i32
    "tpu.region"() ({
      %run_scoped3A_334 = tpu.sem_alloc : memref<!tpu.dma_semaphore, #tpu.memory_space<semaphore_mem>>
      %dma_start3A_335 = arith.constant 0 : i32
      %dma_start3A_336 = tpu.memref_slice %arg9[%add3A_30, %dma_start3A_335] : memref<10240x128xbf16, #tpu.memory_space<vmem_shared>> -> memref<128x128xbf16, #tpu.memory_space<vmem_shared>>
      %dma_start3A_337 = arith.constant 0 : i32
      %dma_start3A_338 = tpu.memref_slice %arg9[%add3A_30, %dma_start3A_337] : memref<10240x128xbf16, #tpu.memory_space<vmem_shared>> -> memref<128x128xbf16, #tpu.memory_space<vmem_shared>>
      tpu.enqueue_dma source(%arg8 : memref<128x128xbf16, #tpu.memory_space<vmem>>) target(%dma_start3A_338 : memref<128x128xbf16, #tpu.memory_space<vmem_shared>>) target_semaphore(%run_scoped3A_334 : memref<!tpu.dma_semaphore, #tpu.memory_space<semaphore_mem>>)
      %dma_wait3A_339 = arith.constant 0 : i32
      %dma_wait3A_340 = tpu.memref_slice %arg9[%add3A_30, %dma_wait3A_339] : memref<10240x128xbf16, #tpu.memory_space<vmem_shared>> -> memref<128x128xbf16, #tpu.memory_space<vmem_shared>>
      %dma_wait3A_341 = arith.constant 0 : i32
      %dma_wait3A_342 = tpu.memref_slice %arg9[%add3A_30, %dma_wait3A_341] : memref<10240x128xbf16, #tpu.memory_space<vmem_shared>> -> memref<128x128xbf16, #tpu.memory_space<vmem_shared>>
      tpu.wait_dma2 semaphore(%run_scoped3A_334 : memref<!tpu.dma_semaphore, #tpu.memory_space<semaphore_mem>>) src(%arg8 : memref<128x128xbf16, #tpu.memory_space<vmem>>) dst(%dma_wait3A_342 : memref<128x128xbf16, #tpu.memory_space<vmem_shared>>)
      tpu.yield
    }) : () -> ()
    %add3A_31 = arith.constant 256 : i32
    %add3A_32 = arith.addi %mul3A_20, %add3A_31 : i32
    "tpu.region"() ({
      %run_scoped3A_334 = tpu.sem_alloc : memref<!tpu.dma_semaphore, #tpu.memory_space<semaphore_mem>>
      %dma_start3A_335 = arith.constant 0 : i32
      %dma_start3A_336 = tpu.memref_slice %arg18[%add3A_32, %dma_start3A_335] : memref<10240x16xf32, #tpu.memory_space<vmem_shared>> -> memref<128x16xf32, #tpu.memory_space<vmem_shared>>
      %dma_start3A_337 = arith.constant 0 : i32
      %dma_start3A_338 = tpu.memref_slice %arg18[%add3A_32, %dma_start3A_337] : memref<10240x16xf32, #tpu.memory_space<vmem_shared>> -> memref<128x16xf32, #tpu.memory_space<vmem_shared>>
      tpu.enqueue_dma source(%arg17 : memref<128x16xf32, #tpu.memory_space<vmem>>) target(%dma_start3A_338 : memref<128x16xf32, #tpu.memory_space<vmem_shared>>) target_semaphore(%run_scoped3A_334 : memref<!tpu.dma_semaphore, #tpu.memory_space<semaphore_mem>>)
      %dma_wait3A_339 = arith.constant 0 : i32
      %dma_wait3A_340 = tpu.memref_slice %arg18[%add3A_32, %dma_wait3A_339] : memref<10240x16xf32, #tpu.memory_space<vmem_shared>> -> memref<128x16xf32, #tpu.memory_space<vmem_shared>>
      %dma_wait3A_341 = arith.constant 0 : i32
      %dma_wait3A_342 = tpu.memref_slice %arg18[%add3A_32, %dma_wait3A_341] : memref<10240x16xf32, #tpu.memory_space<vmem_shared>> -> memref<128x16xf32, #tpu.memory_space<vmem_shared>>
      tpu.wait_dma2 semaphore(%run_scoped3A_334 : memref<!tpu.dma_semaphore, #tpu.memory_space<semaphore_mem>>) src(%arg17 : memref<128x16xf32, #tpu.memory_space<vmem>>) dst(%dma_wait3A_342 : memref<128x16xf32, #tpu.memory_space<vmem_shared>>)
      tpu.yield
    }) : () -> ()
    %add3A_33 = arith.constant 384 : i32
    %add3A_34 = arith.addi %mul3A_20, %add3A_33 : i32
    "tpu.region"() ({
      %run_scoped3A_334 = tpu.sem_alloc : memref<!tpu.dma_semaphore, #tpu.memory_space<semaphore_mem>>
      %dma_start3A_335 = arith.constant 0 : i32
      %dma_start3A_336 = tpu.memref_slice %arg9[%add3A_34, %dma_start3A_335] : memref<10240x128xbf16, #tpu.memory_space<vmem_shared>> -> memref<128x128xbf16, #tpu.memory_space<vmem_shared>>
      %dma_start3A_337 = arith.constant 0 : i32
      %dma_start3A_338 = tpu.memref_slice %arg9[%add3A_34, %dma_start3A_337] : memref<10240x128xbf16, #tpu.memory_space<vmem_shared>> -> memref<128x128xbf16, #tpu.memory_space<vmem_shared>>
      tpu.enqueue_dma source(%arg8 : memref<128x128xbf16, #tpu.memory_space<vmem>>) target(%dma_start3A_338 : memref<128x128xbf16, #tpu.memory_space<vmem_shared>>) target_semaphore(%run_scoped3A_334 : memref<!tpu.dma_semaphore, #tpu.memory_space<semaphore_mem>>)
      %dma_wait3A_339 = arith.constant 0 : i32
      %dma_wait3A_340 = tpu.memref_slice %arg9[%add3A_34, %dma_wait3A_339] : memref<10240x128xbf16, #tpu.memory_space<vmem_shared>> -> memref<128x128xbf16, #tpu.memory_space<vmem_shared>>
      %dma_wait3A_341 = arith.constant 0 : i32
      %dma_wait3A_342 = tpu.memref_slice %arg9[%add3A_34, %dma_wait3A_341] : memref<10240x128xbf16, #tpu.memory_space<vmem_shared>> -> memref<128x128xbf16, #tpu.memory_space<vmem_shared>>
      tpu.wait_dma2 semaphore(%run_scoped3A_334 : memref<!tpu.dma_semaphore, #tpu.memory_space<semaphore_mem>>) src(%arg8 : memref<128x128xbf16, #tpu.memory_space<vmem>>) dst(%dma_wait3A_342 : memref<128x128xbf16, #tpu.memory_space<vmem_shared>>)
      tpu.yield
    }) : () -> ()
    %add3A_35 = arith.constant 384 : i32
    %add3A_36 = arith.addi %mul3A_20, %add3A_35 : i32
    "tpu.region"() ({
      %run_scoped3A_334 = tpu.sem_alloc : memref<!tpu.dma_semaphore, #tpu.memory_space<semaphore_mem>>
      %dma_start3A_335 = arith.constant 0 : i32
      %dma_start3A_336 = tpu.memref_slice %arg18[%add3A_36, %dma_start3A_335] : memref<10240x16xf32, #tpu.memory_space<vmem_shared>> -> memref<128x16xf32, #tpu.memory_space<vmem_shared>>
      %dma_start3A_337 = arith.constant 0 : i32
      %dma_start3A_338 = tpu.memref_slice %arg18[%add3A_36, %dma_start3A_337] : memref<10240x16xf32, #tpu.memory_space<vmem_shared>> -> memref<128x16xf32, #tpu.memory_space<vmem_shared>>
      tpu.enqueue_dma source(%arg17 : memref<128x16xf32, #tpu.memory_space<vmem>>) target(%dma_start3A_338 : memref<128x16xf32, #tpu.memory_space<vmem_shared>>) target_semaphore(%run_scoped3A_334 : memref<!tpu.dma_semaphore, #tpu.memory_space<semaphore_mem>>)
      %dma_wait3A_339 = arith.constant 0 : i32
      %dma_wait3A_340 = tpu.memref_slice %arg18[%add3A_36, %dma_wait3A_339] : memref<10240x16xf32, #tpu.memory_space<vmem_shared>> -> memref<128x16xf32, #tpu.memory_space<vmem_shared>>
      %dma_wait3A_341 = arith.constant 0 : i32
      %dma_wait3A_342 = tpu.memref_slice %arg18[%add3A_36, %dma_wait3A_341] : memref<10240x16xf32, #tpu.memory_space<vmem_shared>> -> memref<128x16xf32, #tpu.memory_space<vmem_shared>>
      tpu.wait_dma2 semaphore(%run_scoped3A_334 : memref<!tpu.dma_semaphore, #tpu.memory_space<semaphore_mem>>) src(%arg17 : memref<128x16xf32, #tpu.memory_space<vmem>>) dst(%dma_wait3A_342 : memref<128x16xf32, #tpu.memory_space<vmem_shared>>)
      tpu.yield
    }) : () -> ()
    %add3A_37 = arith.constant 512 : i32
    %add3A_38 = arith.addi %mul3A_20, %add3A_37 : i32
    "tpu.region"() ({
      %run_scoped3A_334 = tpu.sem_alloc : memref<!tpu.dma_semaphore, #tpu.memory_space<semaphore_mem>>
      %dma_start3A_335 = arith.constant 0 : i32
      %dma_start3A_336 = tpu.memref_slice %arg9[%add3A_38, %dma_start3A_335] : memref<10240x128xbf16, #tpu.memory_space<vmem_shared>> -> memref<128x128xbf16, #tpu.memory_space<vmem_shared>>
      %dma_start3A_337 = arith.constant 0 : i32
      %dma_start3A_338 = tpu.memref_slice %arg9[%add3A_38, %dma_start3A_337] : memref<10240x128xbf16, #tpu.memory_space<vmem_shared>> -> memref<128x128xbf16, #tpu.memory_space<vmem_shared>>
      tpu.enqueue_dma source(%arg8 : memref<128x128xbf16, #tpu.memory_space<vmem>>) target(%dma_start3A_338 : memref<128x128xbf16, #tpu.memory_space<vmem_shared>>) target_semaphore(%run_scoped3A_334 : memref<!tpu.dma_semaphore, #tpu.memory_space<semaphore_mem>>)
      %dma_wait3A_339 = arith.constant 0 : i32
      %dma_wait3A_340 = tpu.memref_slice %arg9[%add3A_38, %dma_wait3A_339] : memref<10240x128xbf16, #tpu.memory_space<vmem_shared>> -> memref<128x128xbf16, #tpu.memory_space<vmem_shared>>
      %dma_wait3A_341 = arith.constant 0 : i32
      %dma_wait3A_342 = tpu.memref_slice %arg9[%add3A_38, %dma_wait3A_341] : memref<10240x128xbf16, #tpu.memory_space<vmem_shared>> -> memref<128x128xbf16, #tpu.memory_space<vmem_shared>>
      tpu.wait_dma2 semaphore(%run_scoped3A_334 : memref<!tpu.dma_semaphore, #tpu.memory_space<semaphore_mem>>) src(%arg8 : memref<128x128xbf16, #tpu.memory_space<vmem>>) dst(%dma_wait3A_342 : memref<128x128xbf16, #tpu.memory_space<vmem_shared>>)
      tpu.yield
    }) : () -> ()
    %add3A_39 = arith.constant 512 : i32
    %add3A_40 = arith.addi %mul3A_20, %add3A_39 : i32
    "tpu.region"() ({
      %run_scoped3A_334 = tpu.sem_alloc : memref<!tpu.dma_semaphore, #tpu.memory_space<semaphore_mem>>
      %dma_start3A_335 = arith.constant 0 : i32
      %dma_start3A_336 = tpu.memref_slice %arg18[%add3A_40, %dma_start3A_335] : memref<10240x16xf32, #tpu.memory_space<vmem_shared>> -> memref<128x16xf32, #tpu.memory_space<vmem_shared>>
      %dma_start3A_337 = arith.constant 0 : i32
      %dma_start3A_338 = tpu.memref_slice %arg18[%add3A_40, %dma_start3A_337] : memref<10240x16xf32, #tpu.memory_space<vmem_shared>> -> memref<128x16xf32, #tpu.memory_space<vmem_shared>>
      tpu.enqueue_dma source(%arg17 : memref<128x16xf32, #tpu.memory_space<vmem>>) target(%dma_start3A_338 : memref<128x16xf32, #tpu.memory_space<vmem_shared>>) target_semaphore(%run_scoped3A_334 : memref<!tpu.dma_semaphore, #tpu.memory_space<semaphore_mem>>)
      %dma_wait3A_339 = arith.constant 0 : i32
      %dma_wait3A_340 = tpu.memref_slice %arg18[%add3A_40, %dma_wait3A_339] : memref<10240x16xf32, #tpu.memory_space<vmem_shared>> -> memref<128x16xf32, #tpu.memory_space<vmem_shared>>
      %dma_wait3A_341 = arith.constant 0 : i32
      %dma_wait3A_342 = tpu.memref_slice %arg18[%add3A_40, %dma_wait3A_341] : memref<10240x16xf32, #tpu.memory_space<vmem_shared>> -> memref<128x16xf32, #tpu.memory_space<vmem_shared>>
      tpu.wait_dma2 semaphore(%run_scoped3A_334 : memref<!tpu.dma_semaphore, #tpu.memory_space<semaphore_mem>>) src(%arg17 : memref<128x16xf32, #tpu.memory_space<vmem>>) dst(%dma_wait3A_342 : memref<128x16xf32, #tpu.memory_space<vmem_shared>>)
      tpu.yield
    }) : () -> ()
    %barrier3A = arith.constant 0 : index
    tpu.barrier barrier_id(%barrier3A)
    %run_scoped3A = arith.constant 0 : i32
    %run_scoped3A_41 = arith.constant 0 : i32
    "tpu.region"() ({
      %run_scoped3A_334 = tpu.sem_alloc : memref<!tpu.dma_semaphore, #tpu.memory_space<semaphore_mem>>
      %dma_start3A_335 = arith.constant 0 : i32
      %dma_start3A_336 = arith.constant 0 : i32
      %dma_start3A_337 = tpu.memref_slice %arg6[%run_scoped3A_41, %dma_start3A_335, %dma_start3A_336] : memref<3x2x128xi32, #tpu.memory_space<vmem>> -> memref<1x2x128xi32, #tpu.memory_space<vmem>>
      %dma_start3A_338 = tpu.memref_squeeze %dma_start3A_337 : memref<1x2x128xi32, #tpu.memory_space<vmem>> -> memref<2x128xi32, #tpu.memory_space<vmem>>
      %dma_start3A_339 = arith.constant 0 : i32
      %dma_start3A_340 = arith.constant 0 : i32
      %dma_start3A_341 = tpu.memref_slice %arg3[%add3A, %run_scoped3A, %dma_start3A_339, %dma_start3A_340] : memref<32x79x2x128xi32, #tpu.memory_space<hbm>> -> memref<1x1x2x128xi32, #tpu.memory_space<hbm>>
      %dma_start3A_342 = tpu.memref_squeeze %dma_start3A_341 : memref<1x1x2x128xi32, #tpu.memory_space<hbm>> -> memref<2x128xi32, #tpu.memory_space<hbm>>
      %dma_start3A_343 = arith.constant 0 : i32
      %dma_start3A_344 = arith.constant 0 : i32
      %dma_start3A_345 = tpu.memref_slice %arg6[%run_scoped3A_41, %dma_start3A_343, %dma_start3A_344] : memref<3x2x128xi32, #tpu.memory_space<vmem>> -> memref<1x2x128xi32, #tpu.memory_space<vmem>>
      %dma_start3A_346 = tpu.memref_squeeze %dma_start3A_345 : memref<1x2x128xi32, #tpu.memory_space<vmem>> -> memref<2x128xi32, #tpu.memory_space<vmem>>
      %dma_start3A_347 = arith.constant 0 : i32
      %dma_start3A_348 = arith.constant 0 : i32
      %dma_start3A_349 = tpu.memref_slice %arg3[%add3A, %run_scoped3A, %dma_start3A_347, %dma_start3A_348] : memref<32x79x2x128xi32, #tpu.memory_space<hbm>> -> memref<1x1x2x128xi32, #tpu.memory_space<hbm>>
      %dma_start3A_350 = tpu.memref_squeeze %dma_start3A_349 : memref<1x1x2x128xi32, #tpu.memory_space<hbm>> -> memref<2x128xi32, #tpu.memory_space<hbm>>
      tpu.enqueue_dma source(%dma_start3A_350 : memref<2x128xi32, #tpu.memory_space<hbm>>) target(%dma_start3A_346 : memref<2x128xi32, #tpu.memory_space<vmem>>) target_semaphore(%run_scoped3A_334 : memref<!tpu.dma_semaphore, #tpu.memory_space<semaphore_mem>>)
      %dma_wait3A_351 = arith.constant 0 : i32
      %dma_wait3A_352 = arith.constant 0 : i32
      %dma_wait3A_353 = tpu.memref_slice %arg6[%run_scoped3A_41, %dma_wait3A_351, %dma_wait3A_352] : memref<3x2x128xi32, #tpu.memory_space<vmem>> -> memref<1x2x128xi32, #tpu.memory_space<vmem>>
      %dma_wait3A_354 = tpu.memref_squeeze %dma_wait3A_353 : memref<1x2x128xi32, #tpu.memory_space<vmem>> -> memref<2x128xi32, #tpu.memory_space<vmem>>
      %dma_wait3A_355 = arith.constant 0 : i32
      %dma_wait3A_356 = arith.constant 0 : i32
      %dma_wait3A_357 = tpu.memref_slice %arg3[%add3A, %run_scoped3A, %dma_wait3A_355, %dma_wait3A_356] : memref<32x79x2x128xi32, #tpu.memory_space<hbm>> -> memref<1x1x2x128xi32, #tpu.memory_space<hbm>>
      %dma_wait3A_358 = tpu.memref_squeeze %dma_wait3A_357 : memref<1x1x2x128xi32, #tpu.memory_space<hbm>> -> memref<2x128xi32, #tpu.memory_space<hbm>>
      %dma_wait3A_359 = arith.constant 0 : i32
      %dma_wait3A_360 = arith.constant 0 : i32
      %dma_wait3A_361 = tpu.memref_slice %arg6[%run_scoped3A_41, %dma_wait3A_359, %dma_wait3A_360] : memref<3x2x128xi32, #tpu.memory_space<vmem>> -> memref<1x2x128xi32, #tpu.memory_space<vmem>>
      %dma_wait3A_362 = tpu.memref_squeeze %dma_wait3A_361 : memref<1x2x128xi32, #tpu.memory_space<vmem>> -> memref<2x128xi32, #tpu.memory_space<vmem>>
      %dma_wait3A_363 = arith.constant 0 : i32
      %dma_wait3A_364 = arith.constant 0 : i32
      %dma_wait3A_365 = tpu.memref_slice %arg3[%add3A, %run_scoped3A, %dma_wait3A_363, %dma_wait3A_364] : memref<32x79x2x128xi32, #tpu.memory_space<hbm>> -> memref<1x1x2x128xi32, #tpu.memory_space<hbm>>
      %dma_wait3A_366 = tpu.memref_squeeze %dma_wait3A_365 : memref<1x1x2x128xi32, #tpu.memory_space<hbm>> -> memref<2x128xi32, #tpu.memory_space<hbm>>
      tpu.wait_dma2 semaphore(%run_scoped3A_334 : memref<!tpu.dma_semaphore, #tpu.memory_space<semaphore_mem>>) src(%dma_wait3A_366 : memref<2x128xi32, #tpu.memory_space<hbm>>) dst(%dma_wait3A_362 : memref<2x128xi32, #tpu.memory_space<vmem>>)
      tpu.yield
    }) : () -> ()
    %dma_start3A = arith.constant 0 : i32
    %dma_start3A_42 = arith.constant 0 : i32
    %dma_start3A_43 = arith.constant 0 : i32
    %dma_start3A_44 = arith.constant 0 : i32
    %dma_start3A_45 = arith.constant 0 : i32
    %dma_start3A_46 = tpu.memref_slice %arg7[%dma_start3A_43, %dma_start3A_44, %dma_start3A_45] : memref<3x128x128xbf16, #tpu.memory_space<vmem>> -> memref<1x128x128xbf16, #tpu.memory_space<vmem>>
    %dma_start3A_47 = tpu.memref_squeeze %dma_start3A_46 : memref<1x128x128xbf16, #tpu.memory_space<vmem>> -> memref<128x128xbf16, #tpu.memory_space<vmem>>
    %dma_start3A_48 = arith.constant 0 : i32
    %dma_start3A_49 = tpu.memref_slice %arg6[%dma_start3A, %dma_start3A_42, %dma_start3A_48] : memref<3x2x128xi32, #tpu.memory_space<vmem>> -> memref<1x1x128xi32, #tpu.memory_space<vmem>>
    %dma_start3A_50 = tpu.memref_squeeze %dma_start3A_49 : memref<1x1x128xi32, #tpu.memory_space<vmem>> -> memref<128xi32, #tpu.memory_space<vmem>>
    %dma_start3A_51 = arith.constant 0 : i32
    %dma_start3A_52 = arith.constant 0 : i32
    %dma_start3A_53 = tpu.memref_slice %arg2[%dma_start3A_51, %dma_start3A_52] : memref<10000x128xbf16, #tpu.memory_space<hbm>> -> memref<10000x128xbf16, #tpu.memory_space<hbm>>
    tpu.enqueue_indirect_dma source(%dma_start3A_53 : memref<10000x128xbf16, #tpu.memory_space<hbm>>) target(%dma_start3A_47 : memref<128x128xbf16, #tpu.memory_space<vmem>>) offsets(%dma_start3A_50 : memref<128xi32, #tpu.memory_space<vmem>>) semaphore(%arg10 : memref<!tpu.dma_semaphore, #tpu.memory_space<semaphore_mem>>)
    %run_scoped3A_54 = arith.constant 1 : i32
    %run_scoped3A_55 = arith.constant 1 : i32
    "tpu.region"() ({
      %run_scoped3A_334 = tpu.sem_alloc : memref<!tpu.dma_semaphore, #tpu.memory_space<semaphore_mem>>
      %dma_start3A_335 = arith.constant 0 : i32
      %dma_start3A_336 = arith.constant 0 : i32
      %dma_start3A_337 = tpu.memref_slice %arg6[%run_scoped3A_55, %dma_start3A_335, %dma_start3A_336] : memref<3x2x128xi32, #tpu.memory_space<vmem>> -> memref<1x2x128xi32, #tpu.memory_space<vmem>>
      %dma_start3A_338 = tpu.memref_squeeze %dma_start3A_337 : memref<1x2x128xi32, #tpu.memory_space<vmem>> -> memref<2x128xi32, #tpu.memory_space<vmem>>
      %dma_start3A_339 = arith.constant 0 : i32
      %dma_start3A_340 = arith.constant 0 : i32
      %dma_start3A_341 = tpu.memref_slice %arg3[%add3A, %run_scoped3A_54, %dma_start3A_339, %dma_start3A_340] : memref<32x79x2x128xi32, #tpu.memory_space<hbm>> -> memref<1x1x2x128xi32, #tpu.memory_space<hbm>>
      %dma_start3A_342 = tpu.memref_squeeze %dma_start3A_341 : memref<1x1x2x128xi32, #tpu.memory_space<hbm>> -> memref<2x128xi32, #tpu.memory_space<hbm>>
      %dma_start3A_343 = arith.constant 0 : i32
      %dma_start3A_344 = arith.constant 0 : i32
      %dma_start3A_345 = tpu.memref_slice %arg6[%run_scoped3A_55, %dma_start3A_343, %dma_start3A_344] : memref<3x2x128xi32, #tpu.memory_space<vmem>> -> memref<1x2x128xi32, #tpu.memory_space<vmem>>
      %dma_start3A_346 = tpu.memref_squeeze %dma_start3A_345 : memref<1x2x128xi32, #tpu.memory_space<vmem>> -> memref<2x128xi32, #tpu.memory_space<vmem>>
      %dma_start3A_347 = arith.constant 0 : i32
      %dma_start3A_348 = arith.constant 0 : i32
      %dma_start3A_349 = tpu.memref_slice %arg3[%add3A, %run_scoped3A_54, %dma_start3A_347, %dma_start3A_348] : memref<32x79x2x128xi32, #tpu.memory_space<hbm>> -> memref<1x1x2x128xi32, #tpu.memory_space<hbm>>
      %dma_start3A_350 = tpu.memref_squeeze %dma_start3A_349 : memref<1x1x2x128xi32, #tpu.memory_space<hbm>> -> memref<2x128xi32, #tpu.memory_space<hbm>>
      tpu.enqueue_dma source(%dma_start3A_350 : memref<2x128xi32, #tpu.memory_space<hbm>>) target(%dma_start3A_346 : memref<2x128xi32, #tpu.memory_space<vmem>>) target_semaphore(%run_scoped3A_334 : memref<!tpu.dma_semaphore, #tpu.memory_space<semaphore_mem>>)
      %dma_wait3A_351 = arith.constant 0 : i32
      %dma_wait3A_352 = arith.constant 0 : i32
      %dma_wait3A_353 = tpu.memref_slice %arg6[%run_scoped3A_55, %dma_wait3A_351, %dma_wait3A_352] : memref<3x2x128xi32, #tpu.memory_space<vmem>> -> memref<1x2x128xi32, #tpu.memory_space<vmem>>
      %dma_wait3A_354 = tpu.memref_squeeze %dma_wait3A_353 : memref<1x2x128xi32, #tpu.memory_space<vmem>> -> memref<2x128xi32, #tpu.memory_space<vmem>>
      %dma_wait3A_355 = arith.constant 0 : i32
      %dma_wait3A_356 = arith.constant 0 : i32
      %dma_wait3A_357 = tpu.memref_slice %arg3[%add3A, %run_scoped3A_54, %dma_wait3A_355, %dma_wait3A_356] : memref<32x79x2x128xi32, #tpu.memory_space<hbm>> -> memref<1x1x2x128xi32, #tpu.memory_space<hbm>>
      %dma_wait3A_358 = tpu.memref_squeeze %dma_wait3A_357 : memref<1x1x2x128xi32, #tpu.memory_space<hbm>> -> memref<2x128xi32, #tpu.memory_space<hbm>>
      %dma_wait3A_359 = arith.constant 0 : i32
      %dma_wait3A_360 = arith.constant 0 : i32
      %dma_wait3A_361 = tpu.memref_slice %arg6[%run_scoped3A_55, %dma_wait3A_359, %dma_wait3A_360] : memref<3x2x128xi32, #tpu.memory_space<vmem>> -> memref<1x2x128xi32, #tpu.memory_space<vmem>>
      %dma_wait3A_362 = tpu.memref_squeeze %dma_wait3A_361 : memref<1x2x128xi32, #tpu.memory_space<vmem>> -> memref<2x128xi32, #tpu.memory_space<vmem>>
      %dma_wait3A_363 = arith.constant 0 : i32
      %dma_wait3A_364 = arith.constant 0 : i32
      %dma_wait3A_365 = tpu.memref_slice %arg3[%add3A, %run_scoped3A_54, %dma_wait3A_363, %dma_wait3A_364] : memref<32x79x2x128xi32, #tpu.memory_space<hbm>> -> memref<1x1x2x128xi32, #tpu.memory_space<hbm>>
      %dma_wait3A_366 = tpu.memref_squeeze %dma_wait3A_365 : memref<1x1x2x128xi32, #tpu.memory_space<hbm>> -> memref<2x128xi32, #tpu.memory_space<hbm>>
      tpu.wait_dma2 semaphore(%run_scoped3A_334 : memref<!tpu.dma_semaphore, #tpu.memory_space<semaphore_mem>>) src(%dma_wait3A_366 : memref<2x128xi32, #tpu.memory_space<hbm>>) dst(%dma_wait3A_362 : memref<2x128xi32, #tpu.memory_space<vmem>>)
      tpu.yield
    }) : () -> ()
    %dma_start3A_56 = arith.constant 1 : i32
    %dma_start3A_57 = arith.constant 0 : i32
    %dma_start3A_58 = arith.constant 1 : i32
    %dma_start3A_59 = arith.constant 0 : i32
    %dma_start3A_60 = arith.constant 0 : i32
    %dma_start3A_61 = tpu.memref_slice %arg7[%dma_start3A_58, %dma_start3A_59, %dma_start3A_60] : memref<3x128x128xbf16, #tpu.memory_space<vmem>> -> memref<1x128x128xbf16, #tpu.memory_space<vmem>>
    %dma_start3A_62 = tpu.memref_squeeze %dma_start3A_61 : memref<1x128x128xbf16, #tpu.memory_space<vmem>> -> memref<128x128xbf16, #tpu.memory_space<vmem>>
    %dma_start3A_63 = arith.constant 0 : i32
    %dma_start3A_64 = tpu.memref_slice %arg6[%dma_start3A_56, %dma_start3A_57, %dma_start3A_63] : memref<3x2x128xi32, #tpu.memory_space<vmem>> -> memref<1x1x128xi32, #tpu.memory_space<vmem>>
    %dma_start3A_65 = tpu.memref_squeeze %dma_start3A_64 : memref<1x1x128xi32, #tpu.memory_space<vmem>> -> memref<128xi32, #tpu.memory_space<vmem>>
    %dma_start3A_66 = arith.constant 0 : i32
    %dma_start3A_67 = arith.constant 0 : i32
    %dma_start3A_68 = tpu.memref_slice %arg2[%dma_start3A_66, %dma_start3A_67] : memref<10000x128xbf16, #tpu.memory_space<hbm>> -> memref<10000x128xbf16, #tpu.memory_space<hbm>>
    tpu.enqueue_indirect_dma source(%dma_start3A_68 : memref<10000x128xbf16, #tpu.memory_space<hbm>>) target(%dma_start3A_62 : memref<128x128xbf16, #tpu.memory_space<vmem>>) offsets(%dma_start3A_65 : memref<128xi32, #tpu.memory_space<vmem>>) semaphore(%arg11 : memref<!tpu.dma_semaphore, #tpu.memory_space<semaphore_mem>>)
    %run_scoped3A_69 = arith.constant 2 : i32
    %run_scoped3A_70 = arith.constant 2 : i32
    "tpu.region"() ({
      %run_scoped3A_334 = tpu.sem_alloc : memref<!tpu.dma_semaphore, #tpu.memory_space<semaphore_mem>>
      %dma_start3A_335 = arith.constant 0 : i32
      %dma_start3A_336 = arith.constant 0 : i32
      %dma_start3A_337 = tpu.memref_slice %arg6[%run_scoped3A_70, %dma_start3A_335, %dma_start3A_336] : memref<3x2x128xi32, #tpu.memory_space<vmem>> -> memref<1x2x128xi32, #tpu.memory_space<vmem>>
      %dma_start3A_338 = tpu.memref_squeeze %dma_start3A_337 : memref<1x2x128xi32, #tpu.memory_space<vmem>> -> memref<2x128xi32, #tpu.memory_space<vmem>>
      %dma_start3A_339 = arith.constant 0 : i32
      %dma_start3A_340 = arith.constant 0 : i32
      %dma_start3A_341 = tpu.memref_slice %arg3[%add3A, %run_scoped3A_69, %dma_start3A_339, %dma_start3A_340] : memref<32x79x2x128xi32, #tpu.memory_space<hbm>> -> memref<1x1x2x128xi32, #tpu.memory_space<hbm>>
      %dma_start3A_342 = tpu.memref_squeeze %dma_start3A_341 : memref<1x1x2x128xi32, #tpu.memory_space<hbm>> -> memref<2x128xi32, #tpu.memory_space<hbm>>
      %dma_start3A_343 = arith.constant 0 : i32
      %dma_start3A_344 = arith.constant 0 : i32
      %dma_start3A_345 = tpu.memref_slice %arg6[%run_scoped3A_70, %dma_start3A_343, %dma_start3A_344] : memref<3x2x128xi32, #tpu.memory_space<vmem>> -> memref<1x2x128xi32, #tpu.memory_space<vmem>>
      %dma_start3A_346 = tpu.memref_squeeze %dma_start3A_345 : memref<1x2x128xi32, #tpu.memory_space<vmem>> -> memref<2x128xi32, #tpu.memory_space<vmem>>
      %dma_start3A_347 = arith.constant 0 : i32
      %dma_start3A_348 = arith.constant 0 : i32
      %dma_start3A_349 = tpu.memref_slice %arg3[%add3A, %run_scoped3A_69, %dma_start3A_347, %dma_start3A_348] : memref<32x79x2x128xi32, #tpu.memory_space<hbm>> -> memref<1x1x2x128xi32, #tpu.memory_space<hbm>>
      %dma_start3A_350 = tpu.memref_squeeze %dma_start3A_349 : memref<1x1x2x128xi32, #tpu.memory_space<hbm>> -> memref<2x128xi32, #tpu.memory_space<hbm>>
      tpu.enqueue_dma source(%dma_start3A_350 : memref<2x128xi32, #tpu.memory_space<hbm>>) target(%dma_start3A_346 : memref<2x128xi32, #tpu.memory_space<vmem>>) target_semaphore(%run_scoped3A_334 : memref<!tpu.dma_semaphore, #tpu.memory_space<semaphore_mem>>)
      %dma_wait3A_351 = arith.constant 0 : i32
      %dma_wait3A_352 = arith.constant 0 : i32
      %dma_wait3A_353 = tpu.memref_slice %arg6[%run_scoped3A_70, %dma_wait3A_351, %dma_wait3A_352] : memref<3x2x128xi32, #tpu.memory_space<vmem>> -> memref<1x2x128xi32, #tpu.memory_space<vmem>>
      %dma_wait3A_354 = tpu.memref_squeeze %dma_wait3A_353 : memref<1x2x128xi32, #tpu.memory_space<vmem>> -> memref<2x128xi32, #tpu.memory_space<vmem>>
      %dma_wait3A_355 = arith.constant 0 : i32
      %dma_wait3A_356 = arith.constant 0 : i32
      %dma_wait3A_357 = tpu.memref_slice %arg3[%add3A, %run_scoped3A_69, %dma_wait3A_355, %dma_wait3A_356] : memref<32x79x2x128xi32, #tpu.memory_space<hbm>> -> memref<1x1x2x128xi32, #tpu.memory_space<hbm>>
      %dma_wait3A_358 = tpu.memref_squeeze %dma_wait3A_357 : memref<1x1x2x128xi32, #tpu.memory_space<hbm>> -> memref<2x128xi32, #tpu.memory_space<hbm>>
      %dma_wait3A_359 = arith.constant 0 : i32
      %dma_wait3A_360 = arith.constant 0 : i32
      %dma_wait3A_361 = tpu.memref_slice %arg6[%run_scoped3A_70, %dma_wait3A_359, %dma_wait3A_360] : memref<3x2x128xi32, #tpu.memory_space<vmem>> -> memref<1x2x128xi32, #tpu.memory_space<vmem>>
      %dma_wait3A_362 = tpu.memref_squeeze %dma_wait3A_361 : memref<1x2x128xi32, #tpu.memory_space<vmem>> -> memref<2x128xi32, #tpu.memory_space<vmem>>
      %dma_wait3A_363 = arith.constant 0 : i32
      %dma_wait3A_364 = arith.constant 0 : i32
      %dma_wait3A_365 = tpu.memref_slice %arg3[%add3A, %run_scoped3A_69, %dma_wait3A_363, %dma_wait3A_364] : memref<32x79x2x128xi32, #tpu.memory_space<hbm>> -> memref<1x1x2x128xi32, #tpu.memory_space<hbm>>
      %dma_wait3A_366 = tpu.memref_squeeze %dma_wait3A_365 : memref<1x1x2x128xi32, #tpu.memory_space<hbm>> -> memref<2x128xi32, #tpu.memory_space<hbm>>
      tpu.wait_dma2 semaphore(%run_scoped3A_334 : memref<!tpu.dma_semaphore, #tpu.memory_space<semaphore_mem>>) src(%dma_wait3A_366 : memref<2x128xi32, #tpu.memory_space<hbm>>) dst(%dma_wait3A_362 : memref<2x128xi32, #tpu.memory_space<vmem>>)
      tpu.yield
    }) : () -> ()
    %dma_start3A_71 = arith.constant 2 : i32
    %dma_start3A_72 = arith.constant 0 : i32
    %dma_start3A_73 = arith.constant 2 : i32
    %dma_start3A_74 = arith.constant 0 : i32
    %dma_start3A_75 = arith.constant 0 : i32
    %dma_start3A_76 = tpu.memref_slice %arg7[%dma_start3A_73, %dma_start3A_74, %dma_start3A_75] : memref<3x128x128xbf16, #tpu.memory_space<vmem>> -> memref<1x128x128xbf16, #tpu.memory_space<vmem>>
    %dma_start3A_77 = tpu.memref_squeeze %dma_start3A_76 : memref<1x128x128xbf16, #tpu.memory_space<vmem>> -> memref<128x128xbf16, #tpu.memory_space<vmem>>
    %dma_start3A_78 = arith.constant 0 : i32
    %dma_start3A_79 = tpu.memref_slice %arg6[%dma_start3A_71, %dma_start3A_72, %dma_start3A_78] : memref<3x2x128xi32, #tpu.memory_space<vmem>> -> memref<1x1x128xi32, #tpu.memory_space<vmem>>
    %dma_start3A_80 = tpu.memref_squeeze %dma_start3A_79 : memref<1x1x128xi32, #tpu.memory_space<vmem>> -> memref<128xi32, #tpu.memory_space<vmem>>
    %dma_start3A_81 = arith.constant 0 : i32
    %dma_start3A_82 = arith.constant 0 : i32
    %dma_start3A_83 = tpu.memref_slice %arg2[%dma_start3A_81, %dma_start3A_82] : memref<10000x128xbf16, #tpu.memory_space<hbm>> -> memref<10000x128xbf16, #tpu.memory_space<hbm>>
    tpu.enqueue_indirect_dma source(%dma_start3A_83 : memref<10000x128xbf16, #tpu.memory_space<hbm>>) target(%dma_start3A_77 : memref<128x128xbf16, #tpu.memory_space<vmem>>) offsets(%dma_start3A_80 : memref<128xi32, #tpu.memory_space<vmem>>) semaphore(%arg12 : memref<!tpu.dma_semaphore, #tpu.memory_space<semaphore_mem>>)
    %dma_wait3A = arith.constant 0 : i32
    %dma_wait3A_84 = arith.constant 0 : i32
    %dma_wait3A_85 = arith.constant 0 : i32
    %dma_wait3A_86 = arith.constant 0 : i32
    %dma_wait3A_87 = arith.constant 0 : i32
    %dma_wait3A_88 = tpu.memref_slice %arg7[%dma_wait3A_85, %dma_wait3A_86, %dma_wait3A_87] : memref<3x128x128xbf16, #tpu.memory_space<vmem>> -> memref<1x128x128xbf16, #tpu.memory_space<vmem>>
    %dma_wait3A_89 = tpu.memref_squeeze %dma_wait3A_88 : memref<1x128x128xbf16, #tpu.memory_space<vmem>> -> memref<128x128xbf16, #tpu.memory_space<vmem>>
    %dma_wait3A_90 = arith.constant 0 : i32
    %dma_wait3A_91 = tpu.memref_slice %arg6[%dma_wait3A, %dma_wait3A_84, %dma_wait3A_90] : memref<3x2x128xi32, #tpu.memory_space<vmem>> -> memref<1x1x128xi32, #tpu.memory_space<vmem>>
    %dma_wait3A_92 = tpu.memref_squeeze %dma_wait3A_91 : memref<1x1x128xi32, #tpu.memory_space<vmem>> -> memref<128xi32, #tpu.memory_space<vmem>>
    %dma_wait3A_93 = arith.constant 0 : i32
    %dma_wait3A_94 = arith.constant 0 : i32
    %dma_wait3A_95 = tpu.memref_slice %arg2[%dma_wait3A_93, %dma_wait3A_94] : memref<10000x128xbf16, #tpu.memory_space<hbm>> -> memref<10000x128xbf16, #tpu.memory_space<hbm>>
    tpu.wait_indirect_dma semaphore(%arg10 : memref<!tpu.dma_semaphore, #tpu.memory_space<semaphore_mem>>) src(%dma_wait3A_95 : memref<10000x128xbf16, #tpu.memory_space<hbm>>) dst(%dma_wait3A_89 : memref<128x128xbf16, #tpu.memory_space<vmem>>)
    %dma_start3A_96 = arith.constant 0 : i32
    %dma_start3A_97 = arith.constant 0 : i32
    %dma_start3A_98 = arith.constant 1 : i32
    %dma_start3A_99 = arith.constant 0 : i32
    %dma_start3A_100 = arith.constant 0 : i32
    %dma_start3A_101 = tpu.memref_slice %arg7[%dma_start3A_96, %dma_start3A_99, %dma_start3A_100] : memref<3x128x128xbf16, #tpu.memory_space<vmem>> -> memref<1x128x128xbf16, #tpu.memory_space<vmem>>
    %dma_start3A_102 = tpu.memref_squeeze %dma_start3A_101 : memref<1x128x128xbf16, #tpu.memory_space<vmem>> -> memref<128x128xbf16, #tpu.memory_space<vmem>>
    %dma_start3A_103 = arith.constant 0 : i32
    %dma_start3A_104 = tpu.memref_slice %arg6[%dma_start3A_97, %dma_start3A_98, %dma_start3A_103] : memref<3x2x128xi32, #tpu.memory_space<vmem>> -> memref<1x1x128xi32, #tpu.memory_space<vmem>>
    %dma_start3A_105 = tpu.memref_squeeze %dma_start3A_104 : memref<1x1x128xi32, #tpu.memory_space<vmem>> -> memref<128xi32, #tpu.memory_space<vmem>>
    %dma_start3A_106 = arith.constant 0 : i32
    %dma_start3A_107 = arith.constant 0 : i32
    %dma_start3A_108 = tpu.memref_slice %arg9[%dma_start3A_106, %dma_start3A_107] : memref<10240x128xbf16, #tpu.memory_space<vmem_shared>> -> memref<10240x128xbf16, #tpu.memory_space<vmem_shared>>
    tpu.enqueue_indirect_dma source(%dma_start3A_102 : memref<128x128xbf16, #tpu.memory_space<vmem>>) target(%dma_start3A_108 : memref<10240x128xbf16, #tpu.memory_space<vmem_shared>>) offsets(%dma_start3A_105 : memref<128xi32, #tpu.memory_space<vmem>>) semaphore(%arg13 : memref<!tpu.dma_semaphore, #tpu.memory_space<semaphore_mem>>) {add = true}
    %dma_start3A_109 = arith.constant 0 : i32
    %dma_start3A_110 = arith.constant 1 : i32
    %dma_start3A_111 = arith.constant 0 : i32
    %dma_start3A_112 = tpu.memref_slice %arg6[%dma_start3A_109, %dma_start3A_110, %dma_start3A_111] : memref<3x2x128xi32, #tpu.memory_space<vmem>> -> memref<1x1x128xi32, #tpu.memory_space<vmem>>
    %dma_start3A_113 = tpu.memref_squeeze %dma_start3A_112 : memref<1x1x128xi32, #tpu.memory_space<vmem>> -> memref<128xi32, #tpu.memory_space<vmem>>
    %dma_start3A_114 = arith.constant 0 : i32
    %dma_start3A_115 = arith.constant 0 : i32
    %dma_start3A_116 = tpu.memref_slice %arg18[%dma_start3A_114, %dma_start3A_115] : memref<10240x16xf32, #tpu.memory_space<vmem_shared>> -> memref<10240x16xf32, #tpu.memory_space<vmem_shared>>
    tpu.enqueue_indirect_dma source(%arg16 : memref<128x16xf32, #tpu.memory_space<vmem>>) target(%dma_start3A_116 : memref<10240x16xf32, #tpu.memory_space<vmem_shared>>) offsets(%dma_start3A_113 : memref<128xi32, #tpu.memory_space<vmem>>) semaphore(%arg13 : memref<!tpu.dma_semaphore, #tpu.memory_space<semaphore_mem>>) {add = true}
    %scan3A_117 = arith.constant 0 : i32
    %scan3A_118 = arith.constant 0 : i32
    %scan3A_119 = arith.constant 25 : i32
    %scan3A_120 = arith.addi %scan3A_118, %scan3A_119 : i32
    %scan3A_121 = arith.constant 1 : i32
    scf.for %scan3A_334 = %scan3A_118 to %scan3A_120 step %scan3A_121  : i32 {
      %mul3A_335 = arith.constant 3 : i32
      %mul3A_336 = arith.muli %mul3A_335, %scan3A_334 : i32
      %add3A_337 = arith.constant 3 : i32
      %add3A_338 = arith.addi %mul3A_336, %add3A_337 : i32
      %dma_wait3A_339 = arith.constant 0 : i32
      %dma_wait3A_340 = arith.constant 0 : i32
      %dma_wait3A_341 = arith.constant 1 : i32
      %dma_wait3A_342 = arith.constant 0 : i32
      %dma_wait3A_343 = arith.constant 0 : i32
      %dma_wait3A_344 = tpu.memref_slice %arg7[%dma_wait3A_339, %dma_wait3A_342, %dma_wait3A_343] : memref<3x128x128xbf16, #tpu.memory_space<vmem>> -> memref<1x128x128xbf16, #tpu.memory_space<vmem>>
      %dma_wait3A_345 = tpu.memref_squeeze %dma_wait3A_344 : memref<1x128x128xbf16, #tpu.memory_space<vmem>> -> memref<128x128xbf16, #tpu.memory_space<vmem>>
      %dma_wait3A_346 = arith.constant 0 : i32
      %dma_wait3A_347 = tpu.memref_slice %arg6[%dma_wait3A_340, %dma_wait3A_341, %dma_wait3A_346] : memref<3x2x128xi32, #tpu.memory_space<vmem>> -> memref<1x1x128xi32, #tpu.memory_space<vmem>>
      %dma_wait3A_348 = tpu.memref_squeeze %dma_wait3A_347 : memref<1x1x128xi32, #tpu.memory_space<vmem>> -> memref<128xi32, #tpu.memory_space<vmem>>
      %dma_wait3A_349 = arith.constant 0 : i32
      %dma_wait3A_350 = arith.constant 0 : i32
      %dma_wait3A_351 = tpu.memref_slice %arg9[%dma_wait3A_349, %dma_wait3A_350] : memref<10240x128xbf16, #tpu.memory_space<vmem_shared>> -> memref<10240x128xbf16, #tpu.memory_space<vmem_shared>>
      tpu.wait_indirect_dma semaphore(%arg13 : memref<!tpu.dma_semaphore, #tpu.memory_space<semaphore_mem>>) src(%dma_wait3A_345 : memref<128x128xbf16, #tpu.memory_space<vmem>>) dst(%dma_wait3A_351 : memref<10240x128xbf16, #tpu.memory_space<vmem_shared>>)
      %dma_wait3A_352 = arith.constant 0 : i32
      %dma_wait3A_353 = arith.constant 1 : i32
      %dma_wait3A_354 = arith.constant 0 : i32
      %dma_wait3A_355 = tpu.memref_slice %arg6[%dma_wait3A_352, %dma_wait3A_353, %dma_wait3A_354] : memref<3x2x128xi32, #tpu.memory_space<vmem>> -> memref<1x1x128xi32, #tpu.memory_space<vmem>>
      %dma_wait3A_356 = tpu.memref_squeeze %dma_wait3A_355 : memref<1x1x128xi32, #tpu.memory_space<vmem>> -> memref<128xi32, #tpu.memory_space<vmem>>
      %dma_wait3A_357 = arith.constant 0 : i32
      %dma_wait3A_358 = arith.constant 0 : i32
      %dma_wait3A_359 = tpu.memref_slice %arg18[%dma_wait3A_357, %dma_wait3A_358] : memref<10240x16xf32, #tpu.memory_space<vmem_shared>> -> memref<10240x16xf32, #tpu.memory_space<vmem_shared>>
      tpu.wait_indirect_dma semaphore(%arg13 : memref<!tpu.dma_semaphore, #tpu.memory_space<semaphore_mem>>) src(%arg16 : memref<128x16xf32, #tpu.memory_space<vmem>>) dst(%dma_wait3A_359 : memref<10240x16xf32, #tpu.memory_space<vmem_shared>>)
      %run_scoped3A_360 = arith.constant 0 : i32
      "tpu.region"() ({
        %run_scoped3A_550 = tpu.sem_alloc : memref<!tpu.dma_semaphore, #tpu.memory_space<semaphore_mem>>
        %dma_start3A_551 = arith.constant 0 : i32
        %dma_start3A_552 = arith.constant 0 : i32
        %dma_start3A_553 = tpu.memref_slice %arg6[%run_scoped3A_360, %dma_start3A_551, %dma_start3A_552] : memref<3x2x128xi32, #tpu.memory_space<vmem>> -> memref<1x2x128xi32, #tpu.memory_space<vmem>>
        %dma_start3A_554 = tpu.memref_squeeze %dma_start3A_553 : memref<1x2x128xi32, #tpu.memory_space<vmem>> -> memref<2x128xi32, #tpu.memory_space<vmem>>
        %dma_start3A_555 = arith.constant 0 : i32
        %dma_start3A_556 = arith.constant 0 : i32
        %dma_start3A_557 = tpu.memref_slice %arg3[%add3A, %add3A_338, %dma_start3A_555, %dma_start3A_556] : memref<32x79x2x128xi32, #tpu.memory_space<hbm>> -> memref<1x1x2x128xi32, #tpu.memory_space<hbm>>
        %dma_start3A_558 = tpu.memref_squeeze %dma_start3A_557 : memref<1x1x2x128xi32, #tpu.memory_space<hbm>> -> memref<2x128xi32, #tpu.memory_space<hbm>>
        %dma_start3A_559 = arith.constant 0 : i32
        %dma_start3A_560 = arith.constant 0 : i32
        %dma_start3A_561 = tpu.memref_slice %arg6[%run_scoped3A_360, %dma_start3A_559, %dma_start3A_560] : memref<3x2x128xi32, #tpu.memory_space<vmem>> -> memref<1x2x128xi32, #tpu.memory_space<vmem>>
        %dma_start3A_562 = tpu.memref_squeeze %dma_start3A_561 : memref<1x2x128xi32, #tpu.memory_space<vmem>> -> memref<2x128xi32, #tpu.memory_space<vmem>>
        %dma_start3A_563 = arith.constant 0 : i32
        %dma_start3A_564 = arith.constant 0 : i32
        %dma_start3A_565 = tpu.memref_slice %arg3[%add3A, %add3A_338, %dma_start3A_563, %dma_start3A_564] : memref<32x79x2x128xi32, #tpu.memory_space<hbm>> -> memref<1x1x2x128xi32, #tpu.memory_space<hbm>>
        %dma_start3A_566 = tpu.memref_squeeze %dma_start3A_565 : memref<1x1x2x128xi32, #tpu.memory_space<hbm>> -> memref<2x128xi32, #tpu.memory_space<hbm>>
        tpu.enqueue_dma source(%dma_start3A_566 : memref<2x128xi32, #tpu.memory_space<hbm>>) target(%dma_start3A_562 : memref<2x128xi32, #tpu.memory_space<vmem>>) target_semaphore(%run_scoped3A_550 : memref<!tpu.dma_semaphore, #tpu.memory_space<semaphore_mem>>)
        %dma_wait3A_567 = arith.constant 0 : i32
        %dma_wait3A_568 = arith.constant 0 : i32
        %dma_wait3A_569 = tpu.memref_slice %arg6[%run_scoped3A_360, %dma_wait3A_567, %dma_wait3A_568] : memref<3x2x128xi32, #tpu.memory_space<vmem>> -> memref<1x2x128xi32, #tpu.memory_space<vmem>>
        %dma_wait3A_570 = tpu.memref_squeeze %dma_wait3A_569 : memref<1x2x128xi32, #tpu.memory_space<vmem>> -> memref<2x128xi32, #tpu.memory_space<vmem>>
        %dma_wait3A_571 = arith.constant 0 : i32
        %dma_wait3A_572 = arith.constant 0 : i32
        %dma_wait3A_573 = tpu.memref_slice %arg3[%add3A, %add3A_338, %dma_wait3A_571, %dma_wait3A_572] : memref<32x79x2x128xi32, #tpu.memory_space<hbm>> -> memref<1x1x2x128xi32, #tpu.memory_space<hbm>>
        %dma_wait3A_574 = tpu.memref_squeeze %dma_wait3A_573 : memref<1x1x2x128xi32, #tpu.memory_space<hbm>> -> memref<2x128xi32, #tpu.memory_space<hbm>>
        %dma_wait3A_575 = arith.constant 0 : i32
        %dma_wait3A_576 = arith.constant 0 : i32
        %dma_wait3A_577 = tpu.memref_slice %arg6[%run_scoped3A_360, %dma_wait3A_575, %dma_wait3A_576] : memref<3x2x128xi32, #tpu.memory_space<vmem>> -> memref<1x2x128xi32, #tpu.memory_space<vmem>>
        %dma_wait3A_578 = tpu.memref_squeeze %dma_wait3A_577 : memref<1x2x128xi32, #tpu.memory_space<vmem>> -> memref<2x128xi32, #tpu.memory_space<vmem>>
        %dma_wait3A_579 = arith.constant 0 : i32
        %dma_wait3A_580 = arith.constant 0 : i32
        %dma_wait3A_581 = tpu.memref_slice %arg3[%add3A, %add3A_338, %dma_wait3A_579, %dma_wait3A_580] : memref<32x79x2x128xi32, #tpu.memory_space<hbm>> -> memref<1x1x2x128xi32, #tpu.memory_space<hbm>>
        %dma_wait3A_582 = tpu.memref_squeeze %dma_wait3A_581 : memref<1x1x2x128xi32, #tpu.memory_space<hbm>> -> memref<2x128xi32, #tpu.memory_space<hbm>>
        tpu.wait_dma2 semaphore(%run_scoped3A_550 : memref<!tpu.dma_semaphore, #tpu.memory_space<semaphore_mem>>) src(%dma_wait3A_582 : memref<2x128xi32, #tpu.memory_space<hbm>>) dst(%dma_wait3A_578 : memref<2x128xi32, #tpu.memory_space<vmem>>)
        tpu.yield
      }) : () -> ()
      %dma_start3A_361 = arith.constant 0 : i32
      %dma_start3A_362 = arith.constant 0 : i32
      %dma_start3A_363 = arith.constant 0 : i32
      %dma_start3A_364 = arith.constant 0 : i32
      %dma_start3A_365 = arith.constant 0 : i32
      %dma_start3A_366 = tpu.memref_slice %arg7[%dma_start3A_363, %dma_start3A_364, %dma_start3A_365] : memref<3x128x128xbf16, #tpu.memory_space<vmem>> -> memref<1x128x128xbf16, #tpu.memory_space<vmem>>
      %dma_start3A_367 = tpu.memref_squeeze %dma_start3A_366 : memref<1x128x128xbf16, #tpu.memory_space<vmem>> -> memref<128x128xbf16, #tpu.memory_space<vmem>>
      %dma_start3A_368 = arith.constant 0 : i32
      %dma_start3A_369 = tpu.memref_slice %arg6[%dma_start3A_361, %dma_start3A_362, %dma_start3A_368] : memref<3x2x128xi32, #tpu.memory_space<vmem>> -> memref<1x1x128xi32, #tpu.memory_space<vmem>>
      %dma_start3A_370 = tpu.memref_squeeze %dma_start3A_369 : memref<1x1x128xi32, #tpu.memory_space<vmem>> -> memref<128xi32, #tpu.memory_space<vmem>>
      %dma_start3A_371 = arith.constant 0 : i32
      %dma_start3A_372 = arith.constant 0 : i32
      %dma_start3A_373 = tpu.memref_slice %arg2[%dma_start3A_371, %dma_start3A_372] : memref<10000x128xbf16, #tpu.memory_space<hbm>> -> memref<10000x128xbf16, #tpu.memory_space<hbm>>
      tpu.enqueue_indirect_dma source(%dma_start3A_373 : memref<10000x128xbf16, #tpu.memory_space<hbm>>) target(%dma_start3A_367 : memref<128x128xbf16, #tpu.memory_space<vmem>>) offsets(%dma_start3A_370 : memref<128xi32, #tpu.memory_space<vmem>>) semaphore(%arg10 : memref<!tpu.dma_semaphore, #tpu.memory_space<semaphore_mem>>)
      %dma_wait3A_374 = arith.constant 1 : i32
      %dma_wait3A_375 = arith.constant 0 : i32
      %dma_wait3A_376 = arith.constant 1 : i32
      %dma_wait3A_377 = arith.constant 0 : i32
      %dma_wait3A_378 = arith.constant 0 : i32
      %dma_wait3A_379 = tpu.memref_slice %arg7[%dma_wait3A_376, %dma_wait3A_377, %dma_wait3A_378] : memref<3x128x128xbf16, #tpu.memory_space<vmem>> -> memref<1x128x128xbf16, #tpu.memory_space<vmem>>
      %dma_wait3A_380 = tpu.memref_squeeze %dma_wait3A_379 : memref<1x128x128xbf16, #tpu.memory_space<vmem>> -> memref<128x128xbf16, #tpu.memory_space<vmem>>
      %dma_wait3A_381 = arith.constant 0 : i32
      %dma_wait3A_382 = tpu.memref_slice %arg6[%dma_wait3A_374, %dma_wait3A_375, %dma_wait3A_381] : memref<3x2x128xi32, #tpu.memory_space<vmem>> -> memref<1x1x128xi32, #tpu.memory_space<vmem>>
      %dma_wait3A_383 = tpu.memref_squeeze %dma_wait3A_382 : memref<1x1x128xi32, #tpu.memory_space<vmem>> -> memref<128xi32, #tpu.memory_space<vmem>>
      %dma_wait3A_384 = arith.constant 0 : i32
      %dma_wait3A_385 = arith.constant 0 : i32
      %dma_wait3A_386 = tpu.memref_slice %arg2[%dma_wait3A_384, %dma_wait3A_385] : memref<10000x128xbf16, #tpu.memory_space<hbm>> -> memref<10000x128xbf16, #tpu.memory_space<hbm>>
      tpu.wait_indirect_dma semaphore(%arg11 : memref<!tpu.dma_semaphore, #tpu.memory_space<semaphore_mem>>) src(%dma_wait3A_386 : memref<10000x128xbf16, #tpu.memory_space<hbm>>) dst(%dma_wait3A_380 : memref<128x128xbf16, #tpu.memory_space<vmem>>)
      %dma_start3A_387 = arith.constant 1 : i32
      %dma_start3A_388 = arith.constant 1 : i32
      %dma_start3A_389 = arith.constant 1 : i32
      %dma_start3A_390 = arith.constant 0 : i32
      %dma_start3A_391 = arith.constant 0 : i32
      %dma_start3A_392 = tpu.memref_slice %arg7[%dma_start3A_387, %dma_start3A_390, %dma_start3A_391] : memref<3x128x128xbf16, #tpu.memory_space<vmem>> -> memref<1x128x128xbf16, #tpu.memory_space<vmem>>
      %dma_start3A_393 = tpu.memref_squeeze %dma_start3A_392 : memref<1x128x128xbf16, #tpu.memory_space<vmem>> -> memref<128x128xbf16, #tpu.memory_space<vmem>>
      %dma_start3A_394 = arith.constant 0 : i32
      %dma_start3A_395 = tpu.memref_slice %arg6[%dma_start3A_388, %dma_start3A_389, %dma_start3A_394] : memref<3x2x128xi32, #tpu.memory_space<vmem>> -> memref<1x1x128xi32, #tpu.memory_space<vmem>>
      %dma_start3A_396 = tpu.memref_squeeze %dma_start3A_395 : memref<1x1x128xi32, #tpu.memory_space<vmem>> -> memref<128xi32, #tpu.memory_space<vmem>>
      %dma_start3A_397 = arith.constant 0 : i32
      %dma_start3A_398 = arith.constant 0 : i32
      %dma_start3A_399 = tpu.memref_slice %arg9[%dma_start3A_397, %dma_start3A_398] : memref<10240x128xbf16, #tpu.memory_space<vmem_shared>> -> memref<10240x128xbf16, #tpu.memory_space<vmem_shared>>
      tpu.enqueue_indirect_dma source(%dma_start3A_393 : memref<128x128xbf16, #tpu.memory_space<vmem>>) target(%dma_start3A_399 : memref<10240x128xbf16, #tpu.memory_space<vmem_shared>>) offsets(%dma_start3A_396 : memref<128xi32, #tpu.memory_space<vmem>>) semaphore(%arg14 : memref<!tpu.dma_semaphore, #tpu.memory_space<semaphore_mem>>) {add = true}
      %dma_start3A_400 = arith.constant 1 : i32
      %dma_start3A_401 = arith.constant 1 : i32
      %dma_start3A_402 = arith.constant 0 : i32
      %dma_start3A_403 = tpu.memref_slice %arg6[%dma_start3A_400, %dma_start3A_401, %dma_start3A_402] : memref<3x2x128xi32, #tpu.memory_space<vmem>> -> memref<1x1x128xi32, #tpu.memory_space<vmem>>
      %dma_start3A_404 = tpu.memref_squeeze %dma_start3A_403 : memref<1x1x128xi32, #tpu.memory_space<vmem>> -> memref<128xi32, #tpu.memory_space<vmem>>
      %dma_start3A_405 = arith.constant 0 : i32
      %dma_start3A_406 = arith.constant 0 : i32
      %dma_start3A_407 = tpu.memref_slice %arg18[%dma_start3A_405, %dma_start3A_406] : memref<10240x16xf32, #tpu.memory_space<vmem_shared>> -> memref<10240x16xf32, #tpu.memory_space<vmem_shared>>
      tpu.enqueue_indirect_dma source(%arg16 : memref<128x16xf32, #tpu.memory_space<vmem>>) target(%dma_start3A_407 : memref<10240x16xf32, #tpu.memory_space<vmem_shared>>) offsets(%dma_start3A_404 : memref<128xi32, #tpu.memory_space<vmem>>) semaphore(%arg14 : memref<!tpu.dma_semaphore, #tpu.memory_space<semaphore_mem>>) {add = true}
      %add3A_408 = arith.constant 1 : i32
      %add3A_409 = arith.addi %add3A_338, %add3A_408 : i32
      %dma_wait3A_410 = arith.constant 1 : i32
      %dma_wait3A_411 = arith.constant 1 : i32
      %dma_wait3A_412 = arith.constant 1 : i32
      %dma_wait3A_413 = arith.constant 0 : i32
      %dma_wait3A_414 = arith.constant 0 : i32
      %dma_wait3A_415 = tpu.memref_slice %arg7[%dma_wait3A_410, %dma_wait3A_413, %dma_wait3A_414] : memref<3x128x128xbf16, #tpu.memory_space<vmem>> -> memref<1x128x128xbf16, #tpu.memory_space<vmem>>
      %dma_wait3A_416 = tpu.memref_squeeze %dma_wait3A_415 : memref<1x128x128xbf16, #tpu.memory_space<vmem>> -> memref<128x128xbf16, #tpu.memory_space<vmem>>
      %dma_wait3A_417 = arith.constant 0 : i32
      %dma_wait3A_418 = tpu.memref_slice %arg6[%dma_wait3A_411, %dma_wait3A_412, %dma_wait3A_417] : memref<3x2x128xi32, #tpu.memory_space<vmem>> -> memref<1x1x128xi32, #tpu.memory_space<vmem>>
      %dma_wait3A_419 = tpu.memref_squeeze %dma_wait3A_418 : memref<1x1x128xi32, #tpu.memory_space<vmem>> -> memref<128xi32, #tpu.memory_space<vmem>>
      %dma_wait3A_420 = arith.constant 0 : i32
      %dma_wait3A_421 = arith.constant 0 : i32
      %dma_wait3A_422 = tpu.memref_slice %arg9[%dma_wait3A_420, %dma_wait3A_421] : memref<10240x128xbf16, #tpu.memory_space<vmem_shared>> -> memref<10240x128xbf16, #tpu.memory_space<vmem_shared>>
      tpu.wait_indirect_dma semaphore(%arg14 : memref<!tpu.dma_semaphore, #tpu.memory_space<semaphore_mem>>) src(%dma_wait3A_416 : memref<128x128xbf16, #tpu.memory_space<vmem>>) dst(%dma_wait3A_422 : memref<10240x128xbf16, #tpu.memory_space<vmem_shared>>)
      %dma_wait3A_423 = arith.constant 1 : i32
      %dma_wait3A_424 = arith.constant 1 : i32
      %dma_wait3A_425 = arith.constant 0 : i32
      %dma_wait3A_426 = tpu.memref_slice %arg6[%dma_wait3A_423, %dma_wait3A_424, %dma_wait3A_425] : memref<3x2x128xi32, #tpu.memory_space<vmem>> -> memref<1x1x128xi32, #tpu.memory_space<vmem>>
      %dma_wait3A_427 = tpu.memref_squeeze %dma_wait3A_426 : memref<1x1x128xi32, #tpu.memory_space<vmem>> -> memref<128xi32, #tpu.memory_space<vmem>>
      %dma_wait3A_428 = arith.constant 0 : i32
      %dma_wait3A_429 = arith.constant 0 : i32
      %dma_wait3A_430 = tpu.memref_slice %arg18[%dma_wait3A_428, %dma_wait3A_429] : memref<10240x16xf32, #tpu.memory_space<vmem_shared>> -> memref<10240x16xf32, #tpu.memory_space<vmem_shared>>
      tpu.wait_indirect_dma semaphore(%arg14 : memref<!tpu.dma_semaphore, #tpu.memory_space<semaphore_mem>>) src(%arg16 : memref<128x16xf32, #tpu.memory_space<vmem>>) dst(%dma_wait3A_430 : memref<10240x16xf32, #tpu.memory_space<vmem_shared>>)
      %run_scoped3A_431 = arith.constant 1 : i32
      "tpu.region"() ({
        %run_scoped3A_550 = tpu.sem_alloc : memref<!tpu.dma_semaphore, #tpu.memory_space<semaphore_mem>>
        %dma_start3A_551 = arith.constant 0 : i32
        %dma_start3A_552 = arith.constant 0 : i32
        %dma_start3A_553 = tpu.memref_slice %arg6[%run_scoped3A_431, %dma_start3A_551, %dma_start3A_552] : memref<3x2x128xi32, #tpu.memory_space<vmem>> -> memref<1x2x128xi32, #tpu.memory_space<vmem>>
        %dma_start3A_554 = tpu.memref_squeeze %dma_start3A_553 : memref<1x2x128xi32, #tpu.memory_space<vmem>> -> memref<2x128xi32, #tpu.memory_space<vmem>>
        %dma_start3A_555 = arith.constant 0 : i32
        %dma_start3A_556 = arith.constant 0 : i32
        %dma_start3A_557 = tpu.memref_slice %arg3[%add3A, %add3A_409, %dma_start3A_555, %dma_start3A_556] : memref<32x79x2x128xi32, #tpu.memory_space<hbm>> -> memref<1x1x2x128xi32, #tpu.memory_space<hbm>>
        %dma_start3A_558 = tpu.memref_squeeze %dma_start3A_557 : memref<1x1x2x128xi32, #tpu.memory_space<hbm>> -> memref<2x128xi32, #tpu.memory_space<hbm>>
        %dma_start3A_559 = arith.constant 0 : i32
        %dma_start3A_560 = arith.constant 0 : i32
        %dma_start3A_561 = tpu.memref_slice %arg6[%run_scoped3A_431, %dma_start3A_559, %dma_start3A_560] : memref<3x2x128xi32, #tpu.memory_space<vmem>> -> memref<1x2x128xi32, #tpu.memory_space<vmem>>
        %dma_start3A_562 = tpu.memref_squeeze %dma_start3A_561 : memref<1x2x128xi32, #tpu.memory_space<vmem>> -> memref<2x128xi32, #tpu.memory_space<vmem>>
        %dma_start3A_563 = arith.constant 0 : i32
        %dma_start3A_564 = arith.constant 0 : i32
        %dma_start3A_565 = tpu.memref_slice %arg3[%add3A, %add3A_409, %dma_start3A_563, %dma_start3A_564] : memref<32x79x2x128xi32, #tpu.memory_space<hbm>> -> memref<1x1x2x128xi32, #tpu.memory_space<hbm>>
        %dma_start3A_566 = tpu.memref_squeeze %dma_start3A_565 : memref<1x1x2x128xi32, #tpu.memory_space<hbm>> -> memref<2x128xi32, #tpu.memory_space<hbm>>
        tpu.enqueue_dma source(%dma_start3A_566 : memref<2x128xi32, #tpu.memory_space<hbm>>) target(%dma_start3A_562 : memref<2x128xi32, #tpu.memory_space<vmem>>) target_semaphore(%run_scoped3A_550 : memref<!tpu.dma_semaphore, #tpu.memory_space<semaphore_mem>>)
        %dma_wait3A_567 = arith.constant 0 : i32
        %dma_wait3A_568 = arith.constant 0 : i32
        %dma_wait3A_569 = tpu.memref_slice %arg6[%run_scoped3A_431, %dma_wait3A_567, %dma_wait3A_568] : memref<3x2x128xi32, #tpu.memory_space<vmem>> -> memref<1x2x128xi32, #tpu.memory_space<vmem>>
        %dma_wait3A_570 = tpu.memref_squeeze %dma_wait3A_569 : memref<1x2x128xi32, #tpu.memory_space<vmem>> -> memref<2x128xi32, #tpu.memory_space<vmem>>
        %dma_wait3A_571 = arith.constant 0 : i32
        %dma_wait3A_572 = arith.constant 0 : i32
        %dma_wait3A_573 = tpu.memref_slice %arg3[%add3A, %add3A_409, %dma_wait3A_571, %dma_wait3A_572] : memref<32x79x2x128xi32, #tpu.memory_space<hbm>> -> memref<1x1x2x128xi32, #tpu.memory_space<hbm>>
        %dma_wait3A_574 = tpu.memref_squeeze %dma_wait3A_573 : memref<1x1x2x128xi32, #tpu.memory_space<hbm>> -> memref<2x128xi32, #tpu.memory_space<hbm>>
        %dma_wait3A_575 = arith.constant 0 : i32
        %dma_wait3A_576 = arith.constant 0 : i32
        %dma_wait3A_577 = tpu.memref_slice %arg6[%run_scoped3A_431, %dma_wait3A_575, %dma_wait3A_576] : memref<3x2x128xi32, #tpu.memory_space<vmem>> -> memref<1x2x128xi32, #tpu.memory_space<vmem>>
        %dma_wait3A_578 = tpu.memref_squeeze %dma_wait3A_577 : memref<1x2x128xi32, #tpu.memory_space<vmem>> -> memref<2x128xi32, #tpu.memory_space<vmem>>
        %dma_wait3A_579 = arith.constant 0 : i32
        %dma_wait3A_580 = arith.constant 0 : i32
        %dma_wait3A_581 = tpu.memref_slice %arg3[%add3A, %add3A_409, %dma_wait3A_579, %dma_wait3A_580] : memref<32x79x2x128xi32, #tpu.memory_space<hbm>> -> memref<1x1x2x128xi32, #tpu.memory_space<hbm>>
        %dma_wait3A_582 = tpu.memref_squeeze %dma_wait3A_581 : memref<1x1x2x128xi32, #tpu.memory_space<hbm>> -> memref<2x128xi32, #tpu.memory_space<hbm>>
        tpu.wait_dma2 semaphore(%run_scoped3A_550 : memref<!tpu.dma_semaphore, #tpu.memory_space<semaphore_mem>>) src(%dma_wait3A_582 : memref<2x128xi32, #tpu.memory_space<hbm>>) dst(%dma_wait3A_578 : memref<2x128xi32, #tpu.memory_space<vmem>>)
        tpu.yield
      }) : () -> ()
      %dma_start3A_432 = arith.constant 1 : i32
      %dma_start3A_433 = arith.constant 0 : i32
      %dma_start3A_434 = arith.constant 1 : i32
      %dma_start3A_435 = arith.constant 0 : i32
      %dma_start3A_436 = arith.constant 0 : i32
      %dma_start3A_437 = tpu.memref_slice %arg7[%dma_start3A_434, %dma_start3A_435, %dma_start3A_436] : memref<3x128x128xbf16, #tpu.memory_space<vmem>> -> memref<1x128x128xbf16, #tpu.memory_space<vmem>>
      %dma_start3A_438 = tpu.memref_squeeze %dma_start3A_437 : memref<1x128x128xbf16, #tpu.memory_space<vmem>> -> memref<128x128xbf16, #tpu.memory_space<vmem>>
      %dma_start3A_439 = arith.constant 0 : i32
      %dma_start3A_440 = tpu.memref_slice %arg6[%dma_start3A_432, %dma_start3A_433, %dma_start3A_439] : memref<3x2x128xi32, #tpu.memory_space<vmem>> -> memref<1x1x128xi32, #tpu.memory_space<vmem>>
      %dma_start3A_441 = tpu.memref_squeeze %dma_start3A_440 : memref<1x1x128xi32, #tpu.memory_space<vmem>> -> memref<128xi32, #tpu.memory_space<vmem>>
      %dma_start3A_442 = arith.constant 0 : i32
      %dma_start3A_443 = arith.constant 0 : i32
      %dma_start3A_444 = tpu.memref_slice %arg2[%dma_start3A_442, %dma_start3A_443] : memref<10000x128xbf16, #tpu.memory_space<hbm>> -> memref<10000x128xbf16, #tpu.memory_space<hbm>>
      tpu.enqueue_indirect_dma source(%dma_start3A_444 : memref<10000x128xbf16, #tpu.memory_space<hbm>>) target(%dma_start3A_438 : memref<128x128xbf16, #tpu.memory_space<vmem>>) offsets(%dma_start3A_441 : memref<128xi32, #tpu.memory_space<vmem>>) semaphore(%arg11 : memref<!tpu.dma_semaphore, #tpu.memory_space<semaphore_mem>>)
      %dma_wait3A_445 = arith.constant 2 : i32
      %dma_wait3A_446 = arith.constant 0 : i32
      %dma_wait3A_447 = arith.constant 2 : i32
      %dma_wait3A_448 = arith.constant 0 : i32
      %dma_wait3A_449 = arith.constant 0 : i32
      %dma_wait3A_450 = tpu.memref_slice %arg7[%dma_wait3A_447, %dma_wait3A_448, %dma_wait3A_449] : memref<3x128x128xbf16, #tpu.memory_space<vmem>> -> memref<1x128x128xbf16, #tpu.memory_space<vmem>>
      %dma_wait3A_451 = tpu.memref_squeeze %dma_wait3A_450 : memref<1x128x128xbf16, #tpu.memory_space<vmem>> -> memref<128x128xbf16, #tpu.memory_space<vmem>>
      %dma_wait3A_452 = arith.constant 0 : i32
      %dma_wait3A_453 = tpu.memref_slice %arg6[%dma_wait3A_445, %dma_wait3A_446, %dma_wait3A_452] : memref<3x2x128xi32, #tpu.memory_space<vmem>> -> memref<1x1x128xi32, #tpu.memory_space<vmem>>
      %dma_wait3A_454 = tpu.memref_squeeze %dma_wait3A_453 : memref<1x1x128xi32, #tpu.memory_space<vmem>> -> memref<128xi32, #tpu.memory_space<vmem>>
      %dma_wait3A_455 = arith.constant 0 : i32
      %dma_wait3A_456 = arith.constant 0 : i32
      %dma_wait3A_457 = tpu.memref_slice %arg2[%dma_wait3A_455, %dma_wait3A_456] : memref<10000x128xbf16, #tpu.memory_space<hbm>> -> memref<10000x128xbf16, #tpu.memory_space<hbm>>
      tpu.wait_indirect_dma semaphore(%arg12 : memref<!tpu.dma_semaphore, #tpu.memory_space<semaphore_mem>>) src(%dma_wait3A_457 : memref<10000x128xbf16, #tpu.memory_space<hbm>>) dst(%dma_wait3A_451 : memref<128x128xbf16, #tpu.memory_space<vmem>>)
      %dma_start3A_458 = arith.constant 2 : i32
      %dma_start3A_459 = arith.constant 2 : i32
      %dma_start3A_460 = arith.constant 1 : i32
      %dma_start3A_461 = arith.constant 0 : i32
      %dma_start3A_462 = arith.constant 0 : i32
      %dma_start3A_463 = tpu.memref_slice %arg7[%dma_start3A_458, %dma_start3A_461, %dma_start3A_462] : memref<3x128x128xbf16, #tpu.memory_space<vmem>> -> memref<1x128x128xbf16, #tpu.memory_space<vmem>>
      %dma_start3A_464 = tpu.memref_squeeze %dma_start3A_463 : memref<1x128x128xbf16, #tpu.memory_space<vmem>> -> memref<128x128xbf16, #tpu.memory_space<vmem>>
      %dma_start3A_465 = arith.constant 0 : i32
      %dma_start3A_466 = tpu.memref_slice %arg6[%dma_start3A_459, %dma_start3A_460, %dma_start3A_465] : memref<3x2x128xi32, #tpu.memory_space<vmem>> -> memref<1x1x128xi32, #tpu.memory_space<vmem>>
      %dma_start3A_467 = tpu.memref_squeeze %dma_start3A_466 : memref<1x1x128xi32, #tpu.memory_space<vmem>> -> memref<128xi32, #tpu.memory_space<vmem>>
      %dma_start3A_468 = arith.constant 0 : i32
      %dma_start3A_469 = arith.constant 0 : i32
      %dma_start3A_470 = tpu.memref_slice %arg9[%dma_start3A_468, %dma_start3A_469] : memref<10240x128xbf16, #tpu.memory_space<vmem_shared>> -> memref<10240x128xbf16, #tpu.memory_space<vmem_shared>>
      tpu.enqueue_indirect_dma source(%dma_start3A_464 : memref<128x128xbf16, #tpu.memory_space<vmem>>) target(%dma_start3A_470 : memref<10240x128xbf16, #tpu.memory_space<vmem_shared>>) offsets(%dma_start3A_467 : memref<128xi32, #tpu.memory_space<vmem>>) semaphore(%arg15 : memref<!tpu.dma_semaphore, #tpu.memory_space<semaphore_mem>>) {add = true}
      %dma_start3A_471 = arith.constant 2 : i32
      %dma_start3A_472 = arith.constant 1 : i32
      %dma_start3A_473 = arith.constant 0 : i32
      %dma_start3A_474 = tpu.memref_slice %arg6[%dma_start3A_471, %dma_start3A_472, %dma_start3A_473] : memref<3x2x128xi32, #tpu.memory_space<vmem>> -> memref<1x1x128xi32, #tpu.memory_space<vmem>>
      %dma_start3A_475 = tpu.memref_squeeze %dma_start3A_474 : memref<1x1x128xi32, #tpu.memory_space<vmem>> -> memref<128xi32, #tpu.memory_space<vmem>>
      %dma_start3A_476 = arith.constant 0 : i32
      %dma_start3A_477 = arith.constant 0 : i32
      %dma_start3A_478 = tpu.memref_slice %arg18[%dma_start3A_476, %dma_start3A_477] : memref<10240x16xf32, #tpu.memory_space<vmem_shared>> -> memref<10240x16xf32, #tpu.memory_space<vmem_shared>>
      tpu.enqueue_indirect_dma source(%arg16 : memref<128x16xf32, #tpu.memory_space<vmem>>) target(%dma_start3A_478 : memref<10240x16xf32, #tpu.memory_space<vmem_shared>>) offsets(%dma_start3A_475 : memref<128xi32, #tpu.memory_space<vmem>>) semaphore(%arg15 : memref<!tpu.dma_semaphore, #tpu.memory_space<semaphore_mem>>) {add = true}
      %add3A_479 = arith.constant 2 : i32
      %add3A_480 = arith.addi %add3A_338, %add3A_479 : i32
      %dma_wait3A_481 = arith.constant 2 : i32
      %dma_wait3A_482 = arith.constant 2 : i32
      %dma_wait3A_483 = arith.constant 1 : i32
      %dma_wait3A_484 = arith.constant 0 : i32
      %dma_wait3A_485 = arith.constant 0 : i32
      %dma_wait3A_486 = tpu.memref_slice %arg7[%dma_wait3A_481, %dma_wait3A_484, %dma_wait3A_485] : memref<3x128x128xbf16, #tpu.memory_space<vmem>> -> memref<1x128x128xbf16, #tpu.memory_space<vmem>>
      %dma_wait3A_487 = tpu.memref_squeeze %dma_wait3A_486 : memref<1x128x128xbf16, #tpu.memory_space<vmem>> -> memref<128x128xbf16, #tpu.memory_space<vmem>>
      %dma_wait3A_488 = arith.constant 0 : i32
      %dma_wait3A_489 = tpu.memref_slice %arg6[%dma_wait3A_482, %dma_wait3A_483, %dma_wait3A_488] : memref<3x2x128xi32, #tpu.memory_space<vmem>> -> memref<1x1x128xi32, #tpu.memory_space<vmem>>
      %dma_wait3A_490 = tpu.memref_squeeze %dma_wait3A_489 : memref<1x1x128xi32, #tpu.memory_space<vmem>> -> memref<128xi32, #tpu.memory_space<vmem>>
      %dma_wait3A_491 = arith.constant 0 : i32
      %dma_wait3A_492 = arith.constant 0 : i32
      %dma_wait3A_493 = tpu.memref_slice %arg9[%dma_wait3A_491, %dma_wait3A_492] : memref<10240x128xbf16, #tpu.memory_space<vmem_shared>> -> memref<10240x128xbf16, #tpu.memory_space<vmem_shared>>
      tpu.wait_indirect_dma semaphore(%arg15 : memref<!tpu.dma_semaphore, #tpu.memory_space<semaphore_mem>>) src(%dma_wait3A_487 : memref<128x128xbf16, #tpu.memory_space<vmem>>) dst(%dma_wait3A_493 : memref<10240x128xbf16, #tpu.memory_space<vmem_shared>>)
      %dma_wait3A_494 = arith.constant 2 : i32
      %dma_wait3A_495 = arith.constant 1 : i32
      %dma_wait3A_496 = arith.constant 0 : i32
      %dma_wait3A_497 = tpu.memref_slice %arg6[%dma_wait3A_494, %dma_wait3A_495, %dma_wait3A_496] : memref<3x2x128xi32, #tpu.memory_space<vmem>> -> memref<1x1x128xi32, #tpu.memory_space<vmem>>
      %dma_wait3A_498 = tpu.memref_squeeze %dma_wait3A_497 : memref<1x1x128xi32, #tpu.memory_space<vmem>> -> memref<128xi32, #tpu.memory_space<vmem>>
      %dma_wait3A_499 = arith.constant 0 : i32
      %dma_wait3A_500 = arith.constant 0 : i32
      %dma_wait3A_501 = tpu.memref_slice %arg18[%dma_wait3A_499, %dma_wait3A_500] : memref<10240x16xf32, #tpu.memory_space<vmem_shared>> -> memref<10240x16xf32, #tpu.memory_space<vmem_shared>>
      tpu.wait_indirect_dma semaphore(%arg15 : memref<!tpu.dma_semaphore, #tpu.memory_space<semaphore_mem>>) src(%arg16 : memref<128x16xf32, #tpu.memory_space<vmem>>) dst(%dma_wait3A_501 : memref<10240x16xf32, #tpu.memory_space<vmem_shared>>)
      %run_scoped3A_502 = arith.constant 2 : i32
      "tpu.region"() ({
        %run_scoped3A_550 = tpu.sem_alloc : memref<!tpu.dma_semaphore, #tpu.memory_space<semaphore_mem>>
        %dma_start3A_551 = arith.constant 0 : i32
        %dma_start3A_552 = arith.constant 0 : i32
        %dma_start3A_553 = tpu.memref_slice %arg6[%run_scoped3A_502, %dma_start3A_551, %dma_start3A_552] : memref<3x2x128xi32, #tpu.memory_space<vmem>> -> memref<1x2x128xi32, #tpu.memory_space<vmem>>
        %dma_start3A_554 = tpu.memref_squeeze %dma_start3A_553 : memref<1x2x128xi32, #tpu.memory_space<vmem>> -> memref<2x128xi32, #tpu.memory_space<vmem>>
        %dma_start3A_555 = arith.constant 0 : i32
        %dma_start3A_556 = arith.constant 0 : i32
        %dma_start3A_557 = tpu.memref_slice %arg3[%add3A, %add3A_480, %dma_start3A_555, %dma_start3A_556] : memref<32x79x2x128xi32, #tpu.memory_space<hbm>> -> memref<1x1x2x128xi32, #tpu.memory_space<hbm>>
        %dma_start3A_558 = tpu.memref_squeeze %dma_start3A_557 : memref<1x1x2x128xi32, #tpu.memory_space<hbm>> -> memref<2x128xi32, #tpu.memory_space<hbm>>
        %dma_start3A_559 = arith.constant 0 : i32
        %dma_start3A_560 = arith.constant 0 : i32
        %dma_start3A_561 = tpu.memref_slice %arg6[%run_scoped3A_502, %dma_start3A_559, %dma_start3A_560] : memref<3x2x128xi32, #tpu.memory_space<vmem>> -> memref<1x2x128xi32, #tpu.memory_space<vmem>>
        %dma_start3A_562 = tpu.memref_squeeze %dma_start3A_561 : memref<1x2x128xi32, #tpu.memory_space<vmem>> -> memref<2x128xi32, #tpu.memory_space<vmem>>
        %dma_start3A_563 = arith.constant 0 : i32
        %dma_start3A_564 = arith.constant 0 : i32
        %dma_start3A_565 = tpu.memref_slice %arg3[%add3A, %add3A_480, %dma_start3A_563, %dma_start3A_564] : memref<32x79x2x128xi32, #tpu.memory_space<hbm>> -> memref<1x1x2x128xi32, #tpu.memory_space<hbm>>
        %dma_start3A_566 = tpu.memref_squeeze %dma_start3A_565 : memref<1x1x2x128xi32, #tpu.memory_space<hbm>> -> memref<2x128xi32, #tpu.memory_space<hbm>>
        tpu.enqueue_dma source(%dma_start3A_566 : memref<2x128xi32, #tpu.memory_space<hbm>>) target(%dma_start3A_562 : memref<2x128xi32, #tpu.memory_space<vmem>>) target_semaphore(%run_scoped3A_550 : memref<!tpu.dma_semaphore, #tpu.memory_space<semaphore_mem>>)
        %dma_wait3A_567 = arith.constant 0 : i32
        %dma_wait3A_568 = arith.constant 0 : i32
        %dma_wait3A_569 = tpu.memref_slice %arg6[%run_scoped3A_502, %dma_wait3A_567, %dma_wait3A_568] : memref<3x2x128xi32, #tpu.memory_space<vmem>> -> memref<1x2x128xi32, #tpu.memory_space<vmem>>
        %dma_wait3A_570 = tpu.memref_squeeze %dma_wait3A_569 : memref<1x2x128xi32, #tpu.memory_space<vmem>> -> memref<2x128xi32, #tpu.memory_space<vmem>>
        %dma_wait3A_571 = arith.constant 0 : i32
        %dma_wait3A_572 = arith.constant 0 : i32
        %dma_wait3A_573 = tpu.memref_slice %arg3[%add3A, %add3A_480, %dma_wait3A_571, %dma_wait3A_572] : memref<32x79x2x128xi32, #tpu.memory_space<hbm>> -> memref<1x1x2x128xi32, #tpu.memory_space<hbm>>
        %dma_wait3A_574 = tpu.memref_squeeze %dma_wait3A_573 : memref<1x1x2x128xi32, #tpu.memory_space<hbm>> -> memref<2x128xi32, #tpu.memory_space<hbm>>
        %dma_wait3A_575 = arith.constant 0 : i32
        %dma_wait3A_576 = arith.constant 0 : i32
        %dma_wait3A_577 = tpu.memref_slice %arg6[%run_scoped3A_502, %dma_wait3A_575, %dma_wait3A_576] : memref<3x2x128xi32, #tpu.memory_space<vmem>> -> memref<1x2x128xi32, #tpu.memory_space<vmem>>
        %dma_wait3A_578 = tpu.memref_squeeze %dma_wait3A_577 : memref<1x2x128xi32, #tpu.memory_space<vmem>> -> memref<2x128xi32, #tpu.memory_space<vmem>>
        %dma_wait3A_579 = arith.constant 0 : i32
        %dma_wait3A_580 = arith.constant 0 : i32
        %dma_wait3A_581 = tpu.memref_slice %arg3[%add3A, %add3A_480, %dma_wait3A_579, %dma_wait3A_580] : memref<32x79x2x128xi32, #tpu.memory_space<hbm>> -> memref<1x1x2x128xi32, #tpu.memory_space<hbm>>
        %dma_wait3A_582 = tpu.memref_squeeze %dma_wait3A_581 : memref<1x1x2x128xi32, #tpu.memory_space<hbm>> -> memref<2x128xi32, #tpu.memory_space<hbm>>
        tpu.wait_dma2 semaphore(%run_scoped3A_550 : memref<!tpu.dma_semaphore, #tpu.memory_space<semaphore_mem>>) src(%dma_wait3A_582 : memref<2x128xi32, #tpu.memory_space<hbm>>) dst(%dma_wait3A_578 : memref<2x128xi32, #tpu.memory_space<vmem>>)
        tpu.yield
      }) : () -> ()
      %dma_start3A_503 = arith.constant 2 : i32
      %dma_start3A_504 = arith.constant 0 : i32
      %dma_start3A_505 = arith.constant 2 : i32
      %dma_start3A_506 = arith.constant 0 : i32
      %dma_start3A_507 = arith.constant 0 : i32
      %dma_start3A_508 = tpu.memref_slice %arg7[%dma_start3A_505, %dma_start3A_506, %dma_start3A_507] : memref<3x128x128xbf16, #tpu.memory_space<vmem>> -> memref<1x128x128xbf16, #tpu.memory_space<vmem>>
      %dma_start3A_509 = tpu.memref_squeeze %dma_start3A_508 : memref<1x128x128xbf16, #tpu.memory_space<vmem>> -> memref<128x128xbf16, #tpu.memory_space<vmem>>
      %dma_start3A_510 = arith.constant 0 : i32
      %dma_start3A_511 = tpu.memref_slice %arg6[%dma_start3A_503, %dma_start3A_504, %dma_start3A_510] : memref<3x2x128xi32, #tpu.memory_space<vmem>> -> memref<1x1x128xi32, #tpu.memory_space<vmem>>
      %dma_start3A_512 = tpu.memref_squeeze %dma_start3A_511 : memref<1x1x128xi32, #tpu.memory_space<vmem>> -> memref<128xi32, #tpu.memory_space<vmem>>
      %dma_start3A_513 = arith.constant 0 : i32
      %dma_start3A_514 = arith.constant 0 : i32
      %dma_start3A_515 = tpu.memref_slice %arg2[%dma_start3A_513, %dma_start3A_514] : memref<10000x128xbf16, #tpu.memory_space<hbm>> -> memref<10000x128xbf16, #tpu.memory_space<hbm>>
      tpu.enqueue_indirect_dma source(%dma_start3A_515 : memref<10000x128xbf16, #tpu.memory_space<hbm>>) target(%dma_start3A_509 : memref<128x128xbf16, #tpu.memory_space<vmem>>) offsets(%dma_start3A_512 : memref<128xi32, #tpu.memory_space<vmem>>) semaphore(%arg12 : memref<!tpu.dma_semaphore, #tpu.memory_space<semaphore_mem>>)
      %dma_wait3A_516 = arith.constant 0 : i32
      %dma_wait3A_517 = arith.constant 0 : i32
      %dma_wait3A_518 = arith.constant 0 : i32
      %dma_wait3A_519 = arith.constant 0 : i32
      %dma_wait3A_520 = arith.constant 0 : i32
      %dma_wait3A_521 = tpu.memref_slice %arg7[%dma_wait3A_518, %dma_wait3A_519, %dma_wait3A_520] : memref<3x128x128xbf16, #tpu.memory_space<vmem>> -> memref<1x128x128xbf16, #tpu.memory_space<vmem>>
      %dma_wait3A_522 = tpu.memref_squeeze %dma_wait3A_521 : memref<1x128x128xbf16, #tpu.memory_space<vmem>> -> memref<128x128xbf16, #tpu.memory_space<vmem>>
      %dma_wait3A_523 = arith.constant 0 : i32
      %dma_wait3A_524 = tpu.memref_slice %arg6[%dma_wait3A_516, %dma_wait3A_517, %dma_wait3A_523] : memref<3x2x128xi32, #tpu.memory_space<vmem>> -> memref<1x1x128xi32, #tpu.memory_space<vmem>>
      %dma_wait3A_525 = tpu.memref_squeeze %dma_wait3A_524 : memref<1x1x128xi32, #tpu.memory_space<vmem>> -> memref<128xi32, #tpu.memory_space<vmem>>
      %dma_wait3A_526 = arith.constant 0 : i32
      %dma_wait3A_527 = arith.constant 0 : i32
      %dma_wait3A_528 = tpu.memref_slice %arg2[%dma_wait3A_526, %dma_wait3A_527] : memref<10000x128xbf16, #tpu.memory_space<hbm>> -> memref<10000x128xbf16, #tpu.memory_space<hbm>>
      tpu.wait_indirect_dma semaphore(%arg10 : memref<!tpu.dma_semaphore, #tpu.memory_space<semaphore_mem>>) src(%dma_wait3A_528 : memref<10000x128xbf16, #tpu.memory_space<hbm>>) dst(%dma_wait3A_522 : memref<128x128xbf16, #tpu.memory_space<vmem>>)
      %dma_start3A_529 = arith.constant 0 : i32
      %dma_start3A_530 = arith.constant 0 : i32
      %dma_start3A_531 = arith.constant 1 : i32
      %dma_start3A_532 = arith.constant 0 : i32
      %dma_start3A_533 = arith.constant 0 : i32
      %dma_start3A_534 = tpu.memref_slice %arg7[%dma_start3A_529, %dma_start3A_532, %dma_start3A_533] : memref<3x128x128xbf16, #tpu.memory_space<vmem>> -> memref<1x128x128xbf16, #tpu.memory_space<vmem>>
      %dma_start3A_535 = tpu.memref_squeeze %dma_start3A_534 : memref<1x128x128xbf16, #tpu.memory_space<vmem>> -> memref<128x128xbf16, #tpu.memory_space<vmem>>
      %dma_start3A_536 = arith.constant 0 : i32
      %dma_start3A_537 = tpu.memref_slice %arg6[%dma_start3A_530, %dma_start3A_531, %dma_start3A_536] : memref<3x2x128xi32, #tpu.memory_space<vmem>> -> memref<1x1x128xi32, #tpu.memory_space<vmem>>
      %dma_start3A_538 = tpu.memref_squeeze %dma_start3A_537 : memref<1x1x128xi32, #tpu.memory_space<vmem>> -> memref<128xi32, #tpu.memory_space<vmem>>
      %dma_start3A_539 = arith.constant 0 : i32
      %dma_start3A_540 = arith.constant 0 : i32
      %dma_start3A_541 = tpu.memref_slice %arg9[%dma_start3A_539, %dma_start3A_540] : memref<10240x128xbf16, #tpu.memory_space<vmem_shared>> -> memref<10240x128xbf16, #tpu.memory_space<vmem_shared>>
      tpu.enqueue_indirect_dma source(%dma_start3A_535 : memref<128x128xbf16, #tpu.memory_space<vmem>>) target(%dma_start3A_541 : memref<10240x128xbf16, #tpu.memory_space<vmem_shared>>) offsets(%dma_start3A_538 : memref<128xi32, #tpu.memory_space<vmem>>) semaphore(%arg13 : memref<!tpu.dma_semaphore, #tpu.memory_space<semaphore_mem>>) {add = true}
      %dma_start3A_542 = arith.constant 0 : i32
      %dma_start3A_543 = arith.constant 1 : i32
      %dma_start3A_544 = arith.constant 0 : i32
      %dma_start3A_545 = tpu.memref_slice %arg6[%dma_start3A_542, %dma_start3A_543, %dma_start3A_544] : memref<3x2x128xi32, #tpu.memory_space<vmem>> -> memref<1x1x128xi32, #tpu.memory_space<vmem>>
      %dma_start3A_546 = tpu.memref_squeeze %dma_start3A_545 : memref<1x1x128xi32, #tpu.memory_space<vmem>> -> memref<128xi32, #tpu.memory_space<vmem>>
      %dma_start3A_547 = arith.constant 0 : i32
      %dma_start3A_548 = arith.constant 0 : i32
      %dma_start3A_549 = tpu.memref_slice %arg18[%dma_start3A_547, %dma_start3A_548] : memref<10240x16xf32, #tpu.memory_space<vmem_shared>> -> memref<10240x16xf32, #tpu.memory_space<vmem_shared>>
      tpu.enqueue_indirect_dma source(%arg16 : memref<128x16xf32, #tpu.memory_space<vmem>>) target(%dma_start3A_549 : memref<10240x16xf32, #tpu.memory_space<vmem_shared>>) offsets(%dma_start3A_546 : memref<128xi32, #tpu.memory_space<vmem>>) semaphore(%arg13 : memref<!tpu.dma_semaphore, #tpu.memory_space<semaphore_mem>>) {add = true}
    }
    %scan3A_122 = arith.constant 25 : i32
    %dma_wait3A_123 = arith.constant 0 : i32
    %dma_wait3A_124 = arith.constant 0 : i32
    %dma_wait3A_125 = arith.constant 1 : i32
    %dma_wait3A_126 = arith.constant 0 : i32
    %dma_wait3A_127 = arith.constant 0 : i32
    %dma_wait3A_128 = tpu.memref_slice %arg7[%dma_wait3A_123, %dma_wait3A_126, %dma_wait3A_127] : memref<3x128x128xbf16, #tpu.memory_space<vmem>> -> memref<1x128x128xbf16, #tpu.memory_space<vmem>>
    %dma_wait3A_129 = tpu.memref_squeeze %dma_wait3A_128 : memref<1x128x128xbf16, #tpu.memory_space<vmem>> -> memref<128x128xbf16, #tpu.memory_space<vmem>>
    %dma_wait3A_130 = arith.constant 0 : i32
    %dma_wait3A_131 = tpu.memref_slice %arg6[%dma_wait3A_124, %dma_wait3A_125, %dma_wait3A_130] : memref<3x2x128xi32, #tpu.memory_space<vmem>> -> memref<1x1x128xi32, #tpu.memory_space<vmem>>
    %dma_wait3A_132 = tpu.memref_squeeze %dma_wait3A_131 : memref<1x1x128xi32, #tpu.memory_space<vmem>> -> memref<128xi32, #tpu.memory_space<vmem>>
    %dma_wait3A_133 = arith.constant 0 : i32
    %dma_wait3A_134 = arith.constant 0 : i32
    %dma_wait3A_135 = tpu.memref_slice %arg9[%dma_wait3A_133, %dma_wait3A_134] : memref<10240x128xbf16, #tpu.memory_space<vmem_shared>> -> memref<10240x128xbf16, #tpu.memory_space<vmem_shared>>
    tpu.wait_indirect_dma semaphore(%arg13 : memref<!tpu.dma_semaphore, #tpu.memory_space<semaphore_mem>>) src(%dma_wait3A_129 : memref<128x128xbf16, #tpu.memory_space<vmem>>) dst(%dma_wait3A_135 : memref<10240x128xbf16, #tpu.memory_space<vmem_shared>>)
    %dma_wait3A_136 = arith.constant 0 : i32
    %dma_wait3A_137 = arith.constant 1 : i32
    %dma_wait3A_138 = arith.constant 0 : i32
    %dma_wait3A_139 = tpu.memref_slice %arg6[%dma_wait3A_136, %dma_wait3A_137, %dma_wait3A_138] : memref<3x2x128xi32, #tpu.memory_space<vmem>> -> memref<1x1x128xi32, #tpu.memory_space<vmem>>
    %dma_wait3A_140 = tpu.memref_squeeze %dma_wait3A_139 : memref<1x1x128xi32, #tpu.memory_space<vmem>> -> memref<128xi32, #tpu.memory_space<vmem>>
    %dma_wait3A_141 = arith.constant 0 : i32
    %dma_wait3A_142 = arith.constant 0 : i32
    %dma_wait3A_143 = tpu.memref_slice %arg18[%dma_wait3A_141, %dma_wait3A_142] : memref<10240x16xf32, #tpu.memory_space<vmem_shared>> -> memref<10240x16xf32, #tpu.memory_space<vmem_shared>>
    tpu.wait_indirect_dma semaphore(%arg13 : memref<!tpu.dma_semaphore, #tpu.memory_space<semaphore_mem>>) src(%arg16 : memref<128x16xf32, #tpu.memory_space<vmem>>) dst(%dma_wait3A_143 : memref<10240x16xf32, #tpu.memory_space<vmem_shared>>)
    %run_scoped3A_144 = arith.constant 78 : i32
    %run_scoped3A_145 = arith.constant 0 : i32
    "tpu.region"() ({
      %run_scoped3A_334 = tpu.sem_alloc : memref<!tpu.dma_semaphore, #tpu.memory_space<semaphore_mem>>
      %dma_start3A_335 = arith.constant 0 : i32
      %dma_start3A_336 = arith.constant 0 : i32
      %dma_start3A_337 = tpu.memref_slice %arg6[%run_scoped3A_145, %dma_start3A_335, %dma_start3A_336] : memref<3x2x128xi32, #tpu.memory_space<vmem>> -> memref<1x2x128xi32, #tpu.memory_space<vmem>>
      %dma_start3A_338 = tpu.memref_squeeze %dma_start3A_337 : memref<1x2x128xi32, #tpu.memory_space<vmem>> -> memref<2x128xi32, #tpu.memory_space<vmem>>
      %dma_start3A_339 = arith.constant 0 : i32
      %dma_start3A_340 = arith.constant 0 : i32
      %dma_start3A_341 = tpu.memref_slice %arg3[%add3A, %run_scoped3A_144, %dma_start3A_339, %dma_start3A_340] : memref<32x79x2x128xi32, #tpu.memory_space<hbm>> -> memref<1x1x2x128xi32, #tpu.memory_space<hbm>>
      %dma_start3A_342 = tpu.memref_squeeze %dma_start3A_341 : memref<1x1x2x128xi32, #tpu.memory_space<hbm>> -> memref<2x128xi32, #tpu.memory_space<hbm>>
      %dma_start3A_343 = arith.constant 0 : i32
      %dma_start3A_344 = arith.constant 0 : i32
      %dma_start3A_345 = tpu.memref_slice %arg6[%run_scoped3A_145, %dma_start3A_343, %dma_start3A_344] : memref<3x2x128xi32, #tpu.memory_space<vmem>> -> memref<1x2x128xi32, #tpu.memory_space<vmem>>
      %dma_start3A_346 = tpu.memref_squeeze %dma_start3A_345 : memref<1x2x128xi32, #tpu.memory_space<vmem>> -> memref<2x128xi32, #tpu.memory_space<vmem>>
      %dma_start3A_347 = arith.constant 0 : i32
      %dma_start3A_348 = arith.constant 0 : i32
      %dma_start3A_349 = tpu.memref_slice %arg3[%add3A, %run_scoped3A_144, %dma_start3A_347, %dma_start3A_348] : memref<32x79x2x128xi32, #tpu.memory_space<hbm>> -> memref<1x1x2x128xi32, #tpu.memory_space<hbm>>
      %dma_start3A_350 = tpu.memref_squeeze %dma_start3A_349 : memref<1x1x2x128xi32, #tpu.memory_space<hbm>> -> memref<2x128xi32, #tpu.memory_space<hbm>>
      tpu.enqueue_dma source(%dma_start3A_350 : memref<2x128xi32, #tpu.memory_space<hbm>>) target(%dma_start3A_346 : memref<2x128xi32, #tpu.memory_space<vmem>>) target_semaphore(%run_scoped3A_334 : memref<!tpu.dma_semaphore, #tpu.memory_space<semaphore_mem>>)
      %dma_wait3A_351 = arith.constant 0 : i32
      %dma_wait3A_352 = arith.constant 0 : i32
      %dma_wait3A_353 = tpu.memref_slice %arg6[%run_scoped3A_145, %dma_wait3A_351, %dma_wait3A_352] : memref<3x2x128xi32, #tpu.memory_space<vmem>> -> memref<1x2x128xi32, #tpu.memory_space<vmem>>
      %dma_wait3A_354 = tpu.memref_squeeze %dma_wait3A_353 : memref<1x2x128xi32, #tpu.memory_space<vmem>> -> memref<2x128xi32, #tpu.memory_space<vmem>>
      %dma_wait3A_355 = arith.constant 0 : i32
      %dma_wait3A_356 = arith.constant 0 : i32
      %dma_wait3A_357 = tpu.memref_slice %arg3[%add3A, %run_scoped3A_144, %dma_wait3A_355, %dma_wait3A_356] : memref<32x79x2x128xi32, #tpu.memory_space<hbm>> -> memref<1x1x2x128xi32, #tpu.memory_space<hbm>>
      %dma_wait3A_358 = tpu.memref_squeeze %dma_wait3A_357 : memref<1x1x2x128xi32, #tpu.memory_space<hbm>> -> memref<2x128xi32, #tpu.memory_space<hbm>>
      %dma_wait3A_359 = arith.constant 0 : i32
      %dma_wait3A_360 = arith.constant 0 : i32
      %dma_wait3A_361 = tpu.memref_slice %arg6[%run_scoped3A_145, %dma_wait3A_359, %dma_wait3A_360] : memref<3x2x128xi32, #tpu.memory_space<vmem>> -> memref<1x2x128xi32, #tpu.memory_space<vmem>>
      %dma_wait3A_362 = tpu.memref_squeeze %dma_wait3A_361 : memref<1x2x128xi32, #tpu.memory_space<vmem>> -> memref<2x128xi32, #tpu.memory_space<vmem>>
      %dma_wait3A_363 = arith.constant 0 : i32
      %dma_wait3A_364 = arith.constant 0 : i32
      %dma_wait3A_365 = tpu.memref_slice %arg3[%add3A, %run_scoped3A_144, %dma_wait3A_363, %dma_wait3A_364] : memref<32x79x2x128xi32, #tpu.memory_space<hbm>> -> memref<1x1x2x128xi32, #tpu.memory_space<hbm>>
      %dma_wait3A_366 = tpu.memref_squeeze %dma_wait3A_365 : memref<1x1x2x128xi32, #tpu.memory_space<hbm>> -> memref<2x128xi32, #tpu.memory_space<hbm>>
      tpu.wait_dma2 semaphore(%run_scoped3A_334 : memref<!tpu.dma_semaphore, #tpu.memory_space<semaphore_mem>>) src(%dma_wait3A_366 : memref<2x128xi32, #tpu.memory_space<hbm>>) dst(%dma_wait3A_362 : memref<2x128xi32, #tpu.memory_space<vmem>>)
      tpu.yield
    }) : () -> ()
    %dma_start3A_146 = arith.constant 0 : i32
    %dma_start3A_147 = arith.constant 0 : i32
    %dma_start3A_148 = arith.constant 0 : i32
    %dma_start3A_149 = arith.constant 0 : i32
    %dma_start3A_150 = arith.constant 0 : i32
    %dma_start3A_151 = tpu.memref_slice %arg7[%dma_start3A_148, %dma_start3A_149, %dma_start3A_150] : memref<3x128x128xbf16, #tpu.memory_space<vmem>> -> memref<1x128x128xbf16, #tpu.memory_space<vmem>>
    %dma_start3A_152 = tpu.memref_squeeze %dma_start3A_151 : memref<1x128x128xbf16, #tpu.memory_space<vmem>> -> memref<128x128xbf16, #tpu.memory_space<vmem>>
    %dma_start3A_153 = arith.constant 0 : i32
    %dma_start3A_154 = tpu.memref_slice %arg6[%dma_start3A_146, %dma_start3A_147, %dma_start3A_153] : memref<3x2x128xi32, #tpu.memory_space<vmem>> -> memref<1x1x128xi32, #tpu.memory_space<vmem>>
    %dma_start3A_155 = tpu.memref_squeeze %dma_start3A_154 : memref<1x1x128xi32, #tpu.memory_space<vmem>> -> memref<128xi32, #tpu.memory_space<vmem>>
    %dma_start3A_156 = arith.constant 0 : i32
    %dma_start3A_157 = arith.constant 0 : i32
    %dma_start3A_158 = tpu.memref_slice %arg2[%dma_start3A_156, %dma_start3A_157] : memref<10000x128xbf16, #tpu.memory_space<hbm>> -> memref<10000x128xbf16, #tpu.memory_space<hbm>>
    tpu.enqueue_indirect_dma source(%dma_start3A_158 : memref<10000x128xbf16, #tpu.memory_space<hbm>>) target(%dma_start3A_152 : memref<128x128xbf16, #tpu.memory_space<vmem>>) offsets(%dma_start3A_155 : memref<128xi32, #tpu.memory_space<vmem>>) semaphore(%arg10 : memref<!tpu.dma_semaphore, #tpu.memory_space<semaphore_mem>>)
    %dma_wait3A_159 = arith.constant 1 : i32
    %dma_wait3A_160 = arith.constant 0 : i32
    %dma_wait3A_161 = arith.constant 1 : i32
    %dma_wait3A_162 = arith.constant 0 : i32
    %dma_wait3A_163 = arith.constant 0 : i32
    %dma_wait3A_164 = tpu.memref_slice %arg7[%dma_wait3A_161, %dma_wait3A_162, %dma_wait3A_163] : memref<3x128x128xbf16, #tpu.memory_space<vmem>> -> memref<1x128x128xbf16, #tpu.memory_space<vmem>>
    %dma_wait3A_165 = tpu.memref_squeeze %dma_wait3A_164 : memref<1x128x128xbf16, #tpu.memory_space<vmem>> -> memref<128x128xbf16, #tpu.memory_space<vmem>>
    %dma_wait3A_166 = arith.constant 0 : i32
    %dma_wait3A_167 = tpu.memref_slice %arg6[%dma_wait3A_159, %dma_wait3A_160, %dma_wait3A_166] : memref<3x2x128xi32, #tpu.memory_space<vmem>> -> memref<1x1x128xi32, #tpu.memory_space<vmem>>
    %dma_wait3A_168 = tpu.memref_squeeze %dma_wait3A_167 : memref<1x1x128xi32, #tpu.memory_space<vmem>> -> memref<128xi32, #tpu.memory_space<vmem>>
    %dma_wait3A_169 = arith.constant 0 : i32
    %dma_wait3A_170 = arith.constant 0 : i32
    %dma_wait3A_171 = tpu.memref_slice %arg2[%dma_wait3A_169, %dma_wait3A_170] : memref<10000x128xbf16, #tpu.memory_space<hbm>> -> memref<10000x128xbf16, #tpu.memory_space<hbm>>
    tpu.wait_indirect_dma semaphore(%arg11 : memref<!tpu.dma_semaphore, #tpu.memory_space<semaphore_mem>>) src(%dma_wait3A_171 : memref<10000x128xbf16, #tpu.memory_space<hbm>>) dst(%dma_wait3A_165 : memref<128x128xbf16, #tpu.memory_space<vmem>>)
    %dma_start3A_172 = arith.constant 1 : i32
    %dma_start3A_173 = arith.constant 1 : i32
    %dma_start3A_174 = arith.constant 1 : i32
    %dma_start3A_175 = arith.constant 0 : i32
    %dma_start3A_176 = arith.constant 0 : i32
    %dma_start3A_177 = tpu.memref_slice %arg7[%dma_start3A_172, %dma_start3A_175, %dma_start3A_176] : memref<3x128x128xbf16, #tpu.memory_space<vmem>> -> memref<1x128x128xbf16, #tpu.memory_space<vmem>>
    %dma_start3A_178 = tpu.memref_squeeze %dma_start3A_177 : memref<1x128x128xbf16, #tpu.memory_space<vmem>> -> memref<128x128xbf16, #tpu.memory_space<vmem>>
    %dma_start3A_179 = arith.constant 0 : i32
    %dma_start3A_180 = tpu.memref_slice %arg6[%dma_start3A_173, %dma_start3A_174, %dma_start3A_179] : memref<3x2x128xi32, #tpu.memory_space<vmem>> -> memref<1x1x128xi32, #tpu.memory_space<vmem>>
    %dma_start3A_181 = tpu.memref_squeeze %dma_start3A_180 : memref<1x1x128xi32, #tpu.memory_space<vmem>> -> memref<128xi32, #tpu.memory_space<vmem>>
    %dma_start3A_182 = arith.constant 0 : i32
    %dma_start3A_183 = arith.constant 0 : i32
    %dma_start3A_184 = tpu.memref_slice %arg9[%dma_start3A_182, %dma_start3A_183] : memref<10240x128xbf16, #tpu.memory_space<vmem_shared>> -> memref<10240x128xbf16, #tpu.memory_space<vmem_shared>>
    tpu.enqueue_indirect_dma source(%dma_start3A_178 : memref<128x128xbf16, #tpu.memory_space<vmem>>) target(%dma_start3A_184 : memref<10240x128xbf16, #tpu.memory_space<vmem_shared>>) offsets(%dma_start3A_181 : memref<128xi32, #tpu.memory_space<vmem>>) semaphore(%arg14 : memref<!tpu.dma_semaphore, #tpu.memory_space<semaphore_mem>>) {add = true}
    %dma_start3A_185 = arith.constant 1 : i32
    %dma_start3A_186 = arith.constant 1 : i32
    %dma_start3A_187 = arith.constant 0 : i32
    %dma_start3A_188 = tpu.memref_slice %arg6[%dma_start3A_185, %dma_start3A_186, %dma_start3A_187] : memref<3x2x128xi32, #tpu.memory_space<vmem>> -> memref<1x1x128xi32, #tpu.memory_space<vmem>>
    %dma_start3A_189 = tpu.memref_squeeze %dma_start3A_188 : memref<1x1x128xi32, #tpu.memory_space<vmem>> -> memref<128xi32, #tpu.memory_space<vmem>>
    %dma_start3A_190 = arith.constant 0 : i32
    %dma_start3A_191 = arith.constant 0 : i32
    %dma_start3A_192 = tpu.memref_slice %arg18[%dma_start3A_190, %dma_start3A_191] : memref<10240x16xf32, #tpu.memory_space<vmem_shared>> -> memref<10240x16xf32, #tpu.memory_space<vmem_shared>>
    tpu.enqueue_indirect_dma source(%arg16 : memref<128x16xf32, #tpu.memory_space<vmem>>) target(%dma_start3A_192 : memref<10240x16xf32, #tpu.memory_space<vmem_shared>>) offsets(%dma_start3A_189 : memref<128xi32, #tpu.memory_space<vmem>>) semaphore(%arg14 : memref<!tpu.dma_semaphore, #tpu.memory_space<semaphore_mem>>) {add = true}
    %dma_wait3A_193 = arith.constant 2 : i32
    %dma_wait3A_194 = arith.constant 0 : i32
    %dma_wait3A_195 = arith.constant 2 : i32
    %dma_wait3A_196 = arith.constant 0 : i32
    %dma_wait3A_197 = arith.constant 0 : i32
    %dma_wait3A_198 = tpu.memref_slice %arg7[%dma_wait3A_195, %dma_wait3A_196, %dma_wait3A_197] : memref<3x128x128xbf16, #tpu.memory_space<vmem>> -> memref<1x128x128xbf16, #tpu.memory_space<vmem>>
    %dma_wait3A_199 = tpu.memref_squeeze %dma_wait3A_198 : memref<1x128x128xbf16, #tpu.memory_space<vmem>> -> memref<128x128xbf16, #tpu.memory_space<vmem>>
    %dma_wait3A_200 = arith.constant 0 : i32
    %dma_wait3A_201 = tpu.memref_slice %arg6[%dma_wait3A_193, %dma_wait3A_194, %dma_wait3A_200] : memref<3x2x128xi32, #tpu.memory_space<vmem>> -> memref<1x1x128xi32, #tpu.memory_space<vmem>>
    %dma_wait3A_202 = tpu.memref_squeeze %dma_wait3A_201 : memref<1x1x128xi32, #tpu.memory_space<vmem>> -> memref<128xi32, #tpu.memory_space<vmem>>
    %dma_wait3A_203 = arith.constant 0 : i32
    %dma_wait3A_204 = arith.constant 0 : i32
    %dma_wait3A_205 = tpu.memref_slice %arg2[%dma_wait3A_203, %dma_wait3A_204] : memref<10000x128xbf16, #tpu.memory_space<hbm>> -> memref<10000x128xbf16, #tpu.memory_space<hbm>>
    tpu.wait_indirect_dma semaphore(%arg12 : memref<!tpu.dma_semaphore, #tpu.memory_space<semaphore_mem>>) src(%dma_wait3A_205 : memref<10000x128xbf16, #tpu.memory_space<hbm>>) dst(%dma_wait3A_199 : memref<128x128xbf16, #tpu.memory_space<vmem>>)
    %dma_start3A_206 = arith.constant 2 : i32
    %dma_start3A_207 = arith.constant 2 : i32
    %dma_start3A_208 = arith.constant 1 : i32
    %dma_start3A_209 = arith.constant 0 : i32
    %dma_start3A_210 = arith.constant 0 : i32
    %dma_start3A_211 = tpu.memref_slice %arg7[%dma_start3A_206, %dma_start3A_209, %dma_start3A_210] : memref<3x128x128xbf16, #tpu.memory_space<vmem>> -> memref<1x128x128xbf16, #tpu.memory_space<vmem>>
    %dma_start3A_212 = tpu.memref_squeeze %dma_start3A_211 : memref<1x128x128xbf16, #tpu.memory_space<vmem>> -> memref<128x128xbf16, #tpu.memory_space<vmem>>
    %dma_start3A_213 = arith.constant 0 : i32
    %dma_start3A_214 = tpu.memref_slice %arg6[%dma_start3A_207, %dma_start3A_208, %dma_start3A_213] : memref<3x2x128xi32, #tpu.memory_space<vmem>> -> memref<1x1x128xi32, #tpu.memory_space<vmem>>
    %dma_start3A_215 = tpu.memref_squeeze %dma_start3A_214 : memref<1x1x128xi32, #tpu.memory_space<vmem>> -> memref<128xi32, #tpu.memory_space<vmem>>
    %dma_start3A_216 = arith.constant 0 : i32
    %dma_start3A_217 = arith.constant 0 : i32
    %dma_start3A_218 = tpu.memref_slice %arg9[%dma_start3A_216, %dma_start3A_217] : memref<10240x128xbf16, #tpu.memory_space<vmem_shared>> -> memref<10240x128xbf16, #tpu.memory_space<vmem_shared>>
    tpu.enqueue_indirect_dma source(%dma_start3A_212 : memref<128x128xbf16, #tpu.memory_space<vmem>>) target(%dma_start3A_218 : memref<10240x128xbf16, #tpu.memory_space<vmem_shared>>) offsets(%dma_start3A_215 : memref<128xi32, #tpu.memory_space<vmem>>) semaphore(%arg15 : memref<!tpu.dma_semaphore, #tpu.memory_space<semaphore_mem>>) {add = true}
    %dma_start3A_219 = arith.constant 2 : i32
    %dma_start3A_220 = arith.constant 1 : i32
    %dma_start3A_221 = arith.constant 0 : i32
    %dma_start3A_222 = tpu.memref_slice %arg6[%dma_start3A_219, %dma_start3A_220, %dma_start3A_221] : memref<3x2x128xi32, #tpu.memory_space<vmem>> -> memref<1x1x128xi32, #tpu.memory_space<vmem>>
    %dma_start3A_223 = tpu.memref_squeeze %dma_start3A_222 : memref<1x1x128xi32, #tpu.memory_space<vmem>> -> memref<128xi32, #tpu.memory_space<vmem>>
    %dma_start3A_224 = arith.constant 0 : i32
    %dma_start3A_225 = arith.constant 0 : i32
    %dma_start3A_226 = tpu.memref_slice %arg18[%dma_start3A_224, %dma_start3A_225] : memref<10240x16xf32, #tpu.memory_space<vmem_shared>> -> memref<10240x16xf32, #tpu.memory_space<vmem_shared>>
    tpu.enqueue_indirect_dma source(%arg16 : memref<128x16xf32, #tpu.memory_space<vmem>>) target(%dma_start3A_226 : memref<10240x16xf32, #tpu.memory_space<vmem_shared>>) offsets(%dma_start3A_223 : memref<128xi32, #tpu.memory_space<vmem>>) semaphore(%arg15 : memref<!tpu.dma_semaphore, #tpu.memory_space<semaphore_mem>>) {add = true}
    %dma_wait3A_227 = arith.constant 0 : i32
    %dma_wait3A_228 = arith.constant 0 : i32
    %dma_wait3A_229 = arith.constant 0 : i32
    %dma_wait3A_230 = arith.constant 0 : i32
    %dma_wait3A_231 = arith.constant 0 : i32
    %dma_wait3A_232 = tpu.memref_slice %arg7[%dma_wait3A_229, %dma_wait3A_230, %dma_wait3A_231] : memref<3x128x128xbf16, #tpu.memory_space<vmem>> -> memref<1x128x128xbf16, #tpu.memory_space<vmem>>
    %dma_wait3A_233 = tpu.memref_squeeze %dma_wait3A_232 : memref<1x128x128xbf16, #tpu.memory_space<vmem>> -> memref<128x128xbf16, #tpu.memory_space<vmem>>
    %dma_wait3A_234 = arith.constant 0 : i32
    %dma_wait3A_235 = tpu.memref_slice %arg6[%dma_wait3A_227, %dma_wait3A_228, %dma_wait3A_234] : memref<3x2x128xi32, #tpu.memory_space<vmem>> -> memref<1x1x128xi32, #tpu.memory_space<vmem>>
    %dma_wait3A_236 = tpu.memref_squeeze %dma_wait3A_235 : memref<1x1x128xi32, #tpu.memory_space<vmem>> -> memref<128xi32, #tpu.memory_space<vmem>>
    %dma_wait3A_237 = arith.constant 0 : i32
    %dma_wait3A_238 = arith.constant 0 : i32
    %dma_wait3A_239 = tpu.memref_slice %arg2[%dma_wait3A_237, %dma_wait3A_238] : memref<10000x128xbf16, #tpu.memory_space<hbm>> -> memref<10000x128xbf16, #tpu.memory_space<hbm>>
    tpu.wait_indirect_dma semaphore(%arg10 : memref<!tpu.dma_semaphore, #tpu.memory_space<semaphore_mem>>) src(%dma_wait3A_239 : memref<10000x128xbf16, #tpu.memory_space<hbm>>) dst(%dma_wait3A_233 : memref<128x128xbf16, #tpu.memory_space<vmem>>)
    %dma_start3A_240 = arith.constant 0 : i32
    %dma_start3A_241 = arith.constant 0 : i32
    %dma_start3A_242 = arith.constant 1 : i32
    %dma_start3A_243 = arith.constant 0 : i32
    %dma_start3A_244 = arith.constant 0 : i32
    %dma_start3A_245 = tpu.memref_slice %arg7[%dma_start3A_240, %dma_start3A_243, %dma_start3A_244] : memref<3x128x128xbf16, #tpu.memory_space<vmem>> -> memref<1x128x128xbf16, #tpu.memory_space<vmem>>
    %dma_start3A_246 = tpu.memref_squeeze %dma_start3A_245 : memref<1x128x128xbf16, #tpu.memory_space<vmem>> -> memref<128x128xbf16, #tpu.memory_space<vmem>>
    %dma_start3A_247 = arith.constant 0 : i32
    %dma_start3A_248 = tpu.memref_slice %arg6[%dma_start3A_241, %dma_start3A_242, %dma_start3A_247] : memref<3x2x128xi32, #tpu.memory_space<vmem>> -> memref<1x1x128xi32, #tpu.memory_space<vmem>>
    %dma_start3A_249 = tpu.memref_squeeze %dma_start3A_248 : memref<1x1x128xi32, #tpu.memory_space<vmem>> -> memref<128xi32, #tpu.memory_space<vmem>>
    %dma_start3A_250 = arith.constant 0 : i32
    %dma_start3A_251 = arith.constant 0 : i32
    %dma_start3A_252 = tpu.memref_slice %arg9[%dma_start3A_250, %dma_start3A_251] : memref<10240x128xbf16, #tpu.memory_space<vmem_shared>> -> memref<10240x128xbf16, #tpu.memory_space<vmem_shared>>
    tpu.enqueue_indirect_dma source(%dma_start3A_246 : memref<128x128xbf16, #tpu.memory_space<vmem>>) target(%dma_start3A_252 : memref<10240x128xbf16, #tpu.memory_space<vmem_shared>>) offsets(%dma_start3A_249 : memref<128xi32, #tpu.memory_space<vmem>>) semaphore(%arg13 : memref<!tpu.dma_semaphore, #tpu.memory_space<semaphore_mem>>) {add = true}
    %dma_start3A_253 = arith.constant 0 : i32
    %dma_start3A_254 = arith.constant 1 : i32
    %dma_start3A_255 = arith.constant 0 : i32
    %dma_start3A_256 = tpu.memref_slice %arg6[%dma_start3A_253, %dma_start3A_254, %dma_start3A_255] : memref<3x2x128xi32, #tpu.memory_space<vmem>> -> memref<1x1x128xi32, #tpu.memory_space<vmem>>
    %dma_start3A_257 = tpu.memref_squeeze %dma_start3A_256 : memref<1x1x128xi32, #tpu.memory_space<vmem>> -> memref<128xi32, #tpu.memory_space<vmem>>
    %dma_start3A_258 = arith.constant 0 : i32
    %dma_start3A_259 = arith.constant 0 : i32
    %dma_start3A_260 = tpu.memref_slice %arg18[%dma_start3A_258, %dma_start3A_259] : memref<10240x16xf32, #tpu.memory_space<vmem_shared>> -> memref<10240x16xf32, #tpu.memory_space<vmem_shared>>
    tpu.enqueue_indirect_dma source(%arg16 : memref<128x16xf32, #tpu.memory_space<vmem>>) target(%dma_start3A_260 : memref<10240x16xf32, #tpu.memory_space<vmem_shared>>) offsets(%dma_start3A_257 : memref<128xi32, #tpu.memory_space<vmem>>) semaphore(%arg13 : memref<!tpu.dma_semaphore, #tpu.memory_space<semaphore_mem>>) {add = true}
    %dma_wait3A_261 = arith.constant 1 : i32
    %dma_wait3A_262 = arith.constant 1 : i32
    %dma_wait3A_263 = arith.constant 1 : i32
    %dma_wait3A_264 = arith.constant 0 : i32
    %dma_wait3A_265 = arith.constant 0 : i32
    %dma_wait3A_266 = tpu.memref_slice %arg7[%dma_wait3A_261, %dma_wait3A_264, %dma_wait3A_265] : memref<3x128x128xbf16, #tpu.memory_space<vmem>> -> memref<1x128x128xbf16, #tpu.memory_space<vmem>>
    %dma_wait3A_267 = tpu.memref_squeeze %dma_wait3A_266 : memref<1x128x128xbf16, #tpu.memory_space<vmem>> -> memref<128x128xbf16, #tpu.memory_space<vmem>>
    %dma_wait3A_268 = arith.constant 0 : i32
    %dma_wait3A_269 = tpu.memref_slice %arg6[%dma_wait3A_262, %dma_wait3A_263, %dma_wait3A_268] : memref<3x2x128xi32, #tpu.memory_space<vmem>> -> memref<1x1x128xi32, #tpu.memory_space<vmem>>
    %dma_wait3A_270 = tpu.memref_squeeze %dma_wait3A_269 : memref<1x1x128xi32, #tpu.memory_space<vmem>> -> memref<128xi32, #tpu.memory_space<vmem>>
    %dma_wait3A_271 = arith.constant 0 : i32
    %dma_wait3A_272 = arith.constant 0 : i32
    %dma_wait3A_273 = tpu.memref_slice %arg9[%dma_wait3A_271, %dma_wait3A_272] : memref<10240x128xbf16, #tpu.memory_space<vmem_shared>> -> memref<10240x128xbf16, #tpu.memory_space<vmem_shared>>
    tpu.wait_indirect_dma semaphore(%arg14 : memref<!tpu.dma_semaphore, #tpu.memory_space<semaphore_mem>>) src(%dma_wait3A_267 : memref<128x128xbf16, #tpu.memory_space<vmem>>) dst(%dma_wait3A_273 : memref<10240x128xbf16, #tpu.memory_space<vmem_shared>>)
    %dma_wait3A_274 = arith.constant 1 : i32
    %dma_wait3A_275 = arith.constant 1 : i32
    %dma_wait3A_276 = arith.constant 0 : i32
    %dma_wait3A_277 = tpu.memref_slice %arg6[%dma_wait3A_274, %dma_wait3A_275, %dma_wait3A_276] : memref<3x2x128xi32, #tpu.memory_space<vmem>> -> memref<1x1x128xi32, #tpu.memory_space<vmem>>
    %dma_wait3A_278 = tpu.memref_squeeze %dma_wait3A_277 : memref<1x1x128xi32, #tpu.memory_space<vmem>> -> memref<128xi32, #tpu.memory_space<vmem>>
    %dma_wait3A_279 = arith.constant 0 : i32
    %dma_wait3A_280 = arith.constant 0 : i32
    %dma_wait3A_281 = tpu.memref_slice %arg18[%dma_wait3A_279, %dma_wait3A_280] : memref<10240x16xf32, #tpu.memory_space<vmem_shared>> -> memref<10240x16xf32, #tpu.memory_space<vmem_shared>>
    tpu.wait_indirect_dma semaphore(%arg14 : memref<!tpu.dma_semaphore, #tpu.memory_space<semaphore_mem>>) src(%arg16 : memref<128x16xf32, #tpu.memory_space<vmem>>) dst(%dma_wait3A_281 : memref<10240x16xf32, #tpu.memory_space<vmem_shared>>)
    %dma_wait3A_282 = arith.constant 2 : i32
    %dma_wait3A_283 = arith.constant 2 : i32
    %dma_wait3A_284 = arith.constant 1 : i32
    %dma_wait3A_285 = arith.constant 0 : i32
    %dma_wait3A_286 = arith.constant 0 : i32
    %dma_wait3A_287 = tpu.memref_slice %arg7[%dma_wait3A_282, %dma_wait3A_285, %dma_wait3A_286] : memref<3x128x128xbf16, #tpu.memory_space<vmem>> -> memref<1x128x128xbf16, #tpu.memory_space<vmem>>
    %dma_wait3A_288 = tpu.memref_squeeze %dma_wait3A_287 : memref<1x128x128xbf16, #tpu.memory_space<vmem>> -> memref<128x128xbf16, #tpu.memory_space<vmem>>
    %dma_wait3A_289 = arith.constant 0 : i32
    %dma_wait3A_290 = tpu.memref_slice %arg6[%dma_wait3A_283, %dma_wait3A_284, %dma_wait3A_289] : memref<3x2x128xi32, #tpu.memory_space<vmem>> -> memref<1x1x128xi32, #tpu.memory_space<vmem>>
    %dma_wait3A_291 = tpu.memref_squeeze %dma_wait3A_290 : memref<1x1x128xi32, #tpu.memory_space<vmem>> -> memref<128xi32, #tpu.memory_space<vmem>>
    %dma_wait3A_292 = arith.constant 0 : i32
    %dma_wait3A_293 = arith.constant 0 : i32
    %dma_wait3A_294 = tpu.memref_slice %arg9[%dma_wait3A_292, %dma_wait3A_293] : memref<10240x128xbf16, #tpu.memory_space<vmem_shared>> -> memref<10240x128xbf16, #tpu.memory_space<vmem_shared>>
    tpu.wait_indirect_dma semaphore(%arg15 : memref<!tpu.dma_semaphore, #tpu.memory_space<semaphore_mem>>) src(%dma_wait3A_288 : memref<128x128xbf16, #tpu.memory_space<vmem>>) dst(%dma_wait3A_294 : memref<10240x128xbf16, #tpu.memory_space<vmem_shared>>)
    %dma_wait3A_295 = arith.constant 2 : i32
    %dma_wait3A_296 = arith.constant 1 : i32
    %dma_wait3A_297 = arith.constant 0 : i32
    %dma_wait3A_298 = tpu.memref_slice %arg6[%dma_wait3A_295, %dma_wait3A_296, %dma_wait3A_297] : memref<3x2x128xi32, #tpu.memory_space<vmem>> -> memref<1x1x128xi32, #tpu.memory_space<vmem>>
    %dma_wait3A_299 = tpu.memref_squeeze %dma_wait3A_298 : memref<1x1x128xi32, #tpu.memory_space<vmem>> -> memref<128xi32, #tpu.memory_space<vmem>>
    %dma_wait3A_300 = arith.constant 0 : i32
    %dma_wait3A_301 = arith.constant 0 : i32
    %dma_wait3A_302 = tpu.memref_slice %arg18[%dma_wait3A_300, %dma_wait3A_301] : memref<10240x16xf32, #tpu.memory_space<vmem_shared>> -> memref<10240x16xf32, #tpu.memory_space<vmem_shared>>
    tpu.wait_indirect_dma semaphore(%arg15 : memref<!tpu.dma_semaphore, #tpu.memory_space<semaphore_mem>>) src(%arg16 : memref<128x16xf32, #tpu.memory_space<vmem>>) dst(%dma_wait3A_302 : memref<10240x16xf32, #tpu.memory_space<vmem_shared>>)
    %dma_wait3A_303 = arith.constant 0 : i32
    %dma_wait3A_304 = arith.constant 0 : i32
    %dma_wait3A_305 = arith.constant 1 : i32
    %dma_wait3A_306 = arith.constant 0 : i32
    %dma_wait3A_307 = arith.constant 0 : i32
    %dma_wait3A_308 = tpu.memref_slice %arg7[%dma_wait3A_303, %dma_wait3A_306, %dma_wait3A_307] : memref<3x128x128xbf16, #tpu.memory_space<vmem>> -> memref<1x128x128xbf16, #tpu.memory_space<vmem>>
    %dma_wait3A_309 = tpu.memref_squeeze %dma_wait3A_308 : memref<1x128x128xbf16, #tpu.memory_space<vmem>> -> memref<128x128xbf16, #tpu.memory_space<vmem>>
    %dma_wait3A_310 = arith.constant 0 : i32
    %dma_wait3A_311 = tpu.memref_slice %arg6[%dma_wait3A_304, %dma_wait3A_305, %dma_wait3A_310] : memref<3x2x128xi32, #tpu.memory_space<vmem>> -> memref<1x1x128xi32, #tpu.memory_space<vmem>>
    %dma_wait3A_312 = tpu.memref_squeeze %dma_wait3A_311 : memref<1x1x128xi32, #tpu.memory_space<vmem>> -> memref<128xi32, #tpu.memory_space<vmem>>
    %dma_wait3A_313 = arith.constant 0 : i32
    %dma_wait3A_314 = arith.constant 0 : i32
    %dma_wait3A_315 = tpu.memref_slice %arg9[%dma_wait3A_313, %dma_wait3A_314] : memref<10240x128xbf16, #tpu.memory_space<vmem_shared>> -> memref<10240x128xbf16, #tpu.memory_space<vmem_shared>>
    tpu.wait_indirect_dma semaphore(%arg13 : memref<!tpu.dma_semaphore, #tpu.memory_space<semaphore_mem>>) src(%dma_wait3A_309 : memref<128x128xbf16, #tpu.memory_space<vmem>>) dst(%dma_wait3A_315 : memref<10240x128xbf16, #tpu.memory_space<vmem_shared>>)
    %dma_wait3A_316 = arith.constant 0 : i32
    %dma_wait3A_317 = arith.constant 1 : i32
    %dma_wait3A_318 = arith.constant 0 : i32
    %dma_wait3A_319 = tpu.memref_slice %arg6[%dma_wait3A_316, %dma_wait3A_317, %dma_wait3A_318] : memref<3x2x128xi32, #tpu.memory_space<vmem>> -> memref<1x1x128xi32, #tpu.memory_space<vmem>>
    %dma_wait3A_320 = tpu.memref_squeeze %dma_wait3A_319 : memref<1x1x128xi32, #tpu.memory_space<vmem>> -> memref<128xi32, #tpu.memory_space<vmem>>
    %dma_wait3A_321 = arith.constant 0 : i32
    %dma_wait3A_322 = arith.constant 0 : i32
    %dma_wait3A_323 = tpu.memref_slice %arg18[%dma_wait3A_321, %dma_wait3A_322] : memref<10240x16xf32, #tpu.memory_space<vmem_shared>> -> memref<10240x16xf32, #tpu.memory_space<vmem_shared>>
    tpu.wait_indirect_dma semaphore(%arg13 : memref<!tpu.dma_semaphore, #tpu.memory_space<semaphore_mem>>) src(%arg16 : memref<128x16xf32, #tpu.memory_space<vmem>>) dst(%dma_wait3A_323 : memref<10240x16xf32, #tpu.memory_space<vmem_shared>>)
    %barrier3A_324 = arith.constant 0 : index
    tpu.barrier barrier_id(%barrier3A_324)
    %mul3A_325 = arith.constant 640 : i32
    %mul3A_326 = arith.muli %arg1, %mul3A_325 : i32
    %lt3A = arith.constant 15 : i32
    %lt3A_327 = arith.cmpi slt, %arg1, %lt3A : i32
    %convert_element_type3A_328 = arith.extui %lt3A_327 : i1 to i32
    %cond3A = arith.constant 0 : i32
    %cond3A_329 = arith.cmpi ne, %convert_element_type3A_328, %cond3A : i32
    scf.if %cond3A_329 {
      "tpu.region"() ({
        %run_scoped3A_334 = tpu.sem_alloc : memref<!tpu.dma_semaphore, #tpu.memory_space<semaphore_mem>>
        %dma_start3A_335 = arith.constant 0 : i32
        %dma_start3A_336 = tpu.memref_slice %arg4[%arg0, %mul3A_326, %dma_start3A_335] : memref<2x10000x128xbf16, #tpu.memory_space<hbm>> -> memref<1x640x128xbf16, #tpu.memory_space<hbm>>
        %dma_start3A_337 = tpu.memref_squeeze %dma_start3A_336 : memref<1x640x128xbf16, #tpu.memory_space<hbm>> -> memref<640x128xbf16, #tpu.memory_space<hbm>>
        %dma_start3A_338 = arith.constant 0 : i32
        %dma_start3A_339 = tpu.memref_slice %arg9[%mul3A_326, %dma_start3A_338] : memref<10240x128xbf16, #tpu.memory_space<vmem_shared>> -> memref<640x128xbf16, #tpu.memory_space<vmem_shared>>
        tpu.enqueue_dma source(%dma_start3A_339 : memref<640x128xbf16, #tpu.memory_space<vmem_shared>>) target(%dma_start3A_337 : memref<640x128xbf16, #tpu.memory_space<hbm>>) target_semaphore(%run_scoped3A_334 : memref<!tpu.dma_semaphore, #tpu.memory_space<semaphore_mem>>)
        %dma_wait3A_340 = arith.constant 0 : i32
        %dma_wait3A_341 = tpu.memref_slice %arg4[%arg0, %mul3A_326, %dma_wait3A_340] : memref<2x10000x128xbf16, #tpu.memory_space<hbm>> -> memref<1x640x128xbf16, #tpu.memory_space<hbm>>
        %dma_wait3A_342 = tpu.memref_squeeze %dma_wait3A_341 : memref<1x640x128xbf16, #tpu.memory_space<hbm>> -> memref<640x128xbf16, #tpu.memory_space<hbm>>
        %dma_wait3A_343 = arith.constant 0 : i32
        %dma_wait3A_344 = tpu.memref_slice %arg9[%mul3A_326, %dma_wait3A_343] : memref<10240x128xbf16, #tpu.memory_space<vmem_shared>> -> memref<640x128xbf16, #tpu.memory_space<vmem_shared>>
        tpu.wait_dma2 semaphore(%run_scoped3A_334 : memref<!tpu.dma_semaphore, #tpu.memory_space<semaphore_mem>>) src(%dma_wait3A_344 : memref<640x128xbf16, #tpu.memory_space<vmem_shared>>) dst(%dma_wait3A_342 : memref<640x128xbf16, #tpu.memory_space<hbm>>)
        tpu.yield
      }) : () -> ()
      "tpu.region"() ({
        %run_scoped3A_334 = tpu.sem_alloc : memref<!tpu.dma_semaphore, #tpu.memory_space<semaphore_mem>>
        %dma_start3A_335 = arith.constant 0 : i32
        %dma_start3A_336 = tpu.memref_slice %arg5[%arg0, %mul3A_326, %dma_start3A_335] : memref<2x10000x16xf32, #tpu.memory_space<hbm>> -> memref<1x640x16xf32, #tpu.memory_space<hbm>>
        %dma_start3A_337 = tpu.memref_squeeze %dma_start3A_336 : memref<1x640x16xf32, #tpu.memory_space<hbm>> -> memref<640x16xf32, #tpu.memory_space<hbm>>
        %dma_start3A_338 = arith.constant 0 : i32
        %dma_start3A_339 = tpu.memref_slice %arg18[%mul3A_326, %dma_start3A_338] : memref<10240x16xf32, #tpu.memory_space<vmem_shared>> -> memref<640x16xf32, #tpu.memory_space<vmem_shared>>
        tpu.enqueue_dma source(%dma_start3A_339 : memref<640x16xf32, #tpu.memory_space<vmem_shared>>) target(%dma_start3A_337 : memref<640x16xf32, #tpu.memory_space<hbm>>) target_semaphore(%run_scoped3A_334 : memref<!tpu.dma_semaphore, #tpu.memory_space<semaphore_mem>>)
        %dma_wait3A_340 = arith.constant 0 : i32
        %dma_wait3A_341 = tpu.memref_slice %arg5[%arg0, %mul3A_326, %dma_wait3A_340] : memref<2x10000x16xf32, #tpu.memory_space<hbm>> -> memref<1x640x16xf32, #tpu.memory_space<hbm>>
        %dma_wait3A_342 = tpu.memref_squeeze %dma_wait3A_341 : memref<1x640x16xf32, #tpu.memory_space<hbm>> -> memref<640x16xf32, #tpu.memory_space<hbm>>
        %dma_wait3A_343 = arith.constant 0 : i32
        %dma_wait3A_344 = tpu.memref_slice %arg18[%mul3A_326, %dma_wait3A_343] : memref<10240x16xf32, #tpu.memory_space<vmem_shared>> -> memref<640x16xf32, #tpu.memory_space<vmem_shared>>
        tpu.wait_dma2 semaphore(%run_scoped3A_334 : memref<!tpu.dma_semaphore, #tpu.memory_space<semaphore_mem>>) src(%dma_wait3A_344 : memref<640x16xf32, #tpu.memory_space<vmem_shared>>) dst(%dma_wait3A_342 : memref<640x16xf32, #tpu.memory_space<hbm>>)
        tpu.yield
      }) : () -> ()
    } else {
    }
    %eq3A = arith.constant 15 : i32
    %eq3A_330 = arith.cmpi eq, %arg1, %eq3A : i32
    %convert_element_type3A_331 = arith.extui %eq3A_330 : i1 to i32
    %cond3A_332 = arith.constant 0 : i32
    %cond3A_333 = arith.cmpi ne, %convert_element_type3A_331, %cond3A_332 : i32
    scf.if %cond3A_333 {
      "tpu.region"() ({
        %run_scoped3A_334 = tpu.sem_alloc : memref<!tpu.dma_semaphore, #tpu.memory_space<semaphore_mem>>
        %dma_start3A_335 = arith.constant 9600 : i32
        %dma_start3A_336 = arith.constant 0 : i32
        %dma_start3A_337 = tpu.memref_slice %arg4[%arg0, %dma_start3A_335, %dma_start3A_336] : memref<2x10000x128xbf16, #tpu.memory_space<hbm>> -> memref<1x400x128xbf16, #tpu.memory_space<hbm>>
        %dma_start3A_338 = tpu.memref_squeeze %dma_start3A_337 : memref<1x400x128xbf16, #tpu.memory_space<hbm>> -> memref<400x128xbf16, #tpu.memory_space<hbm>>
        %dma_start3A_339 = arith.constant 9600 : i32
        %dma_start3A_340 = arith.constant 0 : i32
        %dma_start3A_341 = tpu.memref_slice %arg9[%dma_start3A_339, %dma_start3A_340] : memref<10240x128xbf16, #tpu.memory_space<vmem_shared>> -> memref<400x128xbf16, #tpu.memory_space<vmem_shared>>
        tpu.enqueue_dma source(%dma_start3A_341 : memref<400x128xbf16, #tpu.memory_space<vmem_shared>>) target(%dma_start3A_338 : memref<400x128xbf16, #tpu.memory_space<hbm>>) target_semaphore(%run_scoped3A_334 : memref<!tpu.dma_semaphore, #tpu.memory_space<semaphore_mem>>)
        %dma_wait3A_342 = arith.constant 9600 : i32
        %dma_wait3A_343 = arith.constant 0 : i32
        %dma_wait3A_344 = tpu.memref_slice %arg4[%arg0, %dma_wait3A_342, %dma_wait3A_343] : memref<2x10000x128xbf16, #tpu.memory_space<hbm>> -> memref<1x400x128xbf16, #tpu.memory_space<hbm>>
        %dma_wait3A_345 = tpu.memref_squeeze %dma_wait3A_344 : memref<1x400x128xbf16, #tpu.memory_space<hbm>> -> memref<400x128xbf16, #tpu.memory_space<hbm>>
        %dma_wait3A_346 = arith.constant 9600 : i32
        %dma_wait3A_347 = arith.constant 0 : i32
        %dma_wait3A_348 = tpu.memref_slice %arg9[%dma_wait3A_346, %dma_wait3A_347] : memref<10240x128xbf16, #tpu.memory_space<vmem_shared>> -> memref<400x128xbf16, #tpu.memory_space<vmem_shared>>
        tpu.wait_dma2 semaphore(%run_scoped3A_334 : memref<!tpu.dma_semaphore, #tpu.memory_space<semaphore_mem>>) src(%dma_wait3A_348 : memref<400x128xbf16, #tpu.memory_space<vmem_shared>>) dst(%dma_wait3A_345 : memref<400x128xbf16, #tpu.memory_space<hbm>>)
        tpu.yield
      }) : () -> ()
      "tpu.region"() ({
        %run_scoped3A_334 = tpu.sem_alloc : memref<!tpu.dma_semaphore, #tpu.memory_space<semaphore_mem>>
        %dma_start3A_335 = arith.constant 9600 : i32
        %dma_start3A_336 = arith.constant 0 : i32
        %dma_start3A_337 = tpu.memref_slice %arg5[%arg0, %dma_start3A_335, %dma_start3A_336] : memref<2x10000x16xf32, #tpu.memory_space<hbm>> -> memref<1x400x16xf32, #tpu.memory_space<hbm>>
        %dma_start3A_338 = tpu.memref_squeeze %dma_start3A_337 : memref<1x400x16xf32, #tpu.memory_space<hbm>> -> memref<400x16xf32, #tpu.memory_space<hbm>>
        %dma_start3A_339 = arith.constant 9600 : i32
        %dma_start3A_340 = arith.constant 0 : i32
        %dma_start3A_341 = tpu.memref_slice %arg18[%dma_start3A_339, %dma_start3A_340] : memref<10240x16xf32, #tpu.memory_space<vmem_shared>> -> memref<400x16xf32, #tpu.memory_space<vmem_shared>>
        tpu.enqueue_dma source(%dma_start3A_341 : memref<400x16xf32, #tpu.memory_space<vmem_shared>>) target(%dma_start3A_338 : memref<400x16xf32, #tpu.memory_space<hbm>>) target_semaphore(%run_scoped3A_334 : memref<!tpu.dma_semaphore, #tpu.memory_space<semaphore_mem>>)
        %dma_wait3A_342 = arith.constant 9600 : i32
        %dma_wait3A_343 = arith.constant 0 : i32
        %dma_wait3A_344 = tpu.memref_slice %arg5[%arg0, %dma_wait3A_342, %dma_wait3A_343] : memref<2x10000x16xf32, #tpu.memory_space<hbm>> -> memref<1x400x16xf32, #tpu.memory_space<hbm>>
        %dma_wait3A_345 = tpu.memref_squeeze %dma_wait3A_344 : memref<1x400x16xf32, #tpu.memory_space<hbm>> -> memref<400x16xf32, #tpu.memory_space<hbm>>
        %dma_wait3A_346 = arith.constant 9600 : i32
        %dma_wait3A_347 = arith.constant 0 : i32
        %dma_wait3A_348 = tpu.memref_slice %arg18[%dma_wait3A_346, %dma_wait3A_347] : memref<10240x16xf32, #tpu.memory_space<vmem_shared>> -> memref<400x16xf32, #tpu.memory_space<vmem_shared>>
        tpu.wait_dma2 semaphore(%run_scoped3A_334 : memref<!tpu.dma_semaphore, #tpu.memory_space<semaphore_mem>>) src(%dma_wait3A_348 : memref<400x16xf32, #tpu.memory_space<vmem_shared>>) dst(%dma_wait3A_345 : memref<400x16xf32, #tpu.memory_space<hbm>>)
        tpu.yield
      }) : () -> ()
    } else {
    }
    return
  }
}

#map = affine_map<(d0, d1) -> (0, 0)>
#map1 = affine_map<(d0, d1) -> (0, 0, 0, 0)>
#map2 = affine_map<(d0, d1) -> (0, 0, 0)>
module attributes {stable_mosaic.version = 14 : i64} {
  func.func @body(%arg0: i32, %arg1: i32, %arg2: memref<10000x128xbf16, #tpu.memory_space<hbm>>, %arg3: memref<32x79x2x128xi32, #tpu.memory_space<hbm>>, %arg4: memref<2x10000x128xbf16, #tpu.memory_space<hbm>>, %arg5: memref<3x2x128xi32, #tpu.memory_space<vmem>>, %arg6: memref<3x128x128xbf16, #tpu.memory_space<vmem>>, %arg7: memref<128x128xbf16, #tpu.memory_space<vmem>>, %arg8: memref<10240x128xbf16, #tpu.memory_space<vmem_shared>>, %arg9: memref<!tpu.dma_semaphore, #tpu.memory_space<semaphore_mem>>, %arg10: memref<!tpu.dma_semaphore, #tpu.memory_space<semaphore_mem>>, %arg11: memref<!tpu.dma_semaphore, #tpu.memory_space<semaphore_mem>>, %arg12: memref<!tpu.dma_semaphore, #tpu.memory_space<semaphore_mem>>, %arg13: memref<!tpu.dma_semaphore, #tpu.memory_space<semaphore_mem>>, %arg14: memref<!tpu.dma_semaphore, #tpu.memory_space<semaphore_mem>>) attributes {dimension_semantics = [#tpu.dimension_semantics<core_parallel>, #tpu.dimension_semantics<subcore_parallel>], iteration_bounds = array<i64: 2, 16>, scalar_prefetch = 0 : i64, scratch_operands = 10 : i64, tpu.core_type = #tpu.core_type<sc_vector_subcore>, window_params = [{transform_indices = #map}, {transform_indices = #map1}, {transform_indices = #map2}]} {
    %mul3A = arith.constant 2 : i32
    %mul3A_0 = arith.muli %arg1, %mul3A : i32
    %add3A = arith.addi %mul3A_0, %arg0 : i32
    %broadcast_in_dim3A = arith.constant 0.000000e+00 : f32
    %broadcast_in_dim3A_1 = vector.broadcast %broadcast_in_dim3A : f32 to vector<16xf32>
    %broadcast_in_dim3A_2 = arith.constant 0.000000e+00 : bf16
    %broadcast_in_dim3A_3 = vector.broadcast %broadcast_in_dim3A_2 : bf16 to vector<32xbf16>
    %scan3A = arith.constant 0 : i32
    %scan3A_4 = arith.constant 0 : i32
    %scan3A_5 = arith.constant 128 : i32
    %scan3A_6 = arith.addi %scan3A_4, %scan3A_5 : i32
    %scan3A_7 = arith.constant 1 : i32
    scf.for %scan3A_249 = %scan3A_4 to %scan3A_6 step %scan3A_7  : i32 {
      %swap3A = arith.index_cast %scan3A_249 : i32 to index
      %swap3A_250 = arith.constant 0 : index
      %swap3A_251 = tpu.vector_load %arg7[%swap3A, %swap3A_250] {strides = array<i32>} : memref<128x128xbf16, #tpu.memory_space<vmem>>, vector<1x32xbf16>,
      %swap3A_252 = vector.shape_cast %swap3A_251 : vector<1x32xbf16> to vector<32xbf16>
      %swap3A_253 = vector.shape_cast %broadcast_in_dim3A_3 : vector<32xbf16> to vector<1x32xbf16>
      tpu.vector_store %arg7[%swap3A, %swap3A_250], %swap3A_253 {strides = array<i32>} : memref<128x128xbf16, #tpu.memory_space<vmem>>, vector<1x32xbf16>,
      %swap3A_254 = arith.index_cast %scan3A_249 : i32 to index
      %swap3A_255 = arith.constant 32 : index
      %swap3A_256 = tpu.vector_load %arg7[%swap3A_254, %swap3A_255] {strides = array<i32>} : memref<128x128xbf16, #tpu.memory_space<vmem>>, vector<1x32xbf16>,
      %swap3A_257 = vector.shape_cast %swap3A_256 : vector<1x32xbf16> to vector<32xbf16>
      %swap3A_258 = vector.shape_cast %broadcast_in_dim3A_3 : vector<32xbf16> to vector<1x32xbf16>
      tpu.vector_store %arg7[%swap3A_254, %swap3A_255], %swap3A_258 {strides = array<i32>} : memref<128x128xbf16, #tpu.memory_space<vmem>>, vector<1x32xbf16>,
      %swap3A_259 = arith.index_cast %scan3A_249 : i32 to index
      %swap3A_260 = arith.constant 64 : index
      %swap3A_261 = tpu.vector_load %arg7[%swap3A_259, %swap3A_260] {strides = array<i32>} : memref<128x128xbf16, #tpu.memory_space<vmem>>, vector<1x32xbf16>,
      %swap3A_262 = vector.shape_cast %swap3A_261 : vector<1x32xbf16> to vector<32xbf16>
      %swap3A_263 = vector.shape_cast %broadcast_in_dim3A_3 : vector<32xbf16> to vector<1x32xbf16>
      tpu.vector_store %arg7[%swap3A_259, %swap3A_260], %swap3A_263 {strides = array<i32>} : memref<128x128xbf16, #tpu.memory_space<vmem>>, vector<1x32xbf16>,
      %swap3A_264 = arith.index_cast %scan3A_249 : i32 to index
      %swap3A_265 = arith.constant 96 : index
      %swap3A_266 = tpu.vector_load %arg7[%swap3A_264, %swap3A_265] {strides = array<i32>} : memref<128x128xbf16, #tpu.memory_space<vmem>>, vector<1x32xbf16>,
      %swap3A_267 = vector.shape_cast %swap3A_266 : vector<1x32xbf16> to vector<32xbf16>
      %swap3A_268 = vector.shape_cast %broadcast_in_dim3A_3 : vector<32xbf16> to vector<1x32xbf16>
      tpu.vector_store %arg7[%swap3A_264, %swap3A_265], %swap3A_268 {strides = array<i32>} : memref<128x128xbf16, #tpu.memory_space<vmem>>, vector<1x32xbf16>,
    }
    %scan3A_8 = arith.constant 128 : i32
    %mul3A_9 = arith.constant 640 : i32
    %mul3A_10 = arith.muli %arg1, %mul3A_9 : i32
    %add3A_11 = arith.constant 0 : i32
    %add3A_12 = arith.addi %mul3A_10, %add3A_11 : i32
    "tpu.region"() ({
      %run_scoped3A_249 = tpu.sem_alloc : memref<!tpu.dma_semaphore, #tpu.memory_space<semaphore_mem>>
      %dma_start3A_250 = arith.constant 0 : i32
      %dma_start3A_251 = tpu.memref_slice %arg8[%add3A_12, %dma_start3A_250] : memref<10240x128xbf16, #tpu.memory_space<vmem_shared>> -> memref<128x128xbf16, #tpu.memory_space<vmem_shared>>
      %dma_start3A_252 = arith.constant 0 : i32
      %dma_start3A_253 = tpu.memref_slice %arg8[%add3A_12, %dma_start3A_252] : memref<10240x128xbf16, #tpu.memory_space<vmem_shared>> -> memref<128x128xbf16, #tpu.memory_space<vmem_shared>>
      tpu.enqueue_dma source(%arg7 : memref<128x128xbf16, #tpu.memory_space<vmem>>) target(%dma_start3A_253 : memref<128x128xbf16, #tpu.memory_space<vmem_shared>>) target_semaphore(%run_scoped3A_249 : memref<!tpu.dma_semaphore, #tpu.memory_space<semaphore_mem>>)
      %dma_wait3A_254 = arith.constant 0 : i32
      %dma_wait3A_255 = tpu.memref_slice %arg8[%add3A_12, %dma_wait3A_254] : memref<10240x128xbf16, #tpu.memory_space<vmem_shared>> -> memref<128x128xbf16, #tpu.memory_space<vmem_shared>>
      %dma_wait3A_256 = arith.constant 0 : i32
      %dma_wait3A_257 = tpu.memref_slice %arg8[%add3A_12, %dma_wait3A_256] : memref<10240x128xbf16, #tpu.memory_space<vmem_shared>> -> memref<128x128xbf16, #tpu.memory_space<vmem_shared>>
      tpu.wait_dma2 semaphore(%run_scoped3A_249 : memref<!tpu.dma_semaphore, #tpu.memory_space<semaphore_mem>>) src(%arg7 : memref<128x128xbf16, #tpu.memory_space<vmem>>) dst(%dma_wait3A_257 : memref<128x128xbf16, #tpu.memory_space<vmem_shared>>)
      tpu.yield
    }) : () -> ()
    %add3A_13 = arith.constant 128 : i32
    %add3A_14 = arith.addi %mul3A_10, %add3A_13 : i32
    "tpu.region"() ({
      %run_scoped3A_249 = tpu.sem_alloc : memref<!tpu.dma_semaphore, #tpu.memory_space<semaphore_mem>>
      %dma_start3A_250 = arith.constant 0 : i32
      %dma_start3A_251 = tpu.memref_slice %arg8[%add3A_14, %dma_start3A_250] : memref<10240x128xbf16, #tpu.memory_space<vmem_shared>> -> memref<128x128xbf16, #tpu.memory_space<vmem_shared>>
      %dma_start3A_252 = arith.constant 0 : i32
      %dma_start3A_253 = tpu.memref_slice %arg8[%add3A_14, %dma_start3A_252] : memref<10240x128xbf16, #tpu.memory_space<vmem_shared>> -> memref<128x128xbf16, #tpu.memory_space<vmem_shared>>
      tpu.enqueue_dma source(%arg7 : memref<128x128xbf16, #tpu.memory_space<vmem>>) target(%dma_start3A_253 : memref<128x128xbf16, #tpu.memory_space<vmem_shared>>) target_semaphore(%run_scoped3A_249 : memref<!tpu.dma_semaphore, #tpu.memory_space<semaphore_mem>>)
      %dma_wait3A_254 = arith.constant 0 : i32
      %dma_wait3A_255 = tpu.memref_slice %arg8[%add3A_14, %dma_wait3A_254] : memref<10240x128xbf16, #tpu.memory_space<vmem_shared>> -> memref<128x128xbf16, #tpu.memory_space<vmem_shared>>
      %dma_wait3A_256 = arith.constant 0 : i32
      %dma_wait3A_257 = tpu.memref_slice %arg8[%add3A_14, %dma_wait3A_256] : memref<10240x128xbf16, #tpu.memory_space<vmem_shared>> -> memref<128x128xbf16, #tpu.memory_space<vmem_shared>>
      tpu.wait_dma2 semaphore(%run_scoped3A_249 : memref<!tpu.dma_semaphore, #tpu.memory_space<semaphore_mem>>) src(%arg7 : memref<128x128xbf16, #tpu.memory_space<vmem>>) dst(%dma_wait3A_257 : memref<128x128xbf16, #tpu.memory_space<vmem_shared>>)
      tpu.yield
    }) : () -> ()
    %add3A_15 = arith.constant 256 : i32
    %add3A_16 = arith.addi %mul3A_10, %add3A_15 : i32
    "tpu.region"() ({
      %run_scoped3A_249 = tpu.sem_alloc : memref<!tpu.dma_semaphore, #tpu.memory_space<semaphore_mem>>
      %dma_start3A_250 = arith.constant 0 : i32
      %dma_start3A_251 = tpu.memref_slice %arg8[%add3A_16, %dma_start3A_250] : memref<10240x128xbf16, #tpu.memory_space<vmem_shared>> -> memref<128x128xbf16, #tpu.memory_space<vmem_shared>>
      %dma_start3A_252 = arith.constant 0 : i32
      %dma_start3A_253 = tpu.memref_slice %arg8[%add3A_16, %dma_start3A_252] : memref<10240x128xbf16, #tpu.memory_space<vmem_shared>> -> memref<128x128xbf16, #tpu.memory_space<vmem_shared>>
      tpu.enqueue_dma source(%arg7 : memref<128x128xbf16, #tpu.memory_space<vmem>>) target(%dma_start3A_253 : memref<128x128xbf16, #tpu.memory_space<vmem_shared>>) target_semaphore(%run_scoped3A_249 : memref<!tpu.dma_semaphore, #tpu.memory_space<semaphore_mem>>)
      %dma_wait3A_254 = arith.constant 0 : i32
      %dma_wait3A_255 = tpu.memref_slice %arg8[%add3A_16, %dma_wait3A_254] : memref<10240x128xbf16, #tpu.memory_space<vmem_shared>> -> memref<128x128xbf16, #tpu.memory_space<vmem_shared>>
      %dma_wait3A_256 = arith.constant 0 : i32
      %dma_wait3A_257 = tpu.memref_slice %arg8[%add3A_16, %dma_wait3A_256] : memref<10240x128xbf16, #tpu.memory_space<vmem_shared>> -> memref<128x128xbf16, #tpu.memory_space<vmem_shared>>
      tpu.wait_dma2 semaphore(%run_scoped3A_249 : memref<!tpu.dma_semaphore, #tpu.memory_space<semaphore_mem>>) src(%arg7 : memref<128x128xbf16, #tpu.memory_space<vmem>>) dst(%dma_wait3A_257 : memref<128x128xbf16, #tpu.memory_space<vmem_shared>>)
      tpu.yield
    }) : () -> ()
    %add3A_17 = arith.constant 384 : i32
    %add3A_18 = arith.addi %mul3A_10, %add3A_17 : i32
    "tpu.region"() ({
      %run_scoped3A_249 = tpu.sem_alloc : memref<!tpu.dma_semaphore, #tpu.memory_space<semaphore_mem>>
      %dma_start3A_250 = arith.constant 0 : i32
      %dma_start3A_251 = tpu.memref_slice %arg8[%add3A_18, %dma_start3A_250] : memref<10240x128xbf16, #tpu.memory_space<vmem_shared>> -> memref<128x128xbf16, #tpu.memory_space<vmem_shared>>
      %dma_start3A_252 = arith.constant 0 : i32
      %dma_start3A_253 = tpu.memref_slice %arg8[%add3A_18, %dma_start3A_252] : memref<10240x128xbf16, #tpu.memory_space<vmem_shared>> -> memref<128x128xbf16, #tpu.memory_space<vmem_shared>>
      tpu.enqueue_dma source(%arg7 : memref<128x128xbf16, #tpu.memory_space<vmem>>) target(%dma_start3A_253 : memref<128x128xbf16, #tpu.memory_space<vmem_shared>>) target_semaphore(%run_scoped3A_249 : memref<!tpu.dma_semaphore, #tpu.memory_space<semaphore_mem>>)
      %dma_wait3A_254 = arith.constant 0 : i32
      %dma_wait3A_255 = tpu.memref_slice %arg8[%add3A_18, %dma_wait3A_254] : memref<10240x128xbf16, #tpu.memory_space<vmem_shared>> -> memref<128x128xbf16, #tpu.memory_space<vmem_shared>>
      %dma_wait3A_256 = arith.constant 0 : i32
      %dma_wait3A_257 = tpu.memref_slice %arg8[%add3A_18, %dma_wait3A_256] : memref<10240x128xbf16, #tpu.memory_space<vmem_shared>> -> memref<128x128xbf16, #tpu.memory_space<vmem_shared>>
      tpu.wait_dma2 semaphore(%run_scoped3A_249 : memref<!tpu.dma_semaphore, #tpu.memory_space<semaphore_mem>>) src(%arg7 : memref<128x128xbf16, #tpu.memory_space<vmem>>) dst(%dma_wait3A_257 : memref<128x128xbf16, #tpu.memory_space<vmem_shared>>)
      tpu.yield
    }) : () -> ()
    %add3A_19 = arith.constant 512 : i32
    %add3A_20 = arith.addi %mul3A_10, %add3A_19 : i32
    "tpu.region"() ({
      %run_scoped3A_249 = tpu.sem_alloc : memref<!tpu.dma_semaphore, #tpu.memory_space<semaphore_mem>>
      %dma_start3A_250 = arith.constant 0 : i32
      %dma_start3A_251 = tpu.memref_slice %arg8[%add3A_20, %dma_start3A_250] : memref<10240x128xbf16, #tpu.memory_space<vmem_shared>> -> memref<128x128xbf16, #tpu.memory_space<vmem_shared>>
      %dma_start3A_252 = arith.constant 0 : i32
      %dma_start3A_253 = tpu.memref_slice %arg8[%add3A_20, %dma_start3A_252] : memref<10240x128xbf16, #tpu.memory_space<vmem_shared>> -> memref<128x128xbf16, #tpu.memory_space<vmem_shared>>
      tpu.enqueue_dma source(%arg7 : memref<128x128xbf16, #tpu.memory_space<vmem>>) target(%dma_start3A_253 : memref<128x128xbf16, #tpu.memory_space<vmem_shared>>) target_semaphore(%run_scoped3A_249 : memref<!tpu.dma_semaphore, #tpu.memory_space<semaphore_mem>>)
      %dma_wait3A_254 = arith.constant 0 : i32
      %dma_wait3A_255 = tpu.memref_slice %arg8[%add3A_20, %dma_wait3A_254] : memref<10240x128xbf16, #tpu.memory_space<vmem_shared>> -> memref<128x128xbf16, #tpu.memory_space<vmem_shared>>
      %dma_wait3A_256 = arith.constant 0 : i32
      %dma_wait3A_257 = tpu.memref_slice %arg8[%add3A_20, %dma_wait3A_256] : memref<10240x128xbf16, #tpu.memory_space<vmem_shared>> -> memref<128x128xbf16, #tpu.memory_space<vmem_shared>>
      tpu.wait_dma2 semaphore(%run_scoped3A_249 : memref<!tpu.dma_semaphore, #tpu.memory_space<semaphore_mem>>) src(%arg7 : memref<128x128xbf16, #tpu.memory_space<vmem>>) dst(%dma_wait3A_257 : memref<128x128xbf16, #tpu.memory_space<vmem_shared>>)
      tpu.yield
    }) : () -> ()
    %barrier3A = arith.constant 0 : index
    tpu.barrier barrier_id(%barrier3A)
    %run_scoped3A = arith.constant 0 : i32
    %run_scoped3A_21 = arith.constant 0 : i32
    "tpu.region"() ({
      %run_scoped3A_249 = tpu.sem_alloc : memref<!tpu.dma_semaphore, #tpu.memory_space<semaphore_mem>>
      %dma_start3A_250 = arith.constant 0 : i32
      %dma_start3A_251 = arith.constant 0 : i32
      %dma_start3A_252 = tpu.memref_slice %arg5[%run_scoped3A_21, %dma_start3A_250, %dma_start3A_251] : memref<3x2x128xi32, #tpu.memory_space<vmem>> -> memref<1x2x128xi32, #tpu.memory_space<vmem>>
      %dma_start3A_253 = tpu.memref_squeeze %dma_start3A_252 : memref<1x2x128xi32, #tpu.memory_space<vmem>> -> memref<2x128xi32, #tpu.memory_space<vmem>>
      %dma_start3A_254 = arith.constant 0 : i32
      %dma_start3A_255 = arith.constant 0 : i32
      %dma_start3A_256 = tpu.memref_slice %arg3[%add3A, %run_scoped3A, %dma_start3A_254, %dma_start3A_255] : memref<32x79x2x128xi32, #tpu.memory_space<hbm>> -> memref<1x1x2x128xi32, #tpu.memory_space<hbm>>
      %dma_start3A_257 = tpu.memref_squeeze %dma_start3A_256 : memref<1x1x2x128xi32, #tpu.memory_space<hbm>> -> memref<2x128xi32, #tpu.memory_space<hbm>>
      %dma_start3A_258 = arith.constant 0 : i32
      %dma_start3A_259 = arith.constant 0 : i32
      %dma_start3A_260 = tpu.memref_slice %arg5[%run_scoped3A_21, %dma_start3A_258, %dma_start3A_259] : memref<3x2x128xi32, #tpu.memory_space<vmem>> -> memref<1x2x128xi32, #tpu.memory_space<vmem>>
      %dma_start3A_261 = tpu.memref_squeeze %dma_start3A_260 : memref<1x2x128xi32, #tpu.memory_space<vmem>> -> memref<2x128xi32, #tpu.memory_space<vmem>>
      %dma_start3A_262 = arith.constant 0 : i32
      %dma_start3A_263 = arith.constant 0 : i32
      %dma_start3A_264 = tpu.memref_slice %arg3[%add3A, %run_scoped3A, %dma_start3A_262, %dma_start3A_263] : memref<32x79x2x128xi32, #tpu.memory_space<hbm>> -> memref<1x1x2x128xi32, #tpu.memory_space<hbm>>
      %dma_start3A_265 = tpu.memref_squeeze %dma_start3A_264 : memref<1x1x2x128xi32, #tpu.memory_space<hbm>> -> memref<2x128xi32, #tpu.memory_space<hbm>>
      tpu.enqueue_dma source(%dma_start3A_265 : memref<2x128xi32, #tpu.memory_space<hbm>>) target(%dma_start3A_261 : memref<2x128xi32, #tpu.memory_space<vmem>>) target_semaphore(%run_scoped3A_249 : memref<!tpu.dma_semaphore, #tpu.memory_space<semaphore_mem>>)
      %dma_wait3A_266 = arith.constant 0 : i32
      %dma_wait3A_267 = arith.constant 0 : i32
      %dma_wait3A_268 = tpu.memref_slice %arg5[%run_scoped3A_21, %dma_wait3A_266, %dma_wait3A_267] : memref<3x2x128xi32, #tpu.memory_space<vmem>> -> memref<1x2x128xi32, #tpu.memory_space<vmem>>
      %dma_wait3A_269 = tpu.memref_squeeze %dma_wait3A_268 : memref<1x2x128xi32, #tpu.memory_space<vmem>> -> memref<2x128xi32, #tpu.memory_space<vmem>>
      %dma_wait3A_270 = arith.constant 0 : i32
      %dma_wait3A_271 = arith.constant 0 : i32
      %dma_wait3A_272 = tpu.memref_slice %arg3[%add3A, %run_scoped3A, %dma_wait3A_270, %dma_wait3A_271] : memref<32x79x2x128xi32, #tpu.memory_space<hbm>> -> memref<1x1x2x128xi32, #tpu.memory_space<hbm>>
      %dma_wait3A_273 = tpu.memref_squeeze %dma_wait3A_272 : memref<1x1x2x128xi32, #tpu.memory_space<hbm>> -> memref<2x128xi32, #tpu.memory_space<hbm>>
      %dma_wait3A_274 = arith.constant 0 : i32
      %dma_wait3A_275 = arith.constant 0 : i32
      %dma_wait3A_276 = tpu.memref_slice %arg5[%run_scoped3A_21, %dma_wait3A_274, %dma_wait3A_275] : memref<3x2x128xi32, #tpu.memory_space<vmem>> -> memref<1x2x128xi32, #tpu.memory_space<vmem>>
      %dma_wait3A_277 = tpu.memref_squeeze %dma_wait3A_276 : memref<1x2x128xi32, #tpu.memory_space<vmem>> -> memref<2x128xi32, #tpu.memory_space<vmem>>
      %dma_wait3A_278 = arith.constant 0 : i32
      %dma_wait3A_279 = arith.constant 0 : i32
      %dma_wait3A_280 = tpu.memref_slice %arg3[%add3A, %run_scoped3A, %dma_wait3A_278, %dma_wait3A_279] : memref<32x79x2x128xi32, #tpu.memory_space<hbm>> -> memref<1x1x2x128xi32, #tpu.memory_space<hbm>>
      %dma_wait3A_281 = tpu.memref_squeeze %dma_wait3A_280 : memref<1x1x2x128xi32, #tpu.memory_space<hbm>> -> memref<2x128xi32, #tpu.memory_space<hbm>>
      tpu.wait_dma2 semaphore(%run_scoped3A_249 : memref<!tpu.dma_semaphore, #tpu.memory_space<semaphore_mem>>) src(%dma_wait3A_281 : memref<2x128xi32, #tpu.memory_space<hbm>>) dst(%dma_wait3A_277 : memref<2x128xi32, #tpu.memory_space<vmem>>)
      tpu.yield
    }) : () -> ()
    %dma_start3A = arith.constant 0 : i32
    %dma_start3A_22 = arith.constant 0 : i32
    %dma_start3A_23 = arith.constant 0 : i32
    %dma_start3A_24 = arith.constant 0 : i32
    %dma_start3A_25 = arith.constant 0 : i32
    %dma_start3A_26 = tpu.memref_slice %arg6[%dma_start3A_23, %dma_start3A_24, %dma_start3A_25] : memref<3x128x128xbf16, #tpu.memory_space<vmem>> -> memref<1x128x128xbf16, #tpu.memory_space<vmem>>
    %dma_start3A_27 = tpu.memref_squeeze %dma_start3A_26 : memref<1x128x128xbf16, #tpu.memory_space<vmem>> -> memref<128x128xbf16, #tpu.memory_space<vmem>>
    %dma_start3A_28 = arith.constant 0 : i32
    %dma_start3A_29 = tpu.memref_slice %arg5[%dma_start3A, %dma_start3A_22, %dma_start3A_28] : memref<3x2x128xi32, #tpu.memory_space<vmem>> -> memref<1x1x128xi32, #tpu.memory_space<vmem>>
    %dma_start3A_30 = tpu.memref_squeeze %dma_start3A_29 : memref<1x1x128xi32, #tpu.memory_space<vmem>> -> memref<128xi32, #tpu.memory_space<vmem>>
    %dma_start3A_31 = arith.constant 0 : i32
    %dma_start3A_32 = arith.constant 0 : i32
    %dma_start3A_33 = tpu.memref_slice %arg2[%dma_start3A_31, %dma_start3A_32] : memref<10000x128xbf16, #tpu.memory_space<hbm>> -> memref<10000x128xbf16, #tpu.memory_space<hbm>>
    tpu.enqueue_indirect_dma source(%dma_start3A_33 : memref<10000x128xbf16, #tpu.memory_space<hbm>>) target(%dma_start3A_27 : memref<128x128xbf16, #tpu.memory_space<vmem>>) offsets(%dma_start3A_30 : memref<128xi32, #tpu.memory_space<vmem>>) semaphore(%arg9 : memref<!tpu.dma_semaphore, #tpu.memory_space<semaphore_mem>>)
    %run_scoped3A_34 = arith.constant 1 : i32
    %run_scoped3A_35 = arith.constant 1 : i32
    "tpu.region"() ({
      %run_scoped3A_249 = tpu.sem_alloc : memref<!tpu.dma_semaphore, #tpu.memory_space<semaphore_mem>>
      %dma_start3A_250 = arith.constant 0 : i32
      %dma_start3A_251 = arith.constant 0 : i32
      %dma_start3A_252 = tpu.memref_slice %arg5[%run_scoped3A_35, %dma_start3A_250, %dma_start3A_251] : memref<3x2x128xi32, #tpu.memory_space<vmem>> -> memref<1x2x128xi32, #tpu.memory_space<vmem>>
      %dma_start3A_253 = tpu.memref_squeeze %dma_start3A_252 : memref<1x2x128xi32, #tpu.memory_space<vmem>> -> memref<2x128xi32, #tpu.memory_space<vmem>>
      %dma_start3A_254 = arith.constant 0 : i32
      %dma_start3A_255 = arith.constant 0 : i32
      %dma_start3A_256 = tpu.memref_slice %arg3[%add3A, %run_scoped3A_34, %dma_start3A_254, %dma_start3A_255] : memref<32x79x2x128xi32, #tpu.memory_space<hbm>> -> memref<1x1x2x128xi32, #tpu.memory_space<hbm>>
      %dma_start3A_257 = tpu.memref_squeeze %dma_start3A_256 : memref<1x1x2x128xi32, #tpu.memory_space<hbm>> -> memref<2x128xi32, #tpu.memory_space<hbm>>
      %dma_start3A_258 = arith.constant 0 : i32
      %dma_start3A_259 = arith.constant 0 : i32
      %dma_start3A_260 = tpu.memref_slice %arg5[%run_scoped3A_35, %dma_start3A_258, %dma_start3A_259] : memref<3x2x128xi32, #tpu.memory_space<vmem>> -> memref<1x2x128xi32, #tpu.memory_space<vmem>>
      %dma_start3A_261 = tpu.memref_squeeze %dma_start3A_260 : memref<1x2x128xi32, #tpu.memory_space<vmem>> -> memref<2x128xi32, #tpu.memory_space<vmem>>
      %dma_start3A_262 = arith.constant 0 : i32
      %dma_start3A_263 = arith.constant 0 : i32
      %dma_start3A_264 = tpu.memref_slice %arg3[%add3A, %run_scoped3A_34, %dma_start3A_262, %dma_start3A_263] : memref<32x79x2x128xi32, #tpu.memory_space<hbm>> -> memref<1x1x2x128xi32, #tpu.memory_space<hbm>>
      %dma_start3A_265 = tpu.memref_squeeze %dma_start3A_264 : memref<1x1x2x128xi32, #tpu.memory_space<hbm>> -> memref<2x128xi32, #tpu.memory_space<hbm>>
      tpu.enqueue_dma source(%dma_start3A_265 : memref<2x128xi32, #tpu.memory_space<hbm>>) target(%dma_start3A_261 : memref<2x128xi32, #tpu.memory_space<vmem>>) target_semaphore(%run_scoped3A_249 : memref<!tpu.dma_semaphore, #tpu.memory_space<semaphore_mem>>)
      %dma_wait3A_266 = arith.constant 0 : i32
      %dma_wait3A_267 = arith.constant 0 : i32
      %dma_wait3A_268 = tpu.memref_slice %arg5[%run_scoped3A_35, %dma_wait3A_266, %dma_wait3A_267] : memref<3x2x128xi32, #tpu.memory_space<vmem>> -> memref<1x2x128xi32, #tpu.memory_space<vmem>>
      %dma_wait3A_269 = tpu.memref_squeeze %dma_wait3A_268 : memref<1x2x128xi32, #tpu.memory_space<vmem>> -> memref<2x128xi32, #tpu.memory_space<vmem>>
      %dma_wait3A_270 = arith.constant 0 : i32
      %dma_wait3A_271 = arith.constant 0 : i32
      %dma_wait3A_272 = tpu.memref_slice %arg3[%add3A, %run_scoped3A_34, %dma_wait3A_270, %dma_wait3A_271] : memref<32x79x2x128xi32, #tpu.memory_space<hbm>> -> memref<1x1x2x128xi32, #tpu.memory_space<hbm>>
      %dma_wait3A_273 = tpu.memref_squeeze %dma_wait3A_272 : memref<1x1x2x128xi32, #tpu.memory_space<hbm>> -> memref<2x128xi32, #tpu.memory_space<hbm>>
      %dma_wait3A_274 = arith.constant 0 : i32
      %dma_wait3A_275 = arith.constant 0 : i32
      %dma_wait3A_276 = tpu.memref_slice %arg5[%run_scoped3A_35, %dma_wait3A_274, %dma_wait3A_275] : memref<3x2x128xi32, #tpu.memory_space<vmem>> -> memref<1x2x128xi32, #tpu.memory_space<vmem>>
      %dma_wait3A_277 = tpu.memref_squeeze %dma_wait3A_276 : memref<1x2x128xi32, #tpu.memory_space<vmem>> -> memref<2x128xi32, #tpu.memory_space<vmem>>
      %dma_wait3A_278 = arith.constant 0 : i32
      %dma_wait3A_279 = arith.constant 0 : i32
      %dma_wait3A_280 = tpu.memref_slice %arg3[%add3A, %run_scoped3A_34, %dma_wait3A_278, %dma_wait3A_279] : memref<32x79x2x128xi32, #tpu.memory_space<hbm>> -> memref<1x1x2x128xi32, #tpu.memory_space<hbm>>
      %dma_wait3A_281 = tpu.memref_squeeze %dma_wait3A_280 : memref<1x1x2x128xi32, #tpu.memory_space<hbm>> -> memref<2x128xi32, #tpu.memory_space<hbm>>
      tpu.wait_dma2 semaphore(%run_scoped3A_249 : memref<!tpu.dma_semaphore, #tpu.memory_space<semaphore_mem>>) src(%dma_wait3A_281 : memref<2x128xi32, #tpu.memory_space<hbm>>) dst(%dma_wait3A_277 : memref<2x128xi32, #tpu.memory_space<vmem>>)
      tpu.yield
    }) : () -> ()
    %dma_start3A_36 = arith.constant 1 : i32
    %dma_start3A_37 = arith.constant 0 : i32
    %dma_start3A_38 = arith.constant 1 : i32
    %dma_start3A_39 = arith.constant 0 : i32
    %dma_start3A_40 = arith.constant 0 : i32
    %dma_start3A_41 = tpu.memref_slice %arg6[%dma_start3A_38, %dma_start3A_39, %dma_start3A_40] : memref<3x128x128xbf16, #tpu.memory_space<vmem>> -> memref<1x128x128xbf16, #tpu.memory_space<vmem>>
    %dma_start3A_42 = tpu.memref_squeeze %dma_start3A_41 : memref<1x128x128xbf16, #tpu.memory_space<vmem>> -> memref<128x128xbf16, #tpu.memory_space<vmem>>
    %dma_start3A_43 = arith.constant 0 : i32
    %dma_start3A_44 = tpu.memref_slice %arg5[%dma_start3A_36, %dma_start3A_37, %dma_start3A_43] : memref<3x2x128xi32, #tpu.memory_space<vmem>> -> memref<1x1x128xi32, #tpu.memory_space<vmem>>
    %dma_start3A_45 = tpu.memref_squeeze %dma_start3A_44 : memref<1x1x128xi32, #tpu.memory_space<vmem>> -> memref<128xi32, #tpu.memory_space<vmem>>
    %dma_start3A_46 = arith.constant 0 : i32
    %dma_start3A_47 = arith.constant 0 : i32
    %dma_start3A_48 = tpu.memref_slice %arg2[%dma_start3A_46, %dma_start3A_47] : memref<10000x128xbf16, #tpu.memory_space<hbm>> -> memref<10000x128xbf16, #tpu.memory_space<hbm>>
    tpu.enqueue_indirect_dma source(%dma_start3A_48 : memref<10000x128xbf16, #tpu.memory_space<hbm>>) target(%dma_start3A_42 : memref<128x128xbf16, #tpu.memory_space<vmem>>) offsets(%dma_start3A_45 : memref<128xi32, #tpu.memory_space<vmem>>) semaphore(%arg10 : memref<!tpu.dma_semaphore, #tpu.memory_space<semaphore_mem>>)
    %run_scoped3A_49 = arith.constant 2 : i32
    %run_scoped3A_50 = arith.constant 2 : i32
    "tpu.region"() ({
      %run_scoped3A_249 = tpu.sem_alloc : memref<!tpu.dma_semaphore, #tpu.memory_space<semaphore_mem>>
      %dma_start3A_250 = arith.constant 0 : i32
      %dma_start3A_251 = arith.constant 0 : i32
      %dma_start3A_252 = tpu.memref_slice %arg5[%run_scoped3A_50, %dma_start3A_250, %dma_start3A_251] : memref<3x2x128xi32, #tpu.memory_space<vmem>> -> memref<1x2x128xi32, #tpu.memory_space<vmem>>
      %dma_start3A_253 = tpu.memref_squeeze %dma_start3A_252 : memref<1x2x128xi32, #tpu.memory_space<vmem>> -> memref<2x128xi32, #tpu.memory_space<vmem>>
      %dma_start3A_254 = arith.constant 0 : i32
      %dma_start3A_255 = arith.constant 0 : i32
      %dma_start3A_256 = tpu.memref_slice %arg3[%add3A, %run_scoped3A_49, %dma_start3A_254, %dma_start3A_255] : memref<32x79x2x128xi32, #tpu.memory_space<hbm>> -> memref<1x1x2x128xi32, #tpu.memory_space<hbm>>
      %dma_start3A_257 = tpu.memref_squeeze %dma_start3A_256 : memref<1x1x2x128xi32, #tpu.memory_space<hbm>> -> memref<2x128xi32, #tpu.memory_space<hbm>>
      %dma_start3A_258 = arith.constant 0 : i32
      %dma_start3A_259 = arith.constant 0 : i32
      %dma_start3A_260 = tpu.memref_slice %arg5[%run_scoped3A_50, %dma_start3A_258, %dma_start3A_259] : memref<3x2x128xi32, #tpu.memory_space<vmem>> -> memref<1x2x128xi32, #tpu.memory_space<vmem>>
      %dma_start3A_261 = tpu.memref_squeeze %dma_start3A_260 : memref<1x2x128xi32, #tpu.memory_space<vmem>> -> memref<2x128xi32, #tpu.memory_space<vmem>>
      %dma_start3A_262 = arith.constant 0 : i32
      %dma_start3A_263 = arith.constant 0 : i32
      %dma_start3A_264 = tpu.memref_slice %arg3[%add3A, %run_scoped3A_49, %dma_start3A_262, %dma_start3A_263] : memref<32x79x2x128xi32, #tpu.memory_space<hbm>> -> memref<1x1x2x128xi32, #tpu.memory_space<hbm>>
      %dma_start3A_265 = tpu.memref_squeeze %dma_start3A_264 : memref<1x1x2x128xi32, #tpu.memory_space<hbm>> -> memref<2x128xi32, #tpu.memory_space<hbm>>
      tpu.enqueue_dma source(%dma_start3A_265 : memref<2x128xi32, #tpu.memory_space<hbm>>) target(%dma_start3A_261 : memref<2x128xi32, #tpu.memory_space<vmem>>) target_semaphore(%run_scoped3A_249 : memref<!tpu.dma_semaphore, #tpu.memory_space<semaphore_mem>>)
      %dma_wait3A_266 = arith.constant 0 : i32
      %dma_wait3A_267 = arith.constant 0 : i32
      %dma_wait3A_268 = tpu.memref_slice %arg5[%run_scoped3A_50, %dma_wait3A_266, %dma_wait3A_267] : memref<3x2x128xi32, #tpu.memory_space<vmem>> -> memref<1x2x128xi32, #tpu.memory_space<vmem>>
      %dma_wait3A_269 = tpu.memref_squeeze %dma_wait3A_268 : memref<1x2x128xi32, #tpu.memory_space<vmem>> -> memref<2x128xi32, #tpu.memory_space<vmem>>
      %dma_wait3A_270 = arith.constant 0 : i32
      %dma_wait3A_271 = arith.constant 0 : i32
      %dma_wait3A_272 = tpu.memref_slice %arg3[%add3A, %run_scoped3A_49, %dma_wait3A_270, %dma_wait3A_271] : memref<32x79x2x128xi32, #tpu.memory_space<hbm>> -> memref<1x1x2x128xi32, #tpu.memory_space<hbm>>
      %dma_wait3A_273 = tpu.memref_squeeze %dma_wait3A_272 : memref<1x1x2x128xi32, #tpu.memory_space<hbm>> -> memref<2x128xi32, #tpu.memory_space<hbm>>
      %dma_wait3A_274 = arith.constant 0 : i32
      %dma_wait3A_275 = arith.constant 0 : i32
      %dma_wait3A_276 = tpu.memref_slice %arg5[%run_scoped3A_50, %dma_wait3A_274, %dma_wait3A_275] : memref<3x2x128xi32, #tpu.memory_space<vmem>> -> memref<1x2x128xi32, #tpu.memory_space<vmem>>
      %dma_wait3A_277 = tpu.memref_squeeze %dma_wait3A_276 : memref<1x2x128xi32, #tpu.memory_space<vmem>> -> memref<2x128xi32, #tpu.memory_space<vmem>>
      %dma_wait3A_278 = arith.constant 0 : i32
      %dma_wait3A_279 = arith.constant 0 : i32
      %dma_wait3A_280 = tpu.memref_slice %arg3[%add3A, %run_scoped3A_49, %dma_wait3A_278, %dma_wait3A_279] : memref<32x79x2x128xi32, #tpu.memory_space<hbm>> -> memref<1x1x2x128xi32, #tpu.memory_space<hbm>>
      %dma_wait3A_281 = tpu.memref_squeeze %dma_wait3A_280 : memref<1x1x2x128xi32, #tpu.memory_space<hbm>> -> memref<2x128xi32, #tpu.memory_space<hbm>>
      tpu.wait_dma2 semaphore(%run_scoped3A_249 : memref<!tpu.dma_semaphore, #tpu.memory_space<semaphore_mem>>) src(%dma_wait3A_281 : memref<2x128xi32, #tpu.memory_space<hbm>>) dst(%dma_wait3A_277 : memref<2x128xi32, #tpu.memory_space<vmem>>)
      tpu.yield
    }) : () -> ()
    %dma_start3A_51 = arith.constant 2 : i32
    %dma_start3A_52 = arith.constant 0 : i32
    %dma_start3A_53 = arith.constant 2 : i32
    %dma_start3A_54 = arith.constant 0 : i32
    %dma_start3A_55 = arith.constant 0 : i32
    %dma_start3A_56 = tpu.memref_slice %arg6[%dma_start3A_53, %dma_start3A_54, %dma_start3A_55] : memref<3x128x128xbf16, #tpu.memory_space<vmem>> -> memref<1x128x128xbf16, #tpu.memory_space<vmem>>
    %dma_start3A_57 = tpu.memref_squeeze %dma_start3A_56 : memref<1x128x128xbf16, #tpu.memory_space<vmem>> -> memref<128x128xbf16, #tpu.memory_space<vmem>>
    %dma_start3A_58 = arith.constant 0 : i32
    %dma_start3A_59 = tpu.memref_slice %arg5[%dma_start3A_51, %dma_start3A_52, %dma_start3A_58] : memref<3x2x128xi32, #tpu.memory_space<vmem>> -> memref<1x1x128xi32, #tpu.memory_space<vmem>>
    %dma_start3A_60 = tpu.memref_squeeze %dma_start3A_59 : memref<1x1x128xi32, #tpu.memory_space<vmem>> -> memref<128xi32, #tpu.memory_space<vmem>>
    %dma_start3A_61 = arith.constant 0 : i32
    %dma_start3A_62 = arith.constant 0 : i32
    %dma_start3A_63 = tpu.memref_slice %arg2[%dma_start3A_61, %dma_start3A_62] : memref<10000x128xbf16, #tpu.memory_space<hbm>> -> memref<10000x128xbf16, #tpu.memory_space<hbm>>
    tpu.enqueue_indirect_dma source(%dma_start3A_63 : memref<10000x128xbf16, #tpu.memory_space<hbm>>) target(%dma_start3A_57 : memref<128x128xbf16, #tpu.memory_space<vmem>>) offsets(%dma_start3A_60 : memref<128xi32, #tpu.memory_space<vmem>>) semaphore(%arg11 : memref<!tpu.dma_semaphore, #tpu.memory_space<semaphore_mem>>)
    %dma_wait3A = arith.constant 0 : i32
    %dma_wait3A_64 = arith.constant 0 : i32
    %dma_wait3A_65 = arith.constant 0 : i32
    %dma_wait3A_66 = arith.constant 0 : i32
    %dma_wait3A_67 = arith.constant 0 : i32
    %dma_wait3A_68 = tpu.memref_slice %arg6[%dma_wait3A_65, %dma_wait3A_66, %dma_wait3A_67] : memref<3x128x128xbf16, #tpu.memory_space<vmem>> -> memref<1x128x128xbf16, #tpu.memory_space<vmem>>
    %dma_wait3A_69 = tpu.memref_squeeze %dma_wait3A_68 : memref<1x128x128xbf16, #tpu.memory_space<vmem>> -> memref<128x128xbf16, #tpu.memory_space<vmem>>
    %dma_wait3A_70 = arith.constant 0 : i32
    %dma_wait3A_71 = tpu.memref_slice %arg5[%dma_wait3A, %dma_wait3A_64, %dma_wait3A_70] : memref<3x2x128xi32, #tpu.memory_space<vmem>> -> memref<1x1x128xi32, #tpu.memory_space<vmem>>
    %dma_wait3A_72 = tpu.memref_squeeze %dma_wait3A_71 : memref<1x1x128xi32, #tpu.memory_space<vmem>> -> memref<128xi32, #tpu.memory_space<vmem>>
    %dma_wait3A_73 = arith.constant 0 : i32
    %dma_wait3A_74 = arith.constant 0 : i32
    %dma_wait3A_75 = tpu.memref_slice %arg2[%dma_wait3A_73, %dma_wait3A_74] : memref<10000x128xbf16, #tpu.memory_space<hbm>> -> memref<10000x128xbf16, #tpu.memory_space<hbm>>
    tpu.wait_indirect_dma semaphore(%arg9 : memref<!tpu.dma_semaphore, #tpu.memory_space<semaphore_mem>>) src(%dma_wait3A_75 : memref<10000x128xbf16, #tpu.memory_space<hbm>>) dst(%dma_wait3A_69 : memref<128x128xbf16, #tpu.memory_space<vmem>>)
    %dma_start3A_76 = arith.constant 0 : i32
    %dma_start3A_77 = arith.constant 0 : i32
    %dma_start3A_78 = arith.constant 1 : i32
    %dma_start3A_79 = arith.constant 0 : i32
    %dma_start3A_80 = arith.constant 0 : i32
    %dma_start3A_81 = tpu.memref_slice %arg6[%dma_start3A_76, %dma_start3A_79, %dma_start3A_80] : memref<3x128x128xbf16, #tpu.memory_space<vmem>> -> memref<1x128x128xbf16, #tpu.memory_space<vmem>>
    %dma_start3A_82 = tpu.memref_squeeze %dma_start3A_81 : memref<1x128x128xbf16, #tpu.memory_space<vmem>> -> memref<128x128xbf16, #tpu.memory_space<vmem>>
    %dma_start3A_83 = arith.constant 0 : i32
    %dma_start3A_84 = tpu.memref_slice %arg5[%dma_start3A_77, %dma_start3A_78, %dma_start3A_83] : memref<3x2x128xi32, #tpu.memory_space<vmem>> -> memref<1x1x128xi32, #tpu.memory_space<vmem>>
    %dma_start3A_85 = tpu.memref_squeeze %dma_start3A_84 : memref<1x1x128xi32, #tpu.memory_space<vmem>> -> memref<128xi32, #tpu.memory_space<vmem>>
    %dma_start3A_86 = arith.constant 0 : i32
    %dma_start3A_87 = arith.constant 0 : i32
    %dma_start3A_88 = tpu.memref_slice %arg8[%dma_start3A_86, %dma_start3A_87] : memref<10240x128xbf16, #tpu.memory_space<vmem_shared>> -> memref<10240x128xbf16, #tpu.memory_space<vmem_shared>>
    tpu.enqueue_indirect_dma source(%dma_start3A_82 : memref<128x128xbf16, #tpu.memory_space<vmem>>) target(%dma_start3A_88 : memref<10240x128xbf16, #tpu.memory_space<vmem_shared>>) offsets(%dma_start3A_85 : memref<128xi32, #tpu.memory_space<vmem>>) semaphore(%arg12 : memref<!tpu.dma_semaphore, #tpu.memory_space<semaphore_mem>>) {add = true}
    %scan3A_89 = arith.constant 0 : i32
    %scan3A_90 = arith.constant 0 : i32
    %scan3A_91 = arith.constant 25 : i32
    %scan3A_92 = arith.addi %scan3A_90, %scan3A_91 : i32
    %scan3A_93 = arith.constant 1 : i32
    scf.for %scan3A_249 = %scan3A_90 to %scan3A_92 step %scan3A_93  : i32 {
      %mul3A_250 = arith.constant 3 : i32
      %mul3A_251 = arith.muli %mul3A_250, %scan3A_249 : i32
      %add3A_252 = arith.constant 3 : i32
      %add3A_253 = arith.addi %mul3A_251, %add3A_252 : i32
      %dma_wait3A_254 = arith.constant 0 : i32
      %dma_wait3A_255 = arith.constant 0 : i32
      %dma_wait3A_256 = arith.constant 1 : i32
      %dma_wait3A_257 = arith.constant 0 : i32
      %dma_wait3A_258 = arith.constant 0 : i32
      %dma_wait3A_259 = tpu.memref_slice %arg6[%dma_wait3A_254, %dma_wait3A_257, %dma_wait3A_258] : memref<3x128x128xbf16, #tpu.memory_space<vmem>> -> memref<1x128x128xbf16, #tpu.memory_space<vmem>>
      %dma_wait3A_260 = tpu.memref_squeeze %dma_wait3A_259 : memref<1x128x128xbf16, #tpu.memory_space<vmem>> -> memref<128x128xbf16, #tpu.memory_space<vmem>>
      %dma_wait3A_261 = arith.constant 0 : i32
      %dma_wait3A_262 = tpu.memref_slice %arg5[%dma_wait3A_255, %dma_wait3A_256, %dma_wait3A_261] : memref<3x2x128xi32, #tpu.memory_space<vmem>> -> memref<1x1x128xi32, #tpu.memory_space<vmem>>
      %dma_wait3A_263 = tpu.memref_squeeze %dma_wait3A_262 : memref<1x1x128xi32, #tpu.memory_space<vmem>> -> memref<128xi32, #tpu.memory_space<vmem>>
      %dma_wait3A_264 = arith.constant 0 : i32
      %dma_wait3A_265 = arith.constant 0 : i32
      %dma_wait3A_266 = tpu.memref_slice %arg8[%dma_wait3A_264, %dma_wait3A_265] : memref<10240x128xbf16, #tpu.memory_space<vmem_shared>> -> memref<10240x128xbf16, #tpu.memory_space<vmem_shared>>
      tpu.wait_indirect_dma semaphore(%arg12 : memref<!tpu.dma_semaphore, #tpu.memory_space<semaphore_mem>>) src(%dma_wait3A_260 : memref<128x128xbf16, #tpu.memory_space<vmem>>) dst(%dma_wait3A_266 : memref<10240x128xbf16, #tpu.memory_space<vmem_shared>>)
      %run_scoped3A_267 = arith.constant 0 : i32
      "tpu.region"() ({
        %run_scoped3A_417 = tpu.sem_alloc : memref<!tpu.dma_semaphore, #tpu.memory_space<semaphore_mem>>
        %dma_start3A_418 = arith.constant 0 : i32
        %dma_start3A_419 = arith.constant 0 : i32
        %dma_start3A_420 = tpu.memref_slice %arg5[%run_scoped3A_267, %dma_start3A_418, %dma_start3A_419] : memref<3x2x128xi32, #tpu.memory_space<vmem>> -> memref<1x2x128xi32, #tpu.memory_space<vmem>>
        %dma_start3A_421 = tpu.memref_squeeze %dma_start3A_420 : memref<1x2x128xi32, #tpu.memory_space<vmem>> -> memref<2x128xi32, #tpu.memory_space<vmem>>
        %dma_start3A_422 = arith.constant 0 : i32
        %dma_start3A_423 = arith.constant 0 : i32
        %dma_start3A_424 = tpu.memref_slice %arg3[%add3A, %add3A_253, %dma_start3A_422, %dma_start3A_423] : memref<32x79x2x128xi32, #tpu.memory_space<hbm>> -> memref<1x1x2x128xi32, #tpu.memory_space<hbm>>
        %dma_start3A_425 = tpu.memref_squeeze %dma_start3A_424 : memref<1x1x2x128xi32, #tpu.memory_space<hbm>> -> memref<2x128xi32, #tpu.memory_space<hbm>>
        %dma_start3A_426 = arith.constant 0 : i32
        %dma_start3A_427 = arith.constant 0 : i32
        %dma_start3A_428 = tpu.memref_slice %arg5[%run_scoped3A_267, %dma_start3A_426, %dma_start3A_427] : memref<3x2x128xi32, #tpu.memory_space<vmem>> -> memref<1x2x128xi32, #tpu.memory_space<vmem>>
        %dma_start3A_429 = tpu.memref_squeeze %dma_start3A_428 : memref<1x2x128xi32, #tpu.memory_space<vmem>> -> memref<2x128xi32, #tpu.memory_space<vmem>>
        %dma_start3A_430 = arith.constant 0 : i32
        %dma_start3A_431 = arith.constant 0 : i32
        %dma_start3A_432 = tpu.memref_slice %arg3[%add3A, %add3A_253, %dma_start3A_430, %dma_start3A_431] : memref<32x79x2x128xi32, #tpu.memory_space<hbm>> -> memref<1x1x2x128xi32, #tpu.memory_space<hbm>>
        %dma_start3A_433 = tpu.memref_squeeze %dma_start3A_432 : memref<1x1x2x128xi32, #tpu.memory_space<hbm>> -> memref<2x128xi32, #tpu.memory_space<hbm>>
        tpu.enqueue_dma source(%dma_start3A_433 : memref<2x128xi32, #tpu.memory_space<hbm>>) target(%dma_start3A_429 : memref<2x128xi32, #tpu.memory_space<vmem>>) target_semaphore(%run_scoped3A_417 : memref<!tpu.dma_semaphore, #tpu.memory_space<semaphore_mem>>)
        %dma_wait3A_434 = arith.constant 0 : i32
        %dma_wait3A_435 = arith.constant 0 : i32
        %dma_wait3A_436 = tpu.memref_slice %arg5[%run_scoped3A_267, %dma_wait3A_434, %dma_wait3A_435] : memref<3x2x128xi32, #tpu.memory_space<vmem>> -> memref<1x2x128xi32, #tpu.memory_space<vmem>>
        %dma_wait3A_437 = tpu.memref_squeeze %dma_wait3A_436 : memref<1x2x128xi32, #tpu.memory_space<vmem>> -> memref<2x128xi32, #tpu.memory_space<vmem>>
        %dma_wait3A_438 = arith.constant 0 : i32
        %dma_wait3A_439 = arith.constant 0 : i32
        %dma_wait3A_440 = tpu.memref_slice %arg3[%add3A, %add3A_253, %dma_wait3A_438, %dma_wait3A_439] : memref<32x79x2x128xi32, #tpu.memory_space<hbm>> -> memref<1x1x2x128xi32, #tpu.memory_space<hbm>>
        %dma_wait3A_441 = tpu.memref_squeeze %dma_wait3A_440 : memref<1x1x2x128xi32, #tpu.memory_space<hbm>> -> memref<2x128xi32, #tpu.memory_space<hbm>>
        %dma_wait3A_442 = arith.constant 0 : i32
        %dma_wait3A_443 = arith.constant 0 : i32
        %dma_wait3A_444 = tpu.memref_slice %arg5[%run_scoped3A_267, %dma_wait3A_442, %dma_wait3A_443] : memref<3x2x128xi32, #tpu.memory_space<vmem>> -> memref<1x2x128xi32, #tpu.memory_space<vmem>>
        %dma_wait3A_445 = tpu.memref_squeeze %dma_wait3A_444 : memref<1x2x128xi32, #tpu.memory_space<vmem>> -> memref<2x128xi32, #tpu.memory_space<vmem>>
        %dma_wait3A_446 = arith.constant 0 : i32
        %dma_wait3A_447 = arith.constant 0 : i32
        %dma_wait3A_448 = tpu.memref_slice %arg3[%add3A, %add3A_253, %dma_wait3A_446, %dma_wait3A_447] : memref<32x79x2x128xi32, #tpu.memory_space<hbm>> -> memref<1x1x2x128xi32, #tpu.memory_space<hbm>>
        %dma_wait3A_449 = tpu.memref_squeeze %dma_wait3A_448 : memref<1x1x2x128xi32, #tpu.memory_space<hbm>> -> memref<2x128xi32, #tpu.memory_space<hbm>>
        tpu.wait_dma2 semaphore(%run_scoped3A_417 : memref<!tpu.dma_semaphore, #tpu.memory_space<semaphore_mem>>) src(%dma_wait3A_449 : memref<2x128xi32, #tpu.memory_space<hbm>>) dst(%dma_wait3A_445 : memref<2x128xi32, #tpu.memory_space<vmem>>)
        tpu.yield
      }) : () -> ()
      %dma_start3A_268 = arith.constant 0 : i32
      %dma_start3A_269 = arith.constant 0 : i32
      %dma_start3A_270 = arith.constant 0 : i32
      %dma_start3A_271 = arith.constant 0 : i32
      %dma_start3A_272 = arith.constant 0 : i32
      %dma_start3A_273 = tpu.memref_slice %arg6[%dma_start3A_270, %dma_start3A_271, %dma_start3A_272] : memref<3x128x128xbf16, #tpu.memory_space<vmem>> -> memref<1x128x128xbf16, #tpu.memory_space<vmem>>
      %dma_start3A_274 = tpu.memref_squeeze %dma_start3A_273 : memref<1x128x128xbf16, #tpu.memory_space<vmem>> -> memref<128x128xbf16, #tpu.memory_space<vmem>>
      %dma_start3A_275 = arith.constant 0 : i32
      %dma_start3A_276 = tpu.memref_slice %arg5[%dma_start3A_268, %dma_start3A_269, %dma_start3A_275] : memref<3x2x128xi32, #tpu.memory_space<vmem>> -> memref<1x1x128xi32, #tpu.memory_space<vmem>>
      %dma_start3A_277 = tpu.memref_squeeze %dma_start3A_276 : memref<1x1x128xi32, #tpu.memory_space<vmem>> -> memref<128xi32, #tpu.memory_space<vmem>>
      %dma_start3A_278 = arith.constant 0 : i32
      %dma_start3A_279 = arith.constant 0 : i32
      %dma_start3A_280 = tpu.memref_slice %arg2[%dma_start3A_278, %dma_start3A_279] : memref<10000x128xbf16, #tpu.memory_space<hbm>> -> memref<10000x128xbf16, #tpu.memory_space<hbm>>
      tpu.enqueue_indirect_dma source(%dma_start3A_280 : memref<10000x128xbf16, #tpu.memory_space<hbm>>) target(%dma_start3A_274 : memref<128x128xbf16, #tpu.memory_space<vmem>>) offsets(%dma_start3A_277 : memref<128xi32, #tpu.memory_space<vmem>>) semaphore(%arg9 : memref<!tpu.dma_semaphore, #tpu.memory_space<semaphore_mem>>)
      %dma_wait3A_281 = arith.constant 1 : i32
      %dma_wait3A_282 = arith.constant 0 : i32
      %dma_wait3A_283 = arith.constant 1 : i32
      %dma_wait3A_284 = arith.constant 0 : i32
      %dma_wait3A_285 = arith.constant 0 : i32
      %dma_wait3A_286 = tpu.memref_slice %arg6[%dma_wait3A_283, %dma_wait3A_284, %dma_wait3A_285] : memref<3x128x128xbf16, #tpu.memory_space<vmem>> -> memref<1x128x128xbf16, #tpu.memory_space<vmem>>
      %dma_wait3A_287 = tpu.memref_squeeze %dma_wait3A_286 : memref<1x128x128xbf16, #tpu.memory_space<vmem>> -> memref<128x128xbf16, #tpu.memory_space<vmem>>
      %dma_wait3A_288 = arith.constant 0 : i32
      %dma_wait3A_289 = tpu.memref_slice %arg5[%dma_wait3A_281, %dma_wait3A_282, %dma_wait3A_288] : memref<3x2x128xi32, #tpu.memory_space<vmem>> -> memref<1x1x128xi32, #tpu.memory_space<vmem>>
      %dma_wait3A_290 = tpu.memref_squeeze %dma_wait3A_289 : memref<1x1x128xi32, #tpu.memory_space<vmem>> -> memref<128xi32, #tpu.memory_space<vmem>>
      %dma_wait3A_291 = arith.constant 0 : i32
      %dma_wait3A_292 = arith.constant 0 : i32
      %dma_wait3A_293 = tpu.memref_slice %arg2[%dma_wait3A_291, %dma_wait3A_292] : memref<10000x128xbf16, #tpu.memory_space<hbm>> -> memref<10000x128xbf16, #tpu.memory_space<hbm>>
      tpu.wait_indirect_dma semaphore(%arg10 : memref<!tpu.dma_semaphore, #tpu.memory_space<semaphore_mem>>) src(%dma_wait3A_293 : memref<10000x128xbf16, #tpu.memory_space<hbm>>) dst(%dma_wait3A_287 : memref<128x128xbf16, #tpu.memory_space<vmem>>)
      %dma_start3A_294 = arith.constant 1 : i32
      %dma_start3A_295 = arith.constant 1 : i32
      %dma_start3A_296 = arith.constant 1 : i32
      %dma_start3A_297 = arith.constant 0 : i32
      %dma_start3A_298 = arith.constant 0 : i32
      %dma_start3A_299 = tpu.memref_slice %arg6[%dma_start3A_294, %dma_start3A_297, %dma_start3A_298] : memref<3x128x128xbf16, #tpu.memory_space<vmem>> -> memref<1x128x128xbf16, #tpu.memory_space<vmem>>
      %dma_start3A_300 = tpu.memref_squeeze %dma_start3A_299 : memref<1x128x128xbf16, #tpu.memory_space<vmem>> -> memref<128x128xbf16, #tpu.memory_space<vmem>>
      %dma_start3A_301 = arith.constant 0 : i32
      %dma_start3A_302 = tpu.memref_slice %arg5[%dma_start3A_295, %dma_start3A_296, %dma_start3A_301] : memref<3x2x128xi32, #tpu.memory_space<vmem>> -> memref<1x1x128xi32, #tpu.memory_space<vmem>>
      %dma_start3A_303 = tpu.memref_squeeze %dma_start3A_302 : memref<1x1x128xi32, #tpu.memory_space<vmem>> -> memref<128xi32, #tpu.memory_space<vmem>>
      %dma_start3A_304 = arith.constant 0 : i32
      %dma_start3A_305 = arith.constant 0 : i32
      %dma_start3A_306 = tpu.memref_slice %arg8[%dma_start3A_304, %dma_start3A_305] : memref<10240x128xbf16, #tpu.memory_space<vmem_shared>> -> memref<10240x128xbf16, #tpu.memory_space<vmem_shared>>
      tpu.enqueue_indirect_dma source(%dma_start3A_300 : memref<128x128xbf16, #tpu.memory_space<vmem>>) target(%dma_start3A_306 : memref<10240x128xbf16, #tpu.memory_space<vmem_shared>>) offsets(%dma_start3A_303 : memref<128xi32, #tpu.memory_space<vmem>>) semaphore(%arg13 : memref<!tpu.dma_semaphore, #tpu.memory_space<semaphore_mem>>) {add = true}
      %add3A_307 = arith.constant 1 : i32
      %add3A_308 = arith.addi %add3A_253, %add3A_307 : i32
      %dma_wait3A_309 = arith.constant 1 : i32
      %dma_wait3A_310 = arith.constant 1 : i32
      %dma_wait3A_311 = arith.constant 1 : i32
      %dma_wait3A_312 = arith.constant 0 : i32
      %dma_wait3A_313 = arith.constant 0 : i32
      %dma_wait3A_314 = tpu.memref_slice %arg6[%dma_wait3A_309, %dma_wait3A_312, %dma_wait3A_313] : memref<3x128x128xbf16, #tpu.memory_space<vmem>> -> memref<1x128x128xbf16, #tpu.memory_space<vmem>>
      %dma_wait3A_315 = tpu.memref_squeeze %dma_wait3A_314 : memref<1x128x128xbf16, #tpu.memory_space<vmem>> -> memref<128x128xbf16, #tpu.memory_space<vmem>>
      %dma_wait3A_316 = arith.constant 0 : i32
      %dma_wait3A_317 = tpu.memref_slice %arg5[%dma_wait3A_310, %dma_wait3A_311, %dma_wait3A_316] : memref<3x2x128xi32, #tpu.memory_space<vmem>> -> memref<1x1x128xi32, #tpu.memory_space<vmem>>
      %dma_wait3A_318 = tpu.memref_squeeze %dma_wait3A_317 : memref<1x1x128xi32, #tpu.memory_space<vmem>> -> memref<128xi32, #tpu.memory_space<vmem>>
      %dma_wait3A_319 = arith.constant 0 : i32
      %dma_wait3A_320 = arith.constant 0 : i32
      %dma_wait3A_321 = tpu.memref_slice %arg8[%dma_wait3A_319, %dma_wait3A_320] : memref<10240x128xbf16, #tpu.memory_space<vmem_shared>> -> memref<10240x128xbf16, #tpu.memory_space<vmem_shared>>
      tpu.wait_indirect_dma semaphore(%arg13 : memref<!tpu.dma_semaphore, #tpu.memory_space<semaphore_mem>>) src(%dma_wait3A_315 : memref<128x128xbf16, #tpu.memory_space<vmem>>) dst(%dma_wait3A_321 : memref<10240x128xbf16, #tpu.memory_space<vmem_shared>>)
      %run_scoped3A_322 = arith.constant 1 : i32
      "tpu.region"() ({
        %run_scoped3A_417 = tpu.sem_alloc : memref<!tpu.dma_semaphore, #tpu.memory_space<semaphore_mem>>
        %dma_start3A_418 = arith.constant 0 : i32
        %dma_start3A_419 = arith.constant 0 : i32
        %dma_start3A_420 = tpu.memref_slice %arg5[%run_scoped3A_322, %dma_start3A_418, %dma_start3A_419] : memref<3x2x128xi32, #tpu.memory_space<vmem>> -> memref<1x2x128xi32, #tpu.memory_space<vmem>>
        %dma_start3A_421 = tpu.memref_squeeze %dma_start3A_420 : memref<1x2x128xi32, #tpu.memory_space<vmem>> -> memref<2x128xi32, #tpu.memory_space<vmem>>
        %dma_start3A_422 = arith.constant 0 : i32
        %dma_start3A_423 = arith.constant 0 : i32
        %dma_start3A_424 = tpu.memref_slice %arg3[%add3A, %add3A_308, %dma_start3A_422, %dma_start3A_423] : memref<32x79x2x128xi32, #tpu.memory_space<hbm>> -> memref<1x1x2x128xi32, #tpu.memory_space<hbm>>
        %dma_start3A_425 = tpu.memref_squeeze %dma_start3A_424 : memref<1x1x2x128xi32, #tpu.memory_space<hbm>> -> memref<2x128xi32, #tpu.memory_space<hbm>>
        %dma_start3A_426 = arith.constant 0 : i32
        %dma_start3A_427 = arith.constant 0 : i32
        %dma_start3A_428 = tpu.memref_slice %arg5[%run_scoped3A_322, %dma_start3A_426, %dma_start3A_427] : memref<3x2x128xi32, #tpu.memory_space<vmem>> -> memref<1x2x128xi32, #tpu.memory_space<vmem>>
        %dma_start3A_429 = tpu.memref_squeeze %dma_start3A_428 : memref<1x2x128xi32, #tpu.memory_space<vmem>> -> memref<2x128xi32, #tpu.memory_space<vmem>>
        %dma_start3A_430 = arith.constant 0 : i32
        %dma_start3A_431 = arith.constant 0 : i32
        %dma_start3A_432 = tpu.memref_slice %arg3[%add3A, %add3A_308, %dma_start3A_430, %dma_start3A_431] : memref<32x79x2x128xi32, #tpu.memory_space<hbm>> -> memref<1x1x2x128xi32, #tpu.memory_space<hbm>>
        %dma_start3A_433 = tpu.memref_squeeze %dma_start3A_432 : memref<1x1x2x128xi32, #tpu.memory_space<hbm>> -> memref<2x128xi32, #tpu.memory_space<hbm>>
        tpu.enqueue_dma source(%dma_start3A_433 : memref<2x128xi32, #tpu.memory_space<hbm>>) target(%dma_start3A_429 : memref<2x128xi32, #tpu.memory_space<vmem>>) target_semaphore(%run_scoped3A_417 : memref<!tpu.dma_semaphore, #tpu.memory_space<semaphore_mem>>)
        %dma_wait3A_434 = arith.constant 0 : i32
        %dma_wait3A_435 = arith.constant 0 : i32
        %dma_wait3A_436 = tpu.memref_slice %arg5[%run_scoped3A_322, %dma_wait3A_434, %dma_wait3A_435] : memref<3x2x128xi32, #tpu.memory_space<vmem>> -> memref<1x2x128xi32, #tpu.memory_space<vmem>>
        %dma_wait3A_437 = tpu.memref_squeeze %dma_wait3A_436 : memref<1x2x128xi32, #tpu.memory_space<vmem>> -> memref<2x128xi32, #tpu.memory_space<vmem>>
        %dma_wait3A_438 = arith.constant 0 : i32
        %dma_wait3A_439 = arith.constant 0 : i32
        %dma_wait3A_440 = tpu.memref_slice %arg3[%add3A, %add3A_308, %dma_wait3A_438, %dma_wait3A_439] : memref<32x79x2x128xi32, #tpu.memory_space<hbm>> -> memref<1x1x2x128xi32, #tpu.memory_space<hbm>>
        %dma_wait3A_441 = tpu.memref_squeeze %dma_wait3A_440 : memref<1x1x2x128xi32, #tpu.memory_space<hbm>> -> memref<2x128xi32, #tpu.memory_space<hbm>>
        %dma_wait3A_442 = arith.constant 0 : i32
        %dma_wait3A_443 = arith.constant 0 : i32
        %dma_wait3A_444 = tpu.memref_slice %arg5[%run_scoped3A_322, %dma_wait3A_442, %dma_wait3A_443] : memref<3x2x128xi32, #tpu.memory_space<vmem>> -> memref<1x2x128xi32, #tpu.memory_space<vmem>>
        %dma_wait3A_445 = tpu.memref_squeeze %dma_wait3A_444 : memref<1x2x128xi32, #tpu.memory_space<vmem>> -> memref<2x128xi32, #tpu.memory_space<vmem>>
        %dma_wait3A_446 = arith.constant 0 : i32
        %dma_wait3A_447 = arith.constant 0 : i32
        %dma_wait3A_448 = tpu.memref_slice %arg3[%add3A, %add3A_308, %dma_wait3A_446, %dma_wait3A_447] : memref<32x79x2x128xi32, #tpu.memory_space<hbm>> -> memref<1x1x2x128xi32, #tpu.memory_space<hbm>>
        %dma_wait3A_449 = tpu.memref_squeeze %dma_wait3A_448 : memref<1x1x2x128xi32, #tpu.memory_space<hbm>> -> memref<2x128xi32, #tpu.memory_space<hbm>>
        tpu.wait_dma2 semaphore(%run_scoped3A_417 : memref<!tpu.dma_semaphore, #tpu.memory_space<semaphore_mem>>) src(%dma_wait3A_449 : memref<2x128xi32, #tpu.memory_space<hbm>>) dst(%dma_wait3A_445 : memref<2x128xi32, #tpu.memory_space<vmem>>)
        tpu.yield
      }) : () -> ()
      %dma_start3A_323 = arith.constant 1 : i32
      %dma_start3A_324 = arith.constant 0 : i32
      %dma_start3A_325 = arith.constant 1 : i32
      %dma_start3A_326 = arith.constant 0 : i32
      %dma_start3A_327 = arith.constant 0 : i32
      %dma_start3A_328 = tpu.memref_slice %arg6[%dma_start3A_325, %dma_start3A_326, %dma_start3A_327] : memref<3x128x128xbf16, #tpu.memory_space<vmem>> -> memref<1x128x128xbf16, #tpu.memory_space<vmem>>
      %dma_start3A_329 = tpu.memref_squeeze %dma_start3A_328 : memref<1x128x128xbf16, #tpu.memory_space<vmem>> -> memref<128x128xbf16, #tpu.memory_space<vmem>>
      %dma_start3A_330 = arith.constant 0 : i32
      %dma_start3A_331 = tpu.memref_slice %arg5[%dma_start3A_323, %dma_start3A_324, %dma_start3A_330] : memref<3x2x128xi32, #tpu.memory_space<vmem>> -> memref<1x1x128xi32, #tpu.memory_space<vmem>>
      %dma_start3A_332 = tpu.memref_squeeze %dma_start3A_331 : memref<1x1x128xi32, #tpu.memory_space<vmem>> -> memref<128xi32, #tpu.memory_space<vmem>>
      %dma_start3A_333 = arith.constant 0 : i32
      %dma_start3A_334 = arith.constant 0 : i32
      %dma_start3A_335 = tpu.memref_slice %arg2[%dma_start3A_333, %dma_start3A_334] : memref<10000x128xbf16, #tpu.memory_space<hbm>> -> memref<10000x128xbf16, #tpu.memory_space<hbm>>
      tpu.enqueue_indirect_dma source(%dma_start3A_335 : memref<10000x128xbf16, #tpu.memory_space<hbm>>) target(%dma_start3A_329 : memref<128x128xbf16, #tpu.memory_space<vmem>>) offsets(%dma_start3A_332 : memref<128xi32, #tpu.memory_space<vmem>>) semaphore(%arg10 : memref<!tpu.dma_semaphore, #tpu.memory_space<semaphore_mem>>)
      %dma_wait3A_336 = arith.constant 2 : i32
      %dma_wait3A_337 = arith.constant 0 : i32
      %dma_wait3A_338 = arith.constant 2 : i32
      %dma_wait3A_339 = arith.constant 0 : i32
      %dma_wait3A_340 = arith.constant 0 : i32
      %dma_wait3A_341 = tpu.memref_slice %arg6[%dma_wait3A_338, %dma_wait3A_339, %dma_wait3A_340] : memref<3x128x128xbf16, #tpu.memory_space<vmem>> -> memref<1x128x128xbf16, #tpu.memory_space<vmem>>
      %dma_wait3A_342 = tpu.memref_squeeze %dma_wait3A_341 : memref<1x128x128xbf16, #tpu.memory_space<vmem>> -> memref<128x128xbf16, #tpu.memory_space<vmem>>
      %dma_wait3A_343 = arith.constant 0 : i32
      %dma_wait3A_344 = tpu.memref_slice %arg5[%dma_wait3A_336, %dma_wait3A_337, %dma_wait3A_343] : memref<3x2x128xi32, #tpu.memory_space<vmem>> -> memref<1x1x128xi32, #tpu.memory_space<vmem>>
      %dma_wait3A_345 = tpu.memref_squeeze %dma_wait3A_344 : memref<1x1x128xi32, #tpu.memory_space<vmem>> -> memref<128xi32, #tpu.memory_space<vmem>>
      %dma_wait3A_346 = arith.constant 0 : i32
      %dma_wait3A_347 = arith.constant 0 : i32
      %dma_wait3A_348 = tpu.memref_slice %arg2[%dma_wait3A_346, %dma_wait3A_347] : memref<10000x128xbf16, #tpu.memory_space<hbm>> -> memref<10000x128xbf16, #tpu.memory_space<hbm>>
      tpu.wait_indirect_dma semaphore(%arg11 : memref<!tpu.dma_semaphore, #tpu.memory_space<semaphore_mem>>) src(%dma_wait3A_348 : memref<10000x128xbf16, #tpu.memory_space<hbm>>) dst(%dma_wait3A_342 : memref<128x128xbf16, #tpu.memory_space<vmem>>)
      %dma_start3A_349 = arith.constant 2 : i32
      %dma_start3A_350 = arith.constant 2 : i32
      %dma_start3A_351 = arith.constant 1 : i32
      %dma_start3A_352 = arith.constant 0 : i32
      %dma_start3A_353 = arith.constant 0 : i32
      %dma_start3A_354 = tpu.memref_slice %arg6[%dma_start3A_349, %dma_start3A_352, %dma_start3A_353] : memref<3x128x128xbf16, #tpu.memory_space<vmem>> -> memref<1x128x128xbf16, #tpu.memory_space<vmem>>
      %dma_start3A_355 = tpu.memref_squeeze %dma_start3A_354 : memref<1x128x128xbf16, #tpu.memory_space<vmem>> -> memref<128x128xbf16, #tpu.memory_space<vmem>>
      %dma_start3A_356 = arith.constant 0 : i32
      %dma_start3A_357 = tpu.memref_slice %arg5[%dma_start3A_350, %dma_start3A_351, %dma_start3A_356] : memref<3x2x128xi32, #tpu.memory_space<vmem>> -> memref<1x1x128xi32, #tpu.memory_space<vmem>>
      %dma_start3A_358 = tpu.memref_squeeze %dma_start3A_357 : memref<1x1x128xi32, #tpu.memory_space<vmem>> -> memref<128xi32, #tpu.memory_space<vmem>>
      %dma_start3A_359 = arith.constant 0 : i32
      %dma_start3A_360 = arith.constant 0 : i32
      %dma_start3A_361 = tpu.memref_slice %arg8[%dma_start3A_359, %dma_start3A_360] : memref<10240x128xbf16, #tpu.memory_space<vmem_shared>> -> memref<10240x128xbf16, #tpu.memory_space<vmem_shared>>
      tpu.enqueue_indirect_dma source(%dma_start3A_355 : memref<128x128xbf16, #tpu.memory_space<vmem>>) target(%dma_start3A_361 : memref<10240x128xbf16, #tpu.memory_space<vmem_shared>>) offsets(%dma_start3A_358 : memref<128xi32, #tpu.memory_space<vmem>>) semaphore(%arg14 : memref<!tpu.dma_semaphore, #tpu.memory_space<semaphore_mem>>) {add = true}
      %add3A_362 = arith.constant 2 : i32
      %add3A_363 = arith.addi %add3A_253, %add3A_362 : i32
      %dma_wait3A_364 = arith.constant 2 : i32
      %dma_wait3A_365 = arith.constant 2 : i32
      %dma_wait3A_366 = arith.constant 1 : i32
      %dma_wait3A_367 = arith.constant 0 : i32
      %dma_wait3A_368 = arith.constant 0 : i32
      %dma_wait3A_369 = tpu.memref_slice %arg6[%dma_wait3A_364, %dma_wait3A_367, %dma_wait3A_368] : memref<3x128x128xbf16, #tpu.memory_space<vmem>> -> memref<1x128x128xbf16, #tpu.memory_space<vmem>>
      %dma_wait3A_370 = tpu.memref_squeeze %dma_wait3A_369 : memref<1x128x128xbf16, #tpu.memory_space<vmem>> -> memref<128x128xbf16, #tpu.memory_space<vmem>>
      %dma_wait3A_371 = arith.constant 0 : i32
      %dma_wait3A_372 = tpu.memref_slice %arg5[%dma_wait3A_365, %dma_wait3A_366, %dma_wait3A_371] : memref<3x2x128xi32, #tpu.memory_space<vmem>> -> memref<1x1x128xi32, #tpu.memory_space<vmem>>
      %dma_wait3A_373 = tpu.memref_squeeze %dma_wait3A_372 : memref<1x1x128xi32, #tpu.memory_space<vmem>> -> memref<128xi32, #tpu.memory_space<vmem>>
      %dma_wait3A_374 = arith.constant 0 : i32
      %dma_wait3A_375 = arith.constant 0 : i32
      %dma_wait3A_376 = tpu.memref_slice %arg8[%dma_wait3A_374, %dma_wait3A_375] : memref<10240x128xbf16, #tpu.memory_space<vmem_shared>> -> memref<10240x128xbf16, #tpu.memory_space<vmem_shared>>
      tpu.wait_indirect_dma semaphore(%arg14 : memref<!tpu.dma_semaphore, #tpu.memory_space<semaphore_mem>>) src(%dma_wait3A_370 : memref<128x128xbf16, #tpu.memory_space<vmem>>) dst(%dma_wait3A_376 : memref<10240x128xbf16, #tpu.memory_space<vmem_shared>>)
      %run_scoped3A_377 = arith.constant 2 : i32
      "tpu.region"() ({
        %run_scoped3A_417 = tpu.sem_alloc : memref<!tpu.dma_semaphore, #tpu.memory_space<semaphore_mem>>
        %dma_start3A_418 = arith.constant 0 : i32
        %dma_start3A_419 = arith.constant 0 : i32
        %dma_start3A_420 = tpu.memref_slice %arg5[%run_scoped3A_377, %dma_start3A_418, %dma_start3A_419] : memref<3x2x128xi32, #tpu.memory_space<vmem>> -> memref<1x2x128xi32, #tpu.memory_space<vmem>>
        %dma_start3A_421 = tpu.memref_squeeze %dma_start3A_420 : memref<1x2x128xi32, #tpu.memory_space<vmem>> -> memref<2x128xi32, #tpu.memory_space<vmem>>
        %dma_start3A_422 = arith.constant 0 : i32
        %dma_start3A_423 = arith.constant 0 : i32
        %dma_start3A_424 = tpu.memref_slice %arg3[%add3A, %add3A_363, %dma_start3A_422, %dma_start3A_423] : memref<32x79x2x128xi32, #tpu.memory_space<hbm>> -> memref<1x1x2x128xi32, #tpu.memory_space<hbm>>
        %dma_start3A_425 = tpu.memref_squeeze %dma_start3A_424 : memref<1x1x2x128xi32, #tpu.memory_space<hbm>> -> memref<2x128xi32, #tpu.memory_space<hbm>>
        %dma_start3A_426 = arith.constant 0 : i32
        %dma_start3A_427 = arith.constant 0 : i32
        %dma_start3A_428 = tpu.memref_slice %arg5[%run_scoped3A_377, %dma_start3A_426, %dma_start3A_427] : memref<3x2x128xi32, #tpu.memory_space<vmem>> -> memref<1x2x128xi32, #tpu.memory_space<vmem>>
        %dma_start3A_429 = tpu.memref_squeeze %dma_start3A_428 : memref<1x2x128xi32, #tpu.memory_space<vmem>> -> memref<2x128xi32, #tpu.memory_space<vmem>>
        %dma_start3A_430 = arith.constant 0 : i32
        %dma_start3A_431 = arith.constant 0 : i32
        %dma_start3A_432 = tpu.memref_slice %arg3[%add3A, %add3A_363, %dma_start3A_430, %dma_start3A_431] : memref<32x79x2x128xi32, #tpu.memory_space<hbm>> -> memref<1x1x2x128xi32, #tpu.memory_space<hbm>>
        %dma_start3A_433 = tpu.memref_squeeze %dma_start3A_432 : memref<1x1x2x128xi32, #tpu.memory_space<hbm>> -> memref<2x128xi32, #tpu.memory_space<hbm>>
        tpu.enqueue_dma source(%dma_start3A_433 : memref<2x128xi32, #tpu.memory_space<hbm>>) target(%dma_start3A_429 : memref<2x128xi32, #tpu.memory_space<vmem>>) target_semaphore(%run_scoped3A_417 : memref<!tpu.dma_semaphore, #tpu.memory_space<semaphore_mem>>)
        %dma_wait3A_434 = arith.constant 0 : i32
        %dma_wait3A_435 = arith.constant 0 : i32
        %dma_wait3A_436 = tpu.memref_slice %arg5[%run_scoped3A_377, %dma_wait3A_434, %dma_wait3A_435] : memref<3x2x128xi32, #tpu.memory_space<vmem>> -> memref<1x2x128xi32, #tpu.memory_space<vmem>>
        %dma_wait3A_437 = tpu.memref_squeeze %dma_wait3A_436 : memref<1x2x128xi32, #tpu.memory_space<vmem>> -> memref<2x128xi32, #tpu.memory_space<vmem>>
        %dma_wait3A_438 = arith.constant 0 : i32
        %dma_wait3A_439 = arith.constant 0 : i32
        %dma_wait3A_440 = tpu.memref_slice %arg3[%add3A, %add3A_363, %dma_wait3A_438, %dma_wait3A_439] : memref<32x79x2x128xi32, #tpu.memory_space<hbm>> -> memref<1x1x2x128xi32, #tpu.memory_space<hbm>>
        %dma_wait3A_441 = tpu.memref_squeeze %dma_wait3A_440 : memref<1x1x2x128xi32, #tpu.memory_space<hbm>> -> memref<2x128xi32, #tpu.memory_space<hbm>>
        %dma_wait3A_442 = arith.constant 0 : i32
        %dma_wait3A_443 = arith.constant 0 : i32
        %dma_wait3A_444 = tpu.memref_slice %arg5[%run_scoped3A_377, %dma_wait3A_442, %dma_wait3A_443] : memref<3x2x128xi32, #tpu.memory_space<vmem>> -> memref<1x2x128xi32, #tpu.memory_space<vmem>>
        %dma_wait3A_445 = tpu.memref_squeeze %dma_wait3A_444 : memref<1x2x128xi32, #tpu.memory_space<vmem>> -> memref<2x128xi32, #tpu.memory_space<vmem>>
        %dma_wait3A_446 = arith.constant 0 : i32
        %dma_wait3A_447 = arith.constant 0 : i32
        %dma_wait3A_448 = tpu.memref_slice %arg3[%add3A, %add3A_363, %dma_wait3A_446, %dma_wait3A_447] : memref<32x79x2x128xi32, #tpu.memory_space<hbm>> -> memref<1x1x2x128xi32, #tpu.memory_space<hbm>>
        %dma_wait3A_449 = tpu.memref_squeeze %dma_wait3A_448 : memref<1x1x2x128xi32, #tpu.memory_space<hbm>> -> memref<2x128xi32, #tpu.memory_space<hbm>>
        tpu.wait_dma2 semaphore(%run_scoped3A_417 : memref<!tpu.dma_semaphore, #tpu.memory_space<semaphore_mem>>) src(%dma_wait3A_449 : memref<2x128xi32, #tpu.memory_space<hbm>>) dst(%dma_wait3A_445 : memref<2x128xi32, #tpu.memory_space<vmem>>)
        tpu.yield
      }) : () -> ()
      %dma_start3A_378 = arith.constant 2 : i32
      %dma_start3A_379 = arith.constant 0 : i32
      %dma_start3A_380 = arith.constant 2 : i32
      %dma_start3A_381 = arith.constant 0 : i32
      %dma_start3A_382 = arith.constant 0 : i32
      %dma_start3A_383 = tpu.memref_slice %arg6[%dma_start3A_380, %dma_start3A_381, %dma_start3A_382] : memref<3x128x128xbf16, #tpu.memory_space<vmem>> -> memref<1x128x128xbf16, #tpu.memory_space<vmem>>
      %dma_start3A_384 = tpu.memref_squeeze %dma_start3A_383 : memref<1x128x128xbf16, #tpu.memory_space<vmem>> -> memref<128x128xbf16, #tpu.memory_space<vmem>>
      %dma_start3A_385 = arith.constant 0 : i32
      %dma_start3A_386 = tpu.memref_slice %arg5[%dma_start3A_378, %dma_start3A_379, %dma_start3A_385] : memref<3x2x128xi32, #tpu.memory_space<vmem>> -> memref<1x1x128xi32, #tpu.memory_space<vmem>>
      %dma_start3A_387 = tpu.memref_squeeze %dma_start3A_386 : memref<1x1x128xi32, #tpu.memory_space<vmem>> -> memref<128xi32, #tpu.memory_space<vmem>>
      %dma_start3A_388 = arith.constant 0 : i32
      %dma_start3A_389 = arith.constant 0 : i32
      %dma_start3A_390 = tpu.memref_slice %arg2[%dma_start3A_388, %dma_start3A_389] : memref<10000x128xbf16, #tpu.memory_space<hbm>> -> memref<10000x128xbf16, #tpu.memory_space<hbm>>
      tpu.enqueue_indirect_dma source(%dma_start3A_390 : memref<10000x128xbf16, #tpu.memory_space<hbm>>) target(%dma_start3A_384 : memref<128x128xbf16, #tpu.memory_space<vmem>>) offsets(%dma_start3A_387 : memref<128xi32, #tpu.memory_space<vmem>>) semaphore(%arg11 : memref<!tpu.dma_semaphore, #tpu.memory_space<semaphore_mem>>)
      %dma_wait3A_391 = arith.constant 0 : i32
      %dma_wait3A_392 = arith.constant 0 : i32
      %dma_wait3A_393 = arith.constant 0 : i32
      %dma_wait3A_394 = arith.constant 0 : i32
      %dma_wait3A_395 = arith.constant 0 : i32
      %dma_wait3A_396 = tpu.memref_slice %arg6[%dma_wait3A_393, %dma_wait3A_394, %dma_wait3A_395] : memref<3x128x128xbf16, #tpu.memory_space<vmem>> -> memref<1x128x128xbf16, #tpu.memory_space<vmem>>
      %dma_wait3A_397 = tpu.memref_squeeze %dma_wait3A_396 : memref<1x128x128xbf16, #tpu.memory_space<vmem>> -> memref<128x128xbf16, #tpu.memory_space<vmem>>
      %dma_wait3A_398 = arith.constant 0 : i32
      %dma_wait3A_399 = tpu.memref_slice %arg5[%dma_wait3A_391, %dma_wait3A_392, %dma_wait3A_398] : memref<3x2x128xi32, #tpu.memory_space<vmem>> -> memref<1x1x128xi32, #tpu.memory_space<vmem>>
      %dma_wait3A_400 = tpu.memref_squeeze %dma_wait3A_399 : memref<1x1x128xi32, #tpu.memory_space<vmem>> -> memref<128xi32, #tpu.memory_space<vmem>>
      %dma_wait3A_401 = arith.constant 0 : i32
      %dma_wait3A_402 = arith.constant 0 : i32
      %dma_wait3A_403 = tpu.memref_slice %arg2[%dma_wait3A_401, %dma_wait3A_402] : memref<10000x128xbf16, #tpu.memory_space<hbm>> -> memref<10000x128xbf16, #tpu.memory_space<hbm>>
      tpu.wait_indirect_dma semaphore(%arg9 : memref<!tpu.dma_semaphore, #tpu.memory_space<semaphore_mem>>) src(%dma_wait3A_403 : memref<10000x128xbf16, #tpu.memory_space<hbm>>) dst(%dma_wait3A_397 : memref<128x128xbf16, #tpu.memory_space<vmem>>)
      %dma_start3A_404 = arith.constant 0 : i32
      %dma_start3A_405 = arith.constant 0 : i32
      %dma_start3A_406 = arith.constant 1 : i32
      %dma_start3A_407 = arith.constant 0 : i32
      %dma_start3A_408 = arith.constant 0 : i32
      %dma_start3A_409 = tpu.memref_slice %arg6[%dma_start3A_404, %dma_start3A_407, %dma_start3A_408] : memref<3x128x128xbf16, #tpu.memory_space<vmem>> -> memref<1x128x128xbf16, #tpu.memory_space<vmem>>
      %dma_start3A_410 = tpu.memref_squeeze %dma_start3A_409 : memref<1x128x128xbf16, #tpu.memory_space<vmem>> -> memref<128x128xbf16, #tpu.memory_space<vmem>>
      %dma_start3A_411 = arith.constant 0 : i32
      %dma_start3A_412 = tpu.memref_slice %arg5[%dma_start3A_405, %dma_start3A_406, %dma_start3A_411] : memref<3x2x128xi32, #tpu.memory_space<vmem>> -> memref<1x1x128xi32, #tpu.memory_space<vmem>>
      %dma_start3A_413 = tpu.memref_squeeze %dma_start3A_412 : memref<1x1x128xi32, #tpu.memory_space<vmem>> -> memref<128xi32, #tpu.memory_space<vmem>>
      %dma_start3A_414 = arith.constant 0 : i32
      %dma_start3A_415 = arith.constant 0 : i32
      %dma_start3A_416 = tpu.memref_slice %arg8[%dma_start3A_414, %dma_start3A_415] : memref<10240x128xbf16, #tpu.memory_space<vmem_shared>> -> memref<10240x128xbf16, #tpu.memory_space<vmem_shared>>
      tpu.enqueue_indirect_dma source(%dma_start3A_410 : memref<128x128xbf16, #tpu.memory_space<vmem>>) target(%dma_start3A_416 : memref<10240x128xbf16, #tpu.memory_space<vmem_shared>>) offsets(%dma_start3A_413 : memref<128xi32, #tpu.memory_space<vmem>>) semaphore(%arg12 : memref<!tpu.dma_semaphore, #tpu.memory_space<semaphore_mem>>) {add = true}
    }
    %scan3A_94 = arith.constant 25 : i32
    %dma_wait3A_95 = arith.constant 0 : i32
    %dma_wait3A_96 = arith.constant 0 : i32
    %dma_wait3A_97 = arith.constant 1 : i32
    %dma_wait3A_98 = arith.constant 0 : i32
    %dma_wait3A_99 = arith.constant 0 : i32
    %dma_wait3A_100 = tpu.memref_slice %arg6[%dma_wait3A_95, %dma_wait3A_98, %dma_wait3A_99] : memref<3x128x128xbf16, #tpu.memory_space<vmem>> -> memref<1x128x128xbf16, #tpu.memory_space<vmem>>
    %dma_wait3A_101 = tpu.memref_squeeze %dma_wait3A_100 : memref<1x128x128xbf16, #tpu.memory_space<vmem>> -> memref<128x128xbf16, #tpu.memory_space<vmem>>
    %dma_wait3A_102 = arith.constant 0 : i32
    %dma_wait3A_103 = tpu.memref_slice %arg5[%dma_wait3A_96, %dma_wait3A_97, %dma_wait3A_102] : memref<3x2x128xi32, #tpu.memory_space<vmem>> -> memref<1x1x128xi32, #tpu.memory_space<vmem>>
    %dma_wait3A_104 = tpu.memref_squeeze %dma_wait3A_103 : memref<1x1x128xi32, #tpu.memory_space<vmem>> -> memref<128xi32, #tpu.memory_space<vmem>>
    %dma_wait3A_105 = arith.constant 0 : i32
    %dma_wait3A_106 = arith.constant 0 : i32
    %dma_wait3A_107 = tpu.memref_slice %arg8[%dma_wait3A_105, %dma_wait3A_106] : memref<10240x128xbf16, #tpu.memory_space<vmem_shared>> -> memref<10240x128xbf16, #tpu.memory_space<vmem_shared>>
    tpu.wait_indirect_dma semaphore(%arg12 : memref<!tpu.dma_semaphore, #tpu.memory_space<semaphore_mem>>) src(%dma_wait3A_101 : memref<128x128xbf16, #tpu.memory_space<vmem>>) dst(%dma_wait3A_107 : memref<10240x128xbf16, #tpu.memory_space<vmem_shared>>)
    %run_scoped3A_108 = arith.constant 78 : i32
    %run_scoped3A_109 = arith.constant 0 : i32
    "tpu.region"() ({
      %run_scoped3A_249 = tpu.sem_alloc : memref<!tpu.dma_semaphore, #tpu.memory_space<semaphore_mem>>
      %dma_start3A_250 = arith.constant 0 : i32
      %dma_start3A_251 = arith.constant 0 : i32
      %dma_start3A_252 = tpu.memref_slice %arg5[%run_scoped3A_109, %dma_start3A_250, %dma_start3A_251] : memref<3x2x128xi32, #tpu.memory_space<vmem>> -> memref<1x2x128xi32, #tpu.memory_space<vmem>>
      %dma_start3A_253 = tpu.memref_squeeze %dma_start3A_252 : memref<1x2x128xi32, #tpu.memory_space<vmem>> -> memref<2x128xi32, #tpu.memory_space<vmem>>
      %dma_start3A_254 = arith.constant 0 : i32
      %dma_start3A_255 = arith.constant 0 : i32
      %dma_start3A_256 = tpu.memref_slice %arg3[%add3A, %run_scoped3A_108, %dma_start3A_254, %dma_start3A_255] : memref<32x79x2x128xi32, #tpu.memory_space<hbm>> -> memref<1x1x2x128xi32, #tpu.memory_space<hbm>>
      %dma_start3A_257 = tpu.memref_squeeze %dma_start3A_256 : memref<1x1x2x128xi32, #tpu.memory_space<hbm>> -> memref<2x128xi32, #tpu.memory_space<hbm>>
      %dma_start3A_258 = arith.constant 0 : i32
      %dma_start3A_259 = arith.constant 0 : i32
      %dma_start3A_260 = tpu.memref_slice %arg5[%run_scoped3A_109, %dma_start3A_258, %dma_start3A_259] : memref<3x2x128xi32, #tpu.memory_space<vmem>> -> memref<1x2x128xi32, #tpu.memory_space<vmem>>
      %dma_start3A_261 = tpu.memref_squeeze %dma_start3A_260 : memref<1x2x128xi32, #tpu.memory_space<vmem>> -> memref<2x128xi32, #tpu.memory_space<vmem>>
      %dma_start3A_262 = arith.constant 0 : i32
      %dma_start3A_263 = arith.constant 0 : i32
      %dma_start3A_264 = tpu.memref_slice %arg3[%add3A, %run_scoped3A_108, %dma_start3A_262, %dma_start3A_263] : memref<32x79x2x128xi32, #tpu.memory_space<hbm>> -> memref<1x1x2x128xi32, #tpu.memory_space<hbm>>
      %dma_start3A_265 = tpu.memref_squeeze %dma_start3A_264 : memref<1x1x2x128xi32, #tpu.memory_space<hbm>> -> memref<2x128xi32, #tpu.memory_space<hbm>>
      tpu.enqueue_dma source(%dma_start3A_265 : memref<2x128xi32, #tpu.memory_space<hbm>>) target(%dma_start3A_261 : memref<2x128xi32, #tpu.memory_space<vmem>>) target_semaphore(%run_scoped3A_249 : memref<!tpu.dma_semaphore, #tpu.memory_space<semaphore_mem>>)
      %dma_wait3A_266 = arith.constant 0 : i32
      %dma_wait3A_267 = arith.constant 0 : i32
      %dma_wait3A_268 = tpu.memref_slice %arg5[%run_scoped3A_109, %dma_wait3A_266, %dma_wait3A_267] : memref<3x2x128xi32, #tpu.memory_space<vmem>> -> memref<1x2x128xi32, #tpu.memory_space<vmem>>
      %dma_wait3A_269 = tpu.memref_squeeze %dma_wait3A_268 : memref<1x2x128xi32, #tpu.memory_space<vmem>> -> memref<2x128xi32, #tpu.memory_space<vmem>>
      %dma_wait3A_270 = arith.constant 0 : i32
      %dma_wait3A_271 = arith.constant 0 : i32
      %dma_wait3A_272 = tpu.memref_slice %arg3[%add3A, %run_scoped3A_108, %dma_wait3A_270, %dma_wait3A_271] : memref<32x79x2x128xi32, #tpu.memory_space<hbm>> -> memref<1x1x2x128xi32, #tpu.memory_space<hbm>>
      %dma_wait3A_273 = tpu.memref_squeeze %dma_wait3A_272 : memref<1x1x2x128xi32, #tpu.memory_space<hbm>> -> memref<2x128xi32, #tpu.memory_space<hbm>>
      %dma_wait3A_274 = arith.constant 0 : i32
      %dma_wait3A_275 = arith.constant 0 : i32
      %dma_wait3A_276 = tpu.memref_slice %arg5[%run_scoped3A_109, %dma_wait3A_274, %dma_wait3A_275] : memref<3x2x128xi32, #tpu.memory_space<vmem>> -> memref<1x2x128xi32, #tpu.memory_space<vmem>>
      %dma_wait3A_277 = tpu.memref_squeeze %dma_wait3A_276 : memref<1x2x128xi32, #tpu.memory_space<vmem>> -> memref<2x128xi32, #tpu.memory_space<vmem>>
      %dma_wait3A_278 = arith.constant 0 : i32
      %dma_wait3A_279 = arith.constant 0 : i32
      %dma_wait3A_280 = tpu.memref_slice %arg3[%add3A, %run_scoped3A_108, %dma_wait3A_278, %dma_wait3A_279] : memref<32x79x2x128xi32, #tpu.memory_space<hbm>> -> memref<1x1x2x128xi32, #tpu.memory_space<hbm>>
      %dma_wait3A_281 = tpu.memref_squeeze %dma_wait3A_280 : memref<1x1x2x128xi32, #tpu.memory_space<hbm>> -> memref<2x128xi32, #tpu.memory_space<hbm>>
      tpu.wait_dma2 semaphore(%run_scoped3A_249 : memref<!tpu.dma_semaphore, #tpu.memory_space<semaphore_mem>>) src(%dma_wait3A_281 : memref<2x128xi32, #tpu.memory_space<hbm>>) dst(%dma_wait3A_277 : memref<2x128xi32, #tpu.memory_space<vmem>>)
      tpu.yield
    }) : () -> ()
    %dma_start3A_110 = arith.constant 0 : i32
    %dma_start3A_111 = arith.constant 0 : i32
    %dma_start3A_112 = arith.constant 0 : i32
    %dma_start3A_113 = arith.constant 0 : i32
    %dma_start3A_114 = arith.constant 0 : i32
    %dma_start3A_115 = tpu.memref_slice %arg6[%dma_start3A_112, %dma_start3A_113, %dma_start3A_114] : memref<3x128x128xbf16, #tpu.memory_space<vmem>> -> memref<1x128x128xbf16, #tpu.memory_space<vmem>>
    %dma_start3A_116 = tpu.memref_squeeze %dma_start3A_115 : memref<1x128x128xbf16, #tpu.memory_space<vmem>> -> memref<128x128xbf16, #tpu.memory_space<vmem>>
    %dma_start3A_117 = arith.constant 0 : i32
    %dma_start3A_118 = tpu.memref_slice %arg5[%dma_start3A_110, %dma_start3A_111, %dma_start3A_117] : memref<3x2x128xi32, #tpu.memory_space<vmem>> -> memref<1x1x128xi32, #tpu.memory_space<vmem>>
    %dma_start3A_119 = tpu.memref_squeeze %dma_start3A_118 : memref<1x1x128xi32, #tpu.memory_space<vmem>> -> memref<128xi32, #tpu.memory_space<vmem>>
    %dma_start3A_120 = arith.constant 0 : i32
    %dma_start3A_121 = arith.constant 0 : i32
    %dma_start3A_122 = tpu.memref_slice %arg2[%dma_start3A_120, %dma_start3A_121] : memref<10000x128xbf16, #tpu.memory_space<hbm>> -> memref<10000x128xbf16, #tpu.memory_space<hbm>>
    tpu.enqueue_indirect_dma source(%dma_start3A_122 : memref<10000x128xbf16, #tpu.memory_space<hbm>>) target(%dma_start3A_116 : memref<128x128xbf16, #tpu.memory_space<vmem>>) offsets(%dma_start3A_119 : memref<128xi32, #tpu.memory_space<vmem>>) semaphore(%arg9 : memref<!tpu.dma_semaphore, #tpu.memory_space<semaphore_mem>>)
    %dma_wait3A_123 = arith.constant 1 : i32
    %dma_wait3A_124 = arith.constant 0 : i32
    %dma_wait3A_125 = arith.constant 1 : i32
    %dma_wait3A_126 = arith.constant 0 : i32
    %dma_wait3A_127 = arith.constant 0 : i32
    %dma_wait3A_128 = tpu.memref_slice %arg6[%dma_wait3A_125, %dma_wait3A_126, %dma_wait3A_127] : memref<3x128x128xbf16, #tpu.memory_space<vmem>> -> memref<1x128x128xbf16, #tpu.memory_space<vmem>>
    %dma_wait3A_129 = tpu.memref_squeeze %dma_wait3A_128 : memref<1x128x128xbf16, #tpu.memory_space<vmem>> -> memref<128x128xbf16, #tpu.memory_space<vmem>>
    %dma_wait3A_130 = arith.constant 0 : i32
    %dma_wait3A_131 = tpu.memref_slice %arg5[%dma_wait3A_123, %dma_wait3A_124, %dma_wait3A_130] : memref<3x2x128xi32, #tpu.memory_space<vmem>> -> memref<1x1x128xi32, #tpu.memory_space<vmem>>
    %dma_wait3A_132 = tpu.memref_squeeze %dma_wait3A_131 : memref<1x1x128xi32, #tpu.memory_space<vmem>> -> memref<128xi32, #tpu.memory_space<vmem>>
    %dma_wait3A_133 = arith.constant 0 : i32
    %dma_wait3A_134 = arith.constant 0 : i32
    %dma_wait3A_135 = tpu.memref_slice %arg2[%dma_wait3A_133, %dma_wait3A_134] : memref<10000x128xbf16, #tpu.memory_space<hbm>> -> memref<10000x128xbf16, #tpu.memory_space<hbm>>
    tpu.wait_indirect_dma semaphore(%arg10 : memref<!tpu.dma_semaphore, #tpu.memory_space<semaphore_mem>>) src(%dma_wait3A_135 : memref<10000x128xbf16, #tpu.memory_space<hbm>>) dst(%dma_wait3A_129 : memref<128x128xbf16, #tpu.memory_space<vmem>>)
    %dma_start3A_136 = arith.constant 1 : i32
    %dma_start3A_137 = arith.constant 1 : i32
    %dma_start3A_138 = arith.constant 1 : i32
    %dma_start3A_139 = arith.constant 0 : i32
    %dma_start3A_140 = arith.constant 0 : i32
    %dma_start3A_141 = tpu.memref_slice %arg6[%dma_start3A_136, %dma_start3A_139, %dma_start3A_140] : memref<3x128x128xbf16, #tpu.memory_space<vmem>> -> memref<1x128x128xbf16, #tpu.memory_space<vmem>>
    %dma_start3A_142 = tpu.memref_squeeze %dma_start3A_141 : memref<1x128x128xbf16, #tpu.memory_space<vmem>> -> memref<128x128xbf16, #tpu.memory_space<vmem>>
    %dma_start3A_143 = arith.constant 0 : i32
    %dma_start3A_144 = tpu.memref_slice %arg5[%dma_start3A_137, %dma_start3A_138, %dma_start3A_143] : memref<3x2x128xi32, #tpu.memory_space<vmem>> -> memref<1x1x128xi32, #tpu.memory_space<vmem>>
    %dma_start3A_145 = tpu.memref_squeeze %dma_start3A_144 : memref<1x1x128xi32, #tpu.memory_space<vmem>> -> memref<128xi32, #tpu.memory_space<vmem>>
    %dma_start3A_146 = arith.constant 0 : i32
    %dma_start3A_147 = arith.constant 0 : i32
    %dma_start3A_148 = tpu.memref_slice %arg8[%dma_start3A_146, %dma_start3A_147] : memref<10240x128xbf16, #tpu.memory_space<vmem_shared>> -> memref<10240x128xbf16, #tpu.memory_space<vmem_shared>>
    tpu.enqueue_indirect_dma source(%dma_start3A_142 : memref<128x128xbf16, #tpu.memory_space<vmem>>) target(%dma_start3A_148 : memref<10240x128xbf16, #tpu.memory_space<vmem_shared>>) offsets(%dma_start3A_145 : memref<128xi32, #tpu.memory_space<vmem>>) semaphore(%arg13 : memref<!tpu.dma_semaphore, #tpu.memory_space<semaphore_mem>>) {add = true}
    %dma_wait3A_149 = arith.constant 2 : i32
    %dma_wait3A_150 = arith.constant 0 : i32
    %dma_wait3A_151 = arith.constant 2 : i32
    %dma_wait3A_152 = arith.constant 0 : i32
    %dma_wait3A_153 = arith.constant 0 : i32
    %dma_wait3A_154 = tpu.memref_slice %arg6[%dma_wait3A_151, %dma_wait3A_152, %dma_wait3A_153] : memref<3x128x128xbf16, #tpu.memory_space<vmem>> -> memref<1x128x128xbf16, #tpu.memory_space<vmem>>
    %dma_wait3A_155 = tpu.memref_squeeze %dma_wait3A_154 : memref<1x128x128xbf16, #tpu.memory_space<vmem>> -> memref<128x128xbf16, #tpu.memory_space<vmem>>
    %dma_wait3A_156 = arith.constant 0 : i32
    %dma_wait3A_157 = tpu.memref_slice %arg5[%dma_wait3A_149, %dma_wait3A_150, %dma_wait3A_156] : memref<3x2x128xi32, #tpu.memory_space<vmem>> -> memref<1x1x128xi32, #tpu.memory_space<vmem>>
    %dma_wait3A_158 = tpu.memref_squeeze %dma_wait3A_157 : memref<1x1x128xi32, #tpu.memory_space<vmem>> -> memref<128xi32, #tpu.memory_space<vmem>>
    %dma_wait3A_159 = arith.constant 0 : i32
    %dma_wait3A_160 = arith.constant 0 : i32
    %dma_wait3A_161 = tpu.memref_slice %arg2[%dma_wait3A_159, %dma_wait3A_160] : memref<10000x128xbf16, #tpu.memory_space<hbm>> -> memref<10000x128xbf16, #tpu.memory_space<hbm>>
    tpu.wait_indirect_dma semaphore(%arg11 : memref<!tpu.dma_semaphore, #tpu.memory_space<semaphore_mem>>) src(%dma_wait3A_161 : memref<10000x128xbf16, #tpu.memory_space<hbm>>) dst(%dma_wait3A_155 : memref<128x128xbf16, #tpu.memory_space<vmem>>)
    %dma_start3A_162 = arith.constant 2 : i32
    %dma_start3A_163 = arith.constant 2 : i32
    %dma_start3A_164 = arith.constant 1 : i32
    %dma_start3A_165 = arith.constant 0 : i32
    %dma_start3A_166 = arith.constant 0 : i32
    %dma_start3A_167 = tpu.memref_slice %arg6[%dma_start3A_162, %dma_start3A_165, %dma_start3A_166] : memref<3x128x128xbf16, #tpu.memory_space<vmem>> -> memref<1x128x128xbf16, #tpu.memory_space<vmem>>
    %dma_start3A_168 = tpu.memref_squeeze %dma_start3A_167 : memref<1x128x128xbf16, #tpu.memory_space<vmem>> -> memref<128x128xbf16, #tpu.memory_space<vmem>>
    %dma_start3A_169 = arith.constant 0 : i32
    %dma_start3A_170 = tpu.memref_slice %arg5[%dma_start3A_163, %dma_start3A_164, %dma_start3A_169] : memref<3x2x128xi32, #tpu.memory_space<vmem>> -> memref<1x1x128xi32, #tpu.memory_space<vmem>>
    %dma_start3A_171 = tpu.memref_squeeze %dma_start3A_170 : memref<1x1x128xi32, #tpu.memory_space<vmem>> -> memref<128xi32, #tpu.memory_space<vmem>>
    %dma_start3A_172 = arith.constant 0 : i32
    %dma_start3A_173 = arith.constant 0 : i32
    %dma_start3A_174 = tpu.memref_slice %arg8[%dma_start3A_172, %dma_start3A_173] : memref<10240x128xbf16, #tpu.memory_space<vmem_shared>> -> memref<10240x128xbf16, #tpu.memory_space<vmem_shared>>
    tpu.enqueue_indirect_dma source(%dma_start3A_168 : memref<128x128xbf16, #tpu.memory_space<vmem>>) target(%dma_start3A_174 : memref<10240x128xbf16, #tpu.memory_space<vmem_shared>>) offsets(%dma_start3A_171 : memref<128xi32, #tpu.memory_space<vmem>>) semaphore(%arg14 : memref<!tpu.dma_semaphore, #tpu.memory_space<semaphore_mem>>) {add = true}
    %dma_wait3A_175 = arith.constant 0 : i32
    %dma_wait3A_176 = arith.constant 0 : i32
    %dma_wait3A_177 = arith.constant 0 : i32
    %dma_wait3A_178 = arith.constant 0 : i32
    %dma_wait3A_179 = arith.constant 0 : i32
    %dma_wait3A_180 = tpu.memref_slice %arg6[%dma_wait3A_177, %dma_wait3A_178, %dma_wait3A_179] : memref<3x128x128xbf16, #tpu.memory_space<vmem>> -> memref<1x128x128xbf16, #tpu.memory_space<vmem>>
    %dma_wait3A_181 = tpu.memref_squeeze %dma_wait3A_180 : memref<1x128x128xbf16, #tpu.memory_space<vmem>> -> memref<128x128xbf16, #tpu.memory_space<vmem>>
    %dma_wait3A_182 = arith.constant 0 : i32
    %dma_wait3A_183 = tpu.memref_slice %arg5[%dma_wait3A_175, %dma_wait3A_176, %dma_wait3A_182] : memref<3x2x128xi32, #tpu.memory_space<vmem>> -> memref<1x1x128xi32, #tpu.memory_space<vmem>>
    %dma_wait3A_184 = tpu.memref_squeeze %dma_wait3A_183 : memref<1x1x128xi32, #tpu.memory_space<vmem>> -> memref<128xi32, #tpu.memory_space<vmem>>
    %dma_wait3A_185 = arith.constant 0 : i32
    %dma_wait3A_186 = arith.constant 0 : i32
    %dma_wait3A_187 = tpu.memref_slice %arg2[%dma_wait3A_185, %dma_wait3A_186] : memref<10000x128xbf16, #tpu.memory_space<hbm>> -> memref<10000x128xbf16, #tpu.memory_space<hbm>>
    tpu.wait_indirect_dma semaphore(%arg9 : memref<!tpu.dma_semaphore, #tpu.memory_space<semaphore_mem>>) src(%dma_wait3A_187 : memref<10000x128xbf16, #tpu.memory_space<hbm>>) dst(%dma_wait3A_181 : memref<128x128xbf16, #tpu.memory_space<vmem>>)
    %dma_start3A_188 = arith.constant 0 : i32
    %dma_start3A_189 = arith.constant 0 : i32
    %dma_start3A_190 = arith.constant 1 : i32
    %dma_start3A_191 = arith.constant 0 : i32
    %dma_start3A_192 = arith.constant 0 : i32
    %dma_start3A_193 = tpu.memref_slice %arg6[%dma_start3A_188, %dma_start3A_191, %dma_start3A_192] : memref<3x128x128xbf16, #tpu.memory_space<vmem>> -> memref<1x128x128xbf16, #tpu.memory_space<vmem>>
    %dma_start3A_194 = tpu.memref_squeeze %dma_start3A_193 : memref<1x128x128xbf16, #tpu.memory_space<vmem>> -> memref<128x128xbf16, #tpu.memory_space<vmem>>
    %dma_start3A_195 = arith.constant 0 : i32
    %dma_start3A_196 = tpu.memref_slice %arg5[%dma_start3A_189, %dma_start3A_190, %dma_start3A_195] : memref<3x2x128xi32, #tpu.memory_space<vmem>> -> memref<1x1x128xi32, #tpu.memory_space<vmem>>
    %dma_start3A_197 = tpu.memref_squeeze %dma_start3A_196 : memref<1x1x128xi32, #tpu.memory_space<vmem>> -> memref<128xi32, #tpu.memory_space<vmem>>
    %dma_start3A_198 = arith.constant 0 : i32
    %dma_start3A_199 = arith.constant 0 : i32
    %dma_start3A_200 = tpu.memref_slice %arg8[%dma_start3A_198, %dma_start3A_199] : memref<10240x128xbf16, #tpu.memory_space<vmem_shared>> -> memref<10240x128xbf16, #tpu.memory_space<vmem_shared>>
    tpu.enqueue_indirect_dma source(%dma_start3A_194 : memref<128x128xbf16, #tpu.memory_space<vmem>>) target(%dma_start3A_200 : memref<10240x128xbf16, #tpu.memory_space<vmem_shared>>) offsets(%dma_start3A_197 : memref<128xi32, #tpu.memory_space<vmem>>) semaphore(%arg12 : memref<!tpu.dma_semaphore, #tpu.memory_space<semaphore_mem>>) {add = true}
    %dma_wait3A_201 = arith.constant 1 : i32
    %dma_wait3A_202 = arith.constant 1 : i32
    %dma_wait3A_203 = arith.constant 1 : i32
    %dma_wait3A_204 = arith.constant 0 : i32
    %dma_wait3A_205 = arith.constant 0 : i32
    %dma_wait3A_206 = tpu.memref_slice %arg6[%dma_wait3A_201, %dma_wait3A_204, %dma_wait3A_205] : memref<3x128x128xbf16, #tpu.memory_space<vmem>> -> memref<1x128x128xbf16, #tpu.memory_space<vmem>>
    %dma_wait3A_207 = tpu.memref_squeeze %dma_wait3A_206 : memref<1x128x128xbf16, #tpu.memory_space<vmem>> -> memref<128x128xbf16, #tpu.memory_space<vmem>>
    %dma_wait3A_208 = arith.constant 0 : i32
    %dma_wait3A_209 = tpu.memref_slice %arg5[%dma_wait3A_202, %dma_wait3A_203, %dma_wait3A_208] : memref<3x2x128xi32, #tpu.memory_space<vmem>> -> memref<1x1x128xi32, #tpu.memory_space<vmem>>
    %dma_wait3A_210 = tpu.memref_squeeze %dma_wait3A_209 : memref<1x1x128xi32, #tpu.memory_space<vmem>> -> memref<128xi32, #tpu.memory_space<vmem>>
    %dma_wait3A_211 = arith.constant 0 : i32
    %dma_wait3A_212 = arith.constant 0 : i32
    %dma_wait3A_213 = tpu.memref_slice %arg8[%dma_wait3A_211, %dma_wait3A_212] : memref<10240x128xbf16, #tpu.memory_space<vmem_shared>> -> memref<10240x128xbf16, #tpu.memory_space<vmem_shared>>
    tpu.wait_indirect_dma semaphore(%arg13 : memref<!tpu.dma_semaphore, #tpu.memory_space<semaphore_mem>>) src(%dma_wait3A_207 : memref<128x128xbf16, #tpu.memory_space<vmem>>) dst(%dma_wait3A_213 : memref<10240x128xbf16, #tpu.memory_space<vmem_shared>>)
    %dma_wait3A_214 = arith.constant 2 : i32
    %dma_wait3A_215 = arith.constant 2 : i32
    %dma_wait3A_216 = arith.constant 1 : i32
    %dma_wait3A_217 = arith.constant 0 : i32
    %dma_wait3A_218 = arith.constant 0 : i32
    %dma_wait3A_219 = tpu.memref_slice %arg6[%dma_wait3A_214, %dma_wait3A_217, %dma_wait3A_218] : memref<3x128x128xbf16, #tpu.memory_space<vmem>> -> memref<1x128x128xbf16, #tpu.memory_space<vmem>>
    %dma_wait3A_220 = tpu.memref_squeeze %dma_wait3A_219 : memref<1x128x128xbf16, #tpu.memory_space<vmem>> -> memref<128x128xbf16, #tpu.memory_space<vmem>>
    %dma_wait3A_221 = arith.constant 0 : i32
    %dma_wait3A_222 = tpu.memref_slice %arg5[%dma_wait3A_215, %dma_wait3A_216, %dma_wait3A_221] : memref<3x2x128xi32, #tpu.memory_space<vmem>> -> memref<1x1x128xi32, #tpu.memory_space<vmem>>
    %dma_wait3A_223 = tpu.memref_squeeze %dma_wait3A_222 : memref<1x1x128xi32, #tpu.memory_space<vmem>> -> memref<128xi32, #tpu.memory_space<vmem>>
    %dma_wait3A_224 = arith.constant 0 : i32
    %dma_wait3A_225 = arith.constant 0 : i32
    %dma_wait3A_226 = tpu.memref_slice %arg8[%dma_wait3A_224, %dma_wait3A_225] : memref<10240x128xbf16, #tpu.memory_space<vmem_shared>> -> memref<10240x128xbf16, #tpu.memory_space<vmem_shared>>
    tpu.wait_indirect_dma semaphore(%arg14 : memref<!tpu.dma_semaphore, #tpu.memory_space<semaphore_mem>>) src(%dma_wait3A_220 : memref<128x128xbf16, #tpu.memory_space<vmem>>) dst(%dma_wait3A_226 : memref<10240x128xbf16, #tpu.memory_space<vmem_shared>>)
    %dma_wait3A_227 = arith.constant 0 : i32
    %dma_wait3A_228 = arith.constant 0 : i32
    %dma_wait3A_229 = arith.constant 1 : i32
    %dma_wait3A_230 = arith.constant 0 : i32
    %dma_wait3A_231 = arith.constant 0 : i32
    %dma_wait3A_232 = tpu.memref_slice %arg6[%dma_wait3A_227, %dma_wait3A_230, %dma_wait3A_231] : memref<3x128x128xbf16, #tpu.memory_space<vmem>> -> memref<1x128x128xbf16, #tpu.memory_space<vmem>>
    %dma_wait3A_233 = tpu.memref_squeeze %dma_wait3A_232 : memref<1x128x128xbf16, #tpu.memory_space<vmem>> -> memref<128x128xbf16, #tpu.memory_space<vmem>>
    %dma_wait3A_234 = arith.constant 0 : i32
    %dma_wait3A_235 = tpu.memref_slice %arg5[%dma_wait3A_228, %dma_wait3A_229, %dma_wait3A_234] : memref<3x2x128xi32, #tpu.memory_space<vmem>> -> memref<1x1x128xi32, #tpu.memory_space<vmem>>
    %dma_wait3A_236 = tpu.memref_squeeze %dma_wait3A_235 : memref<1x1x128xi32, #tpu.memory_space<vmem>> -> memref<128xi32, #tpu.memory_space<vmem>>
    %dma_wait3A_237 = arith.constant 0 : i32
    %dma_wait3A_238 = arith.constant 0 : i32
    %dma_wait3A_239 = tpu.memref_slice %arg8[%dma_wait3A_237, %dma_wait3A_238] : memref<10240x128xbf16, #tpu.memory_space<vmem_shared>> -> memref<10240x128xbf16, #tpu.memory_space<vmem_shared>>
    tpu.wait_indirect_dma semaphore(%arg12 : memref<!tpu.dma_semaphore, #tpu.memory_space<semaphore_mem>>) src(%dma_wait3A_233 : memref<128x128xbf16, #tpu.memory_space<vmem>>) dst(%dma_wait3A_239 : memref<10240x128xbf16, #tpu.memory_space<vmem_shared>>)
    %barrier3A_240 = arith.constant 0 : index
    tpu.barrier barrier_id(%barrier3A_240)
    %mul3A_241 = arith.constant 640 : i32
    %mul3A_242 = arith.muli %arg1, %mul3A_241 : i32
    %lt3A = arith.constant 15 : i32
    %lt3A_243 = arith.cmpi slt, %arg1, %lt3A : i32
    %convert_element_type3A = arith.extui %lt3A_243 : i1 to i32
    %cond3A = arith.constant 0 : i32
    %cond3A_244 = arith.cmpi ne, %convert_element_type3A, %cond3A : i32
    scf.if %cond3A_244 {
      "tpu.region"() ({
        %run_scoped3A_249 = tpu.sem_alloc : memref<!tpu.dma_semaphore, #tpu.memory_space<semaphore_mem>>
        %dma_start3A_250 = arith.constant 0 : i32
        %dma_start3A_251 = tpu.memref_slice %arg4[%arg0, %mul3A_242, %dma_start3A_250] : memref<2x10000x128xbf16, #tpu.memory_space<hbm>> -> memref<1x640x128xbf16, #tpu.memory_space<hbm>>
        %dma_start3A_252 = tpu.memref_squeeze %dma_start3A_251 : memref<1x640x128xbf16, #tpu.memory_space<hbm>> -> memref<640x128xbf16, #tpu.memory_space<hbm>>
        %dma_start3A_253 = arith.constant 0 : i32
        %dma_start3A_254 = tpu.memref_slice %arg8[%mul3A_242, %dma_start3A_253] : memref<10240x128xbf16, #tpu.memory_space<vmem_shared>> -> memref<640x128xbf16, #tpu.memory_space<vmem_shared>>
        tpu.enqueue_dma source(%dma_start3A_254 : memref<640x128xbf16, #tpu.memory_space<vmem_shared>>) target(%dma_start3A_252 : memref<640x128xbf16, #tpu.memory_space<hbm>>) target_semaphore(%run_scoped3A_249 : memref<!tpu.dma_semaphore, #tpu.memory_space<semaphore_mem>>)
        %dma_wait3A_255 = arith.constant 0 : i32
        %dma_wait3A_256 = tpu.memref_slice %arg4[%arg0, %mul3A_242, %dma_wait3A_255] : memref<2x10000x128xbf16, #tpu.memory_space<hbm>> -> memref<1x640x128xbf16, #tpu.memory_space<hbm>>
        %dma_wait3A_257 = tpu.memref_squeeze %dma_wait3A_256 : memref<1x640x128xbf16, #tpu.memory_space<hbm>> -> memref<640x128xbf16, #tpu.memory_space<hbm>>
        %dma_wait3A_258 = arith.constant 0 : i32
        %dma_wait3A_259 = tpu.memref_slice %arg8[%mul3A_242, %dma_wait3A_258] : memref<10240x128xbf16, #tpu.memory_space<vmem_shared>> -> memref<640x128xbf16, #tpu.memory_space<vmem_shared>>
        tpu.wait_dma2 semaphore(%run_scoped3A_249 : memref<!tpu.dma_semaphore, #tpu.memory_space<semaphore_mem>>) src(%dma_wait3A_259 : memref<640x128xbf16, #tpu.memory_space<vmem_shared>>) dst(%dma_wait3A_257 : memref<640x128xbf16, #tpu.memory_space<hbm>>)
        tpu.yield
      }) : () -> ()
    } else {
    }
    %eq3A = arith.constant 15 : i32
    %eq3A_245 = arith.cmpi eq, %arg1, %eq3A : i32
    %convert_element_type3A_246 = arith.extui %eq3A_245 : i1 to i32
    %cond3A_247 = arith.constant 0 : i32
    %cond3A_248 = arith.cmpi ne, %convert_element_type3A_246, %cond3A_247 : i32
    scf.if %cond3A_248 {
      "tpu.region"() ({
        %run_scoped3A_249 = tpu.sem_alloc : memref<!tpu.dma_semaphore, #tpu.memory_space<semaphore_mem>>
        %dma_start3A_250 = arith.constant 9600 : i32
        %dma_start3A_251 = arith.constant 0 : i32
        %dma_start3A_252 = tpu.memref_slice %arg4[%arg0, %dma_start3A_250, %dma_start3A_251] : memref<2x10000x128xbf16, #tpu.memory_space<hbm>> -> memref<1x400x128xbf16, #tpu.memory_space<hbm>>
        %dma_start3A_253 = tpu.memref_squeeze %dma_start3A_252 : memref<1x400x128xbf16, #tpu.memory_space<hbm>> -> memref<400x128xbf16, #tpu.memory_space<hbm>>
        %dma_start3A_254 = arith.constant 9600 : i32
        %dma_start3A_255 = arith.constant 0 : i32
        %dma_start3A_256 = tpu.memref_slice %arg8[%dma_start3A_254, %dma_start3A_255] : memref<10240x128xbf16, #tpu.memory_space<vmem_shared>> -> memref<400x128xbf16, #tpu.memory_space<vmem_shared>>
        tpu.enqueue_dma source(%dma_start3A_256 : memref<400x128xbf16, #tpu.memory_space<vmem_shared>>) target(%dma_start3A_253 : memref<400x128xbf16, #tpu.memory_space<hbm>>) target_semaphore(%run_scoped3A_249 : memref<!tpu.dma_semaphore, #tpu.memory_space<semaphore_mem>>)
        %dma_wait3A_257 = arith.constant 9600 : i32
        %dma_wait3A_258 = arith.constant 0 : i32
        %dma_wait3A_259 = tpu.memref_slice %arg4[%arg0, %dma_wait3A_257, %dma_wait3A_258] : memref<2x10000x128xbf16, #tpu.memory_space<hbm>> -> memref<1x400x128xbf16, #tpu.memory_space<hbm>>
        %dma_wait3A_260 = tpu.memref_squeeze %dma_wait3A_259 : memref<1x400x128xbf16, #tpu.memory_space<hbm>> -> memref<400x128xbf16, #tpu.memory_space<hbm>>
        %dma_wait3A_261 = arith.constant 9600 : i32
        %dma_wait3A_262 = arith.constant 0 : i32
        %dma_wait3A_263 = tpu.memref_slice %arg8[%dma_wait3A_261, %dma_wait3A_262] : memref<10240x128xbf16, #tpu.memory_space<vmem_shared>> -> memref<400x128xbf16, #tpu.memory_space<vmem_shared>>
        tpu.wait_dma2 semaphore(%run_scoped3A_249 : memref<!tpu.dma_semaphore, #tpu.memory_space<semaphore_mem>>) src(%dma_wait3A_263 : memref<400x128xbf16, #tpu.memory_space<vmem_shared>>) dst(%dma_wait3A_260 : memref<400x128xbf16, #tpu.memory_space<hbm>>)
        tpu.yield
      }) : () -> ()
    } else {
    }
    return
  }
}

module attributes {stable_mosaic.version = 14 : i64} {
  func.func @body(%arg0: i32, %arg1: memref<1000x128xf32, #tpu.memory_space<vmem>>, %arg2: memref<2x1000x128xbf16, #tpu.memory_space<vmem>>, %arg3: memref<2x1000x16xf32, #tpu.memory_space<vmem>>, %arg4: memref<128x128xf32, #tpu.memory_space<vmem>>, %arg5: memref<128x128xf32, #tpu.memory_space<vmem>>, %arg6: memref<1x128xf32, #tpu.memory_space<vmem>>, %arg7: memref<1000x128xf32, #tpu.memory_space<vmem>>, %arg8: memref<1000x128xbf16, #tpu.memory_space<vmem>>) attributes {dimension_semantics = [#tpu.dimension_semantics<arbitrary>], iteration_bounds = array<i64: 10>, scalar_prefetch = 0 : i64, scratch_operands = 0 : i64, tpu.core_type = #tpu.core_type<tc>, window_params = [{transform_indices = @transform_0, window_bounds = array<i64: 1000, 128>}, {transform_indices = @transform_1, window_bounds = array<i64: 2, 1000, 128>}, {transform_indices = @transform_2, window_bounds = array<i64: 2, 1000, 16>}, {pipeline_mode = #tpu.pipeline_mode<synchronous>, transform_indices = @transform_3, window_bounds = array<i64: 128, 128>}, {pipeline_mode = #tpu.pipeline_mode<synchronous>, transform_indices = @transform_4, window_bounds = array<i64: 128, 128>}, {pipeline_mode = #tpu.pipeline_mode<synchronous>, transform_indices = @transform_5, window_bounds = array<i64: 1, 128>}, {transform_indices = @transform_6, window_bounds = array<i64: 1000, 128>}, {transform_indices = @transform_7, window_bounds = array<i64: 1000, 128>}]} {
    %get3A = arith.constant 0 : index
    %get3A_0 = arith.constant 0 : index
    %get3A_1 = arith.constant 0 : index
    %get3A_2 = vector.load %arg2[%get3A, %get3A_0, %get3A_1] : memref<2x1000x128xbf16, #tpu.memory_space<vmem>>, vector<1x1000x128xbf16>
    %get3A_3 = vector.shape_cast %get3A_2 : vector<1x1000x128xbf16> to vector<1000x128xbf16>
    %convert_element_type3A = arith.extf %get3A_3 : vector<1000x128xbf16> to vector<1000x128xf32>
    %get3A_4 = arith.constant 1 : index
    %get3A_5 = arith.constant 0 : index
    %get3A_6 = arith.constant 0 : index
    %get3A_7 = vector.load %arg2[%get3A_4, %get3A_5, %get3A_6] : memref<2x1000x128xbf16, #tpu.memory_space<vmem>>, vector<1x1000x128xbf16>
    %get3A_8 = vector.shape_cast %get3A_7 : vector<1x1000x128xbf16> to vector<1000x128xbf16>
    %convert_element_type3A_9 = arith.extf %get3A_8 : vector<1000x128xbf16> to vector<1000x128xf32>
    %add3A = arith.addf %convert_element_type3A, %convert_element_type3A_9 : vector<1000x128xf32>
    %get3A_10 = arith.constant 0 : index
    %get3A_11 = arith.constant 0 : index
    %get3A_12 = arith.constant 0 : index
    %get3A_13 = vector.load %arg3[%get3A_10, %get3A_11, %get3A_12] : memref<2x1000x16xf32, #tpu.memory_space<vmem>>, vector<1x1000x16xf32>
    %get3A_14 = vector.shape_cast %get3A_13 : vector<1x1000x16xf32> to vector<1000x16xf32>
    %slice3A = vector.extract_strided_slice %get3A_14 {offsets = [0, 0], sizes = [1000, 1], strides = [1, 1]} : vector<1000x16xf32> to vector<1000x1xf32>
    %get3A_15 = arith.constant 1 : index
    %get3A_16 = arith.constant 0 : index
    %get3A_17 = arith.constant 0 : index
    %get3A_18 = vector.load %arg3[%get3A_15, %get3A_16, %get3A_17] : memref<2x1000x16xf32, #tpu.memory_space<vmem>>, vector<1x1000x16xf32>
    %get3A_19 = vector.shape_cast %get3A_18 : vector<1x1000x16xf32> to vector<1000x16xf32>
    %slice3A_20 = vector.extract_strided_slice %get3A_19 {offsets = [0, 0], sizes = [1000, 1], strides = [1, 1]} : vector<1000x16xf32> to vector<1000x1xf32>
    %add3A_21 = arith.addf %slice3A, %slice3A_20 : vector<1000x1xf32>
    %max3A = arith.constant 1.000000e+00 : f32
    %max3A_22 = vector.broadcast %max3A : f32 to vector<1000x1xf32>
    %max3A_23 = arith.maximumf %add3A_21, %max3A_22 : vector<1000x1xf32>
    %div3A = arith.constant 1.000000e+00 : f32
    %div3A_24 = vector.broadcast %div3A : f32 to vector<1000x1xf32>
    %div3A_25 = arith.divf %div3A_24, %max3A_23 : vector<1000x1xf32>
    %get3A_26 = arith.constant 0 : index
    %get3A_27 = arith.constant 0 : index
    %get3A_28 = vector.load %arg1[%get3A_26, %get3A_27] : memref<1000x128xf32, #tpu.memory_space<vmem>>, vector<1000x128xf32>
    %get3A_29 = arith.constant 0 : index
    %get3A_30 = arith.constant 0 : index
    %get3A_31 = vector.load %arg4[%get3A_29, %get3A_30] : memref<128x128xf32, #tpu.memory_space<vmem>>, vector<128x128xf32>
    %dot_general3A = arith.constant dense<0.000000e+00> : vector<1000x128xf32>
    %dot_general3A_32 = tpu.matmul %get3A_28, %get3A_31, %dot_general3A {dimension_numbers = #tpu.dot_dimension_numbers<[1], [0], [0], [1], [0, 0, 1, 1], [], []>, transpose_lhs_hint = false} : vector<1000x128xf32>, vector<128x128xf32>, vector<1000x128xf32> -> vector<1000x128xf32>
    %mul3A = vector.broadcast %div3A_25 : vector<1000x1xf32> to vector<1000x128xf32>
    %mul3A_33 = arith.mulf %add3A, %mul3A : vector<1000x128xf32>
    %get3A_34 = arith.constant 0 : index
    %get3A_35 = arith.constant 0 : index
    %get3A_36 = vector.load %arg5[%get3A_34, %get3A_35] : memref<128x128xf32, #tpu.memory_space<vmem>>, vector<128x128xf32>
    %dot_general3A_37 = arith.constant dense<0.000000e+00> : vector<1000x128xf32>
    %dot_general3A_38 = tpu.matmul %mul3A_33, %get3A_36, %dot_general3A_37 {dimension_numbers = #tpu.dot_dimension_numbers<[1], [0], [0], [1], [0, 0, 1, 1], [], []>, transpose_lhs_hint = false} : vector<1000x128xf32>, vector<128x128xf32>, vector<1000x128xf32> -> vector<1000x128xf32>
    %add3A_39 = arith.addf %dot_general3A_32, %dot_general3A_38 : vector<1000x128xf32>
    %get3A_40 = arith.constant 0 : index
    %get3A_41 = arith.constant 0 : index
    %get3A_42 = vector.load %arg6[%get3A_40, %get3A_41] : memref<1x128xf32, #tpu.memory_space<vmem>>, vector<1x128xf32>
    %add3A_43 = vector.broadcast %get3A_42 : vector<1x128xf32> to vector<1000x128xf32>
    %add3A_44 = arith.addf %add3A_39, %add3A_43 : vector<1000x128xf32>
    %max3A_45 = arith.constant 0.000000e+00 : f32
    %max3A_46 = vector.broadcast %max3A_45 : f32 to vector<1000x128xf32>
    %max3A_47 = arith.maximumf %add3A_44, %max3A_46 : vector<1000x128xf32>
    %swap3A = arith.constant 0 : index
    %swap3A_48 = arith.constant 0 : index
    %swap3A_49 = vector.load %arg7[%swap3A, %swap3A_48] : memref<1000x128xf32, #tpu.memory_space<vmem>>, vector<1000x128xf32>
    tpu.vector_store %arg7[%swap3A, %swap3A_48], %max3A_47 {strides = array<i32>} : memref<1000x128xf32, #tpu.memory_space<vmem>>, vector<1000x128xf32>,
    %convert_element_type3A_50 = arith.truncf %max3A_47 : vector<1000x128xf32> to vector<1000x128xbf16>
    %swap3A_51 = arith.constant 0 : index
    %swap3A_52 = arith.constant 0 : index
    %swap3A_53 = vector.load %arg8[%swap3A_51, %swap3A_52] : memref<1000x128xbf16, #tpu.memory_space<vmem>>, vector<1000x128xbf16>
    tpu.vector_store %arg8[%swap3A_51, %swap3A_52], %convert_element_type3A_50 {strides = array<i32>} : memref<1000x128xbf16, #tpu.memory_space<vmem>>, vector<1000x128xbf16>,
    return
  }
  func.func @transform_0(%arg0: i32) -> (i32, i32) {
    %c0_i32 = arith.constant 0 : i32
    %c0_i32_0 = arith.constant 0 : i32
    return %arg0, %c0_i32 : i32, i32
  }
  func.func @transform_1(%arg0: i32) -> (i32, i32, i32) {
    %c0_i32 = arith.constant 0 : i32
    %c0_i32_0 = arith.constant 0 : i32
    %c0_i32_1 = arith.constant 0 : i32
    return %c0_i32, %arg0, %c0_i32_0 : i32, i32, i32
  }
  func.func @transform_2(%arg0: i32) -> (i32, i32, i32) {
    %c0_i32 = arith.constant 0 : i32
    %c0_i32_0 = arith.constant 0 : i32
    %c0_i32_1 = arith.constant 0 : i32
    return %c0_i32, %arg0, %c0_i32_0 : i32, i32, i32
  }
  func.func @transform_3(%arg0: i32) -> (i32, i32) {
    %c0_i32 = arith.constant 0 : i32
    %c0_i32_0 = arith.constant 0 : i32
    %c0_i32_1 = arith.constant 0 : i32
    return %c0_i32, %c0_i32_0 : i32, i32
  }
  func.func @transform_4(%arg0: i32) -> (i32, i32) {
    %c0_i32 = arith.constant 0 : i32
    %c0_i32_0 = arith.constant 0 : i32
    %c0_i32_1 = arith.constant 0 : i32
    return %c0_i32, %c0_i32_0 : i32, i32
  }
  func.func @transform_5(%arg0: i32) -> (i32, i32) {
    %c0_i32 = arith.constant 0 : i32
    %c0_i32_0 = arith.constant 0 : i32
    %c0_i32_1 = arith.constant 0 : i32
    return %c0_i32, %c0_i32_0 : i32, i32
  }
  func.func @transform_6(%arg0: i32) -> (i32, i32) {
    %c0_i32 = arith.constant 0 : i32
    %c0_i32_0 = arith.constant 0 : i32
    return %arg0, %c0_i32 : i32, i32
  }
  func.func @transform_7(%arg0: i32) -> (i32, i32) {
    %c0_i32 = arith.constant 0 : i32
    %c0_i32_0 = arith.constant 0 : i32
    return %arg0, %c0_i32 : i32, i32
  }
}

module attributes {stable_mosaic.version = 14 : i64} {
  func.func @body(%arg0: i32, %arg1: memref<1000x128xf32, #tpu.memory_space<vmem>>, %arg2: memref<2x1000x128xbf16, #tpu.memory_space<vmem>>, %arg3: memref<2x1000x16xf32, #tpu.memory_space<vmem>>, %arg4: memref<128x128xf32, #tpu.memory_space<vmem>>, %arg5: memref<128x128xf32, #tpu.memory_space<vmem>>, %arg6: memref<1x128xf32, #tpu.memory_space<vmem>>, %arg7: memref<1000x128xf32, #tpu.memory_space<vmem>>) attributes {dimension_semantics = [#tpu.dimension_semantics<arbitrary>], iteration_bounds = array<i64: 10>, scalar_prefetch = 0 : i64, scratch_operands = 0 : i64, tpu.core_type = #tpu.core_type<tc>, window_params = [{transform_indices = @transform_0, window_bounds = array<i64: 1000, 128>}, {transform_indices = @transform_1, window_bounds = array<i64: 2, 1000, 128>}, {transform_indices = @transform_2, window_bounds = array<i64: 2, 1000, 16>}, {pipeline_mode = #tpu.pipeline_mode<synchronous>, transform_indices = @transform_3, window_bounds = array<i64: 128, 128>}, {pipeline_mode = #tpu.pipeline_mode<synchronous>, transform_indices = @transform_4, window_bounds = array<i64: 128, 128>}, {pipeline_mode = #tpu.pipeline_mode<synchronous>, transform_indices = @transform_5, window_bounds = array<i64: 1, 128>}, {transform_indices = @transform_6, window_bounds = array<i64: 1000, 128>}]} {
    %get3A = arith.constant 0 : index
    %get3A_0 = arith.constant 0 : index
    %get3A_1 = arith.constant 0 : index
    %get3A_2 = vector.load %arg2[%get3A, %get3A_0, %get3A_1] : memref<2x1000x128xbf16, #tpu.memory_space<vmem>>, vector<1x1000x128xbf16>
    %get3A_3 = vector.shape_cast %get3A_2 : vector<1x1000x128xbf16> to vector<1000x128xbf16>
    %convert_element_type3A = arith.extf %get3A_3 : vector<1000x128xbf16> to vector<1000x128xf32>
    %get3A_4 = arith.constant 1 : index
    %get3A_5 = arith.constant 0 : index
    %get3A_6 = arith.constant 0 : index
    %get3A_7 = vector.load %arg2[%get3A_4, %get3A_5, %get3A_6] : memref<2x1000x128xbf16, #tpu.memory_space<vmem>>, vector<1x1000x128xbf16>
    %get3A_8 = vector.shape_cast %get3A_7 : vector<1x1000x128xbf16> to vector<1000x128xbf16>
    %convert_element_type3A_9 = arith.extf %get3A_8 : vector<1000x128xbf16> to vector<1000x128xf32>
    %add3A = arith.addf %convert_element_type3A, %convert_element_type3A_9 : vector<1000x128xf32>
    %get3A_10 = arith.constant 0 : index
    %get3A_11 = arith.constant 0 : index
    %get3A_12 = arith.constant 0 : index
    %get3A_13 = vector.load %arg3[%get3A_10, %get3A_11, %get3A_12] : memref<2x1000x16xf32, #tpu.memory_space<vmem>>, vector<1x1000x16xf32>
    %get3A_14 = vector.shape_cast %get3A_13 : vector<1x1000x16xf32> to vector<1000x16xf32>
    %slice3A = vector.extract_strided_slice %get3A_14 {offsets = [0, 0], sizes = [1000, 1], strides = [1, 1]} : vector<1000x16xf32> to vector<1000x1xf32>
    %get3A_15 = arith.constant 1 : index
    %get3A_16 = arith.constant 0 : index
    %get3A_17 = arith.constant 0 : index
    %get3A_18 = vector.load %arg3[%get3A_15, %get3A_16, %get3A_17] : memref<2x1000x16xf32, #tpu.memory_space<vmem>>, vector<1x1000x16xf32>
    %get3A_19 = vector.shape_cast %get3A_18 : vector<1x1000x16xf32> to vector<1000x16xf32>
    %slice3A_20 = vector.extract_strided_slice %get3A_19 {offsets = [0, 0], sizes = [1000, 1], strides = [1, 1]} : vector<1000x16xf32> to vector<1000x1xf32>
    %add3A_21 = arith.addf %slice3A, %slice3A_20 : vector<1000x1xf32>
    %max3A = arith.constant 1.000000e+00 : f32
    %max3A_22 = vector.broadcast %max3A : f32 to vector<1000x1xf32>
    %max3A_23 = arith.maximumf %add3A_21, %max3A_22 : vector<1000x1xf32>
    %div3A = arith.constant 1.000000e+00 : f32
    %div3A_24 = vector.broadcast %div3A : f32 to vector<1000x1xf32>
    %div3A_25 = arith.divf %div3A_24, %max3A_23 : vector<1000x1xf32>
    %get3A_26 = arith.constant 0 : index
    %get3A_27 = arith.constant 0 : index
    %get3A_28 = vector.load %arg1[%get3A_26, %get3A_27] : memref<1000x128xf32, #tpu.memory_space<vmem>>, vector<1000x128xf32>
    %get3A_29 = arith.constant 0 : index
    %get3A_30 = arith.constant 0 : index
    %get3A_31 = vector.load %arg4[%get3A_29, %get3A_30] : memref<128x128xf32, #tpu.memory_space<vmem>>, vector<128x128xf32>
    %dot_general3A = arith.constant dense<0.000000e+00> : vector<1000x128xf32>
    %dot_general3A_32 = tpu.matmul %get3A_28, %get3A_31, %dot_general3A {dimension_numbers = #tpu.dot_dimension_numbers<[1], [0], [0], [1], [0, 0, 1, 1], [], []>, transpose_lhs_hint = false} : vector<1000x128xf32>, vector<128x128xf32>, vector<1000x128xf32> -> vector<1000x128xf32>
    %mul3A = vector.broadcast %div3A_25 : vector<1000x1xf32> to vector<1000x128xf32>
    %mul3A_33 = arith.mulf %add3A, %mul3A : vector<1000x128xf32>
    %get3A_34 = arith.constant 0 : index
    %get3A_35 = arith.constant 0 : index
    %get3A_36 = vector.load %arg5[%get3A_34, %get3A_35] : memref<128x128xf32, #tpu.memory_space<vmem>>, vector<128x128xf32>
    %dot_general3A_37 = arith.constant dense<0.000000e+00> : vector<1000x128xf32>
    %dot_general3A_38 = tpu.matmul %mul3A_33, %get3A_36, %dot_general3A_37 {dimension_numbers = #tpu.dot_dimension_numbers<[1], [0], [0], [1], [0, 0, 1, 1], [], []>, transpose_lhs_hint = false} : vector<1000x128xf32>, vector<128x128xf32>, vector<1000x128xf32> -> vector<1000x128xf32>
    %add3A_39 = arith.addf %dot_general3A_32, %dot_general3A_38 : vector<1000x128xf32>
    %get3A_40 = arith.constant 0 : index
    %get3A_41 = arith.constant 0 : index
    %get3A_42 = vector.load %arg6[%get3A_40, %get3A_41] : memref<1x128xf32, #tpu.memory_space<vmem>>, vector<1x128xf32>
    %add3A_43 = vector.broadcast %get3A_42 : vector<1x128xf32> to vector<1000x128xf32>
    %add3A_44 = arith.addf %add3A_39, %add3A_43 : vector<1000x128xf32>
    %swap3A = arith.constant 0 : index
    %swap3A_45 = arith.constant 0 : index
    %swap3A_46 = vector.load %arg7[%swap3A, %swap3A_45] : memref<1000x128xf32, #tpu.memory_space<vmem>>, vector<1000x128xf32>
    tpu.vector_store %arg7[%swap3A, %swap3A_45], %add3A_44 {strides = array<i32>} : memref<1000x128xf32, #tpu.memory_space<vmem>>, vector<1000x128xf32>,
    return
  }
  func.func @transform_0(%arg0: i32) -> (i32, i32) {
    %c0_i32 = arith.constant 0 : i32
    %c0_i32_0 = arith.constant 0 : i32
    return %arg0, %c0_i32 : i32, i32
  }
  func.func @transform_1(%arg0: i32) -> (i32, i32, i32) {
    %c0_i32 = arith.constant 0 : i32
    %c0_i32_0 = arith.constant 0 : i32
    %c0_i32_1 = arith.constant 0 : i32
    return %c0_i32, %arg0, %c0_i32_0 : i32, i32, i32
  }
  func.func @transform_2(%arg0: i32) -> (i32, i32, i32) {
    %c0_i32 = arith.constant 0 : i32
    %c0_i32_0 = arith.constant 0 : i32
    %c0_i32_1 = arith.constant 0 : i32
    return %c0_i32, %arg0, %c0_i32_0 : i32, i32, i32
  }
  func.func @transform_3(%arg0: i32) -> (i32, i32) {
    %c0_i32 = arith.constant 0 : i32
    %c0_i32_0 = arith.constant 0 : i32
    %c0_i32_1 = arith.constant 0 : i32
    return %c0_i32, %c0_i32_0 : i32, i32
  }
  func.func @transform_4(%arg0: i32) -> (i32, i32) {
    %c0_i32 = arith.constant 0 : i32
    %c0_i32_0 = arith.constant 0 : i32
    %c0_i32_1 = arith.constant 0 : i32
    return %c0_i32, %c0_i32_0 : i32, i32
  }
  func.func @transform_5(%arg0: i32) -> (i32, i32) {
    %c0_i32 = arith.constant 0 : i32
    %c0_i32_0 = arith.constant 0 : i32
    %c0_i32_1 = arith.constant 0 : i32
    return %c0_i32, %c0_i32_0 : i32, i32
  }
  func.func @transform_6(%arg0: i32) -> (i32, i32) {
    %c0_i32 = arith.constant 0 : i32
    %c0_i32_0 = arith.constant 0 : i32
    return %arg0, %c0_i32 : i32, i32
  }
}

</mosaic_0001>

<sc_bundles>
// kernel: kernel.11.cloned.1.call-start
scs
__scs_entry_jumppad:
0x0: {  	(pc) =	sbr.rel $0x88, $3  }
0x1: {  	(tag) =	ssettag $0x0;
	lr =	simm.s32 $0x1  }
0x2: {  	[smem:$0x3F96] =	sst lr;
	_ =	strace $0xD0000000  }
0x3: {  	_ = 	snop  }
0x4: {  	_ = 	snop  }
0x5: {  	_ = 	snop  }
0x6: {  	_ = 	snop  }
0x7: {  	_ = 	snop  }
__scs_overlays_trampoline_lowered:
0x8: {  	[smem:$0x3FA5] =	sst s0  }
0x9: {  	[smem:$0x3FA6] =	sst s1  }
0xa: {  	[smem:$0x3FA7] =	sst s2  }
0xb: {  	[smem:$0x3FA8] =	sst s3  }
0xc: {  	[smem:$0x3FA9] =	sst s4  }
0xd: {  	[smem:$0x3FAA] =	sst s5  }
0xe: {  	[smem:$0x3FAB] =	sst s6  }
0xf: {  	[smem:$0x3FAC] =	sst s7  }
0x10: {  	[smem:$0x3FAD] =	sst s8  }
0x11: {  	[smem:$0x3FAE] =	sst s9;
	s0 =	simm.s32 @!p0 $0x0  }
0x12: {  	s1 =	sld [smem:$0x3F94];
	s0 =	simm.s32 @p0 $0x1  }
0x13: {  	[smem:$0x3FAF] =	sst s0;
	s0 =	simm.s32 @!p1 $0x0  }
0x14: {  	s2 =	sld [smem:$0x3F93];
	s0 =	simm.s32 @p1 $0x1  }
0x15: {  	[smem:$0x3FB0] =	sst s0;
	s0 =	simm.s32 @!p2 $0x0  }
0x16: {  	s3 =	sld [smem:$0x3FDB];
	s0 =	simm.s32 @p2 $0x1  }
0x17: {  	s4 =	simm.s32 $0x1BF5;
	[smem:$0x3FB2] =	sst s0  }
0x18: {  	s0 =	sld [smem:$0x3F95];
	_ =	swait.ge [sflag:s4], $0x0  }
0x19: {  	s7 =	sld [smem:$0x3F96]  }
0x1a: {  	s8 =	sadd.s32 $0xFFFFE003, lr  }
0x1b: {  	s9 =	sadd.s32 $0xFFFFFEF7, lr;
	s5 =	simm.s32 $0xFFFFFFFF;
	p2 =	slt.u32 s8, $0xFFFFF086  }
0x1c: {  	p1 =	slt.u32 s9, $0xF7A;
	s5 =	simm.s32 @!p2 $0x0  }
0x1d: {  	s5 =	simm.s32 @p1 $0x1;
	p0 =	seq.s32 s7, s2  }
0x1e: {  	s7 =	smul.u32 @!p0 $0xF7A, s2;
	p2 =	seq.s32 @!p0 s5, $0x0  }
0x1f: {  	s9 =	smul.u32 $0xF7A, s1;
	s8 =	simm.s32 @!p0 $0x1BF5;
	p2 =	por !p2, p0  }
0x20: {  	[sflag:s8] =	ssyncset.s32 @!p0 $0xFFFFF086;
	s6 =	sadd.s32 @!p0 s3, s7;
	s7 =	simm.s32 @!p0 $0x108  }
0x21: {  	s3 =	sadd.s32 s3, s9;
	s6 =	sadd.s32 @!p0 $0x88, s6;
	s7 =	simm.s32 @p2 $0x1082  }
0x22: {  	[simem:s7], [sflag:s8] =	dma.local @!p0 [hbm:s6], $0xF7A  }
0x23: {  	s9 =	sor.u32 $0xD0000000, s2;
	s6 =	simm.s32 $0x108;
	_ =	swait.ge @!p0 [sflag:s8], $0x0  }
0x24: {  	s3 =	sadd.s32 $0x88, s3;
	s6 =	simm.s32 @!p1 $0x1082;
	[sflag:s4] =	ssyncset.s32 $0xFFFFF086  }
0x25: {  	[simem:s6], [sflag:s4] =	dma.local [hbm:s3], $0xF7A  }
0x26: {  	[smem:$0x3F96] =	sst s1;
	(tag) =	ssettag s2;
	_ =	strace s9  }
0x27: {  	s1 =	sld [smem:$0x3FA6]  }
0x28: {  	s2 =	sld [smem:$0x3FA7]  }
0x29: {  	s4 =	sld [smem:$0x3FA9]  }
0x2a: {  	p0 =	seq.s32 s5, $0x0;
	s5 =	sld [smem:$0x3FAA]  }
0x2b: {  	s6 =	sld [smem:$0x3FAB]  }
0x2c: {  	s7 =	sld [smem:$0x3FAC]  }
0x2d: {  	s3 =	simm.s32 $0x108;
	s8 =	sld [smem:$0x3FAD]  }
0x2e: {  	s3 =	simm.s32 @!p0 $0x1082;
	s9 =	sld [smem:$0x3FAE]  }
0x2f: {  	lr =	sadd.s32 s0, s3;
	s0 =	sld [smem:$0x3FA5]  }
0x30: {  	s3 =	sld [smem:$0x3FA8]  }
0x31: {  	[smem:$0x3FB1] =	sst s10  }
0x32: {  	s10 =	sld [smem:$0x3FAF];
	_ =	sdelay $0x3  }
0x33: {  	p0 =	seq.s32 s10, $0x1;
	s10 =	sld [smem:$0x3FB1];
	_ =	sdelay $0x3  }
0x34: {  	[smem:$0x3FB1] =	sst s10  }
0x35: {  	s10 =	sld [smem:$0x3FB0];
	_ =	sdelay $0x3  }
0x36: {  	p1 =	seq.s32 s10, $0x1;
	s10 =	sld [smem:$0x3FB1];
	_ =	sdelay $0x3  }
0x37: {  	[smem:$0x3FB1] =	sst s10  }
0x38: {  	s10 =	sld [smem:$0x3FB2]  }
0x39: {  	_ = 	snop;
	(pc) =	sbr.ind lr, $3  }
0x3a: {  	_ = 	snop  }
0x3b: {  	_ = 	snop  }
0x3c: {  	p2 =	seq.s32 s10, $0x1;
	s10 =	sld [smem:$0x3FB1]  }
0x3d: {  	_ =	shalt  }
0x3e: {  	_ =	shalt  }
0x3f: {  	_ =	shalt  }
0x40: {  	_ =	shalt  }
0x41: {  	_ =	shalt  }
0x42: {  	_ =	shalt  }
0x43: {  	_ =	shalt  }
0x44: {  	_ =	shalt  }
0x45: {  	_ =	shalt  }
0x46: {  	_ =	shalt  }
0x47: {  	_ =	shalt  }
0x48: {  	_ =	shalt  }
0x49: {  	_ =	shalt  }
0x4a: {  	_ =	shalt  }
0x4b: {  	_ =	shalt  }
0x4c: {  	_ =	shalt  }
0x4d: {  	_ =	shalt  }
0x4e: {  	_ =	shalt  }
0x4f: {  	_ =	shalt  }
0x50: {  	_ =	shalt  }
0x51: {  	_ =	shalt  }
0x52: {  	_ =	shalt  }
0x53: {  	_ =	shalt  }
0x54: {  	_ =	shalt  }
0x55: {  	_ =	shalt  }
0x56: {  	_ =	shalt  }
0x57: {  	_ =	shalt  }
0x58: {  	_ =	shalt  }
0x59: {  	_ =	shalt  }
0x5a: {  	_ =	shalt  }
0x5b: {  	_ =	shalt  }
0x5c: {  	_ =	shalt  }
0x5d: {  	_ =	shalt  }
0x5e: {  	_ =	shalt  }
0x5f: {  	_ =	shalt  }
0x60: {  	_ =	shalt  }
0x61: {  	_ =	shalt  }
0x62: {  	_ =	shalt  }
0x63: {  	_ =	shalt  }
0x64: {  	_ =	shalt  }
0x65: {  	_ =	shalt  }
0x66: {  	_ =	shalt  }
0x67: {  	_ =	shalt  }
0x68: {  	_ =	shalt  }
0x69: {  	_ =	shalt  }
0x6a: {  	_ =	shalt  }
0x6b: {  	_ =	shalt  }
0x6c: {  	_ =	shalt  }
0x6d: {  	_ =	shalt  }
0x6e: {  	_ =	shalt  }
0x6f: {  	_ =	shalt  }
0x70: {  	_ =	shalt  }
0x71: {  	_ =	shalt  }
0x72: {  	_ =	shalt  }
0x73: {  	_ =	shalt  }
0x74: {  	_ =	shalt  }
0x75: {  	_ =	shalt  }
0x76: {  	_ =	shalt  }
0x77: {  	_ =	shalt  }
0x78: {  	_ =	shalt  }
0x79: {  	_ =	shalt  }
0x7a: {  	_ =	shalt  }
0x7b: {  	_ =	shalt  }
0x7c: {  	_ =	shalt  }
0x7d: {  	_ =	shalt  }
0x7e: {  	_ =	shalt  }
0x7f: {  	_ =	shalt  }
0x80: {  	_ =	shalt  }
0x81: {  	_ =	shalt  }
0x82: {  	_ =	shalt  }
0x83: {  	_ =	shalt  }
0x84: {  	_ =	shalt  }
0x85: {  	_ =	shalt  }
0x86: {  	_ =	shalt  }
0x87: {  	_ =	shalt  }
.Lfunc_end0:
.L_simem_size_0:
called_computation.1_lowered:
.L_overlay_start_0:
0x88: {  	s2 =	sld [smem:$0x3FD9]  }
0x89: {  	s3 =	sld [smem:$0x3FFE];
	_ =	sdelay $0x1  }
0x8a: {  	s1 =	srdreg.scid  }
0x8b: {  	s0 =	sand.u32 $0x1, s1  }
0x8c: {  	s17 =	sshll.u32 s0, $0xA;
	s2 =	sadd.s32 s3, s2  }
0x8d: {  	s2 =	sadd.s32 s2, s17  }
0x8e: {  	[smem:$0x3FBD] =	sst s2  }
0x8f: {  	_ = 	snop  }
0x90: {  	s2 =	sld [smem:$0x3FD0];
	(tm) =	ssettm $0x1  }
0x91: {  	s18 =	sld [smem:$0x3FFB];
	_ =	sdelay $0x3  }
0x92: {  	_ =	strace s18  }
0x93: {  	s3 =	sld [smem:$0x3FFC];
	_ =	sdelay $0x3  }
0x94: {  	_ =	strace s3  }
0x95: {  	s3 =	sld [smem:$0x3FFD];
	_ =	sdelay $0x3  }
0x96: {  	_ =	strace s3  }
0x97: {  	_ =	strace $0x8FFFFFFF  }
0x98: {  	s19 =	sld [smem:$0x3FDB];
	_ =	sdelay $0x1  }
0x99: {  	s4 =	simm.s32 $_scs_section_size  }
0x9a: {  	s5 =	simm.s32 $_size__tile_overlayer_lowered;
	s6 =	simm.s32 $_tile_overlayer_lowered  }
0x9b: {  	s22 =	simm.s32 $0x1BFF;
	s21 =	sshll.u32 s6, $0x1;
	s3 =	sadd.s32 s4, s19  }
0x9c: {  	s7 =	simm.s32 $0x0;
	s20 =	sshll.u32 s5, $0x1;
	s5 =	sadd.s32 s21, s3  }
0x9d: {  	[timem:s7], [sflag:s22] =	dma.local [hbm:s5], s20  }
0x9e: {  	_ =	swait.ge [sflag:s22], s20  }
0x9f: {  	s4 =	ssub.s32 $0x0, s20;
	[sflag:s22] =	ssyncset.done $0x0  }
0xa0: {  	[sflag:s22] =	ssyncadd.s32 s4;
	_ =	sdelay $0x1  }
0xa1: {  	s23 =	simm.s32 $0x1B8B  }
0xa2: {  	_ =	swait.ge [sflag:s23], $0x1  }
0xa3: {  	[sflag:s23] =	ssyncset.done $0x0  }
0xa4: {  	s25 =	simm.s32 $0x1B8E;
	s24 =	sld [smem:$0x3FFE];
	[sflag:s23] =	ssyncadd.s32 $0xFFFFFFFF  }
0xa5: {  	s26 =	simm.s32 $execute0_lowered;
	[smem:$0x3FD2] =	sst s25  }
0xa6: {  	s5 =	sshll.u32 s26, $0x1;
	_ =	strace $0x80000049;
	[dreg:$0x1] =	wrdreg $0xFFFFFFFF  }
0xa7: {  	s28 =	simm.s32 $_size_execute0_lowered;
	s3 =	sadd.s32 s3, s5;
	[dreg:$0x0] =	wrdreg $0x0  }
0xa8: {  	s5 =	sshll.u32 s28, $0x1;
	[dreg:$0x2] =	wrdreg s3  }
0xa9: {  	[dreg:$0x3] =	wrdreg s5  }
0xaa: {  	[dreg:$0x4] =	wrdreg $0xC0  }
0xab: {  	_ =	task [dreg:s7], $0x5FFFF  }
0xac: {  	[dreg:$0x1] =	wrdreg $0xFFFFFFFF  }
0xad: {  	[dreg:$0x0] =	wrdreg $0x60  }
0xae: {  	[dreg:$0x2] =	wrdreg s24  }
0xaf: {  	[dreg:$0x3] =	wrdreg s2  }
0xb0: {  	[dreg:$0x4] =	wrdreg $0x83000  }
0xb1: {  	[dreg:$0x5] =	wrdreg $0x9  }
0xb2: {  	_ =	task.clear_ibuf [dreg:s7], $0x6FFFF;
	_ =	strace $0x90000049  }
0xb3: {  	s29 =	simm.s32 $0x9;
	_ =	strace $0x8000004B  }
0xb4: {  	_ =	swait.ge [sflag:s29], $0x1  }
0xb5: {  	[sflag:s29] =	ssyncadd.s32 $0xFFFFFFFF  }
0xb6: {  	_ =	strace $0x9000004B  }
0xb7: {  	_ =	sfence  }
0xb8: {  	s30 =	sld [smem:$0x0];
	_ =	sdelay $0x2  }
0xb9: {  	s31 =	sshll.u32 s1, $0xD;
	s1 =	sshrl.u32 s1, $0x2  }
0xba: {  	s3 =	sand.u32 $0x4000, s31;
	s1 =	sadd.s32 s1, s30  }
0xbb: {  	s0 =	sor.u32 s3, s0;
	s1 =	sshll.u32 s1, $0x11  }
0xbc: {  	s0 =	sor.u32 s1, s0  }
0xbd: {  	s0 =	sadd.s32 $0x8F2B, s0  }
0xbe: {  	[sflag:s0] =	ssyncadd.remote.s32 $0x1  }
0xbf: {  	_ =	sfence.sel $0xFFFF  }
0xc0: {  	[dreg:$0x0] =	wrdreg $0xFFFFFFFF;
	(pc) =	sbr.abs _section_cstart, $3  }
0xc1: {  	[dreg:$0x1] =	wrdreg $0xFFFFFFFF  }
0xc2: {  	_ =	task.clear_ibuf [dreg:s7], $0x2FFFF;
	_ =	strace $0x9FFFFFFF  }
0xc3: {  	(tm) =	ssettm $0x7FFFFFFF  }
tec
execute0_lowered:
.L_overlay_start_1:
0x0: {  	(tag) =	ssettag $0x1  }
0x1: {  	s0 =	rddreg [dreg:$0x0]  }
0x2: {  	s3 =	rddreg [dreg:$0x1]  }
0x3: {  	s1 =	rddreg [dreg:$0x2];
	s2 =	simm.s32 $0x0;
	s5 =	srdreg.scid  }
0x4: {  	s12 =	stileid.u32;
	s28 =	simm.s32 $0x2300;
	s29 =	simm.s32 $0x200  }
0x5: {  	s30 =	simm.s32 $0x4300;
	s31 =	simm.s32 $0x1;
	[smem:$0x7FF] =	sst s2  }
0x6: {  	s4 =	sadd.s32 $0x3800, s0;
	s7 =	sand.u32 $0x1, s5;
	s6 =	smul.u32 $0x28000, s12  }
0x7: {  	s5 =	sadd.s32 $0x17200, s0;
	s9 =	sshll.u32 s12, $0x1;
	s10 =	smul.u32 $0x14000, s12  }
0x8: {  	s20 =	smul.u32 $0x9E00, s12;
	p0 =	seq.s32 s12, $0xF;
	s12 =	simm.s32 $0x6  }
0x9: {  	_ =	strace $0x8000004A;
	s13 =	ssub.s32 $0x2, s7;
	s19 =	smul.u32 $0x138800, s7  }
0xa: {  	s14 =	sor.u32 s7, s9;
	s7 =	smul.u32 $0x4F00, s7;
	s8 =	sshrl.u32 s13, $0x1  }
0xb: {  	s6 =	sshrl.u32 s6, $0x2;
	s15 =	sshrl.u32 s10, $0x1;
	s0 =	ssub.s32 s13, s8  }
0xc: {  	s11 =	sadd.s32 s6, s1;
	s8 =	smul.u32 $0x4F00, s14;
	s6 =	sadd.s32 s15, s1  }
0xd: {  	s10 =	sadd.s32 s10, s19;
	s9 =	sshrl.u32 s19, $0x4;
	s7 =	sadd.s32 s7, s20  }
0xe: {  	s16 =	sadd.s32 $0x2000, s11;
	s17 =	sadd.s32 $0x4000, s11;
	s18 =	sadd.s32 $0x6000, s11  }
0xf: {  	s11 =	sadd.s32 $0x8000, s11;
	s10 =	sshrl.u32 s10, $0x4;
	s9 =	sadd.s32 s3, s9  }
0x10: {  	s24 =	sadd.s32 $0x500, s7;
	s25 =	sadd.s32 $0x400, s7;
	[dreg:$0x4] =	wrdreg s16  }
0x11: {  	s0 =	smax.u32 s0, $0x1;
	s20 =	sadd.s32 $0x300, s7;
	[dreg:$0x5] =	wrdreg s17  }
0x12: {  	s7 =	simm.s32 $0x180;
	[dreg:$0x6] =	wrdreg s18;
	s8 =	sshrl.u32 s8, $0x3  }
0x13: {  	[dreg:$0x7] =	wrdreg s11;
	s3 =	sadd.s32 s3, s10;
	s23 =	sadd.s32 $0x12C00, s9  }
0x14: {  	[dreg:$0xd] =	wrdreg s0;
	s26 =	sshrl.u32 s25, $0x3;
	s0 =	simm.s32 $0x4  }
0x15: {  	s9 =	simm.s32 $0x3;
	s10 =	simm.s32 $0x280;
	[dreg:$0xb] =	wrdreg s3  }
0x16: {  	s11 =	sadd.s32 s5, s8;
	[dreg:$0xc] =	wrdreg s23;
	s8 =	sadd.s32 $0x96000, s1  }
0x17: {  	s3 =	sshrl.u32 s24, $0x3;
	s19 =	sadd.s32 s26, s5;
	s23 =	simm.s32 $0x80  }
0x18: {  	s24 =	simm.s32 $0x300;
	s26 =	simm.s32 $0x100;
	s13 =	sadd.s32 $0x20, s11  }
0x19: {  	s21 =	sadd.s32 $0x40, s11;
	s22 =	sadd.s32 $0x9C0, s11;
	[dreg:$0x8] =	wrdreg s13  }
0x1a: {  	s18 =	sadd.s32 s3, s5;
	s25 =	sshrl.u32 @p0 s8, $0x3;
	[dreg:$0x9] =	wrdreg s21  }
0x1b: {  	s3 =	simm.s32 $0x2;
	s8 =	simm.s32 $0x5;
	[dreg:$0xa] =	wrdreg s22  }
0x1c: {  	v0 =	vimm.bf16 $0.0e+00;
	s21 =	simm.s32 $0x6300;
	s22 =	simm.s32 $0x7;
	s13 =	simm.s32 $0x0  }
.LBB2_1:
0x1d: {  	s15 =	simm.s32 $0x100;
	s14 =	simm.s32 $0x0  }
.LBB2_2:
0x1e: {  	p1 =	sne.s32 s15, $0x7F00;
	[tilespmem:s14+$0x6330] =	vst v0;
	s16 =	smov.u32 s15;
	s15 =	sadd.s32 $0x100, s15  }
.Ltmp0:
0x1f: {  	[tilespmem:s14+$0x6320] =	vst v0;
	(pc) =	sbr.rel @p1 .LBB2_2-.Ltmp0, $3  }
0x20: {  	[tilespmem:s14+$0x6300] =	vst v0  }
0x21: {  	[tilespmem:s14+$0x6310] =	vst v0;
	_ =	sdelay $0x1  }
0x22: {  	s14 =	sshra.s32 s16, $0x2  }
0x23: {  	[tilespmem:s14+$0x6330] =	vst v0  }
0x24: {  	[tilespmem:s14+$0x6320] =	vst v0  }
0x25: {  	[tilespmem:s14+$0x6300] =	vst v0  }
0x26: {  	[tilespmem:s14+$0x6310] =	vst v0  }
0x27: {  	[spmem:s6] =	stream.linear.scatter [tilespmem:s21], [sflag:$0x7], $0x2000, $0x38;
	[tilespmem:$0x12300] =	vst v63  }
0x28: {  	_ =	swait.ge [sflag:s22], $0x2000  }
0x29: {  	[sflag:s22] =	ssyncset.done $0x0  }
0x2a: {  	s15 =	rddreg [dreg:$0x4];
	[sflag:s22] =	ssyncadd.s32 $0xFFFFE000  }
0x2b: {  	[spmem:s15] =	stream.linear.scatter [tilespmem:s21], [sflag:$0x7], $0x2000, $0x38;
	[tilespmem:$0x12300] =	vst v63  }
0x2c: {  	_ =	swait.ge [sflag:s22], $0x2000  }
0x2d: {  	[sflag:s22] =	ssyncset.done $0x0  }
0x2e: {  	s16 =	rddreg [dreg:$0x5];
	[sflag:s22] =	ssyncadd.s32 $0xFFFFE000  }
0x2f: {  	[spmem:s16] =	stream.linear.scatter [tilespmem:s21], [sflag:$0x7], $0x2000, $0x38;
	[tilespmem:$0x12300] =	vst v63  }
0x30: {  	_ =	swait.ge [sflag:s22], $0x2000  }
0x31: {  	[sflag:s22] =	ssyncset.done $0x0  }
0x32: {  	s17 =	rddreg [dreg:$0x6];
	[sflag:s22] =	ssyncadd.s32 $0xFFFFE000  }
0x33: {  	[spmem:s17] =	stream.linear.scatter [tilespmem:s21], [sflag:$0x7], $0x2000, $0x38;
	[tilespmem:$0x12300] =	vst v63  }
0x34: {  	_ =	swait.ge [sflag:s22], $0x2000  }
0x35: {  	[sflag:s22] =	ssyncset.done $0x0  }
0x36: {  	s15 =	rddreg [dreg:$0x7];
	[sflag:s22] =	ssyncadd.s32 $0xFFFFE000  }
0x37: {  	[spmem:s15] =	stream.linear.scatter [tilespmem:s21], [sflag:$0x7], $0x2000, $0x38;
	[tilespmem:$0x12300] =	vst v63  }
0x38: {  	_ =	swait.ge [sflag:s22], $0x2000  }
0x39: {  	[sflag:s22] =	ssyncset.done $0x0  }
0x3a: {  	[sflag:s22] =	ssyncadd.s32 $0xFFFFE000  }
0x3b: {  	s16 =	simm.s32 $0x0;
	[bflag:$0x0] =	sbarrier.arrive $0xFFFF  }
0x3c: {  	[tilespmem:s16], [sflag:$0x7] =	stream.linear.gather [hbm4b:s11+s16], $0x100, $0x38;
	[tilespmem:$0x12300] =	vst v63  }
0x3d: {  	_ =	swait.ge [sflag:s22], $0x100  }
0x3e: {  	[sflag:s22] =	ssyncset.done $0x0  }
0x3f: {  	[sflag:s22] =	ssyncadd.s32 $0xFFFFFF00  }
0x40: {  	[tilespmem:s24], [sflag:$0x1] =	stream.indirect.gather [hbm4b:s4+s23], $0x40, s16, s23, $0xb8;
	[tilespmem:$0x12300] =	vst v63  }
0x41: {  	s15 =	rddreg [dreg:$0x8]  }
0x42: {  	[tilespmem:s26], [sflag:$0x7] =	stream.linear.gather [hbm4b:s15+s16], $0x100, $0x38;
	[tilespmem:$0x12300] =	vst v63  }
0x43: {  	_ =	swait.ge [sflag:s22], $0x100  }
0x44: {  	[sflag:s22] =	ssyncset.done $0x0  }
0x45: {  	[sflag:s22] =	ssyncadd.s32 $0xFFFFFF00  }
0x46: {  	[tilespmem:s28], [sflag:$0x2] =	stream.indirect.gather [hbm4b:s4+s23], $0x40, s26, s23, $0xb8;
	[tilespmem:$0x12300] =	vst v63  }
0x47: {  	s17 =	rddreg [dreg:$0x9]  }
0x48: {  	[tilespmem:s29], [sflag:$0x7] =	stream.linear.gather [hbm4b:s17+s16], $0x100, $0x38;
	[tilespmem:$0x12300] =	vst v63  }
0x49: {  	_ =	swait.ge [sflag:s22], $0x100  }
0x4a: {  	[sflag:s22] =	ssyncset.done $0x0  }
0x4b: {  	[sflag:s22] =	ssyncadd.s32 $0xFFFFFF00  }
0x4c: {  	[tilespmem:s30], [sflag:$0x3] =	stream.indirect.gather [hbm4b:s4+s23], $0x40, s29, s23, $0xb8;
	[tilespmem:$0x12300] =	vst v63  }
0x4d: {  	_ =	swait.ge [sflag:s31], $0x2000  }
0x4e: {  	[sflag:s31] =	ssyncset.done $0x0  }
0x4f: {  	[sflag:s31] =	ssyncadd.s32 $0xFFFFE000  }
0x50: {  	[spmem:s1] =	stream.indirect.scatter.add.bf16 [tilespmem:s24], [sflag:$0x4], $0x40, s23, s23, $0xb8;
	[tilespmem:$0x12300] =	vst v63  }
0x51: {  	_ =	swait.ge [sflag:s0], $0x2000  }
0x52: {  	s15 =	sshrl.u32 s20, $0x3;
	[sflag:s0] =	ssyncset.done $0x0  }
0x53: {  	s14 =	sadd.s32 s5, s15;
	[sflag:s0] =	ssyncadd.s32 $0xFFFFE000  }
0x54: {  	[tilespmem:s2], [sflag:$0x7] =	stream.linear.gather [hbm4b:s14+s2], $0x100, $0x38;
	[tilespmem:$0x12300] =	vst v63  }
0x55: {  	_ =	swait.ge [sflag:s22], $0x100  }
0x56: {  	[sflag:s22] =	ssyncset.done $0x0  }
0x57: {  	[sflag:s22] =	ssyncadd.s32 $0xFFFFFF00  }
0x58: {  	[tilespmem:s24], [sflag:$0x1] =	stream.indirect.gather [hbm4b:s4+s23], $0x40, s2, s23, $0xb8;
	[tilespmem:$0x12300] =	vst v63  }
0x59: {  	_ =	swait.ge [sflag:s3], $0x2000  }
0x5a: {  	[sflag:s3] =	ssyncset.done $0x0  }
0x5b: {  	[sflag:s3] =	ssyncadd.s32 $0xFFFFE000  }
0x5c: {  	[spmem:s1] =	stream.indirect.scatter.add.bf16 [tilespmem:s28], [sflag:$0x5], $0x40, s7, s23, $0xb8;
	[tilespmem:$0x12300] =	vst v63  }
0x5d: {  	_ =	swait.ge [sflag:s8], $0x2000  }
0x5e: {  	[sflag:s8] =	ssyncset.done $0x0  }
0x5f: {  	s16 =	sadd.s32 $0x0, s19;
	[sflag:s8] =	ssyncadd.s32 $0xFFFFE000  }
0x60: {  	[tilespmem:s26], [sflag:$0x7] =	stream.linear.gather [hbm4b:s16+s2], $0x100, $0x38;
	[tilespmem:$0x12300] =	vst v63  }
0x61: {  	_ =	swait.ge [sflag:s22], $0x100  }
0x62: {  	[sflag:s22] =	ssyncset.done $0x0  }
0x63: {  	[sflag:s22] =	ssyncadd.s32 $0xFFFFFF00  }
0x64: {  	[tilespmem:s28], [sflag:$0x2] =	stream.indirect.gather [hbm4b:s4+s23], $0x40, s26, s23, $0xb8;
	[tilespmem:$0x12300] =	vst v63  }
0x65: {  	_ =	swait.ge [sflag:s9], $0x2000  }
0x66: {  	[sflag:s9] =	ssyncset.done $0x0  }
0x67: {  	[sflag:s9] =	ssyncadd.s32 $0xFFFFE000  }
0x68: {  	[spmem:s1] =	stream.indirect.scatter.add.bf16 [tilespmem:s30], [sflag:$0x6], $0x40, s10, s23, $0xb8;
	[tilespmem:$0x12300] =	vst v63  }
0x69: {  	_ =	swait.ge [sflag:s12], $0x2000  }
0x6a: {  	[sflag:s12] =	ssyncset.done $0x0  }
0x6b: {  	s17 =	sadd.s32 $0x0, s18;
	[sflag:s12] =	ssyncadd.s32 $0xFFFFE000  }
0x6c: {  	[tilespmem:s29], [sflag:$0x7] =	stream.linear.gather [hbm4b:s17+s2], $0x100, $0x38;
	[tilespmem:$0x12300] =	vst v63  }
0x6d: {  	_ =	swait.ge [sflag:s22], $0x100  }
0x6e: {  	[sflag:s22] =	ssyncset.done $0x0  }
0x6f: {  	[sflag:s22] =	ssyncadd.s32 $0xFFFFFF00  }
0x70: {  	[tilespmem:s30], [sflag:$0x3] =	stream.indirect.gather [hbm4b:s4+s23], $0x40, s29, s23, $0xb8;
	[tilespmem:$0x12300] =	vst v63  }
0x71: {  	_ =	swait.ge [sflag:s31], $0x2000  }
0x72: {  	[sflag:s31] =	ssyncset.done $0x0  }
0x73: {  	s15 =	sadd.s32 $0x300, s20;
	s14 =	simm.s32 $0x60;
	[sflag:s31] =	ssyncadd.s32 $0xFFFFE000  }
.LBB2_4:
0x74: {  	[spmem:s1] =	stream.indirect.scatter.add.bf16 [tilespmem:s24], [sflag:$0x4], $0x40, s23, s23, $0xb8;
	[tilespmem:$0x12300] =	vst v63  }
0x75: {  	s16 =	smov.u32 s14  }
0x76: {  	p1 =	sne.s32 s14, $0x900;
	s14 =	sadd.s32 $0x60, s14;
	_ =	swait.ge [sflag:s0], $0x2000  }
0x77: {  	s17 =	sshrl.u32 s15, $0x3;
	[sflag:s0] =	ssyncset.done $0x0  }
0x78: {  	s17 =	sadd.s32 s5, s17;
	[sflag:s0] =	ssyncadd.s32 $0xFFFFE000  }
0x79: {  	[tilespmem:s2], [sflag:$0x7] =	stream.linear.gather [hbm4b:s17+s2], $0x100, $0x38;
	[tilespmem:$0x12300] =	vst v63  }
0x7a: {  	_ =	swait.ge [sflag:s22], $0x100  }
0x7b: {  	[sflag:s22] =	ssyncset.done $0x0  }
0x7c: {  	[sflag:s22] =	ssyncadd.s32 $0xFFFFFF00  }
0x7d: {  	[tilespmem:s24], [sflag:$0x1] =	stream.indirect.gather [hbm4b:s4+s23], $0x40, s2, s23, $0xb8;
	[tilespmem:$0x12300] =	vst v63  }
0x7e: {  	_ =	swait.ge [sflag:s3], $0x2000  }
0x7f: {  	[sflag:s3] =	ssyncset.done $0x0  }
0x80: {  	[sflag:s3] =	ssyncadd.s32 $0xFFFFE000  }
0x81: {  	[spmem:s1] =	stream.indirect.scatter.add.bf16 [tilespmem:s28], [sflag:$0x5], $0x40, s7, s23, $0xb8;
	[tilespmem:$0x12300] =	vst v63  }
0x82: {  	_ =	swait.ge [sflag:s8], $0x2000  }
0x83: {  	[sflag:s8] =	ssyncset.done $0x0  }
0x84: {  	s17 =	sadd.s32 s16, s19;
	[sflag:s8] =	ssyncadd.s32 $0xFFFFE000  }
0x85: {  	[tilespmem:s26], [sflag:$0x7] =	stream.linear.gather [hbm4b:s17+s2], $0x100, $0x38;
	[tilespmem:$0x12300] =	vst v63  }
0x86: {  	_ =	swait.ge [sflag:s22], $0x100  }
0x87: {  	[sflag:s22] =	ssyncset.done $0x0  }
0x88: {  	[sflag:s22] =	ssyncadd.s32 $0xFFFFFF00  }
0x89: {  	[tilespmem:s28], [sflag:$0x2] =	stream.indirect.gather [hbm4b:s4+s23], $0x40, s26, s23, $0xb8;
	[tilespmem:$0x12300] =	vst v63  }
0x8a: {  	_ =	swait.ge [sflag:s9], $0x2000  }
0x8b: {  	[sflag:s9] =	ssyncset.done $0x0  }
0x8c: {  	[sflag:s9] =	ssyncadd.s32 $0xFFFFE000  }
0x8d: {  	[spmem:s1] =	stream.indirect.scatter.add.bf16 [tilespmem:s30], [sflag:$0x6], $0x40, s10, s23, $0xb8;
	[tilespmem:$0x12300] =	vst v63  }
0x8e: {  	_ =	swait.ge [sflag:s12], $0x2000  }
0x8f: {  	[sflag:s12] =	ssyncset.done $0x0  }
0x90: {  	s16 =	sadd.s32 s16, s18;
	[sflag:s12] =	ssyncadd.s32 $0xFFFFE000  }
0x91: {  	[tilespmem:s29], [sflag:$0x7] =	stream.linear.gather [hbm4b:s16+s2], $0x100, $0x38;
	[tilespmem:$0x12300] =	vst v63  }
0x92: {  	_ =	swait.ge [sflag:s22], $0x100  }
0x93: {  	[sflag:s22] =	ssyncset.done $0x0  }
.Ltmp1:
0x94: {  	[sflag:s22] =	ssyncadd.s32 $0xFFFFFF00;
	(pc) =	sbr.rel @p1 .LBB2_4-.Ltmp1, $4  }
0x95: {  	[tilespmem:s30], [sflag:$0x3] =	stream.indirect.gather [hbm4b:s4+s23], $0x40, s29, s23, $0xb8;
	[tilespmem:$0x12300] =	vst v63  }
0x96: {  	_ =	swait.ge [sflag:s31], $0x2000  }
0x97: {  	[sflag:s31] =	ssyncset.done $0x0  }
0x98: {  	s15 =	sadd.s32 $0x300, s15;
	[sflag:s31] =	ssyncadd.s32 $0xFFFFE000  }
0x99: {  	[spmem:s1] =	stream.indirect.scatter.add.bf16 [tilespmem:s24], [sflag:$0x4], $0x40, s23, s23, $0xb8;
	[tilespmem:$0x12300] =	vst v63  }
0x9a: {  	_ =	swait.ge [sflag:s0], $0x2000  }
0x9b: {  	[sflag:s0] =	ssyncset.done $0x0  }
0x9c: {  	s14 =	rddreg [dreg:$0xa];
	[sflag:s0] =	ssyncadd.s32 $0xFFFFE000  }
0x9d: {  	[tilespmem:s2], [sflag:$0x7] =	stream.linear.gather [hbm4b:s14+s2], $0x100, $0x38;
	[tilespmem:$0x12300] =	vst v63  }
0x9e: {  	_ =	swait.ge [sflag:s22], $0x100  }
0x9f: {  	[sflag:s22] =	ssyncset.done $0x0  }
0xa0: {  	[sflag:s22] =	ssyncadd.s32 $0xFFFFFF00  }
0xa1: {  	[tilespmem:s24], [sflag:$0x1] =	stream.indirect.gather [hbm4b:s4+s23], $0x40, s2, s23, $0xb8;
	[tilespmem:$0x12300] =	vst v63  }
0xa2: {  	_ =	swait.ge [sflag:s3], $0x2000  }
0xa3: {  	[sflag:s3] =	ssyncset.done $0x0  }
0xa4: {  	[sflag:s3] =	ssyncadd.s32 $0xFFFFE000  }
0xa5: {  	[spmem:s1] =	stream.indirect.scatter.add.bf16 [tilespmem:s28], [sflag:$0x5], $0x40, s7, s23, $0xb8;
	[tilespmem:$0x12300] =	vst v63  }
0xa6: {  	_ =	swait.ge [sflag:s9], $0x2000  }
0xa7: {  	[sflag:s9] =	ssyncset.done $0x0  }
0xa8: {  	[sflag:s9] =	ssyncadd.s32 $0xFFFFE000  }
0xa9: {  	[spmem:s1] =	stream.indirect.scatter.add.bf16 [tilespmem:s30], [sflag:$0x6], $0x40, s10, s23, $0xb8;
	[tilespmem:$0x12300] =	vst v63  }
0xaa: {  	_ =	swait.ge [sflag:s31], $0x2000  }
0xab: {  	[sflag:s31] =	ssyncset.done $0x0  }
0xac: {  	[sflag:s31] =	ssyncadd.s32 $0xFFFFE000  }
0xad: {  	[spmem:s1] =	stream.indirect.scatter.add.bf16 [tilespmem:s24], [sflag:$0x4], $0x40, s23, s23, $0xb8;
	[tilespmem:$0x12300] =	vst v63  }
0xae: {  	_ =	swait.ge [sflag:s8], $0x2000  }
0xaf: {  	[sflag:s8] =	ssyncset.done $0x0  }
0xb0: {  	[sflag:s8] =	ssyncadd.s32 $0xFFFFE000  }
0xb1: {  	_ =	swait.ge [sflag:s12], $0x2000  }
0xb2: {  	[sflag:s12] =	ssyncset.done $0x0  }
0xb3: {  	[sflag:s12] =	ssyncadd.s32 $0xFFFFE000  }
0xb4: {  	_ =	swait.ge [sflag:s0], $0x2000  }
0xb5: {  	[sflag:s0] =	ssyncset.done $0x0  }
0xb6: {  	[sflag:s0] =	ssyncadd.s32 $0xFFFFE000  }
0xb7: {  	[bflag:$0x0] =	sbarrier.arrive $0xFFFF  }
0xb8: {  	s14 =	simm.s32 @p0 $0x1FC7;
	s15 =	rddreg [dreg:$0xc]  }
0xb9: {  	[hbm:s15], [sflag:s14] =	dma.local @p0 [spmem:s25], $0xC80  }
0xba: {  	s14 =	simm.s32 @p0 $0x7  }
0xbb: {  	s15 =	stileid.u32;
	_ =	swait.ge @p0 [sflag:s14], $0xC80  }
0xbc: {  	s15 =	sshll.u32 @!p0 s15, $0x6;
	[sflag:s14] =	ssyncset.done @p0 $0x0;
	s16 =	rddreg [dreg:$0xb]  }
0xbd: {  	[sflag:s14] =	ssyncadd.s32 @p0 $0xFFFFF380;
	s14 =	sor.u32 @!p0 $0x1C07, s15;
	s15 =	sshrl.u32 @!p0 s6, $0x3  }
0xbe: {  	[hbm:s16], [sflag:s14] =	dma.local @!p0 [spmem:s15], $0x1400  }
0xbf: {  	s14 =	simm.s32 @!p0 $0x7  }
0xc0: {  	_ =	swait.ge @!p0 [sflag:s14], $0x1400  }
0xc1: {  	s13 =	sadd.s32 $0x1, s13;
	s17 =	rddreg [dreg:$0xd]  }
0xc2: {  	p1 =	sne.s32 s13, s17  }
.Ltmp2:
0xc3: {  	_ = 	snop;
	(pc) =	sbr.rel @p1 .LBB2_1-.Ltmp2, $3  }
0xc4: {  	_ =	sdelay $0x1  }
0xc5: {  	[sflag:s14] =	ssyncset.done @!p0 $0x0  }
0xc6: {  	[sflag:s14] =	ssyncadd.s32 @!p0 $0xFFFFEC00  }
0xc7: {  	_ =	sfence.sel $0x180000  }
0xc8: {  	[bflag:$0x0] =	sbarrier.arrive $0xFFFF  }
0xc9: {  	_ =	strace $0x9000004A  }
0xca: {  	s0 =	stileid.u32;
	[bflag:$0x2] =	sbarrier.arrive $0xFFFF  }
0xcb: {  	p0 =	sne.s32 s0, $0x0;
	s0 =	rddreg [dreg:$0x3]  }
0xcc: {  	s0 =	sadd.s32 @!p0 $0x100000, s0  }
0xcd: {  	[sflag:s0] =	ssyncadd.tile.s32 @!p0 $0x1;
	_ =	shalt  }
.Lfunc_end2:
_tile_overlayer_lowered:
.L_overlay_start_2:
0xce: {  	(tag) =	ssettag $0x2  }
0xcf: {  	s0 =	rddreg [dreg:$0x0];
	s2 =	stileid.u32  }
0xd0: {  	s1 =	rddreg [dreg:$0x1];
	p0 =	sne.s32 s2, $0x0  }
0xd1: {  	s3 =	rddreg [dreg:$0x2];
	[bflag:$0x3] =	sbarrier.arrive $0xFFFF;
	s2 =	simm.s32 @!p0 $0x1C07  }
0xd2: {  	[timem:s3], [sflag:s2] =	dma.local @!p0 [hbm:s0], s1  }
0xd3: {  	s0 =	simm.s32 @!p0 $0x7  }
0xd4: {  	_ =	swait.ge @!p0 [sflag:s0], s1  }
0xd5: {  	s1 =	ssub.s32 @!p0 $0x0, s1;
	[sflag:s0] =	ssyncset.done @!p0 $0x0  }
0xd6: {  	[sflag:s0] =	ssyncadd.s32 @!p0 s1  }
0xd7: {  	[bflag:$0x3] =	sbarrier.arrive $0xFFFF  }
0xd8: {  	_ =	shalt  }

// kernel: kernel.14.cloned.1.call-start
scs
__scs_entry_jumppad:
0x0: {  	(pc) =	sbr.rel $0x88, $3  }
0x1: {  	(tag) =	ssettag $0x0;
	lr =	simm.s32 $0x1  }
0x2: {  	[smem:$0x3F96] =	sst lr;
	_ =	strace $0xD0000000  }
0x3: {  	_ = 	snop  }
0x4: {  	_ = 	snop  }
0x5: {  	_ = 	snop  }
0x6: {  	_ = 	snop  }
0x7: {  	_ = 	snop  }
__scs_overlays_trampoline_lowered:
0x8: {  	[smem:$0x3FA5] =	sst s0  }
0x9: {  	[smem:$0x3FA6] =	sst s1  }
0xa: {  	[smem:$0x3FA7] =	sst s2  }
0xb: {  	[smem:$0x3FA8] =	sst s3  }
0xc: {  	[smem:$0x3FA9] =	sst s4  }
0xd: {  	[smem:$0x3FAA] =	sst s5  }
0xe: {  	[smem:$0x3FAB] =	sst s6  }
0xf: {  	[smem:$0x3FAC] =	sst s7  }
0x10: {  	[smem:$0x3FAD] =	sst s8  }
0x11: {  	[smem:$0x3FAE] =	sst s9;
	s0 =	simm.s32 @!p0 $0x0  }
0x12: {  	s1 =	sld [smem:$0x3F94];
	s0 =	simm.s32 @p0 $0x1  }
0x13: {  	[smem:$0x3FAF] =	sst s0;
	s0 =	simm.s32 @!p1 $0x0  }
0x14: {  	s2 =	sld [smem:$0x3F93];
	s0 =	simm.s32 @p1 $0x1  }
0x15: {  	[smem:$0x3FB0] =	sst s0;
	s0 =	simm.s32 @!p2 $0x0  }
0x16: {  	s3 =	sld [smem:$0x3FDB];
	s0 =	simm.s32 @p2 $0x1  }
0x17: {  	s4 =	simm.s32 $0x1BF5;
	[smem:$0x3FB2] =	sst s0  }
0x18: {  	s0 =	sld [smem:$0x3F95];
	_ =	swait.ge [sflag:s4], $0x0  }
0x19: {  	s7 =	sld [smem:$0x3F96]  }
0x1a: {  	s8 =	sadd.s32 $0xFFFFE003, lr  }
0x1b: {  	s9 =	sadd.s32 $0xFFFFFEF7, lr;
	s5 =	simm.s32 $0xFFFFFFFF;
	p2 =	slt.u32 s8, $0xFFFFF086  }
0x1c: {  	p1 =	slt.u32 s9, $0xF7A;
	s5 =	simm.s32 @!p2 $0x0  }
0x1d: {  	s5 =	simm.s32 @p1 $0x1;
	p0 =	seq.s32 s7, s2  }
0x1e: {  	s7 =	smul.u32 @!p0 $0xF7A, s2;
	p2 =	seq.s32 @!p0 s5, $0x0  }
0x1f: {  	s9 =	smul.u32 $0xF7A, s1;
	s8 =	simm.s32 @!p0 $0x1BF5;
	p2 =	por !p2, p0  }
0x20: {  	[sflag:s8] =	ssyncset.s32 @!p0 $0xFFFFF086;
	s6 =	sadd.s32 @!p0 s3, s7;
	s7 =	simm.s32 @!p0 $0x108  }
0x21: {  	s3 =	sadd.s32 s3, s9;
	s6 =	sadd.s32 @!p0 $0x88, s6;
	s7 =	simm.s32 @p2 $0x1082  }
0x22: {  	[simem:s7], [sflag:s8] =	dma.local @!p0 [hbm:s6], $0xF7A  }
0x23: {  	s9 =	sor.u32 $0xD0000000, s2;
	s6 =	simm.s32 $0x108;
	_ =	swait.ge @!p0 [sflag:s8], $0x0  }
0x24: {  	s3 =	sadd.s32 $0x88, s3;
	s6 =	simm.s32 @!p1 $0x1082;
	[sflag:s4] =	ssyncset.s32 $0xFFFFF086  }
0x25: {  	[simem:s6], [sflag:s4] =	dma.local [hbm:s3], $0xF7A  }
0x26: {  	[smem:$0x3F96] =	sst s1;
	(tag) =	ssettag s2;
	_ =	strace s9  }
0x27: {  	s1 =	sld [smem:$0x3FA6]  }
0x28: {  	s2 =	sld [smem:$0x3FA7]  }
0x29: {  	s4 =	sld [smem:$0x3FA9]  }
0x2a: {  	p0 =	seq.s32 s5, $0x0;
	s5 =	sld [smem:$0x3FAA]  }
0x2b: {  	s6 =	sld [smem:$0x3FAB]  }
0x2c: {  	s7 =	sld [smem:$0x3FAC]  }
0x2d: {  	s3 =	simm.s32 $0x108;
	s8 =	sld [smem:$0x3FAD]  }
0x2e: {  	s3 =	simm.s32 @!p0 $0x1082;
	s9 =	sld [smem:$0x3FAE]  }
0x2f: {  	lr =	sadd.s32 s0, s3;
	s0 =	sld [smem:$0x3FA5]  }
0x30: {  	s3 =	sld [smem:$0x3FA8]  }
0x31: {  	[smem:$0x3FB1] =	sst s10  }
0x32: {  	s10 =	sld [smem:$0x3FAF];
	_ =	sdelay $0x3  }
0x33: {  	p0 =	seq.s32 s10, $0x1;
	s10 =	sld [smem:$0x3FB1];
	_ =	sdelay $0x3  }
0x34: {  	[smem:$0x3FB1] =	sst s10  }
0x35: {  	s10 =	sld [smem:$0x3FB0];
	_ =	sdelay $0x3  }
0x36: {  	p1 =	seq.s32 s10, $0x1;
	s10 =	sld [smem:$0x3FB1];
	_ =	sdelay $0x3  }
0x37: {  	[smem:$0x3FB1] =	sst s10  }
0x38: {  	s10 =	sld [smem:$0x3FB2]  }
0x39: {  	_ = 	snop;
	(pc) =	sbr.ind lr, $3  }
0x3a: {  	_ = 	snop  }
0x3b: {  	_ = 	snop  }
0x3c: {  	p2 =	seq.s32 s10, $0x1;
	s10 =	sld [smem:$0x3FB1]  }
0x3d: {  	_ =	shalt  }
0x3e: {  	_ =	shalt  }
0x3f: {  	_ =	shalt  }
0x40: {  	_ =	shalt  }
0x41: {  	_ =	shalt  }
0x42: {  	_ =	shalt  }
0x43: {  	_ =	shalt  }
0x44: {  	_ =	shalt  }
0x45: {  	_ =	shalt  }
0x46: {  	_ =	shalt  }
0x47: {  	_ =	shalt  }
0x48: {  	_ =	shalt  }
0x49: {  	_ =	shalt  }
0x4a: {  	_ =	shalt  }
0x4b: {  	_ =	shalt  }
0x4c: {  	_ =	shalt  }
0x4d: {  	_ =	shalt  }
0x4e: {  	_ =	shalt  }
0x4f: {  	_ =	shalt  }
0x50: {  	_ =	shalt  }
0x51: {  	_ =	shalt  }
0x52: {  	_ =	shalt  }
0x53: {  	_ =	shalt  }
0x54: {  	_ =	shalt  }
0x55: {  	_ =	shalt  }
0x56: {  	_ =	shalt  }
0x57: {  	_ =	shalt  }
0x58: {  	_ =	shalt  }
0x59: {  	_ =	shalt  }
0x5a: {  	_ =	shalt  }
0x5b: {  	_ =	shalt  }
0x5c: {  	_ =	shalt  }
0x5d: {  	_ =	shalt  }
0x5e: {  	_ =	shalt  }
0x5f: {  	_ =	shalt  }
0x60: {  	_ =	shalt  }
0x61: {  	_ =	shalt  }
0x62: {  	_ =	shalt  }
0x63: {  	_ =	shalt  }
0x64: {  	_ =	shalt  }
0x65: {  	_ =	shalt  }
0x66: {  	_ =	shalt  }
0x67: {  	_ =	shalt  }
0x68: {  	_ =	shalt  }
0x69: {  	_ =	shalt  }
0x6a: {  	_ =	shalt  }
0x6b: {  	_ =	shalt  }
0x6c: {  	_ =	shalt  }
0x6d: {  	_ =	shalt  }
0x6e: {  	_ =	shalt  }
0x6f: {  	_ =	shalt  }
0x70: {  	_ =	shalt  }
0x71: {  	_ =	shalt  }
0x72: {  	_ =	shalt  }
0x73: {  	_ =	shalt  }
0x74: {  	_ =	shalt  }
0x75: {  	_ =	shalt  }
0x76: {  	_ =	shalt  }
0x77: {  	_ =	shalt  }
0x78: {  	_ =	shalt  }
0x79: {  	_ =	shalt  }
0x7a: {  	_ =	shalt  }
0x7b: {  	_ =	shalt  }
0x7c: {  	_ =	shalt  }
0x7d: {  	_ =	shalt  }
0x7e: {  	_ =	shalt  }
0x7f: {  	_ =	shalt  }
0x80: {  	_ =	shalt  }
0x81: {  	_ =	shalt  }
0x82: {  	_ =	shalt  }
0x83: {  	_ =	shalt  }
0x84: {  	_ =	shalt  }
0x85: {  	_ =	shalt  }
0x86: {  	_ =	shalt  }
0x87: {  	_ =	shalt  }
.Lfunc_end0:
.L_simem_size_0:
called_computation.2_lowered:
.L_overlay_start_0:
0x88: {  	s2 =	sld [smem:$0x3FD9]  }
0x89: {  	s3 =	sld [smem:$0x3FFE];
	_ =	sdelay $0x1  }
0x8a: {  	s1 =	srdreg.scid  }
0x8b: {  	s0 =	sand.u32 $0x1, s1  }
0x8c: {  	s17 =	sshll.u32 s0, $0xA;
	s2 =	sadd.s32 s3, s2  }
0x8d: {  	s2 =	sadd.s32 s2, s17  }
0x8e: {  	[smem:$0x3FBD] =	sst s2  }
0x8f: {  	_ = 	snop  }
0x90: {  	s2 =	sld [smem:$0x3FD0];
	(tm) =	ssettm $0x1  }
0x91: {  	s18 =	sld [smem:$0x3FFB];
	_ =	sdelay $0x3  }
0x92: {  	_ =	strace s18  }
0x93: {  	s3 =	sld [smem:$0x3FFC];
	_ =	sdelay $0x3  }
0x94: {  	_ =	strace s3  }
0x95: {  	s3 =	sld [smem:$0x3FFD];
	_ =	sdelay $0x3  }
0x96: {  	_ =	strace s3  }
0x97: {  	_ =	strace $0x8FFFFFFF  }
0x98: {  	s19 =	sld [smem:$0x3FDB];
	_ =	sdelay $0x1  }
0x99: {  	s4 =	simm.s32 $_scs_section_size  }
0x9a: {  	s5 =	simm.s32 $_size__tile_overlayer_lowered;
	s6 =	simm.s32 $_tile_overlayer_lowered  }
0x9b: {  	s22 =	simm.s32 $0x1BFF;
	s21 =	sshll.u32 s6, $0x1;
	s3 =	sadd.s32 s4, s19  }
0x9c: {  	s7 =	simm.s32 $0x0;
	s20 =	sshll.u32 s5, $0x1;
	s5 =	sadd.s32 s21, s3  }
0x9d: {  	[timem:s7], [sflag:s22] =	dma.local [hbm:s5], s20  }
0x9e: {  	_ =	swait.ge [sflag:s22], s20  }
0x9f: {  	s4 =	ssub.s32 $0x0, s20;
	[sflag:s22] =	ssyncset.done $0x0  }
0xa0: {  	[sflag:s22] =	ssyncadd.s32 s4;
	_ =	sdelay $0x1  }
0xa1: {  	s23 =	simm.s32 $0x1B8B  }
0xa2: {  	_ =	swait.ge [sflag:s23], $0x1  }
0xa3: {  	[sflag:s23] =	ssyncset.done $0x0  }
0xa4: {  	s25 =	simm.s32 $0x1B8E;
	s24 =	sld [smem:$0x3FFE];
	[sflag:s23] =	ssyncadd.s32 $0xFFFFFFFF  }
0xa5: {  	s26 =	simm.s32 $execute0_lowered;
	[smem:$0x3FD2] =	sst s25  }
0xa6: {  	s5 =	sshll.u32 s26, $0x1;
	_ =	strace $0x8000004C;
	[dreg:$0x1] =	wrdreg $0xFFFFFFFF  }
0xa7: {  	s28 =	simm.s32 $_size_execute0_lowered;
	s3 =	sadd.s32 s3, s5;
	[dreg:$0x0] =	wrdreg $0x0  }
0xa8: {  	s5 =	sshll.u32 s28, $0x1;
	[dreg:$0x2] =	wrdreg s3  }
0xa9: {  	[dreg:$0x3] =	wrdreg s5  }
0xaa: {  	[dreg:$0x4] =	wrdreg $0xC0  }
0xab: {  	_ =	task [dreg:s7], $0x5FFFF  }
0xac: {  	[dreg:$0x1] =	wrdreg $0xFFFFFFFF  }
0xad: {  	[dreg:$0x0] =	wrdreg $0x60  }
0xae: {  	[dreg:$0x2] =	wrdreg s24  }
0xaf: {  	[dreg:$0x3] =	wrdreg s2  }
0xb0: {  	[dreg:$0x4] =	wrdreg $0x83000  }
0xb1: {  	[dreg:$0x5] =	wrdreg $0x9  }
0xb2: {  	_ =	task.clear_ibuf [dreg:s7], $0x6FFFF;
	_ =	strace $0x9000004C  }
0xb3: {  	s29 =	simm.s32 $0x9;
	_ =	strace $0x8000004E  }
0xb4: {  	_ =	swait.ge [sflag:s29], $0x1  }
0xb5: {  	[sflag:s29] =	ssyncadd.s32 $0xFFFFFFFF  }
0xb6: {  	_ =	strace $0x9000004E  }
0xb7: {  	_ =	sfence  }
0xb8: {  	s30 =	sld [smem:$0x0];
	_ =	sdelay $0x2  }
0xb9: {  	s31 =	sshll.u32 s1, $0xD;
	s1 =	sshrl.u32 s1, $0x2  }
0xba: {  	s3 =	sand.u32 $0x4000, s31;
	s1 =	sadd.s32 s1, s30  }
0xbb: {  	s0 =	sor.u32 s3, s0;
	s1 =	sshll.u32 s1, $0x11  }
0xbc: {  	s0 =	sor.u32 s1, s0  }
0xbd: {  	s0 =	sadd.s32 $0x8F2B, s0  }
0xbe: {  	[sflag:s0] =	ssyncadd.remote.s32 $0x1  }
0xbf: {  	_ =	sfence.sel $0xFFFF  }
0xc0: {  	[dreg:$0x0] =	wrdreg $0xFFFFFFFF;
	(pc) =	sbr.abs _section_cstart, $3  }
0xc1: {  	[dreg:$0x1] =	wrdreg $0xFFFFFFFF  }
0xc2: {  	_ =	task.clear_ibuf [dreg:s7], $0x2FFFF;
	_ =	strace $0x9FFFFFFF  }
0xc3: {  	(tm) =	ssettm $0x7FFFFFFF  }
tec
execute0_lowered:
.L_overlay_start_1:
0x0: {  	(tag) =	ssettag $0x1  }
0x1: {  	s0 =	rddreg [dreg:$0x0]  }
0x2: {  	s3 =	rddreg [dreg:$0x1]  }
0x3: {  	s1 =	rddreg [dreg:$0x2];
	s2 =	simm.s32 $0x0;
	s5 =	srdreg.scid  }
0x4: {  	s12 =	stileid.u32;
	s28 =	simm.s32 $0x2300;
	s29 =	simm.s32 $0x200  }
0x5: {  	s30 =	simm.s32 $0x4300;
	s31 =	simm.s32 $0x1;
	[smem:$0x7FF] =	sst s2  }
0x6: {  	s4 =	sadd.s32 $0x3800, s0;
	s7 =	sand.u32 $0x1, s5;
	s6 =	smul.u32 $0x28000, s12  }
0x7: {  	s5 =	sadd.s32 $0x17200, s0;
	s9 =	sshll.u32 s12, $0x1;
	s10 =	smul.u32 $0x14000, s12  }
0x8: {  	s20 =	smul.u32 $0x9E00, s12;
	p0 =	seq.s32 s12, $0xF;
	s12 =	simm.s32 $0x6  }
0x9: {  	_ =	strace $0x8000004D;
	s13 =	ssub.s32 $0x2, s7;
	s19 =	smul.u32 $0x138800, s7  }
0xa: {  	s14 =	sor.u32 s7, s9;
	s7 =	smul.u32 $0x4F00, s7;
	s8 =	sshrl.u32 s13, $0x1  }
0xb: {  	s6 =	sshrl.u32 s6, $0x2;
	s15 =	sshrl.u32 s10, $0x1;
	s0 =	ssub.s32 s13, s8  }
0xc: {  	s11 =	sadd.s32 s6, s1;
	s8 =	smul.u32 $0x4F00, s14;
	s6 =	sadd.s32 s15, s1  }
0xd: {  	s10 =	sadd.s32 s10, s19;
	s9 =	sshrl.u32 s19, $0x4;
	s7 =	sadd.s32 s7, s20  }
0xe: {  	s16 =	sadd.s32 $0x2000, s11;
	s17 =	sadd.s32 $0x4000, s11;
	s18 =	sadd.s32 $0x6000, s11  }
0xf: {  	s11 =	sadd.s32 $0x8000, s11;
	s10 =	sshrl.u32 s10, $0x4;
	s9 =	sadd.s32 s3, s9  }
0x10: {  	s24 =	sadd.s32 $0x500, s7;
	s25 =	sadd.s32 $0x400, s7;
	[dreg:$0x4] =	wrdreg s16  }
0x11: {  	s0 =	smax.u32 s0, $0x1;
	s20 =	sadd.s32 $0x300, s7;
	[dreg:$0x5] =	wrdreg s17  }
0x12: {  	s7 =	simm.s32 $0x180;
	[dreg:$0x6] =	wrdreg s18;
	s8 =	sshrl.u32 s8, $0x3  }
0x13: {  	[dreg:$0x7] =	wrdreg s11;
	s3 =	sadd.s32 s3, s10;
	s23 =	sadd.s32 $0x12C00, s9  }
0x14: {  	[dreg:$0xd] =	wrdreg s0;
	s26 =	sshrl.u32 s25, $0x3;
	s0 =	simm.s32 $0x4  }
0x15: {  	s9 =	simm.s32 $0x3;
	s10 =	simm.s32 $0x280;
	[dreg:$0xb] =	wrdreg s3  }
0x16: {  	s11 =	sadd.s32 s5, s8;
	[dreg:$0xc] =	wrdreg s23;
	s8 =	sadd.s32 $0x96000, s1  }
0x17: {  	s3 =	sshrl.u32 s24, $0x3;
	s19 =	sadd.s32 s26, s5;
	s23 =	simm.s32 $0x80  }
0x18: {  	s24 =	simm.s32 $0x300;
	s26 =	simm.s32 $0x100;
	s13 =	sadd.s32 $0x20, s11  }
0x19: {  	s21 =	sadd.s32 $0x40, s11;
	s22 =	sadd.s32 $0x9C0, s11;
	[dreg:$0x8] =	wrdreg s13  }
0x1a: {  	s18 =	sadd.s32 s3, s5;
	s25 =	sshrl.u32 @p0 s8, $0x3;
	[dreg:$0x9] =	wrdreg s21  }
0x1b: {  	s3 =	simm.s32 $0x2;
	s8 =	simm.s32 $0x5;
	[dreg:$0xa] =	wrdreg s22  }
0x1c: {  	v0 =	vimm.bf16 $0.0e+00;
	s21 =	simm.s32 $0x6300;
	s22 =	simm.s32 $0x7;
	s13 =	simm.s32 $0x0  }
.LBB2_1:
0x1d: {  	s15 =	simm.s32 $0x100;
	s14 =	simm.s32 $0x0  }
.LBB2_2:
0x1e: {  	p1 =	sne.s32 s15, $0x7F00;
	[tilespmem:s14+$0x6330] =	vst v0;
	s16 =	smov.u32 s15;
	s15 =	sadd.s32 $0x100, s15  }
.Ltmp0:
0x1f: {  	[tilespmem:s14+$0x6320] =	vst v0;
	(pc) =	sbr.rel @p1 .LBB2_2-.Ltmp0, $3  }
0x20: {  	[tilespmem:s14+$0x6300] =	vst v0  }
0x21: {  	[tilespmem:s14+$0x6310] =	vst v0;
	_ =	sdelay $0x1  }
0x22: {  	s14 =	sshra.s32 s16, $0x2  }
0x23: {  	[tilespmem:s14+$0x6330] =	vst v0  }
0x24: {  	[tilespmem:s14+$0x6320] =	vst v0  }
0x25: {  	[tilespmem:s14+$0x6300] =	vst v0  }
0x26: {  	[tilespmem:s14+$0x6310] =	vst v0  }
0x27: {  	[spmem:s6] =	stream.linear.scatter [tilespmem:s21], [sflag:$0x7], $0x2000, $0x38;
	[tilespmem:$0x12300] =	vst v63  }
0x28: {  	_ =	swait.ge [sflag:s22], $0x2000  }
0x29: {  	[sflag:s22] =	ssyncset.done $0x0  }
0x2a: {  	s15 =	rddreg [dreg:$0x4];
	[sflag:s22] =	ssyncadd.s32 $0xFFFFE000  }
0x2b: {  	[spmem:s15] =	stream.linear.scatter [tilespmem:s21], [sflag:$0x7], $0x2000, $0x38;
	[tilespmem:$0x12300] =	vst v63  }
0x2c: {  	_ =	swait.ge [sflag:s22], $0x2000  }
0x2d: {  	[sflag:s22] =	ssyncset.done $0x0  }
0x2e: {  	s16 =	rddreg [dreg:$0x5];
	[sflag:s22] =	ssyncadd.s32 $0xFFFFE000  }
0x2f: {  	[spmem:s16] =	stream.linear.scatter [tilespmem:s21], [sflag:$0x7], $0x2000, $0x38;
	[tilespmem:$0x12300] =	vst v63  }
0x30: {  	_ =	swait.ge [sflag:s22], $0x2000  }
0x31: {  	[sflag:s22] =	ssyncset.done $0x0  }
0x32: {  	s17 =	rddreg [dreg:$0x6];
	[sflag:s22] =	ssyncadd.s32 $0xFFFFE000  }
0x33: {  	[spmem:s17] =	stream.linear.scatter [tilespmem:s21], [sflag:$0x7], $0x2000, $0x38;
	[tilespmem:$0x12300] =	vst v63  }
0x34: {  	_ =	swait.ge [sflag:s22], $0x2000  }
0x35: {  	[sflag:s22] =	ssyncset.done $0x0  }
0x36: {  	s15 =	rddreg [dreg:$0x7];
	[sflag:s22] =	ssyncadd.s32 $0xFFFFE000  }
0x37: {  	[spmem:s15] =	stream.linear.scatter [tilespmem:s21], [sflag:$0x7], $0x2000, $0x38;
	[tilespmem:$0x12300] =	vst v63  }
0x38: {  	_ =	swait.ge [sflag:s22], $0x2000  }
0x39: {  	[sflag:s22] =	ssyncset.done $0x0  }
0x3a: {  	[sflag:s22] =	ssyncadd.s32 $0xFFFFE000  }
0x3b: {  	s16 =	simm.s32 $0x0;
	[bflag:$0x0] =	sbarrier.arrive $0xFFFF  }
0x3c: {  	[tilespmem:s16], [sflag:$0x7] =	stream.linear.gather [hbm4b:s11+s16], $0x100, $0x38;
	[tilespmem:$0x12300] =	vst v63  }
0x3d: {  	_ =	swait.ge [sflag:s22], $0x100  }
0x3e: {  	[sflag:s22] =	ssyncset.done $0x0  }
0x3f: {  	[sflag:s22] =	ssyncadd.s32 $0xFFFFFF00  }
0x40: {  	[tilespmem:s24], [sflag:$0x1] =	stream.indirect.gather [hbm4b:s4+s23], $0x40, s16, s23, $0xb8;
	[tilespmem:$0x12300] =	vst v63  }
0x41: {  	s15 =	rddreg [dreg:$0x8]  }
0x42: {  	[tilespmem:s26], [sflag:$0x7] =	stream.linear.gather [hbm4b:s15+s16], $0x100, $0x38;
	[tilespmem:$0x12300] =	vst v63  }
0x43: {  	_ =	swait.ge [sflag:s22], $0x100  }
0x44: {  	[sflag:s22] =	ssyncset.done $0x0  }
0x45: {  	[sflag:s22] =	ssyncadd.s32 $0xFFFFFF00  }
0x46: {  	[tilespmem:s28], [sflag:$0x2] =	stream.indirect.gather [hbm4b:s4+s23], $0x40, s26, s23, $0xb8;
	[tilespmem:$0x12300] =	vst v63  }
0x47: {  	s17 =	rddreg [dreg:$0x9]  }
0x48: {  	[tilespmem:s29], [sflag:$0x7] =	stream.linear.gather [hbm4b:s17+s16], $0x100, $0x38;
	[tilespmem:$0x12300] =	vst v63  }
0x49: {  	_ =	swait.ge [sflag:s22], $0x100  }
0x4a: {  	[sflag:s22] =	ssyncset.done $0x0  }
0x4b: {  	[sflag:s22] =	ssyncadd.s32 $0xFFFFFF00  }
0x4c: {  	[tilespmem:s30], [sflag:$0x3] =	stream.indirect.gather [hbm4b:s4+s23], $0x40, s29, s23, $0xb8;
	[tilespmem:$0x12300] =	vst v63  }
0x4d: {  	_ =	swait.ge [sflag:s31], $0x2000  }
0x4e: {  	[sflag:s31] =	ssyncset.done $0x0  }
0x4f: {  	[sflag:s31] =	ssyncadd.s32 $0xFFFFE000  }
0x50: {  	[spmem:s1] =	stream.indirect.scatter.add.bf16 [tilespmem:s24], [sflag:$0x4], $0x40, s23, s23, $0xb8;
	[tilespmem:$0x12300] =	vst v63  }
0x51: {  	_ =	swait.ge [sflag:s0], $0x2000  }
0x52: {  	s15 =	sshrl.u32 s20, $0x3;
	[sflag:s0] =	ssyncset.done $0x0  }
0x53: {  	s14 =	sadd.s32 s5, s15;
	[sflag:s0] =	ssyncadd.s32 $0xFFFFE000  }
0x54: {  	[tilespmem:s2], [sflag:$0x7] =	stream.linear.gather [hbm4b:s14+s2], $0x100, $0x38;
	[tilespmem:$0x12300] =	vst v63  }
0x55: {  	_ =	swait.ge [sflag:s22], $0x100  }
0x56: {  	[sflag:s22] =	ssyncset.done $0x0  }
0x57: {  	[sflag:s22] =	ssyncadd.s32 $0xFFFFFF00  }
0x58: {  	[tilespmem:s24], [sflag:$0x1] =	stream.indirect.gather [hbm4b:s4+s23], $0x40, s2, s23, $0xb8;
	[tilespmem:$0x12300] =	vst v63  }
0x59: {  	_ =	swait.ge [sflag:s3], $0x2000  }
0x5a: {  	[sflag:s3] =	ssyncset.done $0x0  }
0x5b: {  	[sflag:s3] =	ssyncadd.s32 $0xFFFFE000  }
0x5c: {  	[spmem:s1] =	stream.indirect.scatter.add.bf16 [tilespmem:s28], [sflag:$0x5], $0x40, s7, s23, $0xb8;
	[tilespmem:$0x12300] =	vst v63  }
0x5d: {  	_ =	swait.ge [sflag:s8], $0x2000  }
0x5e: {  	[sflag:s8] =	ssyncset.done $0x0  }
0x5f: {  	s16 =	sadd.s32 $0x0, s19;
	[sflag:s8] =	ssyncadd.s32 $0xFFFFE000  }
0x60: {  	[tilespmem:s26], [sflag:$0x7] =	stream.linear.gather [hbm4b:s16+s2], $0x100, $0x38;
	[tilespmem:$0x12300] =	vst v63  }
0x61: {  	_ =	swait.ge [sflag:s22], $0x100  }
0x62: {  	[sflag:s22] =	ssyncset.done $0x0  }
0x63: {  	[sflag:s22] =	ssyncadd.s32 $0xFFFFFF00  }
0x64: {  	[tilespmem:s28], [sflag:$0x2] =	stream.indirect.gather [hbm4b:s4+s23], $0x40, s26, s23, $0xb8;
	[tilespmem:$0x12300] =	vst v63  }
0x65: {  	_ =	swait.ge [sflag:s9], $0x2000  }
0x66: {  	[sflag:s9] =	ssyncset.done $0x0  }
0x67: {  	[sflag:s9] =	ssyncadd.s32 $0xFFFFE000  }
0x68: {  	[spmem:s1] =	stream.indirect.scatter.add.bf16 [tilespmem:s30], [sflag:$0x6], $0x40, s10, s23, $0xb8;
	[tilespmem:$0x12300] =	vst v63  }
0x69: {  	_ =	swait.ge [sflag:s12], $0x2000  }
0x6a: {  	[sflag:s12] =	ssyncset.done $0x0  }
0x6b: {  	s17 =	sadd.s32 $0x0, s18;
	[sflag:s12] =	ssyncadd.s32 $0xFFFFE000  }
0x6c: {  	[tilespmem:s29], [sflag:$0x7] =	stream.linear.gather [hbm4b:s17+s2], $0x100, $0x38;
	[tilespmem:$0x12300] =	vst v63  }
0x6d: {  	_ =	swait.ge [sflag:s22], $0x100  }
0x6e: {  	[sflag:s22] =	ssyncset.done $0x0  }
0x6f: {  	[sflag:s22] =	ssyncadd.s32 $0xFFFFFF00  }
0x70: {  	[tilespmem:s30], [sflag:$0x3] =	stream.indirect.gather [hbm4b:s4+s23], $0x40, s29, s23, $0xb8;
	[tilespmem:$0x12300] =	vst v63  }
0x71: {  	_ =	swait.ge [sflag:s31], $0x2000  }
0x72: {  	[sflag:s31] =	ssyncset.done $0x0  }
0x73: {  	s15 =	sadd.s32 $0x300, s20;
	s14 =	simm.s32 $0x60;
	[sflag:s31] =	ssyncadd.s32 $0xFFFFE000  }
.LBB2_4:
0x74: {  	[spmem:s1] =	stream.indirect.scatter.add.bf16 [tilespmem:s24], [sflag:$0x4], $0x40, s23, s23, $0xb8;
	[tilespmem:$0x12300] =	vst v63  }
0x75: {  	s16 =	smov.u32 s14  }
0x76: {  	p1 =	sne.s32 s14, $0x900;
	s14 =	sadd.s32 $0x60, s14;
	_ =	swait.ge [sflag:s0], $0x2000  }
0x77: {  	s17 =	sshrl.u32 s15, $0x3;
	[sflag:s0] =	ssyncset.done $0x0  }
0x78: {  	s17 =	sadd.s32 s5, s17;
	[sflag:s0] =	ssyncadd.s32 $0xFFFFE000  }
0x79: {  	[tilespmem:s2], [sflag:$0x7] =	stream.linear.gather [hbm4b:s17+s2], $0x100, $0x38;
	[tilespmem:$0x12300] =	vst v63  }
0x7a: {  	_ =	swait.ge [sflag:s22], $0x100  }
0x7b: {  	[sflag:s22] =	ssyncset.done $0x0  }
0x7c: {  	[sflag:s22] =	ssyncadd.s32 $0xFFFFFF00  }
0x7d: {  	[tilespmem:s24], [sflag:$0x1] =	stream.indirect.gather [hbm4b:s4+s23], $0x40, s2, s23, $0xb8;
	[tilespmem:$0x12300] =	vst v63  }
0x7e: {  	_ =	swait.ge [sflag:s3], $0x2000  }
0x7f: {  	[sflag:s3] =	ssyncset.done $0x0  }
0x80: {  	[sflag:s3] =	ssyncadd.s32 $0xFFFFE000  }
0x81: {  	[spmem:s1] =	stream.indirect.scatter.add.bf16 [tilespmem:s28], [sflag:$0x5], $0x40, s7, s23, $0xb8;
	[tilespmem:$0x12300] =	vst v63  }
0x82: {  	_ =	swait.ge [sflag:s8], $0x2000  }
0x83: {  	[sflag:s8] =	ssyncset.done $0x0  }
0x84: {  	s17 =	sadd.s32 s16, s19;
	[sflag:s8] =	ssyncadd.s32 $0xFFFFE000  }
0x85: {  	[tilespmem:s26], [sflag:$0x7] =	stream.linear.gather [hbm4b:s17+s2], $0x100, $0x38;
	[tilespmem:$0x12300] =	vst v63  }
0x86: {  	_ =	swait.ge [sflag:s22], $0x100  }
0x87: {  	[sflag:s22] =	ssyncset.done $0x0  }
0x88: {  	[sflag:s22] =	ssyncadd.s32 $0xFFFFFF00  }
0x89: {  	[tilespmem:s28], [sflag:$0x2] =	stream.indirect.gather [hbm4b:s4+s23], $0x40, s26, s23, $0xb8;
	[tilespmem:$0x12300] =	vst v63  }
0x8a: {  	_ =	swait.ge [sflag:s9], $0x2000  }
0x8b: {  	[sflag:s9] =	ssyncset.done $0x0  }
0x8c: {  	[sflag:s9] =	ssyncadd.s32 $0xFFFFE000  }
0x8d: {  	[spmem:s1] =	stream.indirect.scatter.add.bf16 [tilespmem:s30], [sflag:$0x6], $0x40, s10, s23, $0xb8;
	[tilespmem:$0x12300] =	vst v63  }
0x8e: {  	_ =	swait.ge [sflag:s12], $0x2000  }
0x8f: {  	[sflag:s12] =	ssyncset.done $0x0  }
0x90: {  	s16 =	sadd.s32 s16, s18;
	[sflag:s12] =	ssyncadd.s32 $0xFFFFE000  }
0x91: {  	[tilespmem:s29], [sflag:$0x7] =	stream.linear.gather [hbm4b:s16+s2], $0x100, $0x38;
	[tilespmem:$0x12300] =	vst v63  }
0x92: {  	_ =	swait.ge [sflag:s22], $0x100  }
0x93: {  	[sflag:s22] =	ssyncset.done $0x0  }
.Ltmp1:
0x94: {  	[sflag:s22] =	ssyncadd.s32 $0xFFFFFF00;
	(pc) =	sbr.rel @p1 .LBB2_4-.Ltmp1, $4  }
0x95: {  	[tilespmem:s30], [sflag:$0x3] =	stream.indirect.gather [hbm4b:s4+s23], $0x40, s29, s23, $0xb8;
	[tilespmem:$0x12300] =	vst v63  }
0x96: {  	_ =	swait.ge [sflag:s31], $0x2000  }
0x97: {  	[sflag:s31] =	ssyncset.done $0x0  }
0x98: {  	s15 =	sadd.s32 $0x300, s15;
	[sflag:s31] =	ssyncadd.s32 $0xFFFFE000  }
0x99: {  	[spmem:s1] =	stream.indirect.scatter.add.bf16 [tilespmem:s24], [sflag:$0x4], $0x40, s23, s23, $0xb8;
	[tilespmem:$0x12300] =	vst v63  }
0x9a: {  	_ =	swait.ge [sflag:s0], $0x2000  }
0x9b: {  	[sflag:s0] =	ssyncset.done $0x0  }
0x9c: {  	s14 =	rddreg [dreg:$0xa];
	[sflag:s0] =	ssyncadd.s32 $0xFFFFE000  }
0x9d: {  	[tilespmem:s2], [sflag:$0x7] =	stream.linear.gather [hbm4b:s14+s2], $0x100, $0x38;
	[tilespmem:$0x12300] =	vst v63  }
0x9e: {  	_ =	swait.ge [sflag:s22], $0x100  }
0x9f: {  	[sflag:s22] =	ssyncset.done $0x0  }
0xa0: {  	[sflag:s22] =	ssyncadd.s32 $0xFFFFFF00  }
0xa1: {  	[tilespmem:s24], [sflag:$0x1] =	stream.indirect.gather [hbm4b:s4+s23], $0x40, s2, s23, $0xb8;
	[tilespmem:$0x12300] =	vst v63  }
0xa2: {  	_ =	swait.ge [sflag:s3], $0x2000  }
0xa3: {  	[sflag:s3] =	ssyncset.done $0x0  }
0xa4: {  	[sflag:s3] =	ssyncadd.s32 $0xFFFFE000  }
0xa5: {  	[spmem:s1] =	stream.indirect.scatter.add.bf16 [tilespmem:s28], [sflag:$0x5], $0x40, s7, s23, $0xb8;
	[tilespmem:$0x12300] =	vst v63  }
0xa6: {  	_ =	swait.ge [sflag:s9], $0x2000  }
0xa7: {  	[sflag:s9] =	ssyncset.done $0x0  }
0xa8: {  	[sflag:s9] =	ssyncadd.s32 $0xFFFFE000  }
0xa9: {  	[spmem:s1] =	stream.indirect.scatter.add.bf16 [tilespmem:s30], [sflag:$0x6], $0x40, s10, s23, $0xb8;
	[tilespmem:$0x12300] =	vst v63  }
0xaa: {  	_ =	swait.ge [sflag:s31], $0x2000  }
0xab: {  	[sflag:s31] =	ssyncset.done $0x0  }
0xac: {  	[sflag:s31] =	ssyncadd.s32 $0xFFFFE000  }
0xad: {  	[spmem:s1] =	stream.indirect.scatter.add.bf16 [tilespmem:s24], [sflag:$0x4], $0x40, s23, s23, $0xb8;
	[tilespmem:$0x12300] =	vst v63  }
0xae: {  	_ =	swait.ge [sflag:s8], $0x2000  }
0xaf: {  	[sflag:s8] =	ssyncset.done $0x0  }
0xb0: {  	[sflag:s8] =	ssyncadd.s32 $0xFFFFE000  }
0xb1: {  	_ =	swait.ge [sflag:s12], $0x2000  }
0xb2: {  	[sflag:s12] =	ssyncset.done $0x0  }
0xb3: {  	[sflag:s12] =	ssyncadd.s32 $0xFFFFE000  }
0xb4: {  	_ =	swait.ge [sflag:s0], $0x2000  }
0xb5: {  	[sflag:s0] =	ssyncset.done $0x0  }
0xb6: {  	[sflag:s0] =	ssyncadd.s32 $0xFFFFE000  }
0xb7: {  	[bflag:$0x0] =	sbarrier.arrive $0xFFFF  }
0xb8: {  	s14 =	simm.s32 @p0 $0x1FC7;
	s15 =	rddreg [dreg:$0xc]  }
0xb9: {  	[hbm:s15], [sflag:s14] =	dma.local @p0 [spmem:s25], $0xC80  }
0xba: {  	s14 =	simm.s32 @p0 $0x7  }
0xbb: {  	s15 =	stileid.u32;
	_ =	swait.ge @p0 [sflag:s14], $0xC80  }
0xbc: {  	s15 =	sshll.u32 @!p0 s15, $0x6;
	[sflag:s14] =	ssyncset.done @p0 $0x0;
	s16 =	rddreg [dreg:$0xb]  }
0xbd: {  	[sflag:s14] =	ssyncadd.s32 @p0 $0xFFFFF380;
	s14 =	sor.u32 @!p0 $0x1C07, s15;
	s15 =	sshrl.u32 @!p0 s6, $0x3  }
0xbe: {  	[hbm:s16], [sflag:s14] =	dma.local @!p0 [spmem:s15], $0x1400  }
0xbf: {  	s14 =	simm.s32 @!p0 $0x7  }
0xc0: {  	_ =	swait.ge @!p0 [sflag:s14], $0x1400  }
0xc1: {  	s13 =	sadd.s32 $0x1, s13;
	s17 =	rddreg [dreg:$0xd]  }
0xc2: {  	p1 =	sne.s32 s13, s17  }
.Ltmp2:
0xc3: {  	_ = 	snop;
	(pc) =	sbr.rel @p1 .LBB2_1-.Ltmp2, $3  }
0xc4: {  	_ =	sdelay $0x1  }
0xc5: {  	[sflag:s14] =	ssyncset.done @!p0 $0x0  }
0xc6: {  	[sflag:s14] =	ssyncadd.s32 @!p0 $0xFFFFEC00  }
0xc7: {  	_ =	sfence.sel $0x180000  }
0xc8: {  	[bflag:$0x0] =	sbarrier.arrive $0xFFFF  }
0xc9: {  	_ =	strace $0x9000004D  }
0xca: {  	s0 =	stileid.u32;
	[bflag:$0x2] =	sbarrier.arrive $0xFFFF  }
0xcb: {  	p0 =	sne.s32 s0, $0x0;
	s0 =	rddreg [dreg:$0x3]  }
0xcc: {  	s0 =	sadd.s32 @!p0 $0x100000, s0  }
0xcd: {  	[sflag:s0] =	ssyncadd.tile.s32 @!p0 $0x1;
	_ =	shalt  }
.Lfunc_end2:
_tile_overlayer_lowered:
.L_overlay_start_2:
0xce: {  	(tag) =	ssettag $0x2  }
0xcf: {  	s0 =	rddreg [dreg:$0x0];
	s2 =	stileid.u32  }
0xd0: {  	s1 =	rddreg [dreg:$0x1];
	p0 =	sne.s32 s2, $0x0  }
0xd1: {  	s3 =	rddreg [dreg:$0x2];
	[bflag:$0x3] =	sbarrier.arrive $0xFFFF;
	s2 =	simm.s32 @!p0 $0x1C07  }
0xd2: {  	[timem:s3], [sflag:s2] =	dma.local @!p0 [hbm:s0], s1  }
0xd3: {  	s0 =	simm.s32 @!p0 $0x7  }
0xd4: {  	_ =	swait.ge @!p0 [sflag:s0], s1  }
0xd5: {  	s1 =	ssub.s32 @!p0 $0x0, s1;
	[sflag:s0] =	ssyncset.done @!p0 $0x0  }
0xd6: {  	[sflag:s0] =	ssyncadd.s32 @!p0 s1  }
0xd7: {  	[bflag:$0x3] =	sbarrier.arrive $0xFFFF  }
0xd8: {  	_ =	shalt  }

// kernel: kernel.8.cloned.1.call-start
scs
__scs_entry_jumppad:
0x0: {  	(pc) =	sbr.rel $0x88, $3  }
0x1: {  	(tag) =	ssettag $0x0;
	lr =	simm.s32 $0x1  }
0x2: {  	[smem:$0x3F96] =	sst lr;
	_ =	strace $0xD0000000  }
0x3: {  	_ = 	snop  }
0x4: {  	_ = 	snop  }
0x5: {  	_ = 	snop  }
0x6: {  	_ = 	snop  }
0x7: {  	_ = 	snop  }
__scs_overlays_trampoline_lowered:
0x8: {  	[smem:$0x3FA5] =	sst s0  }
0x9: {  	[smem:$0x3FA6] =	sst s1  }
0xa: {  	[smem:$0x3FA7] =	sst s2  }
0xb: {  	[smem:$0x3FA8] =	sst s3  }
0xc: {  	[smem:$0x3FA9] =	sst s4  }
0xd: {  	[smem:$0x3FAA] =	sst s5  }
0xe: {  	[smem:$0x3FAB] =	sst s6  }
0xf: {  	[smem:$0x3FAC] =	sst s7  }
0x10: {  	[smem:$0x3FAD] =	sst s8  }
0x11: {  	[smem:$0x3FAE] =	sst s9;
	s0 =	simm.s32 @!p0 $0x0  }
0x12: {  	s1 =	sld [smem:$0x3F94];
	s0 =	simm.s32 @p0 $0x1  }
0x13: {  	[smem:$0x3FAF] =	sst s0;
	s0 =	simm.s32 @!p1 $0x0  }
0x14: {  	s2 =	sld [smem:$0x3F93];
	s0 =	simm.s32 @p1 $0x1  }
0x15: {  	[smem:$0x3FB0] =	sst s0;
	s0 =	simm.s32 @!p2 $0x0  }
0x16: {  	s3 =	sld [smem:$0x3FDB];
	s0 =	simm.s32 @p2 $0x1  }
0x17: {  	s4 =	simm.s32 $0x1BF5;
	[smem:$0x3FB2] =	sst s0  }
0x18: {  	s0 =	sld [smem:$0x3F95];
	_ =	swait.ge [sflag:s4], $0x0  }
0x19: {  	s7 =	sld [smem:$0x3F96]  }
0x1a: {  	s8 =	sadd.s32 $0xFFFFE003, lr  }
0x1b: {  	s9 =	sadd.s32 $0xFFFFFEF7, lr;
	s5 =	simm.s32 $0xFFFFFFFF;
	p2 =	slt.u32 s8, $0xFFFFF086  }
0x1c: {  	p1 =	slt.u32 s9, $0xF7A;
	s5 =	simm.s32 @!p2 $0x0  }
0x1d: {  	s5 =	simm.s32 @p1 $0x1;
	p0 =	seq.s32 s7, s2  }
0x1e: {  	s7 =	smul.u32 @!p0 $0xF7A, s2;
	p2 =	seq.s32 @!p0 s5, $0x0  }
0x1f: {  	s9 =	smul.u32 $0xF7A, s1;
	s8 =	simm.s32 @!p0 $0x1BF5;
	p2 =	por !p2, p0  }
0x20: {  	[sflag:s8] =	ssyncset.s32 @!p0 $0xFFFFF086;
	s6 =	sadd.s32 @!p0 s3, s7;
	s7 =	simm.s32 @!p0 $0x108  }
0x21: {  	s3 =	sadd.s32 s3, s9;
	s6 =	sadd.s32 @!p0 $0x88, s6;
	s7 =	simm.s32 @p2 $0x1082  }
0x22: {  	[simem:s7], [sflag:s8] =	dma.local @!p0 [hbm:s6], $0xF7A  }
0x23: {  	s9 =	sor.u32 $0xD0000000, s2;
	s6 =	simm.s32 $0x108;
	_ =	swait.ge @!p0 [sflag:s8], $0x0  }
0x24: {  	s3 =	sadd.s32 $0x88, s3;
	s6 =	simm.s32 @!p1 $0x1082;
	[sflag:s4] =	ssyncset.s32 $0xFFFFF086  }
0x25: {  	[simem:s6], [sflag:s4] =	dma.local [hbm:s3], $0xF7A  }
0x26: {  	[smem:$0x3F96] =	sst s1;
	(tag) =	ssettag s2;
	_ =	strace s9  }
0x27: {  	s1 =	sld [smem:$0x3FA6]  }
0x28: {  	s2 =	sld [smem:$0x3FA7]  }
0x29: {  	s4 =	sld [smem:$0x3FA9]  }
0x2a: {  	p0 =	seq.s32 s5, $0x0;
	s5 =	sld [smem:$0x3FAA]  }
0x2b: {  	s6 =	sld [smem:$0x3FAB]  }
0x2c: {  	s7 =	sld [smem:$0x3FAC]  }
0x2d: {  	s3 =	simm.s32 $0x108;
	s8 =	sld [smem:$0x3FAD]  }
0x2e: {  	s3 =	simm.s32 @!p0 $0x1082;
	s9 =	sld [smem:$0x3FAE]  }
0x2f: {  	lr =	sadd.s32 s0, s3;
	s0 =	sld [smem:$0x3FA5]  }
0x30: {  	s3 =	sld [smem:$0x3FA8]  }
0x31: {  	[smem:$0x3FB1] =	sst s10  }
0x32: {  	s10 =	sld [smem:$0x3FAF];
	_ =	sdelay $0x3  }
0x33: {  	p0 =	seq.s32 s10, $0x1;
	s10 =	sld [smem:$0x3FB1];
	_ =	sdelay $0x3  }
0x34: {  	[smem:$0x3FB1] =	sst s10  }
0x35: {  	s10 =	sld [smem:$0x3FB0];
	_ =	sdelay $0x3  }
0x36: {  	p1 =	seq.s32 s10, $0x1;
	s10 =	sld [smem:$0x3FB1];
	_ =	sdelay $0x3  }
0x37: {  	[smem:$0x3FB1] =	sst s10  }
0x38: {  	s10 =	sld [smem:$0x3FB2]  }
0x39: {  	_ = 	snop;
	(pc) =	sbr.ind lr, $3  }
0x3a: {  	_ = 	snop  }
0x3b: {  	_ = 	snop  }
0x3c: {  	p2 =	seq.s32 s10, $0x1;
	s10 =	sld [smem:$0x3FB1]  }
0x3d: {  	_ =	shalt  }
0x3e: {  	_ =	shalt  }
0x3f: {  	_ =	shalt  }
0x40: {  	_ =	shalt  }
0x41: {  	_ =	shalt  }
0x42: {  	_ =	shalt  }
0x43: {  	_ =	shalt  }
0x44: {  	_ =	shalt  }
0x45: {  	_ =	shalt  }
0x46: {  	_ =	shalt  }
0x47: {  	_ =	shalt  }
0x48: {  	_ =	shalt  }
0x49: {  	_ =	shalt  }
0x4a: {  	_ =	shalt  }
0x4b: {  	_ =	shalt  }
0x4c: {  	_ =	shalt  }
0x4d: {  	_ =	shalt  }
0x4e: {  	_ =	shalt  }
0x4f: {  	_ =	shalt  }
0x50: {  	_ =	shalt  }
0x51: {  	_ =	shalt  }
0x52: {  	_ =	shalt  }
0x53: {  	_ =	shalt  }
0x54: {  	_ =	shalt  }
0x55: {  	_ =	shalt  }
0x56: {  	_ =	shalt  }
0x57: {  	_ =	shalt  }
0x58: {  	_ =	shalt  }
0x59: {  	_ =	shalt  }
0x5a: {  	_ =	shalt  }
0x5b: {  	_ =	shalt  }
0x5c: {  	_ =	shalt  }
0x5d: {  	_ =	shalt  }
0x5e: {  	_ =	shalt  }
0x5f: {  	_ =	shalt  }
0x60: {  	_ =	shalt  }
0x61: {  	_ =	shalt  }
0x62: {  	_ =	shalt  }
0x63: {  	_ =	shalt  }
0x64: {  	_ =	shalt  }
0x65: {  	_ =	shalt  }
0x66: {  	_ =	shalt  }
0x67: {  	_ =	shalt  }
0x68: {  	_ =	shalt  }
0x69: {  	_ =	shalt  }
0x6a: {  	_ =	shalt  }
0x6b: {  	_ =	shalt  }
0x6c: {  	_ =	shalt  }
0x6d: {  	_ =	shalt  }
0x6e: {  	_ =	shalt  }
0x6f: {  	_ =	shalt  }
0x70: {  	_ =	shalt  }
0x71: {  	_ =	shalt  }
0x72: {  	_ =	shalt  }
0x73: {  	_ =	shalt  }
0x74: {  	_ =	shalt  }
0x75: {  	_ =	shalt  }
0x76: {  	_ =	shalt  }
0x77: {  	_ =	shalt  }
0x78: {  	_ =	shalt  }
0x79: {  	_ =	shalt  }
0x7a: {  	_ =	shalt  }
0x7b: {  	_ =	shalt  }
0x7c: {  	_ =	shalt  }
0x7d: {  	_ =	shalt  }
0x7e: {  	_ =	shalt  }
0x7f: {  	_ =	shalt  }
0x80: {  	_ =	shalt  }
0x81: {  	_ =	shalt  }
0x82: {  	_ =	shalt  }
0x83: {  	_ =	shalt  }
0x84: {  	_ =	shalt  }
0x85: {  	_ =	shalt  }
0x86: {  	_ =	shalt  }
0x87: {  	_ =	shalt  }
.Lfunc_end0:
.L_simem_size_0:
called_computation_lowered:
.L_overlay_start_0:
0x88: {  	s2 =	sld [smem:$0x3FD9]  }
0x89: {  	s3 =	sld [smem:$0x3FFE];
	_ =	sdelay $0x1  }
0x8a: {  	s1 =	srdreg.scid  }
0x8b: {  	s0 =	sand.u32 $0x1, s1  }
0x8c: {  	s17 =	sshll.u32 s0, $0xA;
	s2 =	sadd.s32 s3, s2  }
0x8d: {  	s2 =	sadd.s32 s2, s17  }
0x8e: {  	[smem:$0x3FBD] =	sst s2  }
0x8f: {  	_ = 	snop  }
0x90: {  	s2 =	sld [smem:$0x3FD0];
	(tm) =	ssettm $0x1  }
0x91: {  	s18 =	sld [smem:$0x3FFB];
	_ =	sdelay $0x3  }
0x92: {  	_ =	strace s18  }
0x93: {  	s3 =	sld [smem:$0x3FFC];
	_ =	sdelay $0x3  }
0x94: {  	_ =	strace s3  }
0x95: {  	s3 =	sld [smem:$0x3FFD];
	_ =	sdelay $0x3  }
0x96: {  	_ =	strace s3  }
0x97: {  	_ =	strace $0x8FFFFFFF  }
0x98: {  	s19 =	sld [smem:$0x3FDB];
	_ =	sdelay $0x1  }
0x99: {  	s4 =	simm.s32 $_scs_section_size  }
0x9a: {  	s5 =	simm.s32 $_size__tile_overlayer_lowered;
	s6 =	simm.s32 $_tile_overlayer_lowered  }
0x9b: {  	s22 =	simm.s32 $0x1BFF;
	s21 =	sshll.u32 s6, $0x1;
	s3 =	sadd.s32 s4, s19  }
0x9c: {  	s7 =	simm.s32 $0x0;
	s20 =	sshll.u32 s5, $0x1;
	s5 =	sadd.s32 s21, s3  }
0x9d: {  	[timem:s7], [sflag:s22] =	dma.local [hbm:s5], s20  }
0x9e: {  	_ =	swait.ge [sflag:s22], s20  }
0x9f: {  	s4 =	ssub.s32 $0x0, s20;
	[sflag:s22] =	ssyncset.done $0x0  }
0xa0: {  	[sflag:s22] =	ssyncadd.s32 s4;
	_ =	sdelay $0x1  }
0xa1: {  	s23 =	simm.s32 $0x1B8B  }
0xa2: {  	_ =	swait.ge [sflag:s23], $0x1  }
0xa3: {  	[sflag:s23] =	ssyncset.done $0x0  }
0xa4: {  	s25 =	simm.s32 $0x1B8E;
	s24 =	sld [smem:$0x3FFE];
	[sflag:s23] =	ssyncadd.s32 $0xFFFFFFFF  }
0xa5: {  	s26 =	simm.s32 $execute0_lowered;
	[smem:$0x3FD2] =	sst s25  }
0xa6: {  	s5 =	sshll.u32 s26, $0x1;
	_ =	strace $0x80000046;
	[dreg:$0x1] =	wrdreg $0xFFFFFFFF  }
0xa7: {  	s28 =	simm.s32 $_size_execute0_lowered;
	s3 =	sadd.s32 s3, s5;
	[dreg:$0x0] =	wrdreg $0x0  }
0xa8: {  	s5 =	sshll.u32 s28, $0x1;
	[dreg:$0x2] =	wrdreg s3  }
0xa9: {  	[dreg:$0x3] =	wrdreg s5  }
0xaa: {  	[dreg:$0x4] =	wrdreg $0xC0  }
0xab: {  	_ =	task [dreg:s7], $0x5FFFF  }
0xac: {  	[dreg:$0x1] =	wrdreg $0xFFFFFFFF  }
0xad: {  	[dreg:$0x0] =	wrdreg $0x60  }
0xae: {  	[dreg:$0x2] =	wrdreg s24  }
0xaf: {  	[dreg:$0x3] =	wrdreg s2  }
0xb0: {  	[dreg:$0x4] =	wrdreg $0x83000  }
0xb1: {  	[dreg:$0x5] =	wrdreg $0x133000  }
0xb2: {  	[dreg:$0x6] =	wrdreg $0x9  }
0xb3: {  	_ =	task.clear_ibuf [dreg:s7], $0x7FFFF;
	_ =	strace $0x90000046  }
0xb4: {  	s29 =	simm.s32 $0x9;
	_ =	strace $0x80000048  }
0xb5: {  	_ =	swait.ge [sflag:s29], $0x1  }
0xb6: {  	[sflag:s29] =	ssyncadd.s32 $0xFFFFFFFF  }
0xb7: {  	_ =	strace $0x90000048  }
0xb8: {  	_ =	sfence  }
0xb9: {  	s30 =	sld [smem:$0x0];
	_ =	sdelay $0x2  }
0xba: {  	s31 =	sshll.u32 s1, $0xD;
	s1 =	sshrl.u32 s1, $0x2  }
0xbb: {  	s3 =	sand.u32 $0x4000, s31;
	s1 =	sadd.s32 s1, s30  }
0xbc: {  	s0 =	sor.u32 s3, s0;
	s1 =	sshll.u32 s1, $0x11  }
0xbd: {  	s0 =	sor.u32 s1, s0  }
0xbe: {  	s0 =	sadd.s32 $0x8F2B, s0  }
0xbf: {  	[sflag:s0] =	ssyncadd.remote.s32 $0x1  }
0xc0: {  	_ =	sfence.sel $0xFFFF  }
0xc1: {  	[dreg:$0x0] =	wrdreg $0xFFFFFFFF;
	(pc) =	sbr.abs _section_cstart, $3  }
0xc2: {  	[dreg:$0x1] =	wrdreg $0xFFFFFFFF  }
0xc3: {  	_ =	task.clear_ibuf [dreg:s7], $0x2FFFF;
	_ =	strace $0x9FFFFFFF  }
0xc4: {  	(tm) =	ssettm $0x7FFFFFFF  }
0xc5: {  	_ =	shalt  }
tec
execute0_lowered:
.L_overlay_start_1:
0x0: {  	(tag) =	ssettag $0x1  }
0x1: {  	s0 =	rddreg [dreg:$0x0]  }
0x2: {  	s4 =	rddreg [dreg:$0x1]  }
0x3: {  	s1 =	rddreg [dreg:$0x2]  }
0x4: {  	s2 =	rddreg [dreg:$0x3];
	s3 =	simm.s32 $0x0;
	s5 =	srdreg.scid  }
0x5: {  	s17 =	stileid.u32;
	s28 =	simm.s32 $0x280;
	s29 =	simm.s32 $0x6  }
0x6: {  	s30 =	simm.s32 $0x0;
	[smem:$0x7FF] =	sst s3;
	s7 =	sand.u32 $0x1, s5  }
0x7: {  	s5 =	sadd.s32 $0x3800, s0;
	s6 =	sadd.s32 $0x17200, s0;
	s10 =	smul.u32 $0x14000, s17  }
0x8: {  	s0 =	sadd.s32 $0x2AE00, s0;
	s11 =	smul.u32 $0x280, s17;
	s19 =	sshll.u32 s17, $0x1  }
0x9: {  	s13 =	smul.u32 $0x2800, s17;
	p0 =	seq.s32 s17, $0xF;
	s8 =	ssub.s32 $0x2, s7  }
0xa: {  	_ =	strace $0x80000047;
	s14 =	sor.u32 s7, s19;
	s9 =	sshrl.u32 s8, $0x1  }
0xb: {  	s12 =	sshrl.u32 s10, $0x1;
	s21 =	sadd.s32 $0x80, s11;
	s22 =	sadd.s32 s13, s2  }
0xc: {  	s25 =	sadd.s32 $0x100, s11;
	s16 =	sadd.s32 $0x180, s11;
	s11 =	sadd.s32 $0x200, s11  }
0xd: {  	s9 =	ssub.s32 s8, s9;
	s20 =	sadd.s32 s12, s1;
	[dreg:$0x6] =	wrdreg s22  }
0xe: {  	s15 =	sshll.u32 s21, $0x6;
	s12 =	sshll.u32 s21, $0x4;
	s26 =	sshll.u32 s25, $0x6  }
0xf: {  	s18 =	sshll.u32 s16, $0x6;
	s19 =	sshll.u32 s16, $0x4;
	s16 =	smul.u32 $0x9E00, s17  }
0x10: {  	s17 =	simm.s32 $0x12300;
	[dreg:$0x5] =	wrdreg s20;
	s23 =	sadd.s32 s15, s1  }
0x11: {  	s24 =	sadd.s32 s12, s2;
	s12 =	sshll.u32 s25, $0x4;
	[dreg:$0x7] =	wrdreg s23  }
0x12: {  	s31 =	sadd.s32 s26, s1;
	s20 =	smul.u32 $0x138800, s7;
	[dreg:$0x8] =	wrdreg s24  }
0x13: {  	s21 =	sadd.s32 s18, s1;
	s26 =	smul.u32 $0x27100, s7;
	[dreg:$0x9] =	wrdreg s31  }
0x14: {  	s22 =	sadd.s32 s19, s2;
	s7 =	smul.u32 $0x4F00, s7;
	[dreg:$0xb] =	wrdreg s21  }
0x15: {  	s9 =	smax.u32 s9, $0x1;
	s15 =	sadd.s32 s12, s2;
	[dreg:$0xc] =	wrdreg s22  }
0x16: {  	s23 =	sshll.u32 s11, $0x6;
	s11 =	sshll.u32 s11, $0x4;
	[dreg:$0x14] =	wrdreg s9  }
0x17: {  	s31 =	smul.u32 $0x4F00, s14;
	s9 =	simm.s32 $0x12B00;
	[dreg:$0xa] =	wrdreg s15  }
0x18: {  	s24 =	sadd.s32 s23, s1;
	s10 =	sadd.s32 s10, s20;
	s25 =	sadd.s32 s11, s2  }
0x19: {  	s15 =	sshrl.u32 s20, $0x4;
	s13 =	sadd.s32 s13, s26;
	s11 =	sshrl.u32 s26, $0x3  }
0x1a: {  	s20 =	sadd.s32 s7, s16;
	s16 =	simm.s32 $0x1;
	[dreg:$0xd] =	wrdreg s24  }
0x1b: {  	[dreg:$0xe] =	wrdreg s25;
	s10 =	sshrl.u32 s10, $0x4;
	s12 =	sshrl.u32 s31, $0x3  }
0x1c: {  	s13 =	sshrl.u32 s13, $0x3;
	s21 =	sadd.s32 $0x500, s20;
	s7 =	sadd.s32 $0x400, s20  }
0x1d: {  	s25 =	sadd.s32 $0x300, s20;
	s20 =	simm.s32 $0x2;
	s14 =	sadd.s32 s4, s10  }
0x1e: {  	s4 =	sadd.s32 s4, s15;
	s18 =	sadd.s32 s6, s12;
	s19 =	sadd.s32 s0, s13  }
0x1f: {  	s0 =	sadd.s32 s0, s11;
	s7 =	sshrl.u32 s7, $0x3;
	s10 =	simm.s32 $0x80  }
0x20: {  	s11 =	simm.s32 $0x300;
	s12 =	simm.s32 $0x100;
	[dreg:$0xf] =	wrdreg s14  }
0x21: {  	s13 =	simm.s32 $0x2300;
	s15 =	simm.s32 $0x4300;
	[dreg:$0x11] =	wrdreg s19  }
0x22: {  	s4 =	sadd.s32 $0x12C00, s4;
	s0 =	sadd.s32 $0x4B00, s0;
	[dreg:$0x10] =	wrdreg s18  }
0x23: {  	s24 =	sadd.s32 s7, s6;
	s22 =	sadd.s32 $0x20, s18;
	[dreg:$0x12] =	wrdreg s4  }
0x24: {  	s26 =	sadd.s32 $0x40, s18;
	s31 =	sadd.s32 $0x9C0, s18;
	[dreg:$0x13] =	wrdreg s0  }
0x25: {  	s14 =	simm.s32 $0x200;
	s19 =	simm.s32 $0x4;
	[dreg:$0x17] =	wrdreg s22  }
0x26: {  	s0 =	sshrl.u32 s21, $0x3;
	s4 =	sadd.s32 $0x25800, s2;
	[dreg:$0x18] =	wrdreg s26  }
0x27: {  	[dreg:$0x19] =	wrdreg s31;
	s23 =	sadd.s32 s0, s6;
	s0 =	sadd.s32 $0x96000, s1  }
0x28: {  	s21 =	simm.s32 $0x180;
	s22 =	simm.s32 $0x5;
	s0 =	sshrl.u32 @p0 s0, $0x3  }
0x29: {  	v0 =	vimm.f32 $0.0e+00;
	vm0 =	vcmask $0x300;
	s26 =	simm.s32 $0x3;
	[dreg:$0x15] =	wrdreg s0;
	s0 =	sshrl.u32 @p0 s4, $0x3  }
0x2a: {  	v1 =	vimm.bf16 $0.0e+00;
	v2 =	vsel vm0, $0x3F800000, v0;
	s4 =	simm.s32 $0x7;
	[dreg:$0x16] =	wrdreg s0;
	s0 =	simm.s32 $0x6300  }
.LBB2_1:
0x2b: {  	s7 =	simm.s32 $0x6320;
	s18 =	simm.s32 $0x0  }
.LBB2_2:
0x2c: {  	p1 =	sne.s32 s18, $0x1FC0  }
.Ltmp0:
0x2d: {  	[tilespmem:s7+$0xFFFFFFE0] =	vst v1;
	(pc) =	sbr.rel @p1 .LBB2_2-.Ltmp0, $4  }
0x2e: {  	[tilespmem:s7+$0xFFFFFFF0] =	vst v1  }
0x2f: {  	[tilespmem:s7+$0x0] =	vst v1  }
0x30: {  	[tilespmem:s7+$0x10] =	vst v1;
	s31 =	sshra.s32 s18, $0x2  }
0x31: {  	s7 =	sadd.s32 $0x40, s7;
	s18 =	sadd.s32 $0x40, s18;
	[tilespmem:s31+$0x12B00] =	vst v0  }
0x32: {  	s7 =	simm.s32 $0x40;
	s18 =	simm.s32 $0x0  }
.LBB2_4:
0x33: {  	p1 =	sne.s32 s7, $0x1FC0;
	[tilespmem:s18+$0x12300] =	vst v2;
	s18 =	smov.u32 s7;
	s7 =	sadd.s32 $0x40, s7  }
.Ltmp1:
0x34: {  	(pc) =	sbr.rel @p1 .LBB2_4-.Ltmp1, $2  }
0x35: {  	_ =	sdelay $0x2  }
0x36: {  	s18 =	sshra.s32 s18, $0x2  }
0x37: {  	[tilespmem:s18+$0x12300] =	vst v2;
	s7 =	rddreg [dreg:$0x5]  }
0x38: {  	[spmem:s7] =	stream.linear.scatter [tilespmem:s0], [sflag:$0x7], $0x2000, $0x38;
	[tilespmem:$0x15B00] =	vst v63  }
0x39: {  	_ =	swait.ge [sflag:s4], $0x2000  }
0x3a: {  	[sflag:s4] =	ssyncset.done $0x0  }
0x3b: {  	s8 =	rddreg [dreg:$0x6];
	[sflag:s4] =	ssyncadd.s32 $0xFFFFE000  }
0x3c: {  	[spmem:s8] =	stream.linear.scatter [tilespmem:s9], [sflag:$0x7], $0x800, $0x38;
	[tilespmem:$0x15B00] =	vst v63  }
0x3d: {  	_ =	swait.ge [sflag:s4], $0x800  }
0x3e: {  	[sflag:s4] =	ssyncset.done $0x0  }
0x3f: {  	s18 =	rddreg [dreg:$0x7];
	[sflag:s4] =	ssyncadd.s32 $0xFFFFF800  }
0x40: {  	[spmem:s18] =	stream.linear.scatter [tilespmem:s0], [sflag:$0x7], $0x2000, $0x38;
	[tilespmem:$0x15B00] =	vst v63  }
0x41: {  	_ =	swait.ge [sflag:s4], $0x2000  }
0x42: {  	[sflag:s4] =	ssyncset.done $0x0  }
0x43: {  	s8 =	rddreg [dreg:$0x8];
	[sflag:s4] =	ssyncadd.s32 $0xFFFFE000  }
0x44: {  	[spmem:s8] =	stream.linear.scatter [tilespmem:s9], [sflag:$0x7], $0x800, $0x38;
	[tilespmem:$0x15B00] =	vst v63  }
0x45: {  	_ =	swait.ge [sflag:s4], $0x800  }
0x46: {  	[sflag:s4] =	ssyncset.done $0x0  }
0x47: {  	s18 =	rddreg [dreg:$0x9];
	[sflag:s4] =	ssyncadd.s32 $0xFFFFF800  }
0x48: {  	[spmem:s18] =	stream.linear.scatter [tilespmem:s0], [sflag:$0x7], $0x2000, $0x38;
	[tilespmem:$0x15B00] =	vst v63  }
0x49: {  	_ =	swait.ge [sflag:s4], $0x2000  }
0x4a: {  	[sflag:s4] =	ssyncset.done $0x0  }
0x4b: {  	s8 =	rddreg [dreg:$0xa];
	[sflag:s4] =	ssyncadd.s32 $0xFFFFE000  }
0x4c: {  	[spmem:s8] =	stream.linear.scatter [tilespmem:s9], [sflag:$0x7], $0x800, $0x38;
	[tilespmem:$0x15B00] =	vst v63  }
0x4d: {  	_ =	swait.ge [sflag:s4], $0x800  }
0x4e: {  	[sflag:s4] =	ssyncset.done $0x0  }
0x4f: {  	s18 =	rddreg [dreg:$0xb];
	[sflag:s4] =	ssyncadd.s32 $0xFFFFF800  }
0x50: {  	[spmem:s18] =	stream.linear.scatter [tilespmem:s0], [sflag:$0x7], $0x2000, $0x38;
	[tilespmem:$0x15B00] =	vst v63  }
0x51: {  	_ =	swait.ge [sflag:s4], $0x2000  }
0x52: {  	[sflag:s4] =	ssyncset.done $0x0  }
0x53: {  	s8 =	rddreg [dreg:$0xc];
	[sflag:s4] =	ssyncadd.s32 $0xFFFFE000  }
0x54: {  	[spmem:s8] =	stream.linear.scatter [tilespmem:s9], [sflag:$0x7], $0x800, $0x38;
	[tilespmem:$0x15B00] =	vst v63  }
0x55: {  	_ =	swait.ge [sflag:s4], $0x800  }
0x56: {  	[sflag:s4] =	ssyncset.done $0x0  }
0x57: {  	s18 =	rddreg [dreg:$0xd];
	[sflag:s4] =	ssyncadd.s32 $0xFFFFF800  }
0x58: {  	[spmem:s18] =	stream.linear.scatter [tilespmem:s0], [sflag:$0x7], $0x2000, $0x38;
	[tilespmem:$0x15B00] =	vst v63  }
0x59: {  	_ =	swait.ge [sflag:s4], $0x2000  }
0x5a: {  	[sflag:s4] =	ssyncset.done $0x0  }
0x5b: {  	s8 =	rddreg [dreg:$0xe];
	[sflag:s4] =	ssyncadd.s32 $0xFFFFE000  }
0x5c: {  	[spmem:s8] =	stream.linear.scatter [tilespmem:s9], [sflag:$0x7], $0x800, $0x38;
	[tilespmem:$0x15B00] =	vst v63  }
0x5d: {  	_ =	swait.ge [sflag:s4], $0x800  }
0x5e: {  	[sflag:s4] =	ssyncset.done $0x0  }
0x5f: {  	[sflag:s4] =	ssyncadd.s32 $0xFFFFF800  }
0x60: {  	[bflag:$0x0] =	sbarrier.arrive $0xFFFF  }
0x61: {  	s7 =	simm.s32 $0x0;
	s8 =	rddreg [dreg:$0x10]  }
0x62: {  	[tilespmem:s7], [sflag:$0x7] =	stream.linear.gather [hbm4b:s8+s7], $0x100, $0x38;
	[tilespmem:$0x15B00] =	vst v63  }
0x63: {  	_ =	swait.ge [sflag:s4], $0x100  }
0x64: {  	[sflag:s4] =	ssyncset.done $0x0  }
0x65: {  	[sflag:s4] =	ssyncadd.s32 $0xFFFFFF00  }
0x66: {  	[tilespmem:s11], [sflag:$0x1] =	stream.indirect.gather [hbm4b:s5+s10], $0x40, s7, s10, $0xb8;
	[tilespmem:$0x15B00] =	vst v63  }
0x67: {  	s18 =	rddreg [dreg:$0x17]  }
0x68: {  	[tilespmem:s12], [sflag:$0x7] =	stream.linear.gather [hbm4b:s18+s7], $0x100, $0x38;
	[tilespmem:$0x15B00] =	vst v63  }
0x69: {  	_ =	swait.ge [sflag:s4], $0x100  }
0x6a: {  	[sflag:s4] =	ssyncset.done $0x0  }
0x6b: {  	[sflag:s4] =	ssyncadd.s32 $0xFFFFFF00  }
0x6c: {  	[tilespmem:s13], [sflag:$0x2] =	stream.indirect.gather [hbm4b:s5+s10], $0x40, s12, s10, $0xb8;
	[tilespmem:$0x15B00] =	vst v63  }
0x6d: {  	s18 =	rddreg [dreg:$0x18]  }
0x6e: {  	[tilespmem:s14], [sflag:$0x7] =	stream.linear.gather [hbm4b:s18+s7], $0x100, $0x38;
	[tilespmem:$0x15B00] =	vst v63  }
0x6f: {  	_ =	swait.ge [sflag:s4], $0x100  }
0x70: {  	[sflag:s4] =	ssyncset.done $0x0  }
0x71: {  	[sflag:s4] =	ssyncadd.s32 $0xFFFFFF00  }
0x72: {  	[tilespmem:s15], [sflag:$0x3] =	stream.indirect.gather [hbm4b:s5+s10], $0x40, s14, s10, $0xb8;
	[tilespmem:$0x15B00] =	vst v63  }
0x73: {  	_ =	swait.ge [sflag:s16], $0x2000  }
0x74: {  	[sflag:s16] =	ssyncset.done $0x0  }
0x75: {  	[sflag:s16] =	ssyncadd.s32 $0xFFFFE000  }
0x76: {  	[spmem:s1] =	stream.indirect.scatter.add.bf16 [tilespmem:s11], [sflag:$0x4], $0x40, s10, s10, $0xb8;
	[tilespmem:$0x15B00] =	vst v63  }
0x77: {  	_ = 	snop  }
0x78: {  	[spmem:s2] =	stream.indirect.scatter.add.f32 [tilespmem:s17], [sflag:$0x4], $0x10, s10, s10, $0xb8;
	[tilespmem:$0x15B00] =	vst v63  }
0x79: {  	_ =	swait.ge [sflag:s19], $0x2000  }
0x7a: {  	[sflag:s19] =	ssyncset.done $0x0  }
0x7b: {  	[sflag:s19] =	ssyncadd.s32 $0xFFFFE000  }
0x7c: {  	_ =	swait.ge [sflag:s19], $0x800  }
0x7d: {  	s18 =	sshrl.u32 s25, $0x3;
	[sflag:s19] =	ssyncset.done $0x0  }
0x7e: {  	s7 =	sadd.s32 s6, s18;
	[sflag:s19] =	ssyncadd.s32 $0xFFFFF800  }
0x7f: {  	[tilespmem:s3], [sflag:$0x7] =	stream.linear.gather [hbm4b:s7+s3], $0x100, $0x38;
	[tilespmem:$0x15B00] =	vst v63  }
0x80: {  	_ =	swait.ge [sflag:s4], $0x100  }
0x81: {  	[sflag:s4] =	ssyncset.done $0x0  }
0x82: {  	[sflag:s4] =	ssyncadd.s32 $0xFFFFFF00  }
0x83: {  	[tilespmem:s11], [sflag:$0x1] =	stream.indirect.gather [hbm4b:s5+s10], $0x40, s3, s10, $0xb8;
	[tilespmem:$0x15B00] =	vst v63  }
0x84: {  	_ =	swait.ge [sflag:s20], $0x2000  }
0x85: {  	[sflag:s20] =	ssyncset.done $0x0  }
0x86: {  	[sflag:s20] =	ssyncadd.s32 $0xFFFFE000  }
0x87: {  	[spmem:s1] =	stream.indirect.scatter.add.bf16 [tilespmem:s13], [sflag:$0x5], $0x40, s21, s10, $0xb8;
	[tilespmem:$0x15B00] =	vst v63  }
0x88: {  	_ = 	snop  }
0x89: {  	[spmem:s2] =	stream.indirect.scatter.add.f32 [tilespmem:s17], [sflag:$0x5], $0x10, s21, s10, $0xb8;
	[tilespmem:$0x15B00] =	vst v63  }
0x8a: {  	_ =	swait.ge [sflag:s22], $0x2000  }
0x8b: {  	[sflag:s22] =	ssyncset.done $0x0  }
0x8c: {  	[sflag:s22] =	ssyncadd.s32 $0xFFFFE000  }
0x8d: {  	_ =	swait.ge [sflag:s22], $0x800  }
0x8e: {  	[sflag:s22] =	ssyncset.done $0x0  }
0x8f: {  	s8 =	sadd.s32 $0x0, s24;
	[sflag:s22] =	ssyncadd.s32 $0xFFFFF800  }
0x90: {  	[tilespmem:s12], [sflag:$0x7] =	stream.linear.gather [hbm4b:s8+s3], $0x100, $0x38;
	[tilespmem:$0x15B00] =	vst v63  }
0x91: {  	_ =	swait.ge [sflag:s4], $0x100  }
0x92: {  	[sflag:s4] =	ssyncset.done $0x0  }
0x93: {  	[sflag:s4] =	ssyncadd.s32 $0xFFFFFF00  }
0x94: {  	[tilespmem:s13], [sflag:$0x2] =	stream.indirect.gather [hbm4b:s5+s10], $0x40, s12, s10, $0xb8;
	[tilespmem:$0x15B00] =	vst v63  }
0x95: {  	_ =	swait.ge [sflag:s26], $0x2000  }
0x96: {  	[sflag:s26] =	ssyncset.done $0x0  }
0x97: {  	[sflag:s26] =	ssyncadd.s32 $0xFFFFE000  }
0x98: {  	[spmem:s1] =	stream.indirect.scatter.add.bf16 [tilespmem:s15], [sflag:$0x6], $0x40, s28, s10, $0xb8;
	[tilespmem:$0x15B00] =	vst v63  }
0x99: {  	_ = 	snop  }
0x9a: {  	[spmem:s2] =	stream.indirect.scatter.add.f32 [tilespmem:s17], [sflag:$0x6], $0x10, s28, s10, $0xb8;
	[tilespmem:$0x15B00] =	vst v63  }
0x9b: {  	_ =	swait.ge [sflag:s29], $0x2000  }
0x9c: {  	[sflag:s29] =	ssyncset.done $0x0  }
0x9d: {  	[sflag:s29] =	ssyncadd.s32 $0xFFFFE000  }
0x9e: {  	_ =	swait.ge [sflag:s29], $0x800  }
0x9f: {  	[sflag:s29] =	ssyncset.done $0x0  }
0xa0: {  	s18 =	sadd.s32 $0x0, s23;
	[sflag:s29] =	ssyncadd.s32 $0xFFFFF800  }
0xa1: {  	[tilespmem:s14], [sflag:$0x7] =	stream.linear.gather [hbm4b:s18+s3], $0x100, $0x38;
	[tilespmem:$0x15B00] =	vst v63  }
0xa2: {  	_ =	swait.ge [sflag:s4], $0x100  }
0xa3: {  	[sflag:s4] =	ssyncset.done $0x0  }
0xa4: {  	[sflag:s4] =	ssyncadd.s32 $0xFFFFFF00  }
0xa5: {  	[tilespmem:s15], [sflag:$0x3] =	stream.indirect.gather [hbm4b:s5+s10], $0x40, s14, s10, $0xb8;
	[tilespmem:$0x15B00] =	vst v63  }
0xa6: {  	_ =	swait.ge [sflag:s16], $0x2000  }
0xa7: {  	[sflag:s16] =	ssyncset.done $0x0  }
0xa8: {  	s31 =	simm.s32 $0x60;
	s18 =	sadd.s32 $0x300, s25;
	[sflag:s16] =	ssyncadd.s32 $0xFFFFE000  }
0xa9: {  	[spmem:s1] =	stream.indirect.scatter.add.bf16 [tilespmem:s11], [sflag:$0x4], $0x40, s10, s10, $0xb8;
	[tilespmem:$0x15B00] =	vst v63  }
.LBB2_6:
0xaa: {  	[spmem:s2] =	stream.indirect.scatter.add.f32 [tilespmem:s17], [sflag:$0x4], $0x10, s10, s10, $0xb8;
	[tilespmem:$0x15B00] =	vst v63  }
0xab: {  	s7 =	smov.u32 s31  }
0xac: {  	p1 =	sne.s32 s31, $0x900;
	s31 =	sadd.s32 $0x60, s31;
	_ =	swait.ge [sflag:s19], $0x2000  }
0xad: {  	[sflag:s19] =	ssyncset.done $0x0  }
0xae: {  	[sflag:s19] =	ssyncadd.s32 $0xFFFFE000  }
0xaf: {  	_ =	swait.ge [sflag:s19], $0x800  }
0xb0: {  	s8 =	sshrl.u32 s18, $0x3;
	[sflag:s19] =	ssyncset.done $0x0  }
0xb1: {  	s8 =	sadd.s32 s6, s8;
	[sflag:s19] =	ssyncadd.s32 $0xFFFFF800  }
0xb2: {  	[tilespmem:s3], [sflag:$0x7] =	stream.linear.gather [hbm4b:s8+s3], $0x100, $0x38;
	[tilespmem:$0x15B00] =	vst v63  }
0xb3: {  	_ =	swait.ge [sflag:s4], $0x100  }
0xb4: {  	[sflag:s4] =	ssyncset.done $0x0  }
0xb5: {  	[sflag:s4] =	ssyncadd.s32 $0xFFFFFF00  }
0xb6: {  	[tilespmem:s11], [sflag:$0x1] =	stream.indirect.gather [hbm4b:s5+s10], $0x40, s3, s10, $0xb8;
	[tilespmem:$0x15B00] =	vst v63  }
0xb7: {  	_ =	swait.ge [sflag:s20], $0x2000  }
0xb8: {  	[sflag:s20] =	ssyncset.done $0x0  }
0xb9: {  	[sflag:s20] =	ssyncadd.s32 $0xFFFFE000  }
0xba: {  	[spmem:s1] =	stream.indirect.scatter.add.bf16 [tilespmem:s13], [sflag:$0x5], $0x40, s21, s10, $0xb8;
	[tilespmem:$0x15B00] =	vst v63  }
0xbb: {  	_ = 	snop  }
0xbc: {  	[spmem:s2] =	stream.indirect.scatter.add.f32 [tilespmem:s17], [sflag:$0x5], $0x10, s21, s10, $0xb8;
	[tilespmem:$0x15B00] =	vst v63  }
0xbd: {  	_ =	swait.ge [sflag:s22], $0x2000  }
0xbe: {  	[sflag:s22] =	ssyncset.done $0x0  }
0xbf: {  	[sflag:s22] =	ssyncadd.s32 $0xFFFFE000  }
0xc0: {  	_ =	swait.ge [sflag:s22], $0x800  }
0xc1: {  	[sflag:s22] =	ssyncset.done $0x0  }
0xc2: {  	s8 =	sadd.s32 s7, s24;
	[sflag:s22] =	ssyncadd.s32 $0xFFFFF800  }
0xc3: {  	[tilespmem:s12], [sflag:$0x7] =	stream.linear.gather [hbm4b:s8+s3], $0x100, $0x38;
	[tilespmem:$0x15B00] =	vst v63  }
0xc4: {  	_ =	swait.ge [sflag:s4], $0x100  }
0xc5: {  	[sflag:s4] =	ssyncset.done $0x0  }
0xc6: {  	[sflag:s4] =	ssyncadd.s32 $0xFFFFFF00  }
0xc7: {  	[tilespmem:s13], [sflag:$0x2] =	stream.indirect.gather [hbm4b:s5+s10], $0x40, s12, s10, $0xb8;
	[tilespmem:$0x15B00] =	vst v63  }
0xc8: {  	_ =	swait.ge [sflag:s26], $0x2000  }
0xc9: {  	[sflag:s26] =	ssyncset.done $0x0  }
0xca: {  	[sflag:s26] =	ssyncadd.s32 $0xFFFFE000  }
0xcb: {  	[spmem:s1] =	stream.indirect.scatter.add.bf16 [tilespmem:s15], [sflag:$0x6], $0x40, s28, s10, $0xb8;
	[tilespmem:$0x15B00] =	vst v63  }
0xcc: {  	_ = 	snop  }
0xcd: {  	[spmem:s2] =	stream.indirect.scatter.add.f32 [tilespmem:s17], [sflag:$0x6], $0x10, s28, s10, $0xb8;
	[tilespmem:$0x15B00] =	vst v63  }
0xce: {  	_ =	swait.ge [sflag:s29], $0x2000  }
0xcf: {  	[sflag:s29] =	ssyncset.done $0x0  }
0xd0: {  	[sflag:s29] =	ssyncadd.s32 $0xFFFFE000  }
0xd1: {  	_ =	swait.ge [sflag:s29], $0x800  }
0xd2: {  	[sflag:s29] =	ssyncset.done $0x0  }
0xd3: {  	s7 =	sadd.s32 s7, s23;
	[sflag:s29] =	ssyncadd.s32 $0xFFFFF800  }
0xd4: {  	[tilespmem:s14], [sflag:$0x7] =	stream.linear.gather [hbm4b:s7+s3], $0x100, $0x38;
	[tilespmem:$0x15B00] =	vst v63  }
0xd5: {  	_ =	swait.ge [sflag:s4], $0x100  }
0xd6: {  	[sflag:s4] =	ssyncset.done $0x0  }
0xd7: {  	[sflag:s4] =	ssyncadd.s32 $0xFFFFFF00  }
0xd8: {  	[tilespmem:s15], [sflag:$0x3] =	stream.indirect.gather [hbm4b:s5+s10], $0x40, s14, s10, $0xb8;
	[tilespmem:$0x15B00] =	vst v63  }
.Ltmp2:
0xd9: {  	_ =	swait.ge [sflag:s16], $0x2000;
	(pc) =	sbr.rel @p1 .LBB2_6-.Ltmp2, $4  }
0xda: {  	[sflag:s16] =	ssyncset.done $0x0  }
0xdb: {  	[sflag:s16] =	ssyncadd.s32 $0xFFFFE000  }
0xdc: {  	[spmem:s1] =	stream.indirect.scatter.add.bf16 [tilespmem:s11], [sflag:$0x4], $0x40, s10, s10, $0xb8;
	[tilespmem:$0x15B00] =	vst v63  }
0xdd: {  	s18 =	sadd.s32 $0x300, s18  }
0xde: {  	[spmem:s2] =	stream.indirect.scatter.add.f32 [tilespmem:s17], [sflag:$0x4], $0x10, s10, s10, $0xb8;
	[tilespmem:$0x15B00] =	vst v63  }
0xdf: {  	_ =	swait.ge [sflag:s19], $0x2000  }
0xe0: {  	[sflag:s19] =	ssyncset.done $0x0  }
0xe1: {  	[sflag:s19] =	ssyncadd.s32 $0xFFFFE000  }
0xe2: {  	_ =	swait.ge [sflag:s19], $0x800  }
0xe3: {  	[sflag:s19] =	ssyncset.done $0x0  }
0xe4: {  	s7 =	rddreg [dreg:$0x19];
	[sflag:s19] =	ssyncadd.s32 $0xFFFFF800  }
0xe5: {  	[tilespmem:s3], [sflag:$0x7] =	stream.linear.gather [hbm4b:s7+s3], $0x100, $0x38;
	[tilespmem:$0x15B00] =	vst v63  }
0xe6: {  	_ =	swait.ge [sflag:s4], $0x100  }
0xe7: {  	[sflag:s4] =	ssyncset.done $0x0  }
0xe8: {  	[sflag:s4] =	ssyncadd.s32 $0xFFFFFF00  }
0xe9: {  	[tilespmem:s11], [sflag:$0x1] =	stream.indirect.gather [hbm4b:s5+s10], $0x40, s3, s10, $0xb8;
	[tilespmem:$0x15B00] =	vst v63  }
0xea: {  	_ =	swait.ge [sflag:s20], $0x2000  }
0xeb: {  	[sflag:s20] =	ssyncset.done $0x0  }
0xec: {  	[sflag:s20] =	ssyncadd.s32 $0xFFFFE000  }
0xed: {  	[spmem:s1] =	stream.indirect.scatter.add.bf16 [tilespmem:s13], [sflag:$0x5], $0x40, s21, s10, $0xb8;
	[tilespmem:$0x15B00] =	vst v63  }
0xee: {  	_ = 	snop  }
0xef: {  	[spmem:s2] =	stream.indirect.scatter.add.f32 [tilespmem:s17], [sflag:$0x5], $0x10, s21, s10, $0xb8;
	[tilespmem:$0x15B00] =	vst v63  }
0xf0: {  	_ =	swait.ge [sflag:s26], $0x2000  }
0xf1: {  	[sflag:s26] =	ssyncset.done $0x0  }
0xf2: {  	[sflag:s26] =	ssyncadd.s32 $0xFFFFE000  }
0xf3: {  	[spmem:s1] =	stream.indirect.scatter.add.bf16 [tilespmem:s15], [sflag:$0x6], $0x40, s28, s10, $0xb8;
	[tilespmem:$0x15B00] =	vst v63  }
0xf4: {  	_ = 	snop  }
0xf5: {  	[spmem:s2] =	stream.indirect.scatter.add.f32 [tilespmem:s17], [sflag:$0x6], $0x10, s28, s10, $0xb8;
	[tilespmem:$0x15B00] =	vst v63  }
0xf6: {  	_ =	swait.ge [sflag:s16], $0x2000  }
0xf7: {  	[sflag:s16] =	ssyncset.done $0x0  }
0xf8: {  	[sflag:s16] =	ssyncadd.s32 $0xFFFFE000  }
0xf9: {  	[spmem:s1] =	stream.indirect.scatter.add.bf16 [tilespmem:s11], [sflag:$0x4], $0x40, s10, s10, $0xb8;
	[tilespmem:$0x15B00] =	vst v63  }
0xfa: {  	_ = 	snop  }
0xfb: {  	[spmem:s2] =	stream.indirect.scatter.add.f32 [tilespmem:s17], [sflag:$0x4], $0x10, s10, s10, $0xb8;
	[tilespmem:$0x15B00] =	vst v63  }
0xfc: {  	_ =	swait.ge [sflag:s22], $0x2000  }
0xfd: {  	[sflag:s22] =	ssyncset.done $0x0  }
0xfe: {  	[sflag:s22] =	ssyncadd.s32 $0xFFFFE000  }
0xff: {  	_ =	swait.ge [sflag:s22], $0x800  }
0x100: {  	[sflag:s22] =	ssyncset.done $0x0  }
0x101: {  	[sflag:s22] =	ssyncadd.s32 $0xFFFFF800  }
0x102: {  	_ =	swait.ge [sflag:s29], $0x2000  }
0x103: {  	[sflag:s29] =	ssyncset.done $0x0  }
0x104: {  	[sflag:s29] =	ssyncadd.s32 $0xFFFFE000  }
0x105: {  	_ =	swait.ge [sflag:s29], $0x800  }
0x106: {  	[sflag:s29] =	ssyncset.done $0x0  }
0x107: {  	[sflag:s29] =	ssyncadd.s32 $0xFFFFF800  }
0x108: {  	_ =	swait.ge [sflag:s19], $0x2000  }
0x109: {  	[sflag:s19] =	ssyncset.done $0x0  }
0x10a: {  	[sflag:s19] =	ssyncadd.s32 $0xFFFFE000  }
0x10b: {  	_ =	swait.ge [sflag:s19], $0x800  }
0x10c: {  	[sflag:s19] =	ssyncset.done $0x0  }
0x10d: {  	[sflag:s19] =	ssyncadd.s32 $0xFFFFF800  }
0x10e: {  	[bflag:$0x0] =	sbarrier.arrive $0xFFFF  }
0x10f: {  	s8 =	rddreg [dreg:$0x12]  }
0x110: {  	s7 =	simm.s32 @p0 $0x1FC7;
	s18 =	rddreg [dreg:$0x15]  }
0x111: {  	[hbm:s8], [sflag:s7] =	dma.local @p0 [spmem:s18], $0xC80  }
0x112: {  	s8 =	simm.s32 @p0 $0x7  }
0x113: {  	_ =	swait.ge @p0 [sflag:s8], $0xC80  }
0x114: {  	[sflag:s8] =	ssyncset.done @p0 $0x0;
	s18 =	rddreg [dreg:$0x13]  }
0x115: {  	s31 =	rddreg [dreg:$0x16];
	[sflag:s8] =	ssyncadd.s32 @p0 $0xFFFFF380  }
0x116: {  	[hbm:s18], [sflag:s7] =	dma.local @p0 [spmem:s31], $0x320  }
0x117: {  	_ =	swait.ge @p0 [sflag:s8], $0x320  }
0x118: {  	s7 =	stileid.u32;
	[sflag:s8] =	ssyncset.done @p0 $0x0  }
0x119: {  	s7 =	sshll.u32 @!p0 s7, $0x6;
	[sflag:s8] =	ssyncadd.s32 @p0 $0xFFFFFCE0;
	s8 =	rddreg [dreg:$0x5]  }
0x11a: {  	s7 =	sor.u32 @!p0 $0x1C07, s7;
	s18 =	rddreg [dreg:$0xf];
	s8 =	sshrl.u32 @!p0 s8, $0x3  }
0x11b: {  	[hbm:s18], [sflag:s7] =	dma.local @!p0 [spmem:s8], $0x1400  }
0x11c: {  	s8 =	simm.s32 @!p0 $0x7  }
0x11d: {  	_ =	swait.ge @!p0 [sflag:s8], $0x1400  }
0x11e: {  	[sflag:s8] =	ssyncset.done @!p0 $0x0;
	s18 =	rddreg [dreg:$0x6]  }
0x11f: {  	s31 =	rddreg [dreg:$0x11];
	[sflag:s8] =	ssyncadd.s32 @!p0 $0xFFFFEC00;
	s18 =	sshrl.u32 @!p0 s18, $0x3  }
0x120: {  	[hbm:s31], [sflag:s7] =	dma.local @!p0 [spmem:s18], $0x500  }
0x121: {  	_ =	swait.ge @!p0 [sflag:s8], $0x500  }
0x122: {  	s30 =	sadd.s32 $0x1, s30;
	s31 =	rddreg [dreg:$0x14]  }
0x123: {  	p1 =	sne.s32 s30, s31  }
.Ltmp3:
0x124: {  	_ = 	snop;
	(pc) =	sbr.rel @p1 .LBB2_1-.Ltmp3, $3  }
0x125: {  	_ =	sdelay $0x1  }
0x126: {  	[sflag:s8] =	ssyncset.done @!p0 $0x0  }
0x127: {  	[sflag:s8] =	ssyncadd.s32 @!p0 $0xFFFFFB00  }
0x128: {  	_ =	sfence.sel $0x180000  }
0x129: {  	[bflag:$0x0] =	sbarrier.arrive $0xFFFF  }
0x12a: {  	_ =	strace $0x90000047  }
0x12b: {  	s0 =	stileid.u32;
	[bflag:$0x2] =	sbarrier.arrive $0xFFFF  }
0x12c: {  	p0 =	sne.s32 s0, $0x0;
	s0 =	rddreg [dreg:$0x4]  }
0x12d: {  	s0 =	sadd.s32 @!p0 $0x100000, s0  }
0x12e: {  	[sflag:s0] =	ssyncadd.tile.s32 @!p0 $0x1;
	_ =	shalt  }
.Lfunc_end2:
_tile_overlayer_lowered:
.L_overlay_start_2:
0x12f: {  	(tag) =	ssettag $0x2  }
0x130: {  	s0 =	rddreg [dreg:$0x0];
	s2 =	stileid.u32  }
0x131: {  	s1 =	rddreg [dreg:$0x1];
	p0 =	sne.s32 s2, $0x0  }
0x132: {  	s3 =	rddreg [dreg:$0x2];
	[bflag:$0x3] =	sbarrier.arrive $0xFFFF;
	s2 =	simm.s32 @!p0 $0x1C07  }
0x133: {  	[timem:s3], [sflag:s2] =	dma.local @!p0 [hbm:s0], s1  }
0x134: {  	s0 =	simm.s32 @!p0 $0x7  }
0x135: {  	_ =	swait.ge @!p0 [sflag:s0], s1  }
0x136: {  	s1 =	ssub.s32 @!p0 $0x0, s1;
	[sflag:s0] =	ssyncset.done @!p0 $0x0  }
0x137: {  	[sflag:s0] =	ssyncadd.s32 @!p0 s1  }
0x138: {  	[bflag:$0x3] =	sbarrier.arrive $0xFFFF  }
0x139: {  	_ =	shalt  }

</sc_bundles>
